<compile_context>
chip_gen: v7x
topology: tpu7x:2x2x1
jax: 0.10.2.dev20260603
libtpu: 0.0.44.dev20260713+nightly
codegen_flags: <defaults>
</compile_context>

<pallas_src>
import jax
import jax.numpy as jnp
from jax import lax
from jax.experimental import pallas as pl
from jax.experimental.pallas import tpu as pltpu
from jax.experimental.pallas import tpu_sc as plsc

E = 512
M = 16
S = 8
H = 768
NW = 32
E_PER_W = E // NW
IDX_PER_W = E_PER_W * M * S
ROWS_HALF = M * S // 2
LANES = 16


def _tree_sum(vals):
    while len(vals) > 1:
        vals = [vals[i] + vals[i + 1] for i in range(0, len(vals) - 1, 2)] + (
            [vals[-1]] if len(vals) % 2 else []
        )
    return vals[0]


def _sc_body(idx_hbm, tok_hbm, men_out, ent_out, idx_v, gbufs, mens, ents, sems):
    semA, semB, semW0, semW1 = sems
    sem_w = (semW0, semW1)
    c = lax.axis_index("c")
    s = lax.axis_index("s")
    wid = s * 2 + c
    base_e = wid * E_PER_W

    pltpu.sync_copy(idx_hbm.at[pl.ds(wid * IDX_PER_W, IDX_PER_W)], idx_v)

    def idx_slice(local_e, half):
        return idx_v.at[pl.ds(local_e * (M * S) + half * ROWS_HALF, ROWS_HALF)]

    def start_gather(local_e, half, buf, sem):
        pltpu.async_copy(tok_hbm.at[idx_slice(local_e, half)], buf, sem)

    def wait_gather(local_e, half, buf, sem):
        pltpu.make_async_copy(tok_hbm.at[idx_slice(local_e, half)], buf, sem).wait()

    def compute_half(buf, men, ent, half):
        @plsc.parallel_loop(0, H, step=LANES)
        def _chunk(cc):
            accs = []
            for m in range(M // 2):
                r0 = m * S
                acc = _tree_sum(
                    [buf[r0 + r, pl.ds(cc, LANES)] for r in range(S)]
                )
                men[half * (M // 2) + m, pl.ds(cc, LANES)] = acc * (1.0 / S)
                accs.append(acc)
            eacc = _tree_sum(accs) * (1.0 / (M * S))
            if half == 0:
                ent[0, pl.ds(cc, LANES)] = eacc
            else:
                plsc.addupdate(ent.at[0, pl.ds(cc, LANES)], eacc)

    start_gather(0, 0, gbufs[0], semA)

    @pl.loop(0, E_PER_W, step=2)
    def _entity_pair(i):
        for ei in range(2):
            local_e = i + ei
            e = base_e + local_e
            men = mens[ei]
            ent = ents[ei]

            start_gather(local_e, 1, gbufs[1], semB)
            wait_gather(local_e, 0, gbufs[0], semA)

            @pl.when(local_e >= 2)
            def _drain():
                pltpu.make_async_copy(
                    men, men_out.at[pl.ds(e * M, M)], sem_w[ei]
                ).wait()
                pltpu.make_async_copy(
                    ent, ent_out.at[pl.ds(e, 1)], sem_w[ei]
                ).wait()

            compute_half(gbufs[0], men, ent, 0)

            start_gather((local_e + 1) & (E_PER_W - 1), 0, gbufs[0], semA)
            wait_gather(local_e, 1, gbufs[1], semB)
            compute_half(gbufs[1], men, ent, 1)

            pltpu.async_copy(men, men_out.at[pl.ds(e * M, M)], sem_w[ei])
            pltpu.async_copy(ent, ent_out.at[pl.ds(e, 1)], sem_w[ei])

    for ei in range(2):
        pltpu.make_async_copy(
            mens[ei], men_out.at[pl.ds(0, M)], sem_w[ei]
        ).wait()
        pltpu.make_async_copy(ents[ei], ent_out.at[pl.ds(0, 1)], sem_w[ei]).wait()


@jax.jit
def _sc_entity_repr(token_repr, idx_flat):
    mesh = plsc.VectorSubcoreMesh(core_axis_name="c", subcore_axis_name="s")
    run = pl.kernel(
        _sc_body,
        out_type=[
            jax.ShapeDtypeStruct((E * M, H), jnp.float32),
            jax.ShapeDtypeStruct((E, H), jnp.float32),
        ],
        mesh=mesh,
        scratch_types=[
            pltpu.VMEM((IDX_PER_W,), jnp.int32),
            [pltpu.VMEM((ROWS_HALF, H), jnp.float32) for _ in range(2)],
            [pltpu.VMEM((M, H), jnp.float32) for _ in range(2)],
            [pltpu.VMEM((1, H), jnp.float32) for _ in range(2)],
            [pltpu.SemaphoreType.DMA for _ in range(4)],
        ],
    )
    return run(idx_flat, token_repr)


def kernel(token_repr, pos_idx):
    idx_flat = pos_idx.astype(jnp.int32).reshape(-1)
    men, ent = _sc_entity_repr(token_repr, idx_flat)
    mentions_reprs = men.reshape(E, M, H)
    mentions_mask = jnp.ones((E, M), dtype=jnp.float32)
    return (ent, mentions_reprs, mentions_mask)

# --- scband reference (transcript-rebuilt; emitter-appended) ---
"""Pipeline reference for scband-entity-repr-88132728914534 (READ-ONLY COPY).

The authoritative reference and input builder live on the scoring server;
editing this copy changes nothing except your own understanding.
"""

import jax, jax.numpy as jnp
import numpy as np


def setup_inputs(seed: int = 0) -> dict:
    key = jax.random.key(seed)
    k1, k2 = jax.random.split(key)
    token_repr = jax.random.normal(k1, (8192, 768), dtype=jnp.float32)
    pos_idx = jax.random.randint(k2, (512, 16, 8), 0, 8192, dtype=jnp.int64)
    return {"token_repr": token_repr, "pos_idx": pos_idx}


def reference(token_repr, pos_idx):
    # Vectorized, uniform-shape equivalent of EntityRepr.forward for a single
    # batch element with E entities, each having M mentions of span S.
    # Original per-entity loop: m_repr = token_repr[pos]  -> [M, S, H]
    #                           m_repr.mean(dim=1)        -> [M, H]
    #                           e_repr = m_repr.mean(0)   -> [H]
    m = jnp.take(token_repr, pos_idx, axis=0)          # [E, M, S, H] gather
    mentions_reprs = jnp.mean(m, axis=2)                # [E, M, H] mean over span
    entity_reprs = jnp.mean(mentions_reprs, axis=1)     # [E, H] mean over mentions
    # All entities have the same number of mentions, so pad mask is all ones
    mentions_mask = jnp.ones(pos_idx.shape[:2], dtype=jnp.float32)  # [E, M]
    return (entity_reprs, mentions_reprs, mentions_mask)

if __name__ == "__main__":
    import jax
    _d = setup_inputs()
    print(jax.jit(kernel)(*tuple(_d.values())))

</pallas_src>

<mosaic_0001>
#map = affine_map<(d0, d1) -> (0)>
#map1 = affine_map<(d0, d1) -> (0, 0)>
module attributes {stable_mosaic.version = 14 : i64} {
  func.func @_sc_body(%arg0: i32, %arg1: i32, %arg2: memref<65536xi32, #tpu.memory_space<hbm>>, %arg3: memref<8192x768xf32, #tpu.memory_space<hbm>>, %arg4: memref<8192x768xf32, #tpu.memory_space<hbm>>, %arg5: memref<512x768xf32, #tpu.memory_space<hbm>>, %arg6: memref<2048xi32, #tpu.memory_space<vmem>>, %arg7: memref<64x768xf32, #tpu.memory_space<vmem>>, %arg8: memref<64x768xf32, #tpu.memory_space<vmem>>, %arg9: memref<16x768xf32, #tpu.memory_space<vmem>>, %arg10: memref<16x768xf32, #tpu.memory_space<vmem>>, %arg11: memref<1x768xf32, #tpu.memory_space<vmem>>, %arg12: memref<1x768xf32, #tpu.memory_space<vmem>>, %arg13: memref<!tpu.dma_semaphore, #tpu.memory_space<semaphore_mem>>, %arg14: memref<!tpu.dma_semaphore, #tpu.memory_space<semaphore_mem>>, %arg15: memref<!tpu.dma_semaphore, #tpu.memory_space<semaphore_mem>>, %arg16: memref<!tpu.dma_semaphore, #tpu.memory_space<semaphore_mem>>) attributes {dimension_semantics = [#tpu.dimension_semantics<core_parallel>, #tpu.dimension_semantics<subcore_parallel>], iteration_bounds = array<i64: 2, 16>, scalar_prefetch = 0 : i64, scratch_operands = 11 : i64, tpu.core_type = #tpu.core_type<sc_vector_subcore>, window_params = [{transform_indices = #map}, {transform_indices = #map1}, {transform_indices = #map1}, {transform_indices = #map1}]} {
    %mul3A = arith.constant 2 : i32
    %mul3A_0 = arith.muli %arg1, %mul3A : i32
    %add3A = arith.addi %mul3A_0, %arg0 : i32
    %mul3A_1 = arith.constant 16 : i32
    %mul3A_2 = arith.muli %add3A, %mul3A_1 : i32
    %mul3A_3 = arith.constant 2048 : i32
    %mul3A_4 = arith.muli %add3A, %mul3A_3 : i32
    "tpu.region"() ({
      %run_scoped3A = tpu.sem_alloc : memref<!tpu.dma_semaphore, #tpu.memory_space<semaphore_mem>>
      %dma_start3A_36 = tpu.memref_slice %arg2[%mul3A_4] : memref<65536xi32, #tpu.memory_space<hbm>> -> memref<2048xi32, #tpu.memory_space<hbm>>
      %dma_start3A_37 = tpu.memref_slice %arg2[%mul3A_4] : memref<65536xi32, #tpu.memory_space<hbm>> -> memref<2048xi32, #tpu.memory_space<hbm>>
      tpu.enqueue_dma source(%dma_start3A_37 : memref<2048xi32, #tpu.memory_space<hbm>>) target(%arg6 : memref<2048xi32, #tpu.memory_space<vmem>>) target_semaphore(%run_scoped3A : memref<!tpu.dma_semaphore, #tpu.memory_space<semaphore_mem>>)
      %dma_wait3A_38 = tpu.memref_slice %arg2[%mul3A_4] : memref<65536xi32, #tpu.memory_space<hbm>> -> memref<2048xi32, #tpu.memory_space<hbm>>
      %dma_wait3A_39 = tpu.memref_slice %arg2[%mul3A_4] : memref<65536xi32, #tpu.memory_space<hbm>> -> memref<2048xi32, #tpu.memory_space<hbm>>
      tpu.wait_dma2 semaphore(%run_scoped3A : memref<!tpu.dma_semaphore, #tpu.memory_space<semaphore_mem>>) src(%dma_wait3A_39 : memref<2048xi32, #tpu.memory_space<hbm>>) dst(%arg6 : memref<2048xi32, #tpu.memory_space<vmem>>)
      tpu.yield
    }) : () -> ()
    %dma_start3A = arith.constant 0 : i32
    %dma_start3A_5 = tpu.memref_slice %arg6[%dma_start3A] : memref<2048xi32, #tpu.memory_space<vmem>> -> memref<64xi32, #tpu.memory_space<vmem>>
    %dma_start3A_6 = arith.constant 0 : i32
    %dma_start3A_7 = arith.constant 0 : i32
    %dma_start3A_8 = tpu.memref_slice %arg3[%dma_start3A_6, %dma_start3A_7] : memref<8192x768xf32, #tpu.memory_space<hbm>> -> memref<8192x768xf32, #tpu.memory_space<hbm>>
    tpu.enqueue_indirect_dma source(%dma_start3A_8 : memref<8192x768xf32, #tpu.memory_space<hbm>>) target(%arg7 : memref<64x768xf32, #tpu.memory_space<vmem>>) offsets(%dma_start3A_5 : memref<64xi32, #tpu.memory_space<vmem>>) semaphore(%arg13 : memref<!tpu.dma_semaphore, #tpu.memory_space<semaphore_mem>>)
    %scan3A = arith.constant 0 : i32
    %scan3A_9 = arith.constant 8 : i32
    %scan3A_10 = arith.addi %scan3A, %scan3A_9 : i32
    %scan3A_11 = arith.constant 1 : i32
    scf.for %scan3A_36 = %scan3A to %scan3A_10 step %scan3A_11  : i32 {
      %mul3A_37 = arith.constant 2 : i32
      %mul3A_38 = arith.muli %scan3A_36, %mul3A_37 : i32
      %add3A_39 = arith.constant 0 : i32
      %add3A_40 = arith.addi %add3A_39, %mul3A_38 : i32
      %add3A_41 = arith.constant 0 : i32
      %add3A_42 = arith.addi %add3A_40, %add3A_41 : i32
      %add3A_43 = arith.addi %mul3A_2, %add3A_42 : i32
      %mul3A_44 = arith.constant 128 : i32
      %mul3A_45 = arith.muli %add3A_42, %mul3A_44 : i32
      %add3A_46 = arith.constant 64 : i32
      %add3A_47 = arith.addi %mul3A_45, %add3A_46 : i32
      %dma_start3A_48 = tpu.memref_slice %arg6[%add3A_47] : memref<2048xi32, #tpu.memory_space<vmem>> -> memref<64xi32, #tpu.memory_space<vmem>>
      %dma_start3A_49 = arith.constant 0 : i32
      %dma_start3A_50 = arith.constant 0 : i32
      %dma_start3A_51 = tpu.memref_slice %arg3[%dma_start3A_49, %dma_start3A_50] : memref<8192x768xf32, #tpu.memory_space<hbm>> -> memref<8192x768xf32, #tpu.memory_space<hbm>>
      tpu.enqueue_indirect_dma source(%dma_start3A_51 : memref<8192x768xf32, #tpu.memory_space<hbm>>) target(%arg8 : memref<64x768xf32, #tpu.memory_space<vmem>>) offsets(%dma_start3A_48 : memref<64xi32, #tpu.memory_space<vmem>>) semaphore(%arg14 : memref<!tpu.dma_semaphore, #tpu.memory_space<semaphore_mem>>)
      %mul3A_52 = arith.constant 128 : i32
      %mul3A_53 = arith.muli %add3A_42, %mul3A_52 : i32
      %add3A_54 = arith.constant 0 : i32
      %add3A_55 = arith.addi %mul3A_53, %add3A_54 : i32
      %dma_wait3A_56 = tpu.memref_slice %arg6[%add3A_55] : memref<2048xi32, #tpu.memory_space<vmem>> -> memref<64xi32, #tpu.memory_space<vmem>>
      %dma_wait3A_57 = arith.constant 0 : i32
      %dma_wait3A_58 = arith.constant 0 : i32
      %dma_wait3A_59 = tpu.memref_slice %arg3[%dma_wait3A_57, %dma_wait3A_58] : memref<8192x768xf32, #tpu.memory_space<hbm>> -> memref<8192x768xf32, #tpu.memory_space<hbm>>
      tpu.wait_indirect_dma semaphore(%arg13 : memref<!tpu.dma_semaphore, #tpu.memory_space<semaphore_mem>>) src(%dma_wait3A_59 : memref<8192x768xf32, #tpu.memory_space<hbm>>) dst(%arg7 : memref<64x768xf32, #tpu.memory_space<vmem>>)
      %ge3A = arith.constant 2 : i32
      %ge3A_60 = arith.cmpi sge, %add3A_42, %ge3A : i32
      %convert_element_type3A = arith.extui %ge3A_60 : i1 to i32
      %cond3A = arith.constant 0 : i32
      %cond3A_61 = arith.cmpi ne, %convert_element_type3A, %cond3A : i32
      scf.if %cond3A_61 {
        %mul3A_156 = arith.constant 16 : i32
        %mul3A_157 = arith.muli %add3A_43, %mul3A_156 : i32
        %dma_wait3A_158 = arith.constant 0 : i32
        %dma_wait3A_159 = tpu.memref_slice %arg4[%mul3A_157, %dma_wait3A_158] : memref<8192x768xf32, #tpu.memory_space<hbm>> -> memref<16x768xf32, #tpu.memory_space<hbm>>
        %dma_wait3A_160 = arith.constant 0 : i32
        %dma_wait3A_161 = tpu.memref_slice %arg4[%mul3A_157, %dma_wait3A_160] : memref<8192x768xf32, #tpu.memory_space<hbm>> -> memref<16x768xf32, #tpu.memory_space<hbm>>
        tpu.wait_dma2 semaphore(%arg15 : memref<!tpu.dma_semaphore, #tpu.memory_space<semaphore_mem>>) src(%arg9 : memref<16x768xf32, #tpu.memory_space<vmem>>) dst(%dma_wait3A_161 : memref<16x768xf32, #tpu.memory_space<hbm>>)
        %dma_wait3A_162 = arith.constant 0 : i32
        %dma_wait3A_163 = tpu.memref_slice %arg5[%add3A_43, %dma_wait3A_162] : memref<512x768xf32, #tpu.memory_space<hbm>> -> memref<1x768xf32, #tpu.memory_space<hbm>>
        %dma_wait3A_164 = arith.constant 0 : i32
        %dma_wait3A_165 = tpu.memref_slice %arg5[%add3A_43, %dma_wait3A_164] : memref<512x768xf32, #tpu.memory_space<hbm>> -> memref<1x768xf32, #tpu.memory_space<hbm>>
        tpu.wait_dma2 semaphore(%arg15 : memref<!tpu.dma_semaphore, #tpu.memory_space<semaphore_mem>>) src(%arg11 : memref<1x768xf32, #tpu.memory_space<vmem>>) dst(%dma_wait3A_165 : memref<1x768xf32, #tpu.memory_space<hbm>>)
      } else {
      }
      %parallel_loop3A = arith.constant 0 : i32
      %parallel_loop3A_62 = arith.constant 768 : i32
      %parallel_loop3A_63 = arith.constant 16 : i32
      scf.for %parallel_loop3A_156 = %parallel_loop3A to %parallel_loop3A_62 step %parallel_loop3A_63  : i32 {
        %parallel_loop3A_157 = arith.constant 0 : i32
        %parallel_loop3A_158 = arith.index_cast %parallel_loop3A_157 : i32 to index
        %parallel_loop3A_159 = arith.index_cast %parallel_loop3A_156 : i32 to index
        %parallel_loop3A_160 = tpu.vector_load %arg7[%parallel_loop3A_158, %parallel_loop3A_159] {strides = array<i32>} : memref<64x768xf32, #tpu.memory_space<vmem>>, vector<1x16xf32>,
        %parallel_loop3A_161 = vector.shape_cast %parallel_loop3A_160 : vector<1x16xf32> to vector<16xf32>
        %parallel_loop3A_162 = arith.constant 1 : i32
        %parallel_loop3A_163 = arith.index_cast %parallel_loop3A_162 : i32 to index
        %parallel_loop3A_164 = arith.index_cast %parallel_loop3A_156 : i32 to index
        %parallel_loop3A_165 = tpu.vector_load %arg7[%parallel_loop3A_163, %parallel_loop3A_164] {strides = array<i32>} : memref<64x768xf32, #tpu.memory_space<vmem>>, vector<1x16xf32>,
        %parallel_loop3A_166 = vector.shape_cast %parallel_loop3A_165 : vector<1x16xf32> to vector<16xf32>
        %parallel_loop3A_167 = arith.constant 2 : i32
        %parallel_loop3A_168 = arith.index_cast %parallel_loop3A_167 : i32 to index
        %parallel_loop3A_169 = arith.index_cast %parallel_loop3A_156 : i32 to index
        %parallel_loop3A_170 = tpu.vector_load %arg7[%parallel_loop3A_168, %parallel_loop3A_169] {strides = array<i32>} : memref<64x768xf32, #tpu.memory_space<vmem>>, vector<1x16xf32>,
        %parallel_loop3A_171 = vector.shape_cast %parallel_loop3A_170 : vector<1x16xf32> to vector<16xf32>
        %parallel_loop3A_172 = arith.constant 3 : i32
        %parallel_loop3A_173 = arith.index_cast %parallel_loop3A_172 : i32 to index
        %parallel_loop3A_174 = arith.index_cast %parallel_loop3A_156 : i32 to index
        %parallel_loop3A_175 = tpu.vector_load %arg7[%parallel_loop3A_173, %parallel_loop3A_174] {strides = array<i32>} : memref<64x768xf32, #tpu.memory_space<vmem>>, vector<1x16xf32>,
        %parallel_loop3A_176 = vector.shape_cast %parallel_loop3A_175 : vector<1x16xf32> to vector<16xf32>
        %parallel_loop3A_177 = arith.constant 4 : i32
        %parallel_loop3A_178 = arith.index_cast %parallel_loop3A_177 : i32 to index
        %parallel_loop3A_179 = arith.index_cast %parallel_loop3A_156 : i32 to index
        %parallel_loop3A_180 = tpu.vector_load %arg7[%parallel_loop3A_178, %parallel_loop3A_179] {strides = array<i32>} : memref<64x768xf32, #tpu.memory_space<vmem>>, vector<1x16xf32>,
        %parallel_loop3A_181 = vector.shape_cast %parallel_loop3A_180 : vector<1x16xf32> to vector<16xf32>
        %parallel_loop3A_182 = arith.constant 5 : i32
        %parallel_loop3A_183 = arith.index_cast %parallel_loop3A_182 : i32 to index
        %parallel_loop3A_184 = arith.index_cast %parallel_loop3A_156 : i32 to index
        %parallel_loop3A_185 = tpu.vector_load %arg7[%parallel_loop3A_183, %parallel_loop3A_184] {strides = array<i32>} : memref<64x768xf32, #tpu.memory_space<vmem>>, vector<1x16xf32>,
        %parallel_loop3A_186 = vector.shape_cast %parallel_loop3A_185 : vector<1x16xf32> to vector<16xf32>
        %parallel_loop3A_187 = arith.constant 6 : i32
        %parallel_loop3A_188 = arith.index_cast %parallel_loop3A_187 : i32 to index
        %parallel_loop3A_189 = arith.index_cast %parallel_loop3A_156 : i32 to index
        %parallel_loop3A_190 = tpu.vector_load %arg7[%parallel_loop3A_188, %parallel_loop3A_189] {strides = array<i32>} : memref<64x768xf32, #tpu.memory_space<vmem>>, vector<1x16xf32>,
        %parallel_loop3A_191 = vector.shape_cast %parallel_loop3A_190 : vector<1x16xf32> to vector<16xf32>
        %parallel_loop3A_192 = arith.constant 7 : i32
        %parallel_loop3A_193 = arith.index_cast %parallel_loop3A_192 : i32 to index
        %parallel_loop3A_194 = arith.index_cast %parallel_loop3A_156 : i32 to index
        %parallel_loop3A_195 = tpu.vector_load %arg7[%parallel_loop3A_193, %parallel_loop3A_194] {strides = array<i32>} : memref<64x768xf32, #tpu.memory_space<vmem>>, vector<1x16xf32>,
        %parallel_loop3A_196 = vector.shape_cast %parallel_loop3A_195 : vector<1x16xf32> to vector<16xf32>
        %parallel_loop3A_197 = arith.addf %parallel_loop3A_161, %parallel_loop3A_166 : vector<16xf32>
        %parallel_loop3A_198 = arith.addf %parallel_loop3A_171, %parallel_loop3A_176 : vector<16xf32>
        %parallel_loop3A_199 = arith.addf %parallel_loop3A_181, %parallel_loop3A_186 : vector<16xf32>
        %parallel_loop3A_200 = arith.addf %parallel_loop3A_191, %parallel_loop3A_196 : vector<16xf32>
        %parallel_loop3A_201 = arith.addf %parallel_loop3A_197, %parallel_loop3A_198 : vector<16xf32>
        %parallel_loop3A_202 = arith.addf %parallel_loop3A_199, %parallel_loop3A_200 : vector<16xf32>
        %parallel_loop3A_203 = arith.addf %parallel_loop3A_201, %parallel_loop3A_202 : vector<16xf32>
        %parallel_loop3A_204 = arith.constant 1.250000e-01 : f32
        %parallel_loop3A_205 = vector.broadcast %parallel_loop3A_204 : f32 to vector<16xf32>
        %parallel_loop3A_206 = arith.mulf %parallel_loop3A_203, %parallel_loop3A_205 : vector<16xf32>
        %parallel_loop3A_207 = arith.constant 0 : i32
        %parallel_loop3A_208 = arith.index_cast %parallel_loop3A_207 : i32 to index
        %parallel_loop3A_209 = arith.index_cast %parallel_loop3A_156 : i32 to index
        %parallel_loop3A_210 = tpu.vector_load %arg9[%parallel_loop3A_208, %parallel_loop3A_209] {strides = array<i32>} : memref<16x768xf32, #tpu.memory_space<vmem>>, vector<1x16xf32>,
        %parallel_loop3A_211 = vector.shape_cast %parallel_loop3A_210 : vector<1x16xf32> to vector<16xf32>
        %parallel_loop3A_212 = vector.shape_cast %parallel_loop3A_206 : vector<16xf32> to vector<1x16xf32>
        tpu.vector_store %arg9[%parallel_loop3A_208, %parallel_loop3A_209], %parallel_loop3A_212 {strides = array<i32>} : memref<16x768xf32, #tpu.memory_space<vmem>>, vector<1x16xf32>,
        %parallel_loop3A_213 = arith.constant 8 : i32
        %parallel_loop3A_214 = arith.index_cast %parallel_loop3A_213 : i32 to index
        %parallel_loop3A_215 = arith.index_cast %parallel_loop3A_156 : i32 to index
        %parallel_loop3A_216 = tpu.vector_load %arg7[%parallel_loop3A_214, %parallel_loop3A_215] {strides = array<i32>} : memref<64x768xf32, #tpu.memory_space<vmem>>, vector<1x16xf32>,
        %parallel_loop3A_217 = vector.shape_cast %parallel_loop3A_216 : vector<1x16xf32> to vector<16xf32>
        %parallel_loop3A_218 = arith.constant 9 : i32
        %parallel_loop3A_219 = arith.index_cast %parallel_loop3A_218 : i32 to index
        %parallel_loop3A_220 = arith.index_cast %parallel_loop3A_156 : i32 to index
        %parallel_loop3A_221 = tpu.vector_load %arg7[%parallel_loop3A_219, %parallel_loop3A_220] {strides = array<i32>} : memref<64x768xf32, #tpu.memory_space<vmem>>, vector<1x16xf32>,
        %parallel_loop3A_222 = vector.shape_cast %parallel_loop3A_221 : vector<1x16xf32> to vector<16xf32>
        %parallel_loop3A_223 = arith.constant 10 : i32
        %parallel_loop3A_224 = arith.index_cast %parallel_loop3A_223 : i32 to index
        %parallel_loop3A_225 = arith.index_cast %parallel_loop3A_156 : i32 to index
        %parallel_loop3A_226 = tpu.vector_load %arg7[%parallel_loop3A_224, %parallel_loop3A_225] {strides = array<i32>} : memref<64x768xf32, #tpu.memory_space<vmem>>, vector<1x16xf32>,
        %parallel_loop3A_227 = vector.shape_cast %parallel_loop3A_226 : vector<1x16xf32> to vector<16xf32>
        %parallel_loop3A_228 = arith.constant 11 : i32
        %parallel_loop3A_229 = arith.index_cast %parallel_loop3A_228 : i32 to index
        %parallel_loop3A_230 = arith.index_cast %parallel_loop3A_156 : i32 to index
        %parallel_loop3A_231 = tpu.vector_load %arg7[%parallel_loop3A_229, %parallel_loop3A_230] {strides = array<i32>} : memref<64x768xf32, #tpu.memory_space<vmem>>, vector<1x16xf32>,
        %parallel_loop3A_232 = vector.shape_cast %parallel_loop3A_231 : vector<1x16xf32> to vector<16xf32>
        %parallel_loop3A_233 = arith.constant 12 : i32
        %parallel_loop3A_234 = arith.index_cast %parallel_loop3A_233 : i32 to index
        %parallel_loop3A_235 = arith.index_cast %parallel_loop3A_156 : i32 to index
        %parallel_loop3A_236 = tpu.vector_load %arg7[%parallel_loop3A_234, %parallel_loop3A_235] {strides = array<i32>} : memref<64x768xf32, #tpu.memory_space<vmem>>, vector<1x16xf32>,
        %parallel_loop3A_237 = vector.shape_cast %parallel_loop3A_236 : vector<1x16xf32> to vector<16xf32>
        %parallel_loop3A_238 = arith.constant 13 : i32
        %parallel_loop3A_239 = arith.index_cast %parallel_loop3A_238 : i32 to index
        %parallel_loop3A_240 = arith.index_cast %parallel_loop3A_156 : i32 to index
        %parallel_loop3A_241 = tpu.vector_load %arg7[%parallel_loop3A_239, %parallel_loop3A_240] {strides = array<i32>} : memref<64x768xf32, #tpu.memory_space<vmem>>, vector<1x16xf32>,
        %parallel_loop3A_242 = vector.shape_cast %parallel_loop3A_241 : vector<1x16xf32> to vector<16xf32>
        %parallel_loop3A_243 = arith.constant 14 : i32
        %parallel_loop3A_244 = arith.index_cast %parallel_loop3A_243 : i32 to index
        %parallel_loop3A_245 = arith.index_cast %parallel_loop3A_156 : i32 to index
        %parallel_loop3A_246 = tpu.vector_load %arg7[%parallel_loop3A_244, %parallel_loop3A_245] {strides = array<i32>} : memref<64x768xf32, #tpu.memory_space<vmem>>, vector<1x16xf32>,
        %parallel_loop3A_247 = vector.shape_cast %parallel_loop3A_246 : vector<1x16xf32> to vector<16xf32>
        %parallel_loop3A_248 = arith.constant 15 : i32
        %parallel_loop3A_249 = arith.index_cast %parallel_loop3A_248 : i32 to index
        %parallel_loop3A_250 = arith.index_cast %parallel_loop3A_156 : i32 to index
        %parallel_loop3A_251 = tpu.vector_load %arg7[%parallel_loop3A_249, %parallel_loop3A_250] {strides = array<i32>} : memref<64x768xf32, #tpu.memory_space<vmem>>, vector<1x16xf32>,
        %parallel_loop3A_252 = vector.shape_cast %parallel_loop3A_251 : vector<1x16xf32> to vector<16xf32>
        %parallel_loop3A_253 = arith.addf %parallel_loop3A_217, %parallel_loop3A_222 : vector<16xf32>
        %parallel_loop3A_254 = arith.addf %parallel_loop3A_227, %parallel_loop3A_232 : vector<16xf32>
        %parallel_loop3A_255 = arith.addf %parallel_loop3A_237, %parallel_loop3A_242 : vector<16xf32>
        %parallel_loop3A_256 = arith.addf %parallel_loop3A_247, %parallel_loop3A_252 : vector<16xf32>
        %parallel_loop3A_257 = arith.addf %parallel_loop3A_253, %parallel_loop3A_254 : vector<16xf32>
        %parallel_loop3A_258 = arith.addf %parallel_loop3A_255, %parallel_loop3A_256 : vector<16xf32>
        %parallel_loop3A_259 = arith.addf %parallel_loop3A_257, %parallel_loop3A_258 : vector<16xf32>
        %parallel_loop3A_260 = arith.constant 1.250000e-01 : f32
        %parallel_loop3A_261 = vector.broadcast %parallel_loop3A_260 : f32 to vector<16xf32>
        %parallel_loop3A_262 = arith.mulf %parallel_loop3A_259, %parallel_loop3A_261 : vector<16xf32>
        %parallel_loop3A_263 = arith.constant 1 : i32
        %parallel_loop3A_264 = arith.index_cast %parallel_loop3A_263 : i32 to index
        %parallel_loop3A_265 = arith.index_cast %parallel_loop3A_156 : i32 to index
        %parallel_loop3A_266 = tpu.vector_load %arg9[%parallel_loop3A_264, %parallel_loop3A_265] {strides = array<i32>} : memref<16x768xf32, #tpu.memory_space<vmem>>, vector<1x16xf32>,
        %parallel_loop3A_267 = vector.shape_cast %parallel_loop3A_266 : vector<1x16xf32> to vector<16xf32>
        %parallel_loop3A_268 = vector.shape_cast %parallel_loop3A_262 : vector<16xf32> to vector<1x16xf32>
        tpu.vector_store %arg9[%parallel_loop3A_264, %parallel_loop3A_265], %parallel_loop3A_268 {strides = array<i32>} : memref<16x768xf32, #tpu.memory_space<vmem>>, vector<1x16xf32>,
        %parallel_loop3A_269 = arith.constant 16 : i32
        %parallel_loop3A_270 = arith.index_cast %parallel_loop3A_269 : i32 to index
        %parallel_loop3A_271 = arith.index_cast %parallel_loop3A_156 : i32 to index
        %parallel_loop3A_272 = tpu.vector_load %arg7[%parallel_loop3A_270, %parallel_loop3A_271] {strides = array<i32>} : memref<64x768xf32, #tpu.memory_space<vmem>>, vector<1x16xf32>,
        %parallel_loop3A_273 = vector.shape_cast %parallel_loop3A_272 : vector<1x16xf32> to vector<16xf32>
        %parallel_loop3A_274 = arith.constant 17 : i32
        %parallel_loop3A_275 = arith.index_cast %parallel_loop3A_274 : i32 to index
        %parallel_loop3A_276 = arith.index_cast %parallel_loop3A_156 : i32 to index
        %parallel_loop3A_277 = tpu.vector_load %arg7[%parallel_loop3A_275, %parallel_loop3A_276] {strides = array<i32>} : memref<64x768xf32, #tpu.memory_space<vmem>>, vector<1x16xf32>,
        %parallel_loop3A_278 = vector.shape_cast %parallel_loop3A_277 : vector<1x16xf32> to vector<16xf32>
        %parallel_loop3A_279 = arith.constant 18 : i32
        %parallel_loop3A_280 = arith.index_cast %parallel_loop3A_279 : i32 to index
        %parallel_loop3A_281 = arith.index_cast %parallel_loop3A_156 : i32 to index
        %parallel_loop3A_282 = tpu.vector_load %arg7[%parallel_loop3A_280, %parallel_loop3A_281] {strides = array<i32>} : memref<64x768xf32, #tpu.memory_space<vmem>>, vector<1x16xf32>,
        %parallel_loop3A_283 = vector.shape_cast %parallel_loop3A_282 : vector<1x16xf32> to vector<16xf32>
        %parallel_loop3A_284 = arith.constant 19 : i32
        %parallel_loop3A_285 = arith.index_cast %parallel_loop3A_284 : i32 to index
        %parallel_loop3A_286 = arith.index_cast %parallel_loop3A_156 : i32 to index
        %parallel_loop3A_287 = tpu.vector_load %arg7[%parallel_loop3A_285, %parallel_loop3A_286] {strides = array<i32>} : memref<64x768xf32, #tpu.memory_space<vmem>>, vector<1x16xf32>,
        %parallel_loop3A_288 = vector.shape_cast %parallel_loop3A_287 : vector<1x16xf32> to vector<16xf32>
        %parallel_loop3A_289 = arith.constant 20 : i32
        %parallel_loop3A_290 = arith.index_cast %parallel_loop3A_289 : i32 to index
        %parallel_loop3A_291 = arith.index_cast %parallel_loop3A_156 : i32 to index
        %parallel_loop3A_292 = tpu.vector_load %arg7[%parallel_loop3A_290, %parallel_loop3A_291] {strides = array<i32>} : memref<64x768xf32, #tpu.memory_space<vmem>>, vector<1x16xf32>,
        %parallel_loop3A_293 = vector.shape_cast %parallel_loop3A_292 : vector<1x16xf32> to vector<16xf32>
        %parallel_loop3A_294 = arith.constant 21 : i32
        %parallel_loop3A_295 = arith.index_cast %parallel_loop3A_294 : i32 to index
        %parallel_loop3A_296 = arith.index_cast %parallel_loop3A_156 : i32 to index
        %parallel_loop3A_297 = tpu.vector_load %arg7[%parallel_loop3A_295, %parallel_loop3A_296] {strides = array<i32>} : memref<64x768xf32, #tpu.memory_space<vmem>>, vector<1x16xf32>,
        %parallel_loop3A_298 = vector.shape_cast %parallel_loop3A_297 : vector<1x16xf32> to vector<16xf32>
        %parallel_loop3A_299 = arith.constant 22 : i32
        %parallel_loop3A_300 = arith.index_cast %parallel_loop3A_299 : i32 to index
        %parallel_loop3A_301 = arith.index_cast %parallel_loop3A_156 : i32 to index
        %parallel_loop3A_302 = tpu.vector_load %arg7[%parallel_loop3A_300, %parallel_loop3A_301] {strides = array<i32>} : memref<64x768xf32, #tpu.memory_space<vmem>>, vector<1x16xf32>,
        %parallel_loop3A_303 = vector.shape_cast %parallel_loop3A_302 : vector<1x16xf32> to vector<16xf32>
        %parallel_loop3A_304 = arith.constant 23 : i32
        %parallel_loop3A_305 = arith.index_cast %parallel_loop3A_304 : i32 to index
        %parallel_loop3A_306 = arith.index_cast %parallel_loop3A_156 : i32 to index
        %parallel_loop3A_307 = tpu.vector_load %arg7[%parallel_loop3A_305, %parallel_loop3A_306] {strides = array<i32>} : memref<64x768xf32, #tpu.memory_space<vmem>>, vector<1x16xf32>,
        %parallel_loop3A_308 = vector.shape_cast %parallel_loop3A_307 : vector<1x16xf32> to vector<16xf32>
        %parallel_loop3A_309 = arith.addf %parallel_loop3A_273, %parallel_loop3A_278 : vector<16xf32>
        %parallel_loop3A_310 = arith.addf %parallel_loop3A_283, %parallel_loop3A_288 : vector<16xf32>
        %parallel_loop3A_311 = arith.addf %parallel_loop3A_293, %parallel_loop3A_298 : vector<16xf32>
        %parallel_loop3A_312 = arith.addf %parallel_loop3A_303, %parallel_loop3A_308 : vector<16xf32>
        %parallel_loop3A_313 = arith.addf %parallel_loop3A_309, %parallel_loop3A_310 : vector<16xf32>
        %parallel_loop3A_314 = arith.addf %parallel_loop3A_311, %parallel_loop3A_312 : vector<16xf32>
        %parallel_loop3A_315 = arith.addf %parallel_loop3A_313, %parallel_loop3A_314 : vector<16xf32>
        %parallel_loop3A_316 = arith.constant 1.250000e-01 : f32
        %parallel_loop3A_317 = vector.broadcast %parallel_loop3A_316 : f32 to vector<16xf32>
        %parallel_loop3A_318 = arith.mulf %parallel_loop3A_315, %parallel_loop3A_317 : vector<16xf32>
        %parallel_loop3A_319 = arith.constant 2 : i32
        %parallel_loop3A_320 = arith.index_cast %parallel_loop3A_319 : i32 to index
        %parallel_loop3A_321 = arith.index_cast %parallel_loop3A_156 : i32 to index
        %parallel_loop3A_322 = tpu.vector_load %arg9[%parallel_loop3A_320, %parallel_loop3A_321] {strides = array<i32>} : memref<16x768xf32, #tpu.memory_space<vmem>>, vector<1x16xf32>,
        %parallel_loop3A_323 = vector.shape_cast %parallel_loop3A_322 : vector<1x16xf32> to vector<16xf32>
        %parallel_loop3A_324 = vector.shape_cast %parallel_loop3A_318 : vector<16xf32> to vector<1x16xf32>
        tpu.vector_store %arg9[%parallel_loop3A_320, %parallel_loop3A_321], %parallel_loop3A_324 {strides = array<i32>} : memref<16x768xf32, #tpu.memory_space<vmem>>, vector<1x16xf32>,
        %parallel_loop3A_325 = arith.constant 24 : i32
        %parallel_loop3A_326 = arith.index_cast %parallel_loop3A_325 : i32 to index
        %parallel_loop3A_327 = arith.index_cast %parallel_loop3A_156 : i32 to index
        %parallel_loop3A_328 = tpu.vector_load %arg7[%parallel_loop3A_326, %parallel_loop3A_327] {strides = array<i32>} : memref<64x768xf32, #tpu.memory_space<vmem>>, vector<1x16xf32>,
        %parallel_loop3A_329 = vector.shape_cast %parallel_loop3A_328 : vector<1x16xf32> to vector<16xf32>
        %parallel_loop3A_330 = arith.constant 25 : i32
        %parallel_loop3A_331 = arith.index_cast %parallel_loop3A_330 : i32 to index
        %parallel_loop3A_332 = arith.index_cast %parallel_loop3A_156 : i32 to index
        %parallel_loop3A_333 = tpu.vector_load %arg7[%parallel_loop3A_331, %parallel_loop3A_332] {strides = array<i32>} : memref<64x768xf32, #tpu.memory_space<vmem>>, vector<1x16xf32>,
        %parallel_loop3A_334 = vector.shape_cast %parallel_loop3A_333 : vector<1x16xf32> to vector<16xf32>
        %parallel_loop3A_335 = arith.constant 26 : i32
        %parallel_loop3A_336 = arith.index_cast %parallel_loop3A_335 : i32 to index
        %parallel_loop3A_337 = arith.index_cast %parallel_loop3A_156 : i32 to index
        %parallel_loop3A_338 = tpu.vector_load %arg7[%parallel_loop3A_336, %parallel_loop3A_337] {strides = array<i32>} : memref<64x768xf32, #tpu.memory_space<vmem>>, vector<1x16xf32>,
        %parallel_loop3A_339 = vector.shape_cast %parallel_loop3A_338 : vector<1x16xf32> to vector<16xf32>
        %parallel_loop3A_340 = arith.constant 27 : i32
        %parallel_loop3A_341 = arith.index_cast %parallel_loop3A_340 : i32 to index
        %parallel_loop3A_342 = arith.index_cast %parallel_loop3A_156 : i32 to index
        %parallel_loop3A_343 = tpu.vector_load %arg7[%parallel_loop3A_341, %parallel_loop3A_342] {strides = array<i32>} : memref<64x768xf32, #tpu.memory_space<vmem>>, vector<1x16xf32>,
        %parallel_loop3A_344 = vector.shape_cast %parallel_loop3A_343 : vector<1x16xf32> to vector<16xf32>
        %parallel_loop3A_345 = arith.constant 28 : i32
        %parallel_loop3A_346 = arith.index_cast %parallel_loop3A_345 : i32 to index
        %parallel_loop3A_347 = arith.index_cast %parallel_loop3A_156 : i32 to index
        %parallel_loop3A_348 = tpu.vector_load %arg7[%parallel_loop3A_346, %parallel_loop3A_347] {strides = array<i32>} : memref<64x768xf32, #tpu.memory_space<vmem>>, vector<1x16xf32>,
        %parallel_loop3A_349 = vector.shape_cast %parallel_loop3A_348 : vector<1x16xf32> to vector<16xf32>
        %parallel_loop3A_350 = arith.constant 29 : i32
        %parallel_loop3A_351 = arith.index_cast %parallel_loop3A_350 : i32 to index
        %parallel_loop3A_352 = arith.index_cast %parallel_loop3A_156 : i32 to index
        %parallel_loop3A_353 = tpu.vector_load %arg7[%parallel_loop3A_351, %parallel_loop3A_352] {strides = array<i32>} : memref<64x768xf32, #tpu.memory_space<vmem>>, vector<1x16xf32>,
        %parallel_loop3A_354 = vector.shape_cast %parallel_loop3A_353 : vector<1x16xf32> to vector<16xf32>
        %parallel_loop3A_355 = arith.constant 30 : i32
        %parallel_loop3A_356 = arith.index_cast %parallel_loop3A_355 : i32 to index
        %parallel_loop3A_357 = arith.index_cast %parallel_loop3A_156 : i32 to index
        %parallel_loop3A_358 = tpu.vector_load %arg7[%parallel_loop3A_356, %parallel_loop3A_357] {strides = array<i32>} : memref<64x768xf32, #tpu.memory_space<vmem>>, vector<1x16xf32>,
        %parallel_loop3A_359 = vector.shape_cast %parallel_loop3A_358 : vector<1x16xf32> to vector<16xf32>
        %parallel_loop3A_360 = arith.constant 31 : i32
        %parallel_loop3A_361 = arith.index_cast %parallel_loop3A_360 : i32 to index
        %parallel_loop3A_362 = arith.index_cast %parallel_loop3A_156 : i32 to index
        %parallel_loop3A_363 = tpu.vector_load %arg7[%parallel_loop3A_361, %parallel_loop3A_362] {strides = array<i32>} : memref<64x768xf32, #tpu.memory_space<vmem>>, vector<1x16xf32>,
        %parallel_loop3A_364 = vector.shape_cast %parallel_loop3A_363 : vector<1x16xf32> to vector<16xf32>
        %parallel_loop3A_365 = arith.addf %parallel_loop3A_329, %parallel_loop3A_334 : vector<16xf32>
        %parallel_loop3A_366 = arith.addf %parallel_loop3A_339, %parallel_loop3A_344 : vector<16xf32>
        %parallel_loop3A_367 = arith.addf %parallel_loop3A_349, %parallel_loop3A_354 : vector<16xf32>
        %parallel_loop3A_368 = arith.addf %parallel_loop3A_359, %parallel_loop3A_364 : vector<16xf32>
        %parallel_loop3A_369 = arith.addf %parallel_loop3A_365, %parallel_loop3A_366 : vector<16xf32>
        %parallel_loop3A_370 = arith.addf %parallel_loop3A_367, %parallel_loop3A_368 : vector<16xf32>
        %parallel_loop3A_371 = arith.addf %parallel_loop3A_369, %parallel_loop3A_370 : vector<16xf32>
        %parallel_loop3A_372 = arith.constant 1.250000e-01 : f32
        %parallel_loop3A_373 = vector.broadcast %parallel_loop3A_372 : f32 to vector<16xf32>
        %parallel_loop3A_374 = arith.mulf %parallel_loop3A_371, %parallel_loop3A_373 : vector<16xf32>
        %parallel_loop3A_375 = arith.constant 3 : i32
        %parallel_loop3A_376 = arith.index_cast %parallel_loop3A_375 : i32 to index
        %parallel_loop3A_377 = arith.index_cast %parallel_loop3A_156 : i32 to index
        %parallel_loop3A_378 = tpu.vector_load %arg9[%parallel_loop3A_376, %parallel_loop3A_377] {strides = array<i32>} : memref<16x768xf32, #tpu.memory_space<vmem>>, vector<1x16xf32>,
        %parallel_loop3A_379 = vector.shape_cast %parallel_loop3A_378 : vector<1x16xf32> to vector<16xf32>
        %parallel_loop3A_380 = vector.shape_cast %parallel_loop3A_374 : vector<16xf32> to vector<1x16xf32>
        tpu.vector_store %arg9[%parallel_loop3A_376, %parallel_loop3A_377], %parallel_loop3A_380 {strides = array<i32>} : memref<16x768xf32, #tpu.memory_space<vmem>>, vector<1x16xf32>,
        %parallel_loop3A_381 = arith.constant 32 : i32
        %parallel_loop3A_382 = arith.index_cast %parallel_loop3A_381 : i32 to index
        %parallel_loop3A_383 = arith.index_cast %parallel_loop3A_156 : i32 to index
        %parallel_loop3A_384 = tpu.vector_load %arg7[%parallel_loop3A_382, %parallel_loop3A_383] {strides = array<i32>} : memref<64x768xf32, #tpu.memory_space<vmem>>, vector<1x16xf32>,
        %parallel_loop3A_385 = vector.shape_cast %parallel_loop3A_384 : vector<1x16xf32> to vector<16xf32>
        %parallel_loop3A_386 = arith.constant 33 : i32
        %parallel_loop3A_387 = arith.index_cast %parallel_loop3A_386 : i32 to index
        %parallel_loop3A_388 = arith.index_cast %parallel_loop3A_156 : i32 to index
        %parallel_loop3A_389 = tpu.vector_load %arg7[%parallel_loop3A_387, %parallel_loop3A_388] {strides = array<i32>} : memref<64x768xf32, #tpu.memory_space<vmem>>, vector<1x16xf32>,
        %parallel_loop3A_390 = vector.shape_cast %parallel_loop3A_389 : vector<1x16xf32> to vector<16xf32>
        %parallel_loop3A_391 = arith.constant 34 : i32
        %parallel_loop3A_392 = arith.index_cast %parallel_loop3A_391 : i32 to index
        %parallel_loop3A_393 = arith.index_cast %parallel_loop3A_156 : i32 to index
        %parallel_loop3A_394 = tpu.vector_load %arg7[%parallel_loop3A_392, %parallel_loop3A_393] {strides = array<i32>} : memref<64x768xf32, #tpu.memory_space<vmem>>, vector<1x16xf32>,
        %parallel_loop3A_395 = vector.shape_cast %parallel_loop3A_394 : vector<1x16xf32> to vector<16xf32>
        %parallel_loop3A_396 = arith.constant 35 : i32
        %parallel_loop3A_397 = arith.index_cast %parallel_loop3A_396 : i32 to index
        %parallel_loop3A_398 = arith.index_cast %parallel_loop3A_156 : i32 to index
        %parallel_loop3A_399 = tpu.vector_load %arg7[%parallel_loop3A_397, %parallel_loop3A_398] {strides = array<i32>} : memref<64x768xf32, #tpu.memory_space<vmem>>, vector<1x16xf32>,
        %parallel_loop3A_400 = vector.shape_cast %parallel_loop3A_399 : vector<1x16xf32> to vector<16xf32>
        %parallel_loop3A_401 = arith.constant 36 : i32
        %parallel_loop3A_402 = arith.index_cast %parallel_loop3A_401 : i32 to index
        %parallel_loop3A_403 = arith.index_cast %parallel_loop3A_156 : i32 to index
        %parallel_loop3A_404 = tpu.vector_load %arg7[%parallel_loop3A_402, %parallel_loop3A_403] {strides = array<i32>} : memref<64x768xf32, #tpu.memory_space<vmem>>, vector<1x16xf32>,
        %parallel_loop3A_405 = vector.shape_cast %parallel_loop3A_404 : vector<1x16xf32> to vector<16xf32>
        %parallel_loop3A_406 = arith.constant 37 : i32
        %parallel_loop3A_407 = arith.index_cast %parallel_loop3A_406 : i32 to index
        %parallel_loop3A_408 = arith.index_cast %parallel_loop3A_156 : i32 to index
        %parallel_loop3A_409 = tpu.vector_load %arg7[%parallel_loop3A_407, %parallel_loop3A_408] {strides = array<i32>} : memref<64x768xf32, #tpu.memory_space<vmem>>, vector<1x16xf32>,
        %parallel_loop3A_410 = vector.shape_cast %parallel_loop3A_409 : vector<1x16xf32> to vector<16xf32>
        %parallel_loop3A_411 = arith.constant 38 : i32
        %parallel_loop3A_412 = arith.index_cast %parallel_loop3A_411 : i32 to index
        %parallel_loop3A_413 = arith.index_cast %parallel_loop3A_156 : i32 to index
        %parallel_loop3A_414 = tpu.vector_load %arg7[%parallel_loop3A_412, %parallel_loop3A_413] {strides = array<i32>} : memref<64x768xf32, #tpu.memory_space<vmem>>, vector<1x16xf32>,
        %parallel_loop3A_415 = vector.shape_cast %parallel_loop3A_414 : vector<1x16xf32> to vector<16xf32>
        %parallel_loop3A_416 = arith.constant 39 : i32
        %parallel_loop3A_417 = arith.index_cast %parallel_loop3A_416 : i32 to index
        %parallel_loop3A_418 = arith.index_cast %parallel_loop3A_156 : i32 to index
        %parallel_loop3A_419 = tpu.vector_load %arg7[%parallel_loop3A_417, %parallel_loop3A_418] {strides = array<i32>} : memref<64x768xf32, #tpu.memory_space<vmem>>, vector<1x16xf32>,
        %parallel_loop3A_420 = vector.shape_cast %parallel_loop3A_419 : vector<1x16xf32> to vector<16xf32>
        %parallel_loop3A_421 = arith.addf %parallel_loop3A_385, %parallel_loop3A_390 : vector<16xf32>
        %parallel_loop3A_422 = arith.addf %parallel_loop3A_395, %parallel_loop3A_400 : vector<16xf32>
        %parallel_loop3A_423 = arith.addf %parallel_loop3A_405, %parallel_loop3A_410 : vector<16xf32>
        %parallel_loop3A_424 = arith.addf %parallel_loop3A_415, %parallel_loop3A_420 : vector<16xf32>
        %parallel_loop3A_425 = arith.addf %parallel_loop3A_421, %parallel_loop3A_422 : vector<16xf32>
        %parallel_loop3A_426 = arith.addf %parallel_loop3A_423, %parallel_loop3A_424 : vector<16xf32>
        %parallel_loop3A_427 = arith.addf %parallel_loop3A_425, %parallel_loop3A_426 : vector<16xf32>
        %parallel_loop3A_428 = arith.constant 1.250000e-01 : f32
        %parallel_loop3A_429 = vector.broadcast %parallel_loop3A_428 : f32 to vector<16xf32>
        %parallel_loop3A_430 = arith.mulf %parallel_loop3A_427, %parallel_loop3A_429 : vector<16xf32>
        %parallel_loop3A_431 = arith.constant 4 : i32
        %parallel_loop3A_432 = arith.index_cast %parallel_loop3A_431 : i32 to index
        %parallel_loop3A_433 = arith.index_cast %parallel_loop3A_156 : i32 to index
        %parallel_loop3A_434 = tpu.vector_load %arg9[%parallel_loop3A_432, %parallel_loop3A_433] {strides = array<i32>} : memref<16x768xf32, #tpu.memory_space<vmem>>, vector<1x16xf32>,
        %parallel_loop3A_435 = vector.shape_cast %parallel_loop3A_434 : vector<1x16xf32> to vector<16xf32>
        %parallel_loop3A_436 = vector.shape_cast %parallel_loop3A_430 : vector<16xf32> to vector<1x16xf32>
        tpu.vector_store %arg9[%parallel_loop3A_432, %parallel_loop3A_433], %parallel_loop3A_436 {strides = array<i32>} : memref<16x768xf32, #tpu.memory_space<vmem>>, vector<1x16xf32>,
        %parallel_loop3A_437 = arith.constant 40 : i32
        %parallel_loop3A_438 = arith.index_cast %parallel_loop3A_437 : i32 to index
        %parallel_loop3A_439 = arith.index_cast %parallel_loop3A_156 : i32 to index
        %parallel_loop3A_440 = tpu.vector_load %arg7[%parallel_loop3A_438, %parallel_loop3A_439] {strides = array<i32>} : memref<64x768xf32, #tpu.memory_space<vmem>>, vector<1x16xf32>,
        %parallel_loop3A_441 = vector.shape_cast %parallel_loop3A_440 : vector<1x16xf32> to vector<16xf32>
        %parallel_loop3A_442 = arith.constant 41 : i32
        %parallel_loop3A_443 = arith.index_cast %parallel_loop3A_442 : i32 to index
        %parallel_loop3A_444 = arith.index_cast %parallel_loop3A_156 : i32 to index
        %parallel_loop3A_445 = tpu.vector_load %arg7[%parallel_loop3A_443, %parallel_loop3A_444] {strides = array<i32>} : memref<64x768xf32, #tpu.memory_space<vmem>>, vector<1x16xf32>,
        %parallel_loop3A_446 = vector.shape_cast %parallel_loop3A_445 : vector<1x16xf32> to vector<16xf32>
        %parallel_loop3A_447 = arith.constant 42 : i32
        %parallel_loop3A_448 = arith.index_cast %parallel_loop3A_447 : i32 to index
        %parallel_loop3A_449 = arith.index_cast %parallel_loop3A_156 : i32 to index
        %parallel_loop3A_450 = tpu.vector_load %arg7[%parallel_loop3A_448, %parallel_loop3A_449] {strides = array<i32>} : memref<64x768xf32, #tpu.memory_space<vmem>>, vector<1x16xf32>,
        %parallel_loop3A_451 = vector.shape_cast %parallel_loop3A_450 : vector<1x16xf32> to vector<16xf32>
        %parallel_loop3A_452 = arith.constant 43 : i32
        %parallel_loop3A_453 = arith.index_cast %parallel_loop3A_452 : i32 to index
        %parallel_loop3A_454 = arith.index_cast %parallel_loop3A_156 : i32 to index
        %parallel_loop3A_455 = tpu.vector_load %arg7[%parallel_loop3A_453, %parallel_loop3A_454] {strides = array<i32>} : memref<64x768xf32, #tpu.memory_space<vmem>>, vector<1x16xf32>,
        %parallel_loop3A_456 = vector.shape_cast %parallel_loop3A_455 : vector<1x16xf32> to vector<16xf32>
        %parallel_loop3A_457 = arith.constant 44 : i32
        %parallel_loop3A_458 = arith.index_cast %parallel_loop3A_457 : i32 to index
        %parallel_loop3A_459 = arith.index_cast %parallel_loop3A_156 : i32 to index
        %parallel_loop3A_460 = tpu.vector_load %arg7[%parallel_loop3A_458, %parallel_loop3A_459] {strides = array<i32>} : memref<64x768xf32, #tpu.memory_space<vmem>>, vector<1x16xf32>,
        %parallel_loop3A_461 = vector.shape_cast %parallel_loop3A_460 : vector<1x16xf32> to vector<16xf32>
        %parallel_loop3A_462 = arith.constant 45 : i32
        %parallel_loop3A_463 = arith.index_cast %parallel_loop3A_462 : i32 to index
        %parallel_loop3A_464 = arith.index_cast %parallel_loop3A_156 : i32 to index
        %parallel_loop3A_465 = tpu.vector_load %arg7[%parallel_loop3A_463, %parallel_loop3A_464] {strides = array<i32>} : memref<64x768xf32, #tpu.memory_space<vmem>>, vector<1x16xf32>,
        %parallel_loop3A_466 = vector.shape_cast %parallel_loop3A_465 : vector<1x16xf32> to vector<16xf32>
        %parallel_loop3A_467 = arith.constant 46 : i32
        %parallel_loop3A_468 = arith.index_cast %parallel_loop3A_467 : i32 to index
        %parallel_loop3A_469 = arith.index_cast %parallel_loop3A_156 : i32 to index
        %parallel_loop3A_470 = tpu.vector_load %arg7[%parallel_loop3A_468, %parallel_loop3A_469] {strides = array<i32>} : memref<64x768xf32, #tpu.memory_space<vmem>>, vector<1x16xf32>,
        %parallel_loop3A_471 = vector.shape_cast %parallel_loop3A_470 : vector<1x16xf32> to vector<16xf32>
        %parallel_loop3A_472 = arith.constant 47 : i32
        %parallel_loop3A_473 = arith.index_cast %parallel_loop3A_472 : i32 to index
        %parallel_loop3A_474 = arith.index_cast %parallel_loop3A_156 : i32 to index
        %parallel_loop3A_475 = tpu.vector_load %arg7[%parallel_loop3A_473, %parallel_loop3A_474] {strides = array<i32>} : memref<64x768xf32, #tpu.memory_space<vmem>>, vector<1x16xf32>,
        %parallel_loop3A_476 = vector.shape_cast %parallel_loop3A_475 : vector<1x16xf32> to vector<16xf32>
        %parallel_loop3A_477 = arith.addf %parallel_loop3A_441, %parallel_loop3A_446 : vector<16xf32>
        %parallel_loop3A_478 = arith.addf %parallel_loop3A_451, %parallel_loop3A_456 : vector<16xf32>
        %parallel_loop3A_479 = arith.addf %parallel_loop3A_461, %parallel_loop3A_466 : vector<16xf32>
        %parallel_loop3A_480 = arith.addf %parallel_loop3A_471, %parallel_loop3A_476 : vector<16xf32>
        %parallel_loop3A_481 = arith.addf %parallel_loop3A_477, %parallel_loop3A_478 : vector<16xf32>
        %parallel_loop3A_482 = arith.addf %parallel_loop3A_479, %parallel_loop3A_480 : vector<16xf32>
        %parallel_loop3A_483 = arith.addf %parallel_loop3A_481, %parallel_loop3A_482 : vector<16xf32>
        %parallel_loop3A_484 = arith.constant 1.250000e-01 : f32
        %parallel_loop3A_485 = vector.broadcast %parallel_loop3A_484 : f32 to vector<16xf32>
        %parallel_loop3A_486 = arith.mulf %parallel_loop3A_483, %parallel_loop3A_485 : vector<16xf32>
        %parallel_loop3A_487 = arith.constant 5 : i32
        %parallel_loop3A_488 = arith.index_cast %parallel_loop3A_487 : i32 to index
        %parallel_loop3A_489 = arith.index_cast %parallel_loop3A_156 : i32 to index
        %parallel_loop3A_490 = tpu.vector_load %arg9[%parallel_loop3A_488, %parallel_loop3A_489] {strides = array<i32>} : memref<16x768xf32, #tpu.memory_space<vmem>>, vector<1x16xf32>,
        %parallel_loop3A_491 = vector.shape_cast %parallel_loop3A_490 : vector<1x16xf32> to vector<16xf32>
        %parallel_loop3A_492 = vector.shape_cast %parallel_loop3A_486 : vector<16xf32> to vector<1x16xf32>
        tpu.vector_store %arg9[%parallel_loop3A_488, %parallel_loop3A_489], %parallel_loop3A_492 {strides = array<i32>} : memref<16x768xf32, #tpu.memory_space<vmem>>, vector<1x16xf32>,
        %parallel_loop3A_493 = arith.constant 48 : i32
        %parallel_loop3A_494 = arith.index_cast %parallel_loop3A_493 : i32 to index
        %parallel_loop3A_495 = arith.index_cast %parallel_loop3A_156 : i32 to index
        %parallel_loop3A_496 = tpu.vector_load %arg7[%parallel_loop3A_494, %parallel_loop3A_495] {strides = array<i32>} : memref<64x768xf32, #tpu.memory_space<vmem>>, vector<1x16xf32>,
        %parallel_loop3A_497 = vector.shape_cast %parallel_loop3A_496 : vector<1x16xf32> to vector<16xf32>
        %parallel_loop3A_498 = arith.constant 49 : i32
        %parallel_loop3A_499 = arith.index_cast %parallel_loop3A_498 : i32 to index
        %parallel_loop3A_500 = arith.index_cast %parallel_loop3A_156 : i32 to index
        %parallel_loop3A_501 = tpu.vector_load %arg7[%parallel_loop3A_499, %parallel_loop3A_500] {strides = array<i32>} : memref<64x768xf32, #tpu.memory_space<vmem>>, vector<1x16xf32>,
        %parallel_loop3A_502 = vector.shape_cast %parallel_loop3A_501 : vector<1x16xf32> to vector<16xf32>
        %parallel_loop3A_503 = arith.constant 50 : i32
        %parallel_loop3A_504 = arith.index_cast %parallel_loop3A_503 : i32 to index
        %parallel_loop3A_505 = arith.index_cast %parallel_loop3A_156 : i32 to index
        %parallel_loop3A_506 = tpu.vector_load %arg7[%parallel_loop3A_504, %parallel_loop3A_505] {strides = array<i32>} : memref<64x768xf32, #tpu.memory_space<vmem>>, vector<1x16xf32>,
        %parallel_loop3A_507 = vector.shape_cast %parallel_loop3A_506 : vector<1x16xf32> to vector<16xf32>
        %parallel_loop3A_508 = arith.constant 51 : i32
        %parallel_loop3A_509 = arith.index_cast %parallel_loop3A_508 : i32 to index
        %parallel_loop3A_510 = arith.index_cast %parallel_loop3A_156 : i32 to index
        %parallel_loop3A_511 = tpu.vector_load %arg7[%parallel_loop3A_509, %parallel_loop3A_510] {strides = array<i32>} : memref<64x768xf32, #tpu.memory_space<vmem>>, vector<1x16xf32>,
        %parallel_loop3A_512 = vector.shape_cast %parallel_loop3A_511 : vector<1x16xf32> to vector<16xf32>
        %parallel_loop3A_513 = arith.constant 52 : i32
        %parallel_loop3A_514 = arith.index_cast %parallel_loop3A_513 : i32 to index
        %parallel_loop3A_515 = arith.index_cast %parallel_loop3A_156 : i32 to index
        %parallel_loop3A_516 = tpu.vector_load %arg7[%parallel_loop3A_514, %parallel_loop3A_515] {strides = array<i32>} : memref<64x768xf32, #tpu.memory_space<vmem>>, vector<1x16xf32>,
        %parallel_loop3A_517 = vector.shape_cast %parallel_loop3A_516 : vector<1x16xf32> to vector<16xf32>
        %parallel_loop3A_518 = arith.constant 53 : i32
        %parallel_loop3A_519 = arith.index_cast %parallel_loop3A_518 : i32 to index
        %parallel_loop3A_520 = arith.index_cast %parallel_loop3A_156 : i32 to index
        %parallel_loop3A_521 = tpu.vector_load %arg7[%parallel_loop3A_519, %parallel_loop3A_520] {strides = array<i32>} : memref<64x768xf32, #tpu.memory_space<vmem>>, vector<1x16xf32>,
        %parallel_loop3A_522 = vector.shape_cast %parallel_loop3A_521 : vector<1x16xf32> to vector<16xf32>
        %parallel_loop3A_523 = arith.constant 54 : i32
        %parallel_loop3A_524 = arith.index_cast %parallel_loop3A_523 : i32 to index
        %parallel_loop3A_525 = arith.index_cast %parallel_loop3A_156 : i32 to index
        %parallel_loop3A_526 = tpu.vector_load %arg7[%parallel_loop3A_524, %parallel_loop3A_525] {strides = array<i32>} : memref<64x768xf32, #tpu.memory_space<vmem>>, vector<1x16xf32>,
        %parallel_loop3A_527 = vector.shape_cast %parallel_loop3A_526 : vector<1x16xf32> to vector<16xf32>
        %parallel_loop3A_528 = arith.constant 55 : i32
        %parallel_loop3A_529 = arith.index_cast %parallel_loop3A_528 : i32 to index
        %parallel_loop3A_530 = arith.index_cast %parallel_loop3A_156 : i32 to index
        %parallel_loop3A_531 = tpu.vector_load %arg7[%parallel_loop3A_529, %parallel_loop3A_530] {strides = array<i32>} : memref<64x768xf32, #tpu.memory_space<vmem>>, vector<1x16xf32>,
        %parallel_loop3A_532 = vector.shape_cast %parallel_loop3A_531 : vector<1x16xf32> to vector<16xf32>
        %parallel_loop3A_533 = arith.addf %parallel_loop3A_497, %parallel_loop3A_502 : vector<16xf32>
        %parallel_loop3A_534 = arith.addf %parallel_loop3A_507, %parallel_loop3A_512 : vector<16xf32>
        %parallel_loop3A_535 = arith.addf %parallel_loop3A_517, %parallel_loop3A_522 : vector<16xf32>
        %parallel_loop3A_536 = arith.addf %parallel_loop3A_527, %parallel_loop3A_532 : vector<16xf32>
        %parallel_loop3A_537 = arith.addf %parallel_loop3A_533, %parallel_loop3A_534 : vector<16xf32>
        %parallel_loop3A_538 = arith.addf %parallel_loop3A_535, %parallel_loop3A_536 : vector<16xf32>
        %parallel_loop3A_539 = arith.addf %parallel_loop3A_537, %parallel_loop3A_538 : vector<16xf32>
        %parallel_loop3A_540 = arith.constant 1.250000e-01 : f32
        %parallel_loop3A_541 = vector.broadcast %parallel_loop3A_540 : f32 to vector<16xf32>
        %parallel_loop3A_542 = arith.mulf %parallel_loop3A_539, %parallel_loop3A_541 : vector<16xf32>
        %parallel_loop3A_543 = arith.constant 6 : i32
        %parallel_loop3A_544 = arith.index_cast %parallel_loop3A_543 : i32 to index
        %parallel_loop3A_545 = arith.index_cast %parallel_loop3A_156 : i32 to index
        %parallel_loop3A_546 = tpu.vector_load %arg9[%parallel_loop3A_544, %parallel_loop3A_545] {strides = array<i32>} : memref<16x768xf32, #tpu.memory_space<vmem>>, vector<1x16xf32>,
        %parallel_loop3A_547 = vector.shape_cast %parallel_loop3A_546 : vector<1x16xf32> to vector<16xf32>
        %parallel_loop3A_548 = vector.shape_cast %parallel_loop3A_542 : vector<16xf32> to vector<1x16xf32>
        tpu.vector_store %arg9[%parallel_loop3A_544, %parallel_loop3A_545], %parallel_loop3A_548 {strides = array<i32>} : memref<16x768xf32, #tpu.memory_space<vmem>>, vector<1x16xf32>,
        %parallel_loop3A_549 = arith.constant 56 : i32
        %parallel_loop3A_550 = arith.index_cast %parallel_loop3A_549 : i32 to index
        %parallel_loop3A_551 = arith.index_cast %parallel_loop3A_156 : i32 to index
        %parallel_loop3A_552 = tpu.vector_load %arg7[%parallel_loop3A_550, %parallel_loop3A_551] {strides = array<i32>} : memref<64x768xf32, #tpu.memory_space<vmem>>, vector<1x16xf32>,
        %parallel_loop3A_553 = vector.shape_cast %parallel_loop3A_552 : vector<1x16xf32> to vector<16xf32>
        %parallel_loop3A_554 = arith.constant 57 : i32
        %parallel_loop3A_555 = arith.index_cast %parallel_loop3A_554 : i32 to index
        %parallel_loop3A_556 = arith.index_cast %parallel_loop3A_156 : i32 to index
        %parallel_loop3A_557 = tpu.vector_load %arg7[%parallel_loop3A_555, %parallel_loop3A_556] {strides = array<i32>} : memref<64x768xf32, #tpu.memory_space<vmem>>, vector<1x16xf32>,
        %parallel_loop3A_558 = vector.shape_cast %parallel_loop3A_557 : vector<1x16xf32> to vector<16xf32>
        %parallel_loop3A_559 = arith.constant 58 : i32
        %parallel_loop3A_560 = arith.index_cast %parallel_loop3A_559 : i32 to index
        %parallel_loop3A_561 = arith.index_cast %parallel_loop3A_156 : i32 to index
        %parallel_loop3A_562 = tpu.vector_load %arg7[%parallel_loop3A_560, %parallel_loop3A_561] {strides = array<i32>} : memref<64x768xf32, #tpu.memory_space<vmem>>, vector<1x16xf32>,
        %parallel_loop3A_563 = vector.shape_cast %parallel_loop3A_562 : vector<1x16xf32> to vector<16xf32>
        %parallel_loop3A_564 = arith.constant 59 : i32
        %parallel_loop3A_565 = arith.index_cast %parallel_loop3A_564 : i32 to index
        %parallel_loop3A_566 = arith.index_cast %parallel_loop3A_156 : i32 to index
        %parallel_loop3A_567 = tpu.vector_load %arg7[%parallel_loop3A_565, %parallel_loop3A_566] {strides = array<i32>} : memref<64x768xf32, #tpu.memory_space<vmem>>, vector<1x16xf32>,
        %parallel_loop3A_568 = vector.shape_cast %parallel_loop3A_567 : vector<1x16xf32> to vector<16xf32>
        %parallel_loop3A_569 = arith.constant 60 : i32
        %parallel_loop3A_570 = arith.index_cast %parallel_loop3A_569 : i32 to index
        %parallel_loop3A_571 = arith.index_cast %parallel_loop3A_156 : i32 to index
        %parallel_loop3A_572 = tpu.vector_load %arg7[%parallel_loop3A_570, %parallel_loop3A_571] {strides = array<i32>} : memref<64x768xf32, #tpu.memory_space<vmem>>, vector<1x16xf32>,
        %parallel_loop3A_573 = vector.shape_cast %parallel_loop3A_572 : vector<1x16xf32> to vector<16xf32>
        %parallel_loop3A_574 = arith.constant 61 : i32
        %parallel_loop3A_575 = arith.index_cast %parallel_loop3A_574 : i32 to index
        %parallel_loop3A_576 = arith.index_cast %parallel_loop3A_156 : i32 to index
        %parallel_loop3A_577 = tpu.vector_load %arg7[%parallel_loop3A_575, %parallel_loop3A_576] {strides = array<i32>} : memref<64x768xf32, #tpu.memory_space<vmem>>, vector<1x16xf32>,
        %parallel_loop3A_578 = vector.shape_cast %parallel_loop3A_577 : vector<1x16xf32> to vector<16xf32>
        %parallel_loop3A_579 = arith.constant 62 : i32
        %parallel_loop3A_580 = arith.index_cast %parallel_loop3A_579 : i32 to index
        %parallel_loop3A_581 = arith.index_cast %parallel_loop3A_156 : i32 to index
        %parallel_loop3A_582 = tpu.vector_load %arg7[%parallel_loop3A_580, %parallel_loop3A_581] {strides = array<i32>} : memref<64x768xf32, #tpu.memory_space<vmem>>, vector<1x16xf32>,
        %parallel_loop3A_583 = vector.shape_cast %parallel_loop3A_582 : vector<1x16xf32> to vector<16xf32>
        %parallel_loop3A_584 = arith.constant 63 : i32
        %parallel_loop3A_585 = arith.index_cast %parallel_loop3A_584 : i32 to index
        %parallel_loop3A_586 = arith.index_cast %parallel_loop3A_156 : i32 to index
        %parallel_loop3A_587 = tpu.vector_load %arg7[%parallel_loop3A_585, %parallel_loop3A_586] {strides = array<i32>} : memref<64x768xf32, #tpu.memory_space<vmem>>, vector<1x16xf32>,
        %parallel_loop3A_588 = vector.shape_cast %parallel_loop3A_587 : vector<1x16xf32> to vector<16xf32>
        %parallel_loop3A_589 = arith.addf %parallel_loop3A_553, %parallel_loop3A_558 : vector<16xf32>
        %parallel_loop3A_590 = arith.addf %parallel_loop3A_563, %parallel_loop3A_568 : vector<16xf32>
        %parallel_loop3A_591 = arith.addf %parallel_loop3A_573, %parallel_loop3A_578 : vector<16xf32>
        %parallel_loop3A_592 = arith.addf %parallel_loop3A_583, %parallel_loop3A_588 : vector<16xf32>
        %parallel_loop3A_593 = arith.addf %parallel_loop3A_589, %parallel_loop3A_590 : vector<16xf32>
        %parallel_loop3A_594 = arith.addf %parallel_loop3A_591, %parallel_loop3A_592 : vector<16xf32>
        %parallel_loop3A_595 = arith.addf %parallel_loop3A_593, %parallel_loop3A_594 : vector<16xf32>
        %parallel_loop3A_596 = arith.constant 1.250000e-01 : f32
        %parallel_loop3A_597 = vector.broadcast %parallel_loop3A_596 : f32 to vector<16xf32>
        %parallel_loop3A_598 = arith.mulf %parallel_loop3A_595, %parallel_loop3A_597 : vector<16xf32>
        %parallel_loop3A_599 = arith.constant 7 : i32
        %parallel_loop3A_600 = arith.index_cast %parallel_loop3A_599 : i32 to index
        %parallel_loop3A_601 = arith.index_cast %parallel_loop3A_156 : i32 to index
        %parallel_loop3A_602 = tpu.vector_load %arg9[%parallel_loop3A_600, %parallel_loop3A_601] {strides = array<i32>} : memref<16x768xf32, #tpu.memory_space<vmem>>, vector<1x16xf32>,
        %parallel_loop3A_603 = vector.shape_cast %parallel_loop3A_602 : vector<1x16xf32> to vector<16xf32>
        %parallel_loop3A_604 = vector.shape_cast %parallel_loop3A_598 : vector<16xf32> to vector<1x16xf32>
        tpu.vector_store %arg9[%parallel_loop3A_600, %parallel_loop3A_601], %parallel_loop3A_604 {strides = array<i32>} : memref<16x768xf32, #tpu.memory_space<vmem>>, vector<1x16xf32>,
        %parallel_loop3A_605 = arith.addf %parallel_loop3A_203, %parallel_loop3A_259 : vector<16xf32>
        %parallel_loop3A_606 = arith.addf %parallel_loop3A_315, %parallel_loop3A_371 : vector<16xf32>
        %parallel_loop3A_607 = arith.addf %parallel_loop3A_427, %parallel_loop3A_483 : vector<16xf32>
        %parallel_loop3A_608 = arith.addf %parallel_loop3A_539, %parallel_loop3A_595 : vector<16xf32>
        %parallel_loop3A_609 = arith.addf %parallel_loop3A_605, %parallel_loop3A_606 : vector<16xf32>
        %parallel_loop3A_610 = arith.addf %parallel_loop3A_607, %parallel_loop3A_608 : vector<16xf32>
        %parallel_loop3A_611 = arith.addf %parallel_loop3A_609, %parallel_loop3A_610 : vector<16xf32>
        %parallel_loop3A_612 = arith.constant 7.812500e-03 : f32
        %parallel_loop3A_613 = vector.broadcast %parallel_loop3A_612 : f32 to vector<16xf32>
        %parallel_loop3A_614 = arith.mulf %parallel_loop3A_611, %parallel_loop3A_613 : vector<16xf32>
        %parallel_loop3A_615 = arith.constant 0 : i32
        %parallel_loop3A_616 = arith.index_cast %parallel_loop3A_615 : i32 to index
        %parallel_loop3A_617 = arith.index_cast %parallel_loop3A_156 : i32 to index
        %parallel_loop3A_618 = tpu.vector_load %arg11[%parallel_loop3A_616, %parallel_loop3A_617] {strides = array<i32>} : memref<1x768xf32, #tpu.memory_space<vmem>>, vector<1x16xf32>,
        %parallel_loop3A_619 = vector.shape_cast %parallel_loop3A_618 : vector<1x16xf32> to vector<16xf32>
        %parallel_loop3A_620 = vector.shape_cast %parallel_loop3A_614 : vector<16xf32> to vector<1x16xf32>
        tpu.vector_store %arg11[%parallel_loop3A_616, %parallel_loop3A_617], %parallel_loop3A_620 {strides = array<i32>} : memref<1x768xf32, #tpu.memory_space<vmem>>, vector<1x16xf32>,
      } {sc.loop_unroll_factor = 1 : i64, sc.parallel_access}
      %add3A_64 = arith.constant 1 : i32
      %add3A_65 = arith.addi %add3A_42, %add3A_64 : i32
      %and3A = arith.constant 15 : i32
      %and3A_66 = arith.andi %add3A_65, %and3A : i32
      %mul3A_67 = arith.constant 128 : i32
      %mul3A_68 = arith.muli %and3A_66, %mul3A_67 : i32
      %add3A_69 = arith.constant 0 : i32
      %add3A_70 = arith.addi %mul3A_68, %add3A_69 : i32
      %dma_start3A_71 = tpu.memref_slice %arg6[%add3A_70] : memref<2048xi32, #tpu.memory_space<vmem>> -> memref<64xi32, #tpu.memory_space<vmem>>
      %dma_start3A_72 = arith.constant 0 : i32
      %dma_start3A_73 = arith.constant 0 : i32
      %dma_start3A_74 = tpu.memref_slice %arg3[%dma_start3A_72, %dma_start3A_73] : memref<8192x768xf32, #tpu.memory_space<hbm>> -> memref<8192x768xf32, #tpu.memory_space<hbm>>
      tpu.enqueue_indirect_dma source(%dma_start3A_74 : memref<8192x768xf32, #tpu.memory_space<hbm>>) target(%arg7 : memref<64x768xf32, #tpu.memory_space<vmem>>) offsets(%dma_start3A_71 : memref<64xi32, #tpu.memory_space<vmem>>) semaphore(%arg13 : memref<!tpu.dma_semaphore, #tpu.memory_space<semaphore_mem>>)
      %mul3A_75 = arith.constant 128 : i32
      %mul3A_76 = arith.muli %add3A_42, %mul3A_75 : i32
      %add3A_77 = arith.constant 64 : i32
      %add3A_78 = arith.addi %mul3A_76, %add3A_77 : i32
      %dma_wait3A_79 = tpu.memref_slice %arg6[%add3A_78] : memref<2048xi32, #tpu.memory_space<vmem>> -> memref<64xi32, #tpu.memory_space<vmem>>
      %dma_wait3A_80 = arith.constant 0 : i32
      %dma_wait3A_81 = arith.constant 0 : i32
      %dma_wait3A_82 = tpu.memref_slice %arg3[%dma_wait3A_80, %dma_wait3A_81] : memref<8192x768xf32, #tpu.memory_space<hbm>> -> memref<8192x768xf32, #tpu.memory_space<hbm>>
      tpu.wait_indirect_dma semaphore(%arg14 : memref<!tpu.dma_semaphore, #tpu.memory_space<semaphore_mem>>) src(%dma_wait3A_82 : memref<8192x768xf32, #tpu.memory_space<hbm>>) dst(%arg8 : memref<64x768xf32, #tpu.memory_space<vmem>>)
      %parallel_loop3A_83 = arith.constant 0 : i32
      %parallel_loop3A_84 = arith.constant 768 : i32
      %parallel_loop3A_85 = arith.constant 16 : i32
      scf.for %parallel_loop3A_156 = %parallel_loop3A_83 to %parallel_loop3A_84 step %parallel_loop3A_85  : i32 {
        %parallel_loop3A_157 = arith.constant 0 : i32
        %parallel_loop3A_158 = arith.index_cast %parallel_loop3A_157 : i32 to index
        %parallel_loop3A_159 = arith.index_cast %parallel_loop3A_156 : i32 to index
        %parallel_loop3A_160 = tpu.vector_load %arg8[%parallel_loop3A_158, %parallel_loop3A_159] {strides = array<i32>} : memref<64x768xf32, #tpu.memory_space<vmem>>, vector<1x16xf32>,
        %parallel_loop3A_161 = vector.shape_cast %parallel_loop3A_160 : vector<1x16xf32> to vector<16xf32>
        %parallel_loop3A_162 = arith.constant 1 : i32
        %parallel_loop3A_163 = arith.index_cast %parallel_loop3A_162 : i32 to index
        %parallel_loop3A_164 = arith.index_cast %parallel_loop3A_156 : i32 to index
        %parallel_loop3A_165 = tpu.vector_load %arg8[%parallel_loop3A_163, %parallel_loop3A_164] {strides = array<i32>} : memref<64x768xf32, #tpu.memory_space<vmem>>, vector<1x16xf32>,
        %parallel_loop3A_166 = vector.shape_cast %parallel_loop3A_165 : vector<1x16xf32> to vector<16xf32>
        %parallel_loop3A_167 = arith.constant 2 : i32
        %parallel_loop3A_168 = arith.index_cast %parallel_loop3A_167 : i32 to index
        %parallel_loop3A_169 = arith.index_cast %parallel_loop3A_156 : i32 to index
        %parallel_loop3A_170 = tpu.vector_load %arg8[%parallel_loop3A_168, %parallel_loop3A_169] {strides = array<i32>} : memref<64x768xf32, #tpu.memory_space<vmem>>, vector<1x16xf32>,
        %parallel_loop3A_171 = vector.shape_cast %parallel_loop3A_170 : vector<1x16xf32> to vector<16xf32>
        %parallel_loop3A_172 = arith.constant 3 : i32
        %parallel_loop3A_173 = arith.index_cast %parallel_loop3A_172 : i32 to index
        %parallel_loop3A_174 = arith.index_cast %parallel_loop3A_156 : i32 to index
        %parallel_loop3A_175 = tpu.vector_load %arg8[%parallel_loop3A_173, %parallel_loop3A_174] {strides = array<i32>} : memref<64x768xf32, #tpu.memory_space<vmem>>, vector<1x16xf32>,
        %parallel_loop3A_176 = vector.shape_cast %parallel_loop3A_175 : vector<1x16xf32> to vector<16xf32>
        %parallel_loop3A_177 = arith.constant 4 : i32
        %parallel_loop3A_178 = arith.index_cast %parallel_loop3A_177 : i32 to index
        %parallel_loop3A_179 = arith.index_cast %parallel_loop3A_156 : i32 to index
        %parallel_loop3A_180 = tpu.vector_load %arg8[%parallel_loop3A_178, %parallel_loop3A_179] {strides = array<i32>} : memref<64x768xf32, #tpu.memory_space<vmem>>, vector<1x16xf32>,
        %parallel_loop3A_181 = vector.shape_cast %parallel_loop3A_180 : vector<1x16xf32> to vector<16xf32>
        %parallel_loop3A_182 = arith.constant 5 : i32
        %parallel_loop3A_183 = arith.index_cast %parallel_loop3A_182 : i32 to index
        %parallel_loop3A_184 = arith.index_cast %parallel_loop3A_156 : i32 to index
        %parallel_loop3A_185 = tpu.vector_load %arg8[%parallel_loop3A_183, %parallel_loop3A_184] {strides = array<i32>} : memref<64x768xf32, #tpu.memory_space<vmem>>, vector<1x16xf32>,
        %parallel_loop3A_186 = vector.shape_cast %parallel_loop3A_185 : vector<1x16xf32> to vector<16xf32>
        %parallel_loop3A_187 = arith.constant 6 : i32
        %parallel_loop3A_188 = arith.index_cast %parallel_loop3A_187 : i32 to index
        %parallel_loop3A_189 = arith.index_cast %parallel_loop3A_156 : i32 to index
        %parallel_loop3A_190 = tpu.vector_load %arg8[%parallel_loop3A_188, %parallel_loop3A_189] {strides = array<i32>} : memref<64x768xf32, #tpu.memory_space<vmem>>, vector<1x16xf32>,
        %parallel_loop3A_191 = vector.shape_cast %parallel_loop3A_190 : vector<1x16xf32> to vector<16xf32>
        %parallel_loop3A_192 = arith.constant 7 : i32
        %parallel_loop3A_193 = arith.index_cast %parallel_loop3A_192 : i32 to index
        %parallel_loop3A_194 = arith.index_cast %parallel_loop3A_156 : i32 to index
        %parallel_loop3A_195 = tpu.vector_load %arg8[%parallel_loop3A_193, %parallel_loop3A_194] {strides = array<i32>} : memref<64x768xf32, #tpu.memory_space<vmem>>, vector<1x16xf32>,
        %parallel_loop3A_196 = vector.shape_cast %parallel_loop3A_195 : vector<1x16xf32> to vector<16xf32>
        %parallel_loop3A_197 = arith.addf %parallel_loop3A_161, %parallel_loop3A_166 : vector<16xf32>
        %parallel_loop3A_198 = arith.addf %parallel_loop3A_171, %parallel_loop3A_176 : vector<16xf32>
        %parallel_loop3A_199 = arith.addf %parallel_loop3A_181, %parallel_loop3A_186 : vector<16xf32>
        %parallel_loop3A_200 = arith.addf %parallel_loop3A_191, %parallel_loop3A_196 : vector<16xf32>
        %parallel_loop3A_201 = arith.addf %parallel_loop3A_197, %parallel_loop3A_198 : vector<16xf32>
        %parallel_loop3A_202 = arith.addf %parallel_loop3A_199, %parallel_loop3A_200 : vector<16xf32>
        %parallel_loop3A_203 = arith.addf %parallel_loop3A_201, %parallel_loop3A_202 : vector<16xf32>
        %parallel_loop3A_204 = arith.constant 1.250000e-01 : f32
        %parallel_loop3A_205 = vector.broadcast %parallel_loop3A_204 : f32 to vector<16xf32>
        %parallel_loop3A_206 = arith.mulf %parallel_loop3A_203, %parallel_loop3A_205 : vector<16xf32>
        %parallel_loop3A_207 = arith.constant 8 : i32
        %parallel_loop3A_208 = arith.index_cast %parallel_loop3A_207 : i32 to index
        %parallel_loop3A_209 = arith.index_cast %parallel_loop3A_156 : i32 to index
        %parallel_loop3A_210 = tpu.vector_load %arg9[%parallel_loop3A_208, %parallel_loop3A_209] {strides = array<i32>} : memref<16x768xf32, #tpu.memory_space<vmem>>, vector<1x16xf32>,
        %parallel_loop3A_211 = vector.shape_cast %parallel_loop3A_210 : vector<1x16xf32> to vector<16xf32>
        %parallel_loop3A_212 = vector.shape_cast %parallel_loop3A_206 : vector<16xf32> to vector<1x16xf32>
        tpu.vector_store %arg9[%parallel_loop3A_208, %parallel_loop3A_209], %parallel_loop3A_212 {strides = array<i32>} : memref<16x768xf32, #tpu.memory_space<vmem>>, vector<1x16xf32>,
        %parallel_loop3A_213 = arith.constant 8 : i32
        %parallel_loop3A_214 = arith.index_cast %parallel_loop3A_213 : i32 to index
        %parallel_loop3A_215 = arith.index_cast %parallel_loop3A_156 : i32 to index
        %parallel_loop3A_216 = tpu.vector_load %arg8[%parallel_loop3A_214, %parallel_loop3A_215] {strides = array<i32>} : memref<64x768xf32, #tpu.memory_space<vmem>>, vector<1x16xf32>,
        %parallel_loop3A_217 = vector.shape_cast %parallel_loop3A_216 : vector<1x16xf32> to vector<16xf32>
        %parallel_loop3A_218 = arith.constant 9 : i32
        %parallel_loop3A_219 = arith.index_cast %parallel_loop3A_218 : i32 to index
        %parallel_loop3A_220 = arith.index_cast %parallel_loop3A_156 : i32 to index
        %parallel_loop3A_221 = tpu.vector_load %arg8[%parallel_loop3A_219, %parallel_loop3A_220] {strides = array<i32>} : memref<64x768xf32, #tpu.memory_space<vmem>>, vector<1x16xf32>,
        %parallel_loop3A_222 = vector.shape_cast %parallel_loop3A_221 : vector<1x16xf32> to vector<16xf32>
        %parallel_loop3A_223 = arith.constant 10 : i32
        %parallel_loop3A_224 = arith.index_cast %parallel_loop3A_223 : i32 to index
        %parallel_loop3A_225 = arith.index_cast %parallel_loop3A_156 : i32 to index
        %parallel_loop3A_226 = tpu.vector_load %arg8[%parallel_loop3A_224, %parallel_loop3A_225] {strides = array<i32>} : memref<64x768xf32, #tpu.memory_space<vmem>>, vector<1x16xf32>,
        %parallel_loop3A_227 = vector.shape_cast %parallel_loop3A_226 : vector<1x16xf32> to vector<16xf32>
        %parallel_loop3A_228 = arith.constant 11 : i32
        %parallel_loop3A_229 = arith.index_cast %parallel_loop3A_228 : i32 to index
        %parallel_loop3A_230 = arith.index_cast %parallel_loop3A_156 : i32 to index
        %parallel_loop3A_231 = tpu.vector_load %arg8[%parallel_loop3A_229, %parallel_loop3A_230] {strides = array<i32>} : memref<64x768xf32, #tpu.memory_space<vmem>>, vector<1x16xf32>,
        %parallel_loop3A_232 = vector.shape_cast %parallel_loop3A_231 : vector<1x16xf32> to vector<16xf32>
        %parallel_loop3A_233 = arith.constant 12 : i32
        %parallel_loop3A_234 = arith.index_cast %parallel_loop3A_233 : i32 to index
        %parallel_loop3A_235 = arith.index_cast %parallel_loop3A_156 : i32 to index
        %parallel_loop3A_236 = tpu.vector_load %arg8[%parallel_loop3A_234, %parallel_loop3A_235] {strides = array<i32>} : memref<64x768xf32, #tpu.memory_space<vmem>>, vector<1x16xf32>,
        %parallel_loop3A_237 = vector.shape_cast %parallel_loop3A_236 : vector<1x16xf32> to vector<16xf32>
        %parallel_loop3A_238 = arith.constant 13 : i32
        %parallel_loop3A_239 = arith.index_cast %parallel_loop3A_238 : i32 to index
        %parallel_loop3A_240 = arith.index_cast %parallel_loop3A_156 : i32 to index
        %parallel_loop3A_241 = tpu.vector_load %arg8[%parallel_loop3A_239, %parallel_loop3A_240] {strides = array<i32>} : memref<64x768xf32, #tpu.memory_space<vmem>>, vector<1x16xf32>,
        %parallel_loop3A_242 = vector.shape_cast %parallel_loop3A_241 : vector<1x16xf32> to vector<16xf32>
        %parallel_loop3A_243 = arith.constant 14 : i32
        %parallel_loop3A_244 = arith.index_cast %parallel_loop3A_243 : i32 to index
        %parallel_loop3A_245 = arith.index_cast %parallel_loop3A_156 : i32 to index
        %parallel_loop3A_246 = tpu.vector_load %arg8[%parallel_loop3A_244, %parallel_loop3A_245] {strides = array<i32>} : memref<64x768xf32, #tpu.memory_space<vmem>>, vector<1x16xf32>,
        %parallel_loop3A_247 = vector.shape_cast %parallel_loop3A_246 : vector<1x16xf32> to vector<16xf32>
        %parallel_loop3A_248 = arith.constant 15 : i32
        %parallel_loop3A_249 = arith.index_cast %parallel_loop3A_248 : i32 to index
        %parallel_loop3A_250 = arith.index_cast %parallel_loop3A_156 : i32 to index
        %parallel_loop3A_251 = tpu.vector_load %arg8[%parallel_loop3A_249, %parallel_loop3A_250] {strides = array<i32>} : memref<64x768xf32, #tpu.memory_space<vmem>>, vector<1x16xf32>,
        %parallel_loop3A_252 = vector.shape_cast %parallel_loop3A_251 : vector<1x16xf32> to vector<16xf32>
        %parallel_loop3A_253 = arith.addf %parallel_loop3A_217, %parallel_loop3A_222 : vector<16xf32>
        %parallel_loop3A_254 = arith.addf %parallel_loop3A_227, %parallel_loop3A_232 : vector<16xf32>
        %parallel_loop3A_255 = arith.addf %parallel_loop3A_237, %parallel_loop3A_242 : vector<16xf32>
        %parallel_loop3A_256 = arith.addf %parallel_loop3A_247, %parallel_loop3A_252 : vector<16xf32>
        %parallel_loop3A_257 = arith.addf %parallel_loop3A_253, %parallel_loop3A_254 : vector<16xf32>
        %parallel_loop3A_258 = arith.addf %parallel_loop3A_255, %parallel_loop3A_256 : vector<16xf32>
        %parallel_loop3A_259 = arith.addf %parallel_loop3A_257, %parallel_loop3A_258 : vector<16xf32>
        %parallel_loop3A_260 = arith.constant 1.250000e-01 : f32
        %parallel_loop3A_261 = vector.broadcast %parallel_loop3A_260 : f32 to vector<16xf32>
        %parallel_loop3A_262 = arith.mulf %parallel_loop3A_259, %parallel_loop3A_261 : vector<16xf32>
        %parallel_loop3A_263 = arith.constant 9 : i32
        %parallel_loop3A_264 = arith.index_cast %parallel_loop3A_263 : i32 to index
        %parallel_loop3A_265 = arith.index_cast %parallel_loop3A_156 : i32 to index
        %parallel_loop3A_266 = tpu.vector_load %arg9[%parallel_loop3A_264, %parallel_loop3A_265] {strides = array<i32>} : memref<16x768xf32, #tpu.memory_space<vmem>>, vector<1x16xf32>,
        %parallel_loop3A_267 = vector.shape_cast %parallel_loop3A_266 : vector<1x16xf32> to vector<16xf32>
        %parallel_loop3A_268 = vector.shape_cast %parallel_loop3A_262 : vector<16xf32> to vector<1x16xf32>
        tpu.vector_store %arg9[%parallel_loop3A_264, %parallel_loop3A_265], %parallel_loop3A_268 {strides = array<i32>} : memref<16x768xf32, #tpu.memory_space<vmem>>, vector<1x16xf32>,
        %parallel_loop3A_269 = arith.constant 16 : i32
        %parallel_loop3A_270 = arith.index_cast %parallel_loop3A_269 : i32 to index
        %parallel_loop3A_271 = arith.index_cast %parallel_loop3A_156 : i32 to index
        %parallel_loop3A_272 = tpu.vector_load %arg8[%parallel_loop3A_270, %parallel_loop3A_271] {strides = array<i32>} : memref<64x768xf32, #tpu.memory_space<vmem>>, vector<1x16xf32>,
        %parallel_loop3A_273 = vector.shape_cast %parallel_loop3A_272 : vector<1x16xf32> to vector<16xf32>
        %parallel_loop3A_274 = arith.constant 17 : i32
        %parallel_loop3A_275 = arith.index_cast %parallel_loop3A_274 : i32 to index
        %parallel_loop3A_276 = arith.index_cast %parallel_loop3A_156 : i32 to index
        %parallel_loop3A_277 = tpu.vector_load %arg8[%parallel_loop3A_275, %parallel_loop3A_276] {strides = array<i32>} : memref<64x768xf32, #tpu.memory_space<vmem>>, vector<1x16xf32>,
        %parallel_loop3A_278 = vector.shape_cast %parallel_loop3A_277 : vector<1x16xf32> to vector<16xf32>
        %parallel_loop3A_279 = arith.constant 18 : i32
        %parallel_loop3A_280 = arith.index_cast %parallel_loop3A_279 : i32 to index
        %parallel_loop3A_281 = arith.index_cast %parallel_loop3A_156 : i32 to index
        %parallel_loop3A_282 = tpu.vector_load %arg8[%parallel_loop3A_280, %parallel_loop3A_281] {strides = array<i32>} : memref<64x768xf32, #tpu.memory_space<vmem>>, vector<1x16xf32>,
        %parallel_loop3A_283 = vector.shape_cast %parallel_loop3A_282 : vector<1x16xf32> to vector<16xf32>
        %parallel_loop3A_284 = arith.constant 19 : i32
        %parallel_loop3A_285 = arith.index_cast %parallel_loop3A_284 : i32 to index
        %parallel_loop3A_286 = arith.index_cast %parallel_loop3A_156 : i32 to index
        %parallel_loop3A_287 = tpu.vector_load %arg8[%parallel_loop3A_285, %parallel_loop3A_286] {strides = array<i32>} : memref<64x768xf32, #tpu.memory_space<vmem>>, vector<1x16xf32>,
        %parallel_loop3A_288 = vector.shape_cast %parallel_loop3A_287 : vector<1x16xf32> to vector<16xf32>
        %parallel_loop3A_289 = arith.constant 20 : i32
        %parallel_loop3A_290 = arith.index_cast %parallel_loop3A_289 : i32 to index
        %parallel_loop3A_291 = arith.index_cast %parallel_loop3A_156 : i32 to index
        %parallel_loop3A_292 = tpu.vector_load %arg8[%parallel_loop3A_290, %parallel_loop3A_291] {strides = array<i32>} : memref<64x768xf32, #tpu.memory_space<vmem>>, vector<1x16xf32>,
        %parallel_loop3A_293 = vector.shape_cast %parallel_loop3A_292 : vector<1x16xf32> to vector<16xf32>
        %parallel_loop3A_294 = arith.constant 21 : i32
        %parallel_loop3A_295 = arith.index_cast %parallel_loop3A_294 : i32 to index
        %parallel_loop3A_296 = arith.index_cast %parallel_loop3A_156 : i32 to index
        %parallel_loop3A_297 = tpu.vector_load %arg8[%parallel_loop3A_295, %parallel_loop3A_296] {strides = array<i32>} : memref<64x768xf32, #tpu.memory_space<vmem>>, vector<1x16xf32>,
        %parallel_loop3A_298 = vector.shape_cast %parallel_loop3A_297 : vector<1x16xf32> to vector<16xf32>
        %parallel_loop3A_299 = arith.constant 22 : i32
        %parallel_loop3A_300 = arith.index_cast %parallel_loop3A_299 : i32 to index
        %parallel_loop3A_301 = arith.index_cast %parallel_loop3A_156 : i32 to index
        %parallel_loop3A_302 = tpu.vector_load %arg8[%parallel_loop3A_300, %parallel_loop3A_301] {strides = array<i32>} : memref<64x768xf32, #tpu.memory_space<vmem>>, vector<1x16xf32>,
        %parallel_loop3A_303 = vector.shape_cast %parallel_loop3A_302 : vector<1x16xf32> to vector<16xf32>
        %parallel_loop3A_304 = arith.constant 23 : i32
        %parallel_loop3A_305 = arith.index_cast %parallel_loop3A_304 : i32 to index
        %parallel_loop3A_306 = arith.index_cast %parallel_loop3A_156 : i32 to index
        %parallel_loop3A_307 = tpu.vector_load %arg8[%parallel_loop3A_305, %parallel_loop3A_306] {strides = array<i32>} : memref<64x768xf32, #tpu.memory_space<vmem>>, vector<1x16xf32>,
        %parallel_loop3A_308 = vector.shape_cast %parallel_loop3A_307 : vector<1x16xf32> to vector<16xf32>
        %parallel_loop3A_309 = arith.addf %parallel_loop3A_273, %parallel_loop3A_278 : vector<16xf32>
        %parallel_loop3A_310 = arith.addf %parallel_loop3A_283, %parallel_loop3A_288 : vector<16xf32>
        %parallel_loop3A_311 = arith.addf %parallel_loop3A_293, %parallel_loop3A_298 : vector<16xf32>
        %parallel_loop3A_312 = arith.addf %parallel_loop3A_303, %parallel_loop3A_308 : vector<16xf32>
        %parallel_loop3A_313 = arith.addf %parallel_loop3A_309, %parallel_loop3A_310 : vector<16xf32>
        %parallel_loop3A_314 = arith.addf %parallel_loop3A_311, %parallel_loop3A_312 : vector<16xf32>
        %parallel_loop3A_315 = arith.addf %parallel_loop3A_313, %parallel_loop3A_314 : vector<16xf32>
        %parallel_loop3A_316 = arith.constant 1.250000e-01 : f32
        %parallel_loop3A_317 = vector.broadcast %parallel_loop3A_316 : f32 to vector<16xf32>
        %parallel_loop3A_318 = arith.mulf %parallel_loop3A_315, %parallel_loop3A_317 : vector<16xf32>
        %parallel_loop3A_319 = arith.constant 10 : i32
        %parallel_loop3A_320 = arith.index_cast %parallel_loop3A_319 : i32 to index
        %parallel_loop3A_321 = arith.index_cast %parallel_loop3A_156 : i32 to index
        %parallel_loop3A_322 = tpu.vector_load %arg9[%parallel_loop3A_320, %parallel_loop3A_321] {strides = array<i32>} : memref<16x768xf32, #tpu.memory_space<vmem>>, vector<1x16xf32>,
        %parallel_loop3A_323 = vector.shape_cast %parallel_loop3A_322 : vector<1x16xf32> to vector<16xf32>
        %parallel_loop3A_324 = vector.shape_cast %parallel_loop3A_318 : vector<16xf32> to vector<1x16xf32>
        tpu.vector_store %arg9[%parallel_loop3A_320, %parallel_loop3A_321], %parallel_loop3A_324 {strides = array<i32>} : memref<16x768xf32, #tpu.memory_space<vmem>>, vector<1x16xf32>,
        %parallel_loop3A_325 = arith.constant 24 : i32
        %parallel_loop3A_326 = arith.index_cast %parallel_loop3A_325 : i32 to index
        %parallel_loop3A_327 = arith.index_cast %parallel_loop3A_156 : i32 to index
        %parallel_loop3A_328 = tpu.vector_load %arg8[%parallel_loop3A_326, %parallel_loop3A_327] {strides = array<i32>} : memref<64x768xf32, #tpu.memory_space<vmem>>, vector<1x16xf32>,
        %parallel_loop3A_329 = vector.shape_cast %parallel_loop3A_328 : vector<1x16xf32> to vector<16xf32>
        %parallel_loop3A_330 = arith.constant 25 : i32
        %parallel_loop3A_331 = arith.index_cast %parallel_loop3A_330 : i32 to index
        %parallel_loop3A_332 = arith.index_cast %parallel_loop3A_156 : i32 to index
        %parallel_loop3A_333 = tpu.vector_load %arg8[%parallel_loop3A_331, %parallel_loop3A_332] {strides = array<i32>} : memref<64x768xf32, #tpu.memory_space<vmem>>, vector<1x16xf32>,
        %parallel_loop3A_334 = vector.shape_cast %parallel_loop3A_333 : vector<1x16xf32> to vector<16xf32>
        %parallel_loop3A_335 = arith.constant 26 : i32
        %parallel_loop3A_336 = arith.index_cast %parallel_loop3A_335 : i32 to index
        %parallel_loop3A_337 = arith.index_cast %parallel_loop3A_156 : i32 to index
        %parallel_loop3A_338 = tpu.vector_load %arg8[%parallel_loop3A_336, %parallel_loop3A_337] {strides = array<i32>} : memref<64x768xf32, #tpu.memory_space<vmem>>, vector<1x16xf32>,
        %parallel_loop3A_339 = vector.shape_cast %parallel_loop3A_338 : vector<1x16xf32> to vector<16xf32>
        %parallel_loop3A_340 = arith.constant 27 : i32
        %parallel_loop3A_341 = arith.index_cast %parallel_loop3A_340 : i32 to index
        %parallel_loop3A_342 = arith.index_cast %parallel_loop3A_156 : i32 to index
        %parallel_loop3A_343 = tpu.vector_load %arg8[%parallel_loop3A_341, %parallel_loop3A_342] {strides = array<i32>} : memref<64x768xf32, #tpu.memory_space<vmem>>, vector<1x16xf32>,
        %parallel_loop3A_344 = vector.shape_cast %parallel_loop3A_343 : vector<1x16xf32> to vector<16xf32>
        %parallel_loop3A_345 = arith.constant 28 : i32
        %parallel_loop3A_346 = arith.index_cast %parallel_loop3A_345 : i32 to index
        %parallel_loop3A_347 = arith.index_cast %parallel_loop3A_156 : i32 to index
        %parallel_loop3A_348 = tpu.vector_load %arg8[%parallel_loop3A_346, %parallel_loop3A_347] {strides = array<i32>} : memref<64x768xf32, #tpu.memory_space<vmem>>, vector<1x16xf32>,
        %parallel_loop3A_349 = vector.shape_cast %parallel_loop3A_348 : vector<1x16xf32> to vector<16xf32>
        %parallel_loop3A_350 = arith.constant 29 : i32
        %parallel_loop3A_351 = arith.index_cast %parallel_loop3A_350 : i32 to index
        %parallel_loop3A_352 = arith.index_cast %parallel_loop3A_156 : i32 to index
        %parallel_loop3A_353 = tpu.vector_load %arg8[%parallel_loop3A_351, %parallel_loop3A_352] {strides = array<i32>} : memref<64x768xf32, #tpu.memory_space<vmem>>, vector<1x16xf32>,
        %parallel_loop3A_354 = vector.shape_cast %parallel_loop3A_353 : vector<1x16xf32> to vector<16xf32>
        %parallel_loop3A_355 = arith.constant 30 : i32
        %parallel_loop3A_356 = arith.index_cast %parallel_loop3A_355 : i32 to index
        %parallel_loop3A_357 = arith.index_cast %parallel_loop3A_156 : i32 to index
        %parallel_loop3A_358 = tpu.vector_load %arg8[%parallel_loop3A_356, %parallel_loop3A_357] {strides = array<i32>} : memref<64x768xf32, #tpu.memory_space<vmem>>, vector<1x16xf32>,
        %parallel_loop3A_359 = vector.shape_cast %parallel_loop3A_358 : vector<1x16xf32> to vector<16xf32>
        %parallel_loop3A_360 = arith.constant 31 : i32
        %parallel_loop3A_361 = arith.index_cast %parallel_loop3A_360 : i32 to index
        %parallel_loop3A_362 = arith.index_cast %parallel_loop3A_156 : i32 to index
        %parallel_loop3A_363 = tpu.vector_load %arg8[%parallel_loop3A_361, %parallel_loop3A_362] {strides = array<i32>} : memref<64x768xf32, #tpu.memory_space<vmem>>, vector<1x16xf32>,
        %parallel_loop3A_364 = vector.shape_cast %parallel_loop3A_363 : vector<1x16xf32> to vector<16xf32>
        %parallel_loop3A_365 = arith.addf %parallel_loop3A_329, %parallel_loop3A_334 : vector<16xf32>
        %parallel_loop3A_366 = arith.addf %parallel_loop3A_339, %parallel_loop3A_344 : vector<16xf32>
        %parallel_loop3A_367 = arith.addf %parallel_loop3A_349, %parallel_loop3A_354 : vector<16xf32>
        %parallel_loop3A_368 = arith.addf %parallel_loop3A_359, %parallel_loop3A_364 : vector<16xf32>
        %parallel_loop3A_369 = arith.addf %parallel_loop3A_365, %parallel_loop3A_366 : vector<16xf32>
        %parallel_loop3A_370 = arith.addf %parallel_loop3A_367, %parallel_loop3A_368 : vector<16xf32>
        %parallel_loop3A_371 = arith.addf %parallel_loop3A_369, %parallel_loop3A_370 : vector<16xf32>
        %parallel_loop3A_372 = arith.constant 1.250000e-01 : f32
        %parallel_loop3A_373 = vector.broadcast %parallel_loop3A_372 : f32 to vector<16xf32>
        %parallel_loop3A_374 = arith.mulf %parallel_loop3A_371, %parallel_loop3A_373 : vector<16xf32>
        %parallel_loop3A_375 = arith.constant 11 : i32
        %parallel_loop3A_376 = arith.index_cast %parallel_loop3A_375 : i32 to index
        %parallel_loop3A_377 = arith.index_cast %parallel_loop3A_156 : i32 to index
        %parallel_loop3A_378 = tpu.vector_load %arg9[%parallel_loop3A_376, %parallel_loop3A_377] {strides = array<i32>} : memref<16x768xf32, #tpu.memory_space<vmem>>, vector<1x16xf32>,
        %parallel_loop3A_379 = vector.shape_cast %parallel_loop3A_378 : vector<1x16xf32> to vector<16xf32>
        %parallel_loop3A_380 = vector.shape_cast %parallel_loop3A_374 : vector<16xf32> to vector<1x16xf32>
        tpu.vector_store %arg9[%parallel_loop3A_376, %parallel_loop3A_377], %parallel_loop3A_380 {strides = array<i32>} : memref<16x768xf32, #tpu.memory_space<vmem>>, vector<1x16xf32>,
        %parallel_loop3A_381 = arith.constant 32 : i32
        %parallel_loop3A_382 = arith.index_cast %parallel_loop3A_381 : i32 to index
        %parallel_loop3A_383 = arith.index_cast %parallel_loop3A_156 : i32 to index
        %parallel_loop3A_384 = tpu.vector_load %arg8[%parallel_loop3A_382, %parallel_loop3A_383] {strides = array<i32>} : memref<64x768xf32, #tpu.memory_space<vmem>>, vector<1x16xf32>,
        %parallel_loop3A_385 = vector.shape_cast %parallel_loop3A_384 : vector<1x16xf32> to vector<16xf32>
        %parallel_loop3A_386 = arith.constant 33 : i32
        %parallel_loop3A_387 = arith.index_cast %parallel_loop3A_386 : i32 to index
        %parallel_loop3A_388 = arith.index_cast %parallel_loop3A_156 : i32 to index
        %parallel_loop3A_389 = tpu.vector_load %arg8[%parallel_loop3A_387, %parallel_loop3A_388] {strides = array<i32>} : memref<64x768xf32, #tpu.memory_space<vmem>>, vector<1x16xf32>,
        %parallel_loop3A_390 = vector.shape_cast %parallel_loop3A_389 : vector<1x16xf32> to vector<16xf32>
        %parallel_loop3A_391 = arith.constant 34 : i32
        %parallel_loop3A_392 = arith.index_cast %parallel_loop3A_391 : i32 to index
        %parallel_loop3A_393 = arith.index_cast %parallel_loop3A_156 : i32 to index
        %parallel_loop3A_394 = tpu.vector_load %arg8[%parallel_loop3A_392, %parallel_loop3A_393] {strides = array<i32>} : memref<64x768xf32, #tpu.memory_space<vmem>>, vector<1x16xf32>,
        %parallel_loop3A_395 = vector.shape_cast %parallel_loop3A_394 : vector<1x16xf32> to vector<16xf32>
        %parallel_loop3A_396 = arith.constant 35 : i32
        %parallel_loop3A_397 = arith.index_cast %parallel_loop3A_396 : i32 to index
        %parallel_loop3A_398 = arith.index_cast %parallel_loop3A_156 : i32 to index
        %parallel_loop3A_399 = tpu.vector_load %arg8[%parallel_loop3A_397, %parallel_loop3A_398] {strides = array<i32>} : memref<64x768xf32, #tpu.memory_space<vmem>>, vector<1x16xf32>,
        %parallel_loop3A_400 = vector.shape_cast %parallel_loop3A_399 : vector<1x16xf32> to vector<16xf32>
        %parallel_loop3A_401 = arith.constant 36 : i32
        %parallel_loop3A_402 = arith.index_cast %parallel_loop3A_401 : i32 to index
        %parallel_loop3A_403 = arith.index_cast %parallel_loop3A_156 : i32 to index
        %parallel_loop3A_404 = tpu.vector_load %arg8[%parallel_loop3A_402, %parallel_loop3A_403] {strides = array<i32>} : memref<64x768xf32, #tpu.memory_space<vmem>>, vector<1x16xf32>,
        %parallel_loop3A_405 = vector.shape_cast %parallel_loop3A_404 : vector<1x16xf32> to vector<16xf32>
        %parallel_loop3A_406 = arith.constant 37 : i32
        %parallel_loop3A_407 = arith.index_cast %parallel_loop3A_406 : i32 to index
        %parallel_loop3A_408 = arith.index_cast %parallel_loop3A_156 : i32 to index
        %parallel_loop3A_409 = tpu.vector_load %arg8[%parallel_loop3A_407, %parallel_loop3A_408] {strides = array<i32>} : memref<64x768xf32, #tpu.memory_space<vmem>>, vector<1x16xf32>,
        %parallel_loop3A_410 = vector.shape_cast %parallel_loop3A_409 : vector<1x16xf32> to vector<16xf32>
        %parallel_loop3A_411 = arith.constant 38 : i32
        %parallel_loop3A_412 = arith.index_cast %parallel_loop3A_411 : i32 to index
        %parallel_loop3A_413 = arith.index_cast %parallel_loop3A_156 : i32 to index
        %parallel_loop3A_414 = tpu.vector_load %arg8[%parallel_loop3A_412, %parallel_loop3A_413] {strides = array<i32>} : memref<64x768xf32, #tpu.memory_space<vmem>>, vector<1x16xf32>,
        %parallel_loop3A_415 = vector.shape_cast %parallel_loop3A_414 : vector<1x16xf32> to vector<16xf32>
        %parallel_loop3A_416 = arith.constant 39 : i32
        %parallel_loop3A_417 = arith.index_cast %parallel_loop3A_416 : i32 to index
        %parallel_loop3A_418 = arith.index_cast %parallel_loop3A_156 : i32 to index
        %parallel_loop3A_419 = tpu.vector_load %arg8[%parallel_loop3A_417, %parallel_loop3A_418] {strides = array<i32>} : memref<64x768xf32, #tpu.memory_space<vmem>>, vector<1x16xf32>,
        %parallel_loop3A_420 = vector.shape_cast %parallel_loop3A_419 : vector<1x16xf32> to vector<16xf32>
        %parallel_loop3A_421 = arith.addf %parallel_loop3A_385, %parallel_loop3A_390 : vector<16xf32>
        %parallel_loop3A_422 = arith.addf %parallel_loop3A_395, %parallel_loop3A_400 : vector<16xf32>
        %parallel_loop3A_423 = arith.addf %parallel_loop3A_405, %parallel_loop3A_410 : vector<16xf32>
        %parallel_loop3A_424 = arith.addf %parallel_loop3A_415, %parallel_loop3A_420 : vector<16xf32>
        %parallel_loop3A_425 = arith.addf %parallel_loop3A_421, %parallel_loop3A_422 : vector<16xf32>
        %parallel_loop3A_426 = arith.addf %parallel_loop3A_423, %parallel_loop3A_424 : vector<16xf32>
        %parallel_loop3A_427 = arith.addf %parallel_loop3A_425, %parallel_loop3A_426 : vector<16xf32>
        %parallel_loop3A_428 = arith.constant 1.250000e-01 : f32
        %parallel_loop3A_429 = vector.broadcast %parallel_loop3A_428 : f32 to vector<16xf32>
        %parallel_loop3A_430 = arith.mulf %parallel_loop3A_427, %parallel_loop3A_429 : vector<16xf32>
        %parallel_loop3A_431 = arith.constant 12 : i32
        %parallel_loop3A_432 = arith.index_cast %parallel_loop3A_431 : i32 to index
        %parallel_loop3A_433 = arith.index_cast %parallel_loop3A_156 : i32 to index
        %parallel_loop3A_434 = tpu.vector_load %arg9[%parallel_loop3A_432, %parallel_loop3A_433] {strides = array<i32>} : memref<16x768xf32, #tpu.memory_space<vmem>>, vector<1x16xf32>,
        %parallel_loop3A_435 = vector.shape_cast %parallel_loop3A_434 : vector<1x16xf32> to vector<16xf32>
        %parallel_loop3A_436 = vector.shape_cast %parallel_loop3A_430 : vector<16xf32> to vector<1x16xf32>
        tpu.vector_store %arg9[%parallel_loop3A_432, %parallel_loop3A_433], %parallel_loop3A_436 {strides = array<i32>} : memref<16x768xf32, #tpu.memory_space<vmem>>, vector<1x16xf32>,
        %parallel_loop3A_437 = arith.constant 40 : i32
        %parallel_loop3A_438 = arith.index_cast %parallel_loop3A_437 : i32 to index
        %parallel_loop3A_439 = arith.index_cast %parallel_loop3A_156 : i32 to index
        %parallel_loop3A_440 = tpu.vector_load %arg8[%parallel_loop3A_438, %parallel_loop3A_439] {strides = array<i32>} : memref<64x768xf32, #tpu.memory_space<vmem>>, vector<1x16xf32>,
        %parallel_loop3A_441 = vector.shape_cast %parallel_loop3A_440 : vector<1x16xf32> to vector<16xf32>
        %parallel_loop3A_442 = arith.constant 41 : i32
        %parallel_loop3A_443 = arith.index_cast %parallel_loop3A_442 : i32 to index
        %parallel_loop3A_444 = arith.index_cast %parallel_loop3A_156 : i32 to index
        %parallel_loop3A_445 = tpu.vector_load %arg8[%parallel_loop3A_443, %parallel_loop3A_444] {strides = array<i32>} : memref<64x768xf32, #tpu.memory_space<vmem>>, vector<1x16xf32>,
        %parallel_loop3A_446 = vector.shape_cast %parallel_loop3A_445 : vector<1x16xf32> to vector<16xf32>
        %parallel_loop3A_447 = arith.constant 42 : i32
        %parallel_loop3A_448 = arith.index_cast %parallel_loop3A_447 : i32 to index
        %parallel_loop3A_449 = arith.index_cast %parallel_loop3A_156 : i32 to index
        %parallel_loop3A_450 = tpu.vector_load %arg8[%parallel_loop3A_448, %parallel_loop3A_449] {strides = array<i32>} : memref<64x768xf32, #tpu.memory_space<vmem>>, vector<1x16xf32>,
        %parallel_loop3A_451 = vector.shape_cast %parallel_loop3A_450 : vector<1x16xf32> to vector<16xf32>
        %parallel_loop3A_452 = arith.constant 43 : i32
        %parallel_loop3A_453 = arith.index_cast %parallel_loop3A_452 : i32 to index
        %parallel_loop3A_454 = arith.index_cast %parallel_loop3A_156 : i32 to index
        %parallel_loop3A_455 = tpu.vector_load %arg8[%parallel_loop3A_453, %parallel_loop3A_454] {strides = array<i32>} : memref<64x768xf32, #tpu.memory_space<vmem>>, vector<1x16xf32>,
        %parallel_loop3A_456 = vector.shape_cast %parallel_loop3A_455 : vector<1x16xf32> to vector<16xf32>
        %parallel_loop3A_457 = arith.constant 44 : i32
        %parallel_loop3A_458 = arith.index_cast %parallel_loop3A_457 : i32 to index
        %parallel_loop3A_459 = arith.index_cast %parallel_loop3A_156 : i32 to index
        %parallel_loop3A_460 = tpu.vector_load %arg8[%parallel_loop3A_458, %parallel_loop3A_459] {strides = array<i32>} : memref<64x768xf32, #tpu.memory_space<vmem>>, vector<1x16xf32>,
        %parallel_loop3A_461 = vector.shape_cast %parallel_loop3A_460 : vector<1x16xf32> to vector<16xf32>
        %parallel_loop3A_462 = arith.constant 45 : i32
        %parallel_loop3A_463 = arith.index_cast %parallel_loop3A_462 : i32 to index
        %parallel_loop3A_464 = arith.index_cast %parallel_loop3A_156 : i32 to index
        %parallel_loop3A_465 = tpu.vector_load %arg8[%parallel_loop3A_463, %parallel_loop3A_464] {strides = array<i32>} : memref<64x768xf32, #tpu.memory_space<vmem>>, vector<1x16xf32>,
        %parallel_loop3A_466 = vector.shape_cast %parallel_loop3A_465 : vector<1x16xf32> to vector<16xf32>
        %parallel_loop3A_467 = arith.constant 46 : i32
        %parallel_loop3A_468 = arith.index_cast %parallel_loop3A_467 : i32 to index
        %parallel_loop3A_469 = arith.index_cast %parallel_loop3A_156 : i32 to index
        %parallel_loop3A_470 = tpu.vector_load %arg8[%parallel_loop3A_468, %parallel_loop3A_469] {strides = array<i32>} : memref<64x768xf32, #tpu.memory_space<vmem>>, vector<1x16xf32>,
        %parallel_loop3A_471 = vector.shape_cast %parallel_loop3A_470 : vector<1x16xf32> to vector<16xf32>
        %parallel_loop3A_472 = arith.constant 47 : i32
        %parallel_loop3A_473 = arith.index_cast %parallel_loop3A_472 : i32 to index
        %parallel_loop3A_474 = arith.index_cast %parallel_loop3A_156 : i32 to index
        %parallel_loop3A_475 = tpu.vector_load %arg8[%parallel_loop3A_473, %parallel_loop3A_474] {strides = array<i32>} : memref<64x768xf32, #tpu.memory_space<vmem>>, vector<1x16xf32>,
        %parallel_loop3A_476 = vector.shape_cast %parallel_loop3A_475 : vector<1x16xf32> to vector<16xf32>
        %parallel_loop3A_477 = arith.addf %parallel_loop3A_441, %parallel_loop3A_446 : vector<16xf32>
        %parallel_loop3A_478 = arith.addf %parallel_loop3A_451, %parallel_loop3A_456 : vector<16xf32>
        %parallel_loop3A_479 = arith.addf %parallel_loop3A_461, %parallel_loop3A_466 : vector<16xf32>
        %parallel_loop3A_480 = arith.addf %parallel_loop3A_471, %parallel_loop3A_476 : vector<16xf32>
        %parallel_loop3A_481 = arith.addf %parallel_loop3A_477, %parallel_loop3A_478 : vector<16xf32>
        %parallel_loop3A_482 = arith.addf %parallel_loop3A_479, %parallel_loop3A_480 : vector<16xf32>
        %parallel_loop3A_483 = arith.addf %parallel_loop3A_481, %parallel_loop3A_482 : vector<16xf32>
        %parallel_loop3A_484 = arith.constant 1.250000e-01 : f32
        %parallel_loop3A_485 = vector.broadcast %parallel_loop3A_484 : f32 to vector<16xf32>
        %parallel_loop3A_486 = arith.mulf %parallel_loop3A_483, %parallel_loop3A_485 : vector<16xf32>
        %parallel_loop3A_487 = arith.constant 13 : i32
        %parallel_loop3A_488 = arith.index_cast %parallel_loop3A_487 : i32 to index
        %parallel_loop3A_489 = arith.index_cast %parallel_loop3A_156 : i32 to index
        %parallel_loop3A_490 = tpu.vector_load %arg9[%parallel_loop3A_488, %parallel_loop3A_489] {strides = array<i32>} : memref<16x768xf32, #tpu.memory_space<vmem>>, vector<1x16xf32>,
        %parallel_loop3A_491 = vector.shape_cast %parallel_loop3A_490 : vector<1x16xf32> to vector<16xf32>
        %parallel_loop3A_492 = vector.shape_cast %parallel_loop3A_486 : vector<16xf32> to vector<1x16xf32>
        tpu.vector_store %arg9[%parallel_loop3A_488, %parallel_loop3A_489], %parallel_loop3A_492 {strides = array<i32>} : memref<16x768xf32, #tpu.memory_space<vmem>>, vector<1x16xf32>,
        %parallel_loop3A_493 = arith.constant 48 : i32
        %parallel_loop3A_494 = arith.index_cast %parallel_loop3A_493 : i32 to index
        %parallel_loop3A_495 = arith.index_cast %parallel_loop3A_156 : i32 to index
        %parallel_loop3A_496 = tpu.vector_load %arg8[%parallel_loop3A_494, %parallel_loop3A_495] {strides = array<i32>} : memref<64x768xf32, #tpu.memory_space<vmem>>, vector<1x16xf32>,
        %parallel_loop3A_497 = vector.shape_cast %parallel_loop3A_496 : vector<1x16xf32> to vector<16xf32>
        %parallel_loop3A_498 = arith.constant 49 : i32
        %parallel_loop3A_499 = arith.index_cast %parallel_loop3A_498 : i32 to index
        %parallel_loop3A_500 = arith.index_cast %parallel_loop3A_156 : i32 to index
        %parallel_loop3A_501 = tpu.vector_load %arg8[%parallel_loop3A_499, %parallel_loop3A_500] {strides = array<i32>} : memref<64x768xf32, #tpu.memory_space<vmem>>, vector<1x16xf32>,
        %parallel_loop3A_502 = vector.shape_cast %parallel_loop3A_501 : vector<1x16xf32> to vector<16xf32>
        %parallel_loop3A_503 = arith.constant 50 : i32
        %parallel_loop3A_504 = arith.index_cast %parallel_loop3A_503 : i32 to index
        %parallel_loop3A_505 = arith.index_cast %parallel_loop3A_156 : i32 to index
        %parallel_loop3A_506 = tpu.vector_load %arg8[%parallel_loop3A_504, %parallel_loop3A_505] {strides = array<i32>} : memref<64x768xf32, #tpu.memory_space<vmem>>, vector<1x16xf32>,
        %parallel_loop3A_507 = vector.shape_cast %parallel_loop3A_506 : vector<1x16xf32> to vector<16xf32>
        %parallel_loop3A_508 = arith.constant 51 : i32
        %parallel_loop3A_509 = arith.index_cast %parallel_loop3A_508 : i32 to index
        %parallel_loop3A_510 = arith.index_cast %parallel_loop3A_156 : i32 to index
        %parallel_loop3A_511 = tpu.vector_load %arg8[%parallel_loop3A_509, %parallel_loop3A_510] {strides = array<i32>} : memref<64x768xf32, #tpu.memory_space<vmem>>, vector<1x16xf32>,
        %parallel_loop3A_512 = vector.shape_cast %parallel_loop3A_511 : vector<1x16xf32> to vector<16xf32>
        %parallel_loop3A_513 = arith.constant 52 : i32
        %parallel_loop3A_514 = arith.index_cast %parallel_loop3A_513 : i32 to index
        %parallel_loop3A_515 = arith.index_cast %parallel_loop3A_156 : i32 to index
        %parallel_loop3A_516 = tpu.vector_load %arg8[%parallel_loop3A_514, %parallel_loop3A_515] {strides = array<i32>} : memref<64x768xf32, #tpu.memory_space<vmem>>, vector<1x16xf32>,
        %parallel_loop3A_517 = vector.shape_cast %parallel_loop3A_516 : vector<1x16xf32> to vector<16xf32>
        %parallel_loop3A_518 = arith.constant 53 : i32
        %parallel_loop3A_519 = arith.index_cast %parallel_loop3A_518 : i32 to index
        %parallel_loop3A_520 = arith.index_cast %parallel_loop3A_156 : i32 to index
        %parallel_loop3A_521 = tpu.vector_load %arg8[%parallel_loop3A_519, %parallel_loop3A_520] {strides = array<i32>} : memref<64x768xf32, #tpu.memory_space<vmem>>, vector<1x16xf32>,
        %parallel_loop3A_522 = vector.shape_cast %parallel_loop3A_521 : vector<1x16xf32> to vector<16xf32>
        %parallel_loop3A_523 = arith.constant 54 : i32
        %parallel_loop3A_524 = arith.index_cast %parallel_loop3A_523 : i32 to index
        %parallel_loop3A_525 = arith.index_cast %parallel_loop3A_156 : i32 to index
        %parallel_loop3A_526 = tpu.vector_load %arg8[%parallel_loop3A_524, %parallel_loop3A_525] {strides = array<i32>} : memref<64x768xf32, #tpu.memory_space<vmem>>, vector<1x16xf32>,
        %parallel_loop3A_527 = vector.shape_cast %parallel_loop3A_526 : vector<1x16xf32> to vector<16xf32>
        %parallel_loop3A_528 = arith.constant 55 : i32
        %parallel_loop3A_529 = arith.index_cast %parallel_loop3A_528 : i32 to index
        %parallel_loop3A_530 = arith.index_cast %parallel_loop3A_156 : i32 to index
        %parallel_loop3A_531 = tpu.vector_load %arg8[%parallel_loop3A_529, %parallel_loop3A_530] {strides = array<i32>} : memref<64x768xf32, #tpu.memory_space<vmem>>, vector<1x16xf32>,
        %parallel_loop3A_532 = vector.shape_cast %parallel_loop3A_531 : vector<1x16xf32> to vector<16xf32>
        %parallel_loop3A_533 = arith.addf %parallel_loop3A_497, %parallel_loop3A_502 : vector<16xf32>
        %parallel_loop3A_534 = arith.addf %parallel_loop3A_507, %parallel_loop3A_512 : vector<16xf32>
        %parallel_loop3A_535 = arith.addf %parallel_loop3A_517, %parallel_loop3A_522 : vector<16xf32>
        %parallel_loop3A_536 = arith.addf %parallel_loop3A_527, %parallel_loop3A_532 : vector<16xf32>
        %parallel_loop3A_537 = arith.addf %parallel_loop3A_533, %parallel_loop3A_534 : vector<16xf32>
        %parallel_loop3A_538 = arith.addf %parallel_loop3A_535, %parallel_loop3A_536 : vector<16xf32>
        %parallel_loop3A_539 = arith.addf %parallel_loop3A_537, %parallel_loop3A_538 : vector<16xf32>
        %parallel_loop3A_540 = arith.constant 1.250000e-01 : f32
        %parallel_loop3A_541 = vector.broadcast %parallel_loop3A_540 : f32 to vector<16xf32>
        %parallel_loop3A_542 = arith.mulf %parallel_loop3A_539, %parallel_loop3A_541 : vector<16xf32>
        %parallel_loop3A_543 = arith.constant 14 : i32
        %parallel_loop3A_544 = arith.index_cast %parallel_loop3A_543 : i32 to index
        %parallel_loop3A_545 = arith.index_cast %parallel_loop3A_156 : i32 to index
        %parallel_loop3A_546 = tpu.vector_load %arg9[%parallel_loop3A_544, %parallel_loop3A_545] {strides = array<i32>} : memref<16x768xf32, #tpu.memory_space<vmem>>, vector<1x16xf32>,
        %parallel_loop3A_547 = vector.shape_cast %parallel_loop3A_546 : vector<1x16xf32> to vector<16xf32>
        %parallel_loop3A_548 = vector.shape_cast %parallel_loop3A_542 : vector<16xf32> to vector<1x16xf32>
        tpu.vector_store %arg9[%parallel_loop3A_544, %parallel_loop3A_545], %parallel_loop3A_548 {strides = array<i32>} : memref<16x768xf32, #tpu.memory_space<vmem>>, vector<1x16xf32>,
        %parallel_loop3A_549 = arith.constant 56 : i32
        %parallel_loop3A_550 = arith.index_cast %parallel_loop3A_549 : i32 to index
        %parallel_loop3A_551 = arith.index_cast %parallel_loop3A_156 : i32 to index
        %parallel_loop3A_552 = tpu.vector_load %arg8[%parallel_loop3A_550, %parallel_loop3A_551] {strides = array<i32>} : memref<64x768xf32, #tpu.memory_space<vmem>>, vector<1x16xf32>,
        %parallel_loop3A_553 = vector.shape_cast %parallel_loop3A_552 : vector<1x16xf32> to vector<16xf32>
        %parallel_loop3A_554 = arith.constant 57 : i32
        %parallel_loop3A_555 = arith.index_cast %parallel_loop3A_554 : i32 to index
        %parallel_loop3A_556 = arith.index_cast %parallel_loop3A_156 : i32 to index
        %parallel_loop3A_557 = tpu.vector_load %arg8[%parallel_loop3A_555, %parallel_loop3A_556] {strides = array<i32>} : memref<64x768xf32, #tpu.memory_space<vmem>>, vector<1x16xf32>,
        %parallel_loop3A_558 = vector.shape_cast %parallel_loop3A_557 : vector<1x16xf32> to vector<16xf32>
        %parallel_loop3A_559 = arith.constant 58 : i32
        %parallel_loop3A_560 = arith.index_cast %parallel_loop3A_559 : i32 to index
        %parallel_loop3A_561 = arith.index_cast %parallel_loop3A_156 : i32 to index
        %parallel_loop3A_562 = tpu.vector_load %arg8[%parallel_loop3A_560, %parallel_loop3A_561] {strides = array<i32>} : memref<64x768xf32, #tpu.memory_space<vmem>>, vector<1x16xf32>,
        %parallel_loop3A_563 = vector.shape_cast %parallel_loop3A_562 : vector<1x16xf32> to vector<16xf32>
        %parallel_loop3A_564 = arith.constant 59 : i32
        %parallel_loop3A_565 = arith.index_cast %parallel_loop3A_564 : i32 to index
        %parallel_loop3A_566 = arith.index_cast %parallel_loop3A_156 : i32 to index
        %parallel_loop3A_567 = tpu.vector_load %arg8[%parallel_loop3A_565, %parallel_loop3A_566] {strides = array<i32>} : memref<64x768xf32, #tpu.memory_space<vmem>>, vector<1x16xf32>,
        %parallel_loop3A_568 = vector.shape_cast %parallel_loop3A_567 : vector<1x16xf32> to vector<16xf32>
        %parallel_loop3A_569 = arith.constant 60 : i32
        %parallel_loop3A_570 = arith.index_cast %parallel_loop3A_569 : i32 to index
        %parallel_loop3A_571 = arith.index_cast %parallel_loop3A_156 : i32 to index
        %parallel_loop3A_572 = tpu.vector_load %arg8[%parallel_loop3A_570, %parallel_loop3A_571] {strides = array<i32>} : memref<64x768xf32, #tpu.memory_space<vmem>>, vector<1x16xf32>,
        %parallel_loop3A_573 = vector.shape_cast %parallel_loop3A_572 : vector<1x16xf32> to vector<16xf32>
        %parallel_loop3A_574 = arith.constant 61 : i32
        %parallel_loop3A_575 = arith.index_cast %parallel_loop3A_574 : i32 to index
        %parallel_loop3A_576 = arith.index_cast %parallel_loop3A_156 : i32 to index
        %parallel_loop3A_577 = tpu.vector_load %arg8[%parallel_loop3A_575, %parallel_loop3A_576] {strides = array<i32>} : memref<64x768xf32, #tpu.memory_space<vmem>>, vector<1x16xf32>,
        %parallel_loop3A_578 = vector.shape_cast %parallel_loop3A_577 : vector<1x16xf32> to vector<16xf32>
        %parallel_loop3A_579 = arith.constant 62 : i32
        %parallel_loop3A_580 = arith.index_cast %parallel_loop3A_579 : i32 to index
        %parallel_loop3A_581 = arith.index_cast %parallel_loop3A_156 : i32 to index
        %parallel_loop3A_582 = tpu.vector_load %arg8[%parallel_loop3A_580, %parallel_loop3A_581] {strides = array<i32>} : memref<64x768xf32, #tpu.memory_space<vmem>>, vector<1x16xf32>,
        %parallel_loop3A_583 = vector.shape_cast %parallel_loop3A_582 : vector<1x16xf32> to vector<16xf32>
        %parallel_loop3A_584 = arith.constant 63 : i32
        %parallel_loop3A_585 = arith.index_cast %parallel_loop3A_584 : i32 to index
        %parallel_loop3A_586 = arith.index_cast %parallel_loop3A_156 : i32 to index
        %parallel_loop3A_587 = tpu.vector_load %arg8[%parallel_loop3A_585, %parallel_loop3A_586] {strides = array<i32>} : memref<64x768xf32, #tpu.memory_space<vmem>>, vector<1x16xf32>,
        %parallel_loop3A_588 = vector.shape_cast %parallel_loop3A_587 : vector<1x16xf32> to vector<16xf32>
        %parallel_loop3A_589 = arith.addf %parallel_loop3A_553, %parallel_loop3A_558 : vector<16xf32>
        %parallel_loop3A_590 = arith.addf %parallel_loop3A_563, %parallel_loop3A_568 : vector<16xf32>
        %parallel_loop3A_591 = arith.addf %parallel_loop3A_573, %parallel_loop3A_578 : vector<16xf32>
        %parallel_loop3A_592 = arith.addf %parallel_loop3A_583, %parallel_loop3A_588 : vector<16xf32>
        %parallel_loop3A_593 = arith.addf %parallel_loop3A_589, %parallel_loop3A_590 : vector<16xf32>
        %parallel_loop3A_594 = arith.addf %parallel_loop3A_591, %parallel_loop3A_592 : vector<16xf32>
        %parallel_loop3A_595 = arith.addf %parallel_loop3A_593, %parallel_loop3A_594 : vector<16xf32>
        %parallel_loop3A_596 = arith.constant 1.250000e-01 : f32
        %parallel_loop3A_597 = vector.broadcast %parallel_loop3A_596 : f32 to vector<16xf32>
        %parallel_loop3A_598 = arith.mulf %parallel_loop3A_595, %parallel_loop3A_597 : vector<16xf32>
        %parallel_loop3A_599 = arith.constant 15 : i32
        %parallel_loop3A_600 = arith.index_cast %parallel_loop3A_599 : i32 to index
        %parallel_loop3A_601 = arith.index_cast %parallel_loop3A_156 : i32 to index
        %parallel_loop3A_602 = tpu.vector_load %arg9[%parallel_loop3A_600, %parallel_loop3A_601] {strides = array<i32>} : memref<16x768xf32, #tpu.memory_space<vmem>>, vector<1x16xf32>,
        %parallel_loop3A_603 = vector.shape_cast %parallel_loop3A_602 : vector<1x16xf32> to vector<16xf32>
        %parallel_loop3A_604 = vector.shape_cast %parallel_loop3A_598 : vector<16xf32> to vector<1x16xf32>
        tpu.vector_store %arg9[%parallel_loop3A_600, %parallel_loop3A_601], %parallel_loop3A_604 {strides = array<i32>} : memref<16x768xf32, #tpu.memory_space<vmem>>, vector<1x16xf32>,
        %parallel_loop3A_605 = arith.addf %parallel_loop3A_203, %parallel_loop3A_259 : vector<16xf32>
        %parallel_loop3A_606 = arith.addf %parallel_loop3A_315, %parallel_loop3A_371 : vector<16xf32>
        %parallel_loop3A_607 = arith.addf %parallel_loop3A_427, %parallel_loop3A_483 : vector<16xf32>
        %parallel_loop3A_608 = arith.addf %parallel_loop3A_539, %parallel_loop3A_595 : vector<16xf32>
        %parallel_loop3A_609 = arith.addf %parallel_loop3A_605, %parallel_loop3A_606 : vector<16xf32>
        %parallel_loop3A_610 = arith.addf %parallel_loop3A_607, %parallel_loop3A_608 : vector<16xf32>
        %parallel_loop3A_611 = arith.addf %parallel_loop3A_609, %parallel_loop3A_610 : vector<16xf32>
        %parallel_loop3A_612 = arith.constant 7.812500e-03 : f32
        %parallel_loop3A_613 = vector.broadcast %parallel_loop3A_612 : f32 to vector<16xf32>
        %parallel_loop3A_614 = arith.mulf %parallel_loop3A_611, %parallel_loop3A_613 : vector<16xf32>
        %parallel_loop3A_615 = arith.constant 0 : i32
        %parallel_loop3A_616 = arith.index_cast %parallel_loop3A_615 : i32 to index
        %parallel_loop3A_617 = arith.index_cast %parallel_loop3A_156 : i32 to index
        %parallel_loop3A_618 = tpu.vector_load %arg11[%parallel_loop3A_616, %parallel_loop3A_617] {strides = array<i32>} : memref<1x768xf32, #tpu.memory_space<vmem>>, vector<1x16xf32>,
        %parallel_loop3A_619 = vector.shape_cast %parallel_loop3A_618 : vector<1x16xf32> to vector<16xf32>
        %parallel_loop3A_620 = vector.shape_cast %parallel_loop3A_614 : vector<16xf32> to vector<1x16xf32>
        tpu.vector_store %arg11[%parallel_loop3A_616, %parallel_loop3A_617], %parallel_loop3A_620 {add = true, strides = array<i32>} : memref<1x768xf32, #tpu.memory_space<vmem>>, vector<1x16xf32>,
      } {sc.loop_unroll_factor = 1 : i64, sc.parallel_access}
      %mul3A_86 = arith.constant 16 : i32
      %mul3A_87 = arith.muli %add3A_43, %mul3A_86 : i32
      %dma_start3A_88 = arith.constant 0 : i32
      %dma_start3A_89 = tpu.memref_slice %arg4[%mul3A_87, %dma_start3A_88] : memref<8192x768xf32, #tpu.memory_space<hbm>> -> memref<16x768xf32, #tpu.memory_space<hbm>>
      %dma_start3A_90 = arith.constant 0 : i32
      %dma_start3A_91 = tpu.memref_slice %arg4[%mul3A_87, %dma_start3A_90] : memref<8192x768xf32, #tpu.memory_space<hbm>> -> memref<16x768xf32, #tpu.memory_space<hbm>>
      tpu.enqueue_dma source(%arg9 : memref<16x768xf32, #tpu.memory_space<vmem>>) target(%dma_start3A_91 : memref<16x768xf32, #tpu.memory_space<hbm>>) target_semaphore(%arg15 : memref<!tpu.dma_semaphore, #tpu.memory_space<semaphore_mem>>)
      %dma_start3A_92 = arith.constant 0 : i32
      %dma_start3A_93 = tpu.memref_slice %arg5[%add3A_43, %dma_start3A_92] : memref<512x768xf32, #tpu.memory_space<hbm>> -> memref<1x768xf32, #tpu.memory_space<hbm>>
      %dma_start3A_94 = arith.constant 0 : i32
      %dma_start3A_95 = tpu.memref_slice %arg5[%add3A_43, %dma_start3A_94] : memref<512x768xf32, #tpu.memory_space<hbm>> -> memref<1x768xf32, #tpu.memory_space<hbm>>
      tpu.enqueue_dma source(%arg11 : memref<1x768xf32, #tpu.memory_space<vmem>>) target(%dma_start3A_95 : memref<1x768xf32, #tpu.memory_space<hbm>>) target_semaphore(%arg15 : memref<!tpu.dma_semaphore, #tpu.memory_space<semaphore_mem>>)
      %add3A_96 = arith.constant 1 : i32
      %add3A_97 = arith.addi %add3A_40, %add3A_96 : i32
      %add3A_98 = arith.addi %mul3A_2, %add3A_97 : i32
      %mul3A_99 = arith.constant 128 : i32
      %mul3A_100 = arith.muli %add3A_97, %mul3A_99 : i32
      %add3A_101 = arith.constant 64 : i32
      %add3A_102 = arith.addi %mul3A_100, %add3A_101 : i32
      %dma_start3A_103 = tpu.memref_slice %arg6[%add3A_102] : memref<2048xi32, #tpu.memory_space<vmem>> -> memref<64xi32, #tpu.memory_space<vmem>>
      %dma_start3A_104 = arith.constant 0 : i32
      %dma_start3A_105 = arith.constant 0 : i32
      %dma_start3A_106 = tpu.memref_slice %arg3[%dma_start3A_104, %dma_start3A_105] : memref<8192x768xf32, #tpu.memory_space<hbm>> -> memref<8192x768xf32, #tpu.memory_space<hbm>>
      tpu.enqueue_indirect_dma source(%dma_start3A_106 : memref<8192x768xf32, #tpu.memory_space<hbm>>) target(%arg8 : memref<64x768xf32, #tpu.memory_space<vmem>>) offsets(%dma_start3A_103 : memref<64xi32, #tpu.memory_space<vmem>>) semaphore(%arg14 : memref<!tpu.dma_semaphore, #tpu.memory_space<semaphore_mem>>)
      %mul3A_107 = arith.constant 128 : i32
      %mul3A_108 = arith.muli %add3A_97, %mul3A_107 : i32
      %add3A_109 = arith.constant 0 : i32
      %add3A_110 = arith.addi %mul3A_108, %add3A_109 : i32
      %dma_wait3A_111 = tpu.memref_slice %arg6[%add3A_110] : memref<2048xi32, #tpu.memory_space<vmem>> -> memref<64xi32, #tpu.memory_space<vmem>>
      %dma_wait3A_112 = arith.constant 0 : i32
      %dma_wait3A_113 = arith.constant 0 : i32
      %dma_wait3A_114 = tpu.memref_slice %arg3[%dma_wait3A_112, %dma_wait3A_113] : memref<8192x768xf32, #tpu.memory_space<hbm>> -> memref<8192x768xf32, #tpu.memory_space<hbm>>
      tpu.wait_indirect_dma semaphore(%arg13 : memref<!tpu.dma_semaphore, #tpu.memory_space<semaphore_mem>>) src(%dma_wait3A_114 : memref<8192x768xf32, #tpu.memory_space<hbm>>) dst(%arg7 : memref<64x768xf32, #tpu.memory_space<vmem>>)
      %ge3A_115 = arith.constant 2 : i32
      %ge3A_116 = arith.cmpi sge, %add3A_97, %ge3A_115 : i32
      %convert_element_type3A_117 = arith.extui %ge3A_116 : i1 to i32
      %cond3A_118 = arith.constant 0 : i32
      %cond3A_119 = arith.cmpi ne, %convert_element_type3A_117, %cond3A_118 : i32
      scf.if %cond3A_119 {
        %mul3A_156 = arith.constant 16 : i32
        %mul3A_157 = arith.muli %add3A_98, %mul3A_156 : i32
        %dma_wait3A_158 = arith.constant 0 : i32
        %dma_wait3A_159 = tpu.memref_slice %arg4[%mul3A_157, %dma_wait3A_158] : memref<8192x768xf32, #tpu.memory_space<hbm>> -> memref<16x768xf32, #tpu.memory_space<hbm>>
        %dma_wait3A_160 = arith.constant 0 : i32
        %dma_wait3A_161 = tpu.memref_slice %arg4[%mul3A_157, %dma_wait3A_160] : memref<8192x768xf32, #tpu.memory_space<hbm>> -> memref<16x768xf32, #tpu.memory_space<hbm>>
        tpu.wait_dma2 semaphore(%arg16 : memref<!tpu.dma_semaphore, #tpu.memory_space<semaphore_mem>>) src(%arg10 : memref<16x768xf32, #tpu.memory_space<vmem>>) dst(%dma_wait3A_161 : memref<16x768xf32, #tpu.memory_space<hbm>>)
        %dma_wait3A_162 = arith.constant 0 : i32
        %dma_wait3A_163 = tpu.memref_slice %arg5[%add3A_98, %dma_wait3A_162] : memref<512x768xf32, #tpu.memory_space<hbm>> -> memref<1x768xf32, #tpu.memory_space<hbm>>
        %dma_wait3A_164 = arith.constant 0 : i32
        %dma_wait3A_165 = tpu.memref_slice %arg5[%add3A_98, %dma_wait3A_164] : memref<512x768xf32, #tpu.memory_space<hbm>> -> memref<1x768xf32, #tpu.memory_space<hbm>>
        tpu.wait_dma2 semaphore(%arg16 : memref<!tpu.dma_semaphore, #tpu.memory_space<semaphore_mem>>) src(%arg12 : memref<1x768xf32, #tpu.memory_space<vmem>>) dst(%dma_wait3A_165 : memref<1x768xf32, #tpu.memory_space<hbm>>)
      } else {
      }
      %parallel_loop3A_120 = arith.constant 0 : i32
      %parallel_loop3A_121 = arith.constant 768 : i32
      %parallel_loop3A_122 = arith.constant 16 : i32
      scf.for %parallel_loop3A_156 = %parallel_loop3A_120 to %parallel_loop3A_121 step %parallel_loop3A_122  : i32 {
        %parallel_loop3A_157 = arith.constant 0 : i32
        %parallel_loop3A_158 = arith.index_cast %parallel_loop3A_157 : i32 to index
        %parallel_loop3A_159 = arith.index_cast %parallel_loop3A_156 : i32 to index
        %parallel_loop3A_160 = tpu.vector_load %arg7[%parallel_loop3A_158, %parallel_loop3A_159] {strides = array<i32>} : memref<64x768xf32, #tpu.memory_space<vmem>>, vector<1x16xf32>,
        %parallel_loop3A_161 = vector.shape_cast %parallel_loop3A_160 : vector<1x16xf32> to vector<16xf32>
        %parallel_loop3A_162 = arith.constant 1 : i32
        %parallel_loop3A_163 = arith.index_cast %parallel_loop3A_162 : i32 to index
        %parallel_loop3A_164 = arith.index_cast %parallel_loop3A_156 : i32 to index
        %parallel_loop3A_165 = tpu.vector_load %arg7[%parallel_loop3A_163, %parallel_loop3A_164] {strides = array<i32>} : memref<64x768xf32, #tpu.memory_space<vmem>>, vector<1x16xf32>,
        %parallel_loop3A_166 = vector.shape_cast %parallel_loop3A_165 : vector<1x16xf32> to vector<16xf32>
        %parallel_loop3A_167 = arith.constant 2 : i32
        %parallel_loop3A_168 = arith.index_cast %parallel_loop3A_167 : i32 to index
        %parallel_loop3A_169 = arith.index_cast %parallel_loop3A_156 : i32 to index
        %parallel_loop3A_170 = tpu.vector_load %arg7[%parallel_loop3A_168, %parallel_loop3A_169] {strides = array<i32>} : memref<64x768xf32, #tpu.memory_space<vmem>>, vector<1x16xf32>,
        %parallel_loop3A_171 = vector.shape_cast %parallel_loop3A_170 : vector<1x16xf32> to vector<16xf32>
        %parallel_loop3A_172 = arith.constant 3 : i32
        %parallel_loop3A_173 = arith.index_cast %parallel_loop3A_172 : i32 to index
        %parallel_loop3A_174 = arith.index_cast %parallel_loop3A_156 : i32 to index
        %parallel_loop3A_175 = tpu.vector_load %arg7[%parallel_loop3A_173, %parallel_loop3A_174] {strides = array<i32>} : memref<64x768xf32, #tpu.memory_space<vmem>>, vector<1x16xf32>,
        %parallel_loop3A_176 = vector.shape_cast %parallel_loop3A_175 : vector<1x16xf32> to vector<16xf32>
        %parallel_loop3A_177 = arith.constant 4 : i32
        %parallel_loop3A_178 = arith.index_cast %parallel_loop3A_177 : i32 to index
        %parallel_loop3A_179 = arith.index_cast %parallel_loop3A_156 : i32 to index
        %parallel_loop3A_180 = tpu.vector_load %arg7[%parallel_loop3A_178, %parallel_loop3A_179] {strides = array<i32>} : memref<64x768xf32, #tpu.memory_space<vmem>>, vector<1x16xf32>,
        %parallel_loop3A_181 = vector.shape_cast %parallel_loop3A_180 : vector<1x16xf32> to vector<16xf32>
        %parallel_loop3A_182 = arith.constant 5 : i32
        %parallel_loop3A_183 = arith.index_cast %parallel_loop3A_182 : i32 to index
        %parallel_loop3A_184 = arith.index_cast %parallel_loop3A_156 : i32 to index
        %parallel_loop3A_185 = tpu.vector_load %arg7[%parallel_loop3A_183, %parallel_loop3A_184] {strides = array<i32>} : memref<64x768xf32, #tpu.memory_space<vmem>>, vector<1x16xf32>,
        %parallel_loop3A_186 = vector.shape_cast %parallel_loop3A_185 : vector<1x16xf32> to vector<16xf32>
        %parallel_loop3A_187 = arith.constant 6 : i32
        %parallel_loop3A_188 = arith.index_cast %parallel_loop3A_187 : i32 to index
        %parallel_loop3A_189 = arith.index_cast %parallel_loop3A_156 : i32 to index
        %parallel_loop3A_190 = tpu.vector_load %arg7[%parallel_loop3A_188, %parallel_loop3A_189] {strides = array<i32>} : memref<64x768xf32, #tpu.memory_space<vmem>>, vector<1x16xf32>,
        %parallel_loop3A_191 = vector.shape_cast %parallel_loop3A_190 : vector<1x16xf32> to vector<16xf32>
        %parallel_loop3A_192 = arith.constant 7 : i32
        %parallel_loop3A_193 = arith.index_cast %parallel_loop3A_192 : i32 to index
        %parallel_loop3A_194 = arith.index_cast %parallel_loop3A_156 : i32 to index
        %parallel_loop3A_195 = tpu.vector_load %arg7[%parallel_loop3A_193, %parallel_loop3A_194] {strides = array<i32>} : memref<64x768xf32, #tpu.memory_space<vmem>>, vector<1x16xf32>,
        %parallel_loop3A_196 = vector.shape_cast %parallel_loop3A_195 : vector<1x16xf32> to vector<16xf32>
        %parallel_loop3A_197 = arith.addf %parallel_loop3A_161, %parallel_loop3A_166 : vector<16xf32>
        %parallel_loop3A_198 = arith.addf %parallel_loop3A_171, %parallel_loop3A_176 : vector<16xf32>
        %parallel_loop3A_199 = arith.addf %parallel_loop3A_181, %parallel_loop3A_186 : vector<16xf32>
        %parallel_loop3A_200 = arith.addf %parallel_loop3A_191, %parallel_loop3A_196 : vector<16xf32>
        %parallel_loop3A_201 = arith.addf %parallel_loop3A_197, %parallel_loop3A_198 : vector<16xf32>
        %parallel_loop3A_202 = arith.addf %parallel_loop3A_199, %parallel_loop3A_200 : vector<16xf32>
        %parallel_loop3A_203 = arith.addf %parallel_loop3A_201, %parallel_loop3A_202 : vector<16xf32>
        %parallel_loop3A_204 = arith.constant 1.250000e-01 : f32
        %parallel_loop3A_205 = vector.broadcast %parallel_loop3A_204 : f32 to vector<16xf32>
        %parallel_loop3A_206 = arith.mulf %parallel_loop3A_203, %parallel_loop3A_205 : vector<16xf32>
        %parallel_loop3A_207 = arith.constant 0 : i32
        %parallel_loop3A_208 = arith.index_cast %parallel_loop3A_207 : i32 to index
        %parallel_loop3A_209 = arith.index_cast %parallel_loop3A_156 : i32 to index
        %parallel_loop3A_210 = tpu.vector_load %arg10[%parallel_loop3A_208, %parallel_loop3A_209] {strides = array<i32>} : memref<16x768xf32, #tpu.memory_space<vmem>>, vector<1x16xf32>,
        %parallel_loop3A_211 = vector.shape_cast %parallel_loop3A_210 : vector<1x16xf32> to vector<16xf32>
        %parallel_loop3A_212 = vector.shape_cast %parallel_loop3A_206 : vector<16xf32> to vector<1x16xf32>
        tpu.vector_store %arg10[%parallel_loop3A_208, %parallel_loop3A_209], %parallel_loop3A_212 {strides = array<i32>} : memref<16x768xf32, #tpu.memory_space<vmem>>, vector<1x16xf32>,
        %parallel_loop3A_213 = arith.constant 8 : i32
        %parallel_loop3A_214 = arith.index_cast %parallel_loop3A_213 : i32 to index
        %parallel_loop3A_215 = arith.index_cast %parallel_loop3A_156 : i32 to index
        %parallel_loop3A_216 = tpu.vector_load %arg7[%parallel_loop3A_214, %parallel_loop3A_215] {strides = array<i32>} : memref<64x768xf32, #tpu.memory_space<vmem>>, vector<1x16xf32>,
        %parallel_loop3A_217 = vector.shape_cast %parallel_loop3A_216 : vector<1x16xf32> to vector<16xf32>
        %parallel_loop3A_218 = arith.constant 9 : i32
        %parallel_loop3A_219 = arith.index_cast %parallel_loop3A_218 : i32 to index
        %parallel_loop3A_220 = arith.index_cast %parallel_loop3A_156 : i32 to index
        %parallel_loop3A_221 = tpu.vector_load %arg7[%parallel_loop3A_219, %parallel_loop3A_220] {strides = array<i32>} : memref<64x768xf32, #tpu.memory_space<vmem>>, vector<1x16xf32>,
        %parallel_loop3A_222 = vector.shape_cast %parallel_loop3A_221 : vector<1x16xf32> to vector<16xf32>
        %parallel_loop3A_223 = arith.constant 10 : i32
        %parallel_loop3A_224 = arith.index_cast %parallel_loop3A_223 : i32 to index
        %parallel_loop3A_225 = arith.index_cast %parallel_loop3A_156 : i32 to index
        %parallel_loop3A_226 = tpu.vector_load %arg7[%parallel_loop3A_224, %parallel_loop3A_225] {strides = array<i32>} : memref<64x768xf32, #tpu.memory_space<vmem>>, vector<1x16xf32>,
        %parallel_loop3A_227 = vector.shape_cast %parallel_loop3A_226 : vector<1x16xf32> to vector<16xf32>
        %parallel_loop3A_228 = arith.constant 11 : i32
        %parallel_loop3A_229 = arith.index_cast %parallel_loop3A_228 : i32 to index
        %parallel_loop3A_230 = arith.index_cast %parallel_loop3A_156 : i32 to index
        %parallel_loop3A_231 = tpu.vector_load %arg7[%parallel_loop3A_229, %parallel_loop3A_230] {strides = array<i32>} : memref<64x768xf32, #tpu.memory_space<vmem>>, vector<1x16xf32>,
        %parallel_loop3A_232 = vector.shape_cast %parallel_loop3A_231 : vector<1x16xf32> to vector<16xf32>
        %parallel_loop3A_233 = arith.constant 12 : i32
        %parallel_loop3A_234 = arith.index_cast %parallel_loop3A_233 : i32 to index
        %parallel_loop3A_235 = arith.index_cast %parallel_loop3A_156 : i32 to index
        %parallel_loop3A_236 = tpu.vector_load %arg7[%parallel_loop3A_234, %parallel_loop3A_235] {strides = array<i32>} : memref<64x768xf32, #tpu.memory_space<vmem>>, vector<1x16xf32>,
        %parallel_loop3A_237 = vector.shape_cast %parallel_loop3A_236 : vector<1x16xf32> to vector<16xf32>
        %parallel_loop3A_238 = arith.constant 13 : i32
        %parallel_loop3A_239 = arith.index_cast %parallel_loop3A_238 : i32 to index
        %parallel_loop3A_240 = arith.index_cast %parallel_loop3A_156 : i32 to index
        %parallel_loop3A_241 = tpu.vector_load %arg7[%parallel_loop3A_239, %parallel_loop3A_240] {strides = array<i32>} : memref<64x768xf32, #tpu.memory_space<vmem>>, vector<1x16xf32>,
        %parallel_loop3A_242 = vector.shape_cast %parallel_loop3A_241 : vector<1x16xf32> to vector<16xf32>
        %parallel_loop3A_243 = arith.constant 14 : i32
        %parallel_loop3A_244 = arith.index_cast %parallel_loop3A_243 : i32 to index
        %parallel_loop3A_245 = arith.index_cast %parallel_loop3A_156 : i32 to index
        %parallel_loop3A_246 = tpu.vector_load %arg7[%parallel_loop3A_244, %parallel_loop3A_245] {strides = array<i32>} : memref<64x768xf32, #tpu.memory_space<vmem>>, vector<1x16xf32>,
        %parallel_loop3A_247 = vector.shape_cast %parallel_loop3A_246 : vector<1x16xf32> to vector<16xf32>
        %parallel_loop3A_248 = arith.constant 15 : i32
        %parallel_loop3A_249 = arith.index_cast %parallel_loop3A_248 : i32 to index
        %parallel_loop3A_250 = arith.index_cast %parallel_loop3A_156 : i32 to index
        %parallel_loop3A_251 = tpu.vector_load %arg7[%parallel_loop3A_249, %parallel_loop3A_250] {strides = array<i32>} : memref<64x768xf32, #tpu.memory_space<vmem>>, vector<1x16xf32>,
        %parallel_loop3A_252 = vector.shape_cast %parallel_loop3A_251 : vector<1x16xf32> to vector<16xf32>
        %parallel_loop3A_253 = arith.addf %parallel_loop3A_217, %parallel_loop3A_222 : vector<16xf32>
        %parallel_loop3A_254 = arith.addf %parallel_loop3A_227, %parallel_loop3A_232 : vector<16xf32>
        %parallel_loop3A_255 = arith.addf %parallel_loop3A_237, %parallel_loop3A_242 : vector<16xf32>
        %parallel_loop3A_256 = arith.addf %parallel_loop3A_247, %parallel_loop3A_252 : vector<16xf32>
        %parallel_loop3A_257 = arith.addf %parallel_loop3A_253, %parallel_loop3A_254 : vector<16xf32>
        %parallel_loop3A_258 = arith.addf %parallel_loop3A_255, %parallel_loop3A_256 : vector<16xf32>
        %parallel_loop3A_259 = arith.addf %parallel_loop3A_257, %parallel_loop3A_258 : vector<16xf32>
        %parallel_loop3A_260 = arith.constant 1.250000e-01 : f32
        %parallel_loop3A_261 = vector.broadcast %parallel_loop3A_260 : f32 to vector<16xf32>
        %parallel_loop3A_262 = arith.mulf %parallel_loop3A_259, %parallel_loop3A_261 : vector<16xf32>
        %parallel_loop3A_263 = arith.constant 1 : i32
        %parallel_loop3A_264 = arith.index_cast %parallel_loop3A_263 : i32 to index
        %parallel_loop3A_265 = arith.index_cast %parallel_loop3A_156 : i32 to index
        %parallel_loop3A_266 = tpu.vector_load %arg10[%parallel_loop3A_264, %parallel_loop3A_265] {strides = array<i32>} : memref<16x768xf32, #tpu.memory_space<vmem>>, vector<1x16xf32>,
        %parallel_loop3A_267 = vector.shape_cast %parallel_loop3A_266 : vector<1x16xf32> to vector<16xf32>
        %parallel_loop3A_268 = vector.shape_cast %parallel_loop3A_262 : vector<16xf32> to vector<1x16xf32>
        tpu.vector_store %arg10[%parallel_loop3A_264, %parallel_loop3A_265], %parallel_loop3A_268 {strides = array<i32>} : memref<16x768xf32, #tpu.memory_space<vmem>>, vector<1x16xf32>,
        %parallel_loop3A_269 = arith.constant 16 : i32
        %parallel_loop3A_270 = arith.index_cast %parallel_loop3A_269 : i32 to index
        %parallel_loop3A_271 = arith.index_cast %parallel_loop3A_156 : i32 to index
        %parallel_loop3A_272 = tpu.vector_load %arg7[%parallel_loop3A_270, %parallel_loop3A_271] {strides = array<i32>} : memref<64x768xf32, #tpu.memory_space<vmem>>, vector<1x16xf32>,
        %parallel_loop3A_273 = vector.shape_cast %parallel_loop3A_272 : vector<1x16xf32> to vector<16xf32>
        %parallel_loop3A_274 = arith.constant 17 : i32
        %parallel_loop3A_275 = arith.index_cast %parallel_loop3A_274 : i32 to index
        %parallel_loop3A_276 = arith.index_cast %parallel_loop3A_156 : i32 to index
        %parallel_loop3A_277 = tpu.vector_load %arg7[%parallel_loop3A_275, %parallel_loop3A_276] {strides = array<i32>} : memref<64x768xf32, #tpu.memory_space<vmem>>, vector<1x16xf32>,
        %parallel_loop3A_278 = vector.shape_cast %parallel_loop3A_277 : vector<1x16xf32> to vector<16xf32>
        %parallel_loop3A_279 = arith.constant 18 : i32
        %parallel_loop3A_280 = arith.index_cast %parallel_loop3A_279 : i32 to index
        %parallel_loop3A_281 = arith.index_cast %parallel_loop3A_156 : i32 to index
        %parallel_loop3A_282 = tpu.vector_load %arg7[%parallel_loop3A_280, %parallel_loop3A_281] {strides = array<i32>} : memref<64x768xf32, #tpu.memory_space<vmem>>, vector<1x16xf32>,
        %parallel_loop3A_283 = vector.shape_cast %parallel_loop3A_282 : vector<1x16xf32> to vector<16xf32>
        %parallel_loop3A_284 = arith.constant 19 : i32
        %parallel_loop3A_285 = arith.index_cast %parallel_loop3A_284 : i32 to index
        %parallel_loop3A_286 = arith.index_cast %parallel_loop3A_156 : i32 to index
        %parallel_loop3A_287 = tpu.vector_load %arg7[%parallel_loop3A_285, %parallel_loop3A_286] {strides = array<i32>} : memref<64x768xf32, #tpu.memory_space<vmem>>, vector<1x16xf32>,
        %parallel_loop3A_288 = vector.shape_cast %parallel_loop3A_287 : vector<1x16xf32> to vector<16xf32>
        %parallel_loop3A_289 = arith.constant 20 : i32
        %parallel_loop3A_290 = arith.index_cast %parallel_loop3A_289 : i32 to index
        %parallel_loop3A_291 = arith.index_cast %parallel_loop3A_156 : i32 to index
        %parallel_loop3A_292 = tpu.vector_load %arg7[%parallel_loop3A_290, %parallel_loop3A_291] {strides = array<i32>} : memref<64x768xf32, #tpu.memory_space<vmem>>, vector<1x16xf32>,
        %parallel_loop3A_293 = vector.shape_cast %parallel_loop3A_292 : vector<1x16xf32> to vector<16xf32>
        %parallel_loop3A_294 = arith.constant 21 : i32
        %parallel_loop3A_295 = arith.index_cast %parallel_loop3A_294 : i32 to index
        %parallel_loop3A_296 = arith.index_cast %parallel_loop3A_156 : i32 to index
        %parallel_loop3A_297 = tpu.vector_load %arg7[%parallel_loop3A_295, %parallel_loop3A_296] {strides = array<i32>} : memref<64x768xf32, #tpu.memory_space<vmem>>, vector<1x16xf32>,
        %parallel_loop3A_298 = vector.shape_cast %parallel_loop3A_297 : vector<1x16xf32> to vector<16xf32>
        %parallel_loop3A_299 = arith.constant 22 : i32
        %parallel_loop3A_300 = arith.index_cast %parallel_loop3A_299 : i32 to index
        %parallel_loop3A_301 = arith.index_cast %parallel_loop3A_156 : i32 to index
        %parallel_loop3A_302 = tpu.vector_load %arg7[%parallel_loop3A_300, %parallel_loop3A_301] {strides = array<i32>} : memref<64x768xf32, #tpu.memory_space<vmem>>, vector<1x16xf32>,
        %parallel_loop3A_303 = vector.shape_cast %parallel_loop3A_302 : vector<1x16xf32> to vector<16xf32>
        %parallel_loop3A_304 = arith.constant 23 : i32
        %parallel_loop3A_305 = arith.index_cast %parallel_loop3A_304 : i32 to index
        %parallel_loop3A_306 = arith.index_cast %parallel_loop3A_156 : i32 to index
        %parallel_loop3A_307 = tpu.vector_load %arg7[%parallel_loop3A_305, %parallel_loop3A_306] {strides = array<i32>} : memref<64x768xf32, #tpu.memory_space<vmem>>, vector<1x16xf32>,
        %parallel_loop3A_308 = vector.shape_cast %parallel_loop3A_307 : vector<1x16xf32> to vector<16xf32>
        %parallel_loop3A_309 = arith.addf %parallel_loop3A_273, %parallel_loop3A_278 : vector<16xf32>
        %parallel_loop3A_310 = arith.addf %parallel_loop3A_283, %parallel_loop3A_288 : vector<16xf32>
        %parallel_loop3A_311 = arith.addf %parallel_loop3A_293, %parallel_loop3A_298 : vector<16xf32>
        %parallel_loop3A_312 = arith.addf %parallel_loop3A_303, %parallel_loop3A_308 : vector<16xf32>
        %parallel_loop3A_313 = arith.addf %parallel_loop3A_309, %parallel_loop3A_310 : vector<16xf32>
        %parallel_loop3A_314 = arith.addf %parallel_loop3A_311, %parallel_loop3A_312 : vector<16xf32>
        %parallel_loop3A_315 = arith.addf %parallel_loop3A_313, %parallel_loop3A_314 : vector<16xf32>
        %parallel_loop3A_316 = arith.constant 1.250000e-01 : f32
        %parallel_loop3A_317 = vector.broadcast %parallel_loop3A_316 : f32 to vector<16xf32>
        %parallel_loop3A_318 = arith.mulf %parallel_loop3A_315, %parallel_loop3A_317 : vector<16xf32>
        %parallel_loop3A_319 = arith.constant 2 : i32
        %parallel_loop3A_320 = arith.index_cast %parallel_loop3A_319 : i32 to index
        %parallel_loop3A_321 = arith.index_cast %parallel_loop3A_156 : i32 to index
        %parallel_loop3A_322 = tpu.vector_load %arg10[%parallel_loop3A_320, %parallel_loop3A_321] {strides = array<i32>} : memref<16x768xf32, #tpu.memory_space<vmem>>, vector<1x16xf32>,
        %parallel_loop3A_323 = vector.shape_cast %parallel_loop3A_322 : vector<1x16xf32> to vector<16xf32>
        %parallel_loop3A_324 = vector.shape_cast %parallel_loop3A_318 : vector<16xf32> to vector<1x16xf32>
        tpu.vector_store %arg10[%parallel_loop3A_320, %parallel_loop3A_321], %parallel_loop3A_324 {strides = array<i32>} : memref<16x768xf32, #tpu.memory_space<vmem>>, vector<1x16xf32>,
        %parallel_loop3A_325 = arith.constant 24 : i32
        %parallel_loop3A_326 = arith.index_cast %parallel_loop3A_325 : i32 to index
        %parallel_loop3A_327 = arith.index_cast %parallel_loop3A_156 : i32 to index
        %parallel_loop3A_328 = tpu.vector_load %arg7[%parallel_loop3A_326, %parallel_loop3A_327] {strides = array<i32>} : memref<64x768xf32, #tpu.memory_space<vmem>>, vector<1x16xf32>,
        %parallel_loop3A_329 = vector.shape_cast %parallel_loop3A_328 : vector<1x16xf32> to vector<16xf32>
        %parallel_loop3A_330 = arith.constant 25 : i32
        %parallel_loop3A_331 = arith.index_cast %parallel_loop3A_330 : i32 to index
        %parallel_loop3A_332 = arith.index_cast %parallel_loop3A_156 : i32 to index
        %parallel_loop3A_333 = tpu.vector_load %arg7[%parallel_loop3A_331, %parallel_loop3A_332] {strides = array<i32>} : memref<64x768xf32, #tpu.memory_space<vmem>>, vector<1x16xf32>,
        %parallel_loop3A_334 = vector.shape_cast %parallel_loop3A_333 : vector<1x16xf32> to vector<16xf32>
        %parallel_loop3A_335 = arith.constant 26 : i32
        %parallel_loop3A_336 = arith.index_cast %parallel_loop3A_335 : i32 to index
        %parallel_loop3A_337 = arith.index_cast %parallel_loop3A_156 : i32 to index
        %parallel_loop3A_338 = tpu.vector_load %arg7[%parallel_loop3A_336, %parallel_loop3A_337] {strides = array<i32>} : memref<64x768xf32, #tpu.memory_space<vmem>>, vector<1x16xf32>,
        %parallel_loop3A_339 = vector.shape_cast %parallel_loop3A_338 : vector<1x16xf32> to vector<16xf32>
        %parallel_loop3A_340 = arith.constant 27 : i32
        %parallel_loop3A_341 = arith.index_cast %parallel_loop3A_340 : i32 to index
        %parallel_loop3A_342 = arith.index_cast %parallel_loop3A_156 : i32 to index
        %parallel_loop3A_343 = tpu.vector_load %arg7[%parallel_loop3A_341, %parallel_loop3A_342] {strides = array<i32>} : memref<64x768xf32, #tpu.memory_space<vmem>>, vector<1x16xf32>,
        %parallel_loop3A_344 = vector.shape_cast %parallel_loop3A_343 : vector<1x16xf32> to vector<16xf32>
        %parallel_loop3A_345 = arith.constant 28 : i32
        %parallel_loop3A_346 = arith.index_cast %parallel_loop3A_345 : i32 to index
        %parallel_loop3A_347 = arith.index_cast %parallel_loop3A_156 : i32 to index
        %parallel_loop3A_348 = tpu.vector_load %arg7[%parallel_loop3A_346, %parallel_loop3A_347] {strides = array<i32>} : memref<64x768xf32, #tpu.memory_space<vmem>>, vector<1x16xf32>,
        %parallel_loop3A_349 = vector.shape_cast %parallel_loop3A_348 : vector<1x16xf32> to vector<16xf32>
        %parallel_loop3A_350 = arith.constant 29 : i32
        %parallel_loop3A_351 = arith.index_cast %parallel_loop3A_350 : i32 to index
        %parallel_loop3A_352 = arith.index_cast %parallel_loop3A_156 : i32 to index
        %parallel_loop3A_353 = tpu.vector_load %arg7[%parallel_loop3A_351, %parallel_loop3A_352] {strides = array<i32>} : memref<64x768xf32, #tpu.memory_space<vmem>>, vector<1x16xf32>,
        %parallel_loop3A_354 = vector.shape_cast %parallel_loop3A_353 : vector<1x16xf32> to vector<16xf32>
        %parallel_loop3A_355 = arith.constant 30 : i32
        %parallel_loop3A_356 = arith.index_cast %parallel_loop3A_355 : i32 to index
        %parallel_loop3A_357 = arith.index_cast %parallel_loop3A_156 : i32 to index
        %parallel_loop3A_358 = tpu.vector_load %arg7[%parallel_loop3A_356, %parallel_loop3A_357] {strides = array<i32>} : memref<64x768xf32, #tpu.memory_space<vmem>>, vector<1x16xf32>,
        %parallel_loop3A_359 = vector.shape_cast %parallel_loop3A_358 : vector<1x16xf32> to vector<16xf32>
        %parallel_loop3A_360 = arith.constant 31 : i32
        %parallel_loop3A_361 = arith.index_cast %parallel_loop3A_360 : i32 to index
        %parallel_loop3A_362 = arith.index_cast %parallel_loop3A_156 : i32 to index
        %parallel_loop3A_363 = tpu.vector_load %arg7[%parallel_loop3A_361, %parallel_loop3A_362] {strides = array<i32>} : memref<64x768xf32, #tpu.memory_space<vmem>>, vector<1x16xf32>,
        %parallel_loop3A_364 = vector.shape_cast %parallel_loop3A_363 : vector<1x16xf32> to vector<16xf32>
        %parallel_loop3A_365 = arith.addf %parallel_loop3A_329, %parallel_loop3A_334 : vector<16xf32>
        %parallel_loop3A_366 = arith.addf %parallel_loop3A_339, %parallel_loop3A_344 : vector<16xf32>
        %parallel_loop3A_367 = arith.addf %parallel_loop3A_349, %parallel_loop3A_354 : vector<16xf32>
        %parallel_loop3A_368 = arith.addf %parallel_loop3A_359, %parallel_loop3A_364 : vector<16xf32>
        %parallel_loop3A_369 = arith.addf %parallel_loop3A_365, %parallel_loop3A_366 : vector<16xf32>
        %parallel_loop3A_370 = arith.addf %parallel_loop3A_367, %parallel_loop3A_368 : vector<16xf32>
        %parallel_loop3A_371 = arith.addf %parallel_loop3A_369, %parallel_loop3A_370 : vector<16xf32>
        %parallel_loop3A_372 = arith.constant 1.250000e-01 : f32
        %parallel_loop3A_373 = vector.broadcast %parallel_loop3A_372 : f32 to vector<16xf32>
        %parallel_loop3A_374 = arith.mulf %parallel_loop3A_371, %parallel_loop3A_373 : vector<16xf32>
        %parallel_loop3A_375 = arith.constant 3 : i32
        %parallel_loop3A_376 = arith.index_cast %parallel_loop3A_375 : i32 to index
        %parallel_loop3A_377 = arith.index_cast %parallel_loop3A_156 : i32 to index
        %parallel_loop3A_378 = tpu.vector_load %arg10[%parallel_loop3A_376, %parallel_loop3A_377] {strides = array<i32>} : memref<16x768xf32, #tpu.memory_space<vmem>>, vector<1x16xf32>,
        %parallel_loop3A_379 = vector.shape_cast %parallel_loop3A_378 : vector<1x16xf32> to vector<16xf32>
        %parallel_loop3A_380 = vector.shape_cast %parallel_loop3A_374 : vector<16xf32> to vector<1x16xf32>
        tpu.vector_store %arg10[%parallel_loop3A_376, %parallel_loop3A_377], %parallel_loop3A_380 {strides = array<i32>} : memref<16x768xf32, #tpu.memory_space<vmem>>, vector<1x16xf32>,
        %parallel_loop3A_381 = arith.constant 32 : i32
        %parallel_loop3A_382 = arith.index_cast %parallel_loop3A_381 : i32 to index
        %parallel_loop3A_383 = arith.index_cast %parallel_loop3A_156 : i32 to index
        %parallel_loop3A_384 = tpu.vector_load %arg7[%parallel_loop3A_382, %parallel_loop3A_383] {strides = array<i32>} : memref<64x768xf32, #tpu.memory_space<vmem>>, vector<1x16xf32>,
        %parallel_loop3A_385 = vector.shape_cast %parallel_loop3A_384 : vector<1x16xf32> to vector<16xf32>
        %parallel_loop3A_386 = arith.constant 33 : i32
        %parallel_loop3A_387 = arith.index_cast %parallel_loop3A_386 : i32 to index
        %parallel_loop3A_388 = arith.index_cast %parallel_loop3A_156 : i32 to index
        %parallel_loop3A_389 = tpu.vector_load %arg7[%parallel_loop3A_387, %parallel_loop3A_388] {strides = array<i32>} : memref<64x768xf32, #tpu.memory_space<vmem>>, vector<1x16xf32>,
        %parallel_loop3A_390 = vector.shape_cast %parallel_loop3A_389 : vector<1x16xf32> to vector<16xf32>
        %parallel_loop3A_391 = arith.constant 34 : i32
        %parallel_loop3A_392 = arith.index_cast %parallel_loop3A_391 : i32 to index
        %parallel_loop3A_393 = arith.index_cast %parallel_loop3A_156 : i32 to index
        %parallel_loop3A_394 = tpu.vector_load %arg7[%parallel_loop3A_392, %parallel_loop3A_393] {strides = array<i32>} : memref<64x768xf32, #tpu.memory_space<vmem>>, vector<1x16xf32>,
        %parallel_loop3A_395 = vector.shape_cast %parallel_loop3A_394 : vector<1x16xf32> to vector<16xf32>
        %parallel_loop3A_396 = arith.constant 35 : i32
        %parallel_loop3A_397 = arith.index_cast %parallel_loop3A_396 : i32 to index
        %parallel_loop3A_398 = arith.index_cast %parallel_loop3A_156 : i32 to index
        %parallel_loop3A_399 = tpu.vector_load %arg7[%parallel_loop3A_397, %parallel_loop3A_398] {strides = array<i32>} : memref<64x768xf32, #tpu.memory_space<vmem>>, vector<1x16xf32>,
        %parallel_loop3A_400 = vector.shape_cast %parallel_loop3A_399 : vector<1x16xf32> to vector<16xf32>
        %parallel_loop3A_401 = arith.constant 36 : i32
        %parallel_loop3A_402 = arith.index_cast %parallel_loop3A_401 : i32 to index
        %parallel_loop3A_403 = arith.index_cast %parallel_loop3A_156 : i32 to index
        %parallel_loop3A_404 = tpu.vector_load %arg7[%parallel_loop3A_402, %parallel_loop3A_403] {strides = array<i32>} : memref<64x768xf32, #tpu.memory_space<vmem>>, vector<1x16xf32>,
        %parallel_loop3A_405 = vector.shape_cast %parallel_loop3A_404 : vector<1x16xf32> to vector<16xf32>
        %parallel_loop3A_406 = arith.constant 37 : i32
        %parallel_loop3A_407 = arith.index_cast %parallel_loop3A_406 : i32 to index
        %parallel_loop3A_408 = arith.index_cast %parallel_loop3A_156 : i32 to index
        %parallel_loop3A_409 = tpu.vector_load %arg7[%parallel_loop3A_407, %parallel_loop3A_408] {strides = array<i32>} : memref<64x768xf32, #tpu.memory_space<vmem>>, vector<1x16xf32>,
        %parallel_loop3A_410 = vector.shape_cast %parallel_loop3A_409 : vector<1x16xf32> to vector<16xf32>
        %parallel_loop3A_411 = arith.constant 38 : i32
        %parallel_loop3A_412 = arith.index_cast %parallel_loop3A_411 : i32 to index
        %parallel_loop3A_413 = arith.index_cast %parallel_loop3A_156 : i32 to index
        %parallel_loop3A_414 = tpu.vector_load %arg7[%parallel_loop3A_412, %parallel_loop3A_413] {strides = array<i32>} : memref<64x768xf32, #tpu.memory_space<vmem>>, vector<1x16xf32>,
        %parallel_loop3A_415 = vector.shape_cast %parallel_loop3A_414 : vector<1x16xf32> to vector<16xf32>
        %parallel_loop3A_416 = arith.constant 39 : i32
        %parallel_loop3A_417 = arith.index_cast %parallel_loop3A_416 : i32 to index
        %parallel_loop3A_418 = arith.index_cast %parallel_loop3A_156 : i32 to index
        %parallel_loop3A_419 = tpu.vector_load %arg7[%parallel_loop3A_417, %parallel_loop3A_418] {strides = array<i32>} : memref<64x768xf32, #tpu.memory_space<vmem>>, vector<1x16xf32>,
        %parallel_loop3A_420 = vector.shape_cast %parallel_loop3A_419 : vector<1x16xf32> to vector<16xf32>
        %parallel_loop3A_421 = arith.addf %parallel_loop3A_385, %parallel_loop3A_390 : vector<16xf32>
        %parallel_loop3A_422 = arith.addf %parallel_loop3A_395, %parallel_loop3A_400 : vector<16xf32>
        %parallel_loop3A_423 = arith.addf %parallel_loop3A_405, %parallel_loop3A_410 : vector<16xf32>
        %parallel_loop3A_424 = arith.addf %parallel_loop3A_415, %parallel_loop3A_420 : vector<16xf32>
        %parallel_loop3A_425 = arith.addf %parallel_loop3A_421, %parallel_loop3A_422 : vector<16xf32>
        %parallel_loop3A_426 = arith.addf %parallel_loop3A_423, %parallel_loop3A_424 : vector<16xf32>
        %parallel_loop3A_427 = arith.addf %parallel_loop3A_425, %parallel_loop3A_426 : vector<16xf32>
        %parallel_loop3A_428 = arith.constant 1.250000e-01 : f32
        %parallel_loop3A_429 = vector.broadcast %parallel_loop3A_428 : f32 to vector<16xf32>
        %parallel_loop3A_430 = arith.mulf %parallel_loop3A_427, %parallel_loop3A_429 : vector<16xf32>
        %parallel_loop3A_431 = arith.constant 4 : i32
        %parallel_loop3A_432 = arith.index_cast %parallel_loop3A_431 : i32 to index
        %parallel_loop3A_433 = arith.index_cast %parallel_loop3A_156 : i32 to index
        %parallel_loop3A_434 = tpu.vector_load %arg10[%parallel_loop3A_432, %parallel_loop3A_433] {strides = array<i32>} : memref<16x768xf32, #tpu.memory_space<vmem>>, vector<1x16xf32>,
        %parallel_loop3A_435 = vector.shape_cast %parallel_loop3A_434 : vector<1x16xf32> to vector<16xf32>
        %parallel_loop3A_436 = vector.shape_cast %parallel_loop3A_430 : vector<16xf32> to vector<1x16xf32>
        tpu.vector_store %arg10[%parallel_loop3A_432, %parallel_loop3A_433], %parallel_loop3A_436 {strides = array<i32>} : memref<16x768xf32, #tpu.memory_space<vmem>>, vector<1x16xf32>,
        %parallel_loop3A_437 = arith.constant 40 : i32
        %parallel_loop3A_438 = arith.index_cast %parallel_loop3A_437 : i32 to index
        %parallel_loop3A_439 = arith.index_cast %parallel_loop3A_156 : i32 to index
        %parallel_loop3A_440 = tpu.vector_load %arg7[%parallel_loop3A_438, %parallel_loop3A_439] {strides = array<i32>} : memref<64x768xf32, #tpu.memory_space<vmem>>, vector<1x16xf32>,
        %parallel_loop3A_441 = vector.shape_cast %parallel_loop3A_440 : vector<1x16xf32> to vector<16xf32>
        %parallel_loop3A_442 = arith.constant 41 : i32
        %parallel_loop3A_443 = arith.index_cast %parallel_loop3A_442 : i32 to index
        %parallel_loop3A_444 = arith.index_cast %parallel_loop3A_156 : i32 to index
        %parallel_loop3A_445 = tpu.vector_load %arg7[%parallel_loop3A_443, %parallel_loop3A_444] {strides = array<i32>} : memref<64x768xf32, #tpu.memory_space<vmem>>, vector<1x16xf32>,
        %parallel_loop3A_446 = vector.shape_cast %parallel_loop3A_445 : vector<1x16xf32> to vector<16xf32>
        %parallel_loop3A_447 = arith.constant 42 : i32
        %parallel_loop3A_448 = arith.index_cast %parallel_loop3A_447 : i32 to index
        %parallel_loop3A_449 = arith.index_cast %parallel_loop3A_156 : i32 to index
        %parallel_loop3A_450 = tpu.vector_load %arg7[%parallel_loop3A_448, %parallel_loop3A_449] {strides = array<i32>} : memref<64x768xf32, #tpu.memory_space<vmem>>, vector<1x16xf32>,
        %parallel_loop3A_451 = vector.shape_cast %parallel_loop3A_450 : vector<1x16xf32> to vector<16xf32>
        %parallel_loop3A_452 = arith.constant 43 : i32
        %parallel_loop3A_453 = arith.index_cast %parallel_loop3A_452 : i32 to index
        %parallel_loop3A_454 = arith.index_cast %parallel_loop3A_156 : i32 to index
        %parallel_loop3A_455 = tpu.vector_load %arg7[%parallel_loop3A_453, %parallel_loop3A_454] {strides = array<i32>} : memref<64x768xf32, #tpu.memory_space<vmem>>, vector<1x16xf32>,
        %parallel_loop3A_456 = vector.shape_cast %parallel_loop3A_455 : vector<1x16xf32> to vector<16xf32>
        %parallel_loop3A_457 = arith.constant 44 : i32
        %parallel_loop3A_458 = arith.index_cast %parallel_loop3A_457 : i32 to index
        %parallel_loop3A_459 = arith.index_cast %parallel_loop3A_156 : i32 to index
        %parallel_loop3A_460 = tpu.vector_load %arg7[%parallel_loop3A_458, %parallel_loop3A_459] {strides = array<i32>} : memref<64x768xf32, #tpu.memory_space<vmem>>, vector<1x16xf32>,
        %parallel_loop3A_461 = vector.shape_cast %parallel_loop3A_460 : vector<1x16xf32> to vector<16xf32>
        %parallel_loop3A_462 = arith.constant 45 : i32
        %parallel_loop3A_463 = arith.index_cast %parallel_loop3A_462 : i32 to index
        %parallel_loop3A_464 = arith.index_cast %parallel_loop3A_156 : i32 to index
        %parallel_loop3A_465 = tpu.vector_load %arg7[%parallel_loop3A_463, %parallel_loop3A_464] {strides = array<i32>} : memref<64x768xf32, #tpu.memory_space<vmem>>, vector<1x16xf32>,
        %parallel_loop3A_466 = vector.shape_cast %parallel_loop3A_465 : vector<1x16xf32> to vector<16xf32>
        %parallel_loop3A_467 = arith.constant 46 : i32
        %parallel_loop3A_468 = arith.index_cast %parallel_loop3A_467 : i32 to index
        %parallel_loop3A_469 = arith.index_cast %parallel_loop3A_156 : i32 to index
        %parallel_loop3A_470 = tpu.vector_load %arg7[%parallel_loop3A_468, %parallel_loop3A_469] {strides = array<i32>} : memref<64x768xf32, #tpu.memory_space<vmem>>, vector<1x16xf32>,
        %parallel_loop3A_471 = vector.shape_cast %parallel_loop3A_470 : vector<1x16xf32> to vector<16xf32>
        %parallel_loop3A_472 = arith.constant 47 : i32
        %parallel_loop3A_473 = arith.index_cast %parallel_loop3A_472 : i32 to index
        %parallel_loop3A_474 = arith.index_cast %parallel_loop3A_156 : i32 to index
        %parallel_loop3A_475 = tpu.vector_load %arg7[%parallel_loop3A_473, %parallel_loop3A_474] {strides = array<i32>} : memref<64x768xf32, #tpu.memory_space<vmem>>, vector<1x16xf32>,
        %parallel_loop3A_476 = vector.shape_cast %parallel_loop3A_475 : vector<1x16xf32> to vector<16xf32>
        %parallel_loop3A_477 = arith.addf %parallel_loop3A_441, %parallel_loop3A_446 : vector<16xf32>
        %parallel_loop3A_478 = arith.addf %parallel_loop3A_451, %parallel_loop3A_456 : vector<16xf32>
        %parallel_loop3A_479 = arith.addf %parallel_loop3A_461, %parallel_loop3A_466 : vector<16xf32>
        %parallel_loop3A_480 = arith.addf %parallel_loop3A_471, %parallel_loop3A_476 : vector<16xf32>
        %parallel_loop3A_481 = arith.addf %parallel_loop3A_477, %parallel_loop3A_478 : vector<16xf32>
        %parallel_loop3A_482 = arith.addf %parallel_loop3A_479, %parallel_loop3A_480 : vector<16xf32>
        %parallel_loop3A_483 = arith.addf %parallel_loop3A_481, %parallel_loop3A_482 : vector<16xf32>
        %parallel_loop3A_484 = arith.constant 1.250000e-01 : f32
        %parallel_loop3A_485 = vector.broadcast %parallel_loop3A_484 : f32 to vector<16xf32>
        %parallel_loop3A_486 = arith.mulf %parallel_loop3A_483, %parallel_loop3A_485 : vector<16xf32>
        %parallel_loop3A_487 = arith.constant 5 : i32
        %parallel_loop3A_488 = arith.index_cast %parallel_loop3A_487 : i32 to index
        %parallel_loop3A_489 = arith.index_cast %parallel_loop3A_156 : i32 to index
        %parallel_loop3A_490 = tpu.vector_load %arg10[%parallel_loop3A_488, %parallel_loop3A_489] {strides = array<i32>} : memref<16x768xf32, #tpu.memory_space<vmem>>, vector<1x16xf32>,
        %parallel_loop3A_491 = vector.shape_cast %parallel_loop3A_490 : vector<1x16xf32> to vector<16xf32>
        %parallel_loop3A_492 = vector.shape_cast %parallel_loop3A_486 : vector<16xf32> to vector<1x16xf32>
        tpu.vector_store %arg10[%parallel_loop3A_488, %parallel_loop3A_489], %parallel_loop3A_492 {strides = array<i32>} : memref<16x768xf32, #tpu.memory_space<vmem>>, vector<1x16xf32>,
        %parallel_loop3A_493 = arith.constant 48 : i32
        %parallel_loop3A_494 = arith.index_cast %parallel_loop3A_493 : i32 to index
        %parallel_loop3A_495 = arith.index_cast %parallel_loop3A_156 : i32 to index
        %parallel_loop3A_496 = tpu.vector_load %arg7[%parallel_loop3A_494, %parallel_loop3A_495] {strides = array<i32>} : memref<64x768xf32, #tpu.memory_space<vmem>>, vector<1x16xf32>,
        %parallel_loop3A_497 = vector.shape_cast %parallel_loop3A_496 : vector<1x16xf32> to vector<16xf32>
        %parallel_loop3A_498 = arith.constant 49 : i32
        %parallel_loop3A_499 = arith.index_cast %parallel_loop3A_498 : i32 to index
        %parallel_loop3A_500 = arith.index_cast %parallel_loop3A_156 : i32 to index
        %parallel_loop3A_501 = tpu.vector_load %arg7[%parallel_loop3A_499, %parallel_loop3A_500] {strides = array<i32>} : memref<64x768xf32, #tpu.memory_space<vmem>>, vector<1x16xf32>,
        %parallel_loop3A_502 = vector.shape_cast %parallel_loop3A_501 : vector<1x16xf32> to vector<16xf32>
        %parallel_loop3A_503 = arith.constant 50 : i32
        %parallel_loop3A_504 = arith.index_cast %parallel_loop3A_503 : i32 to index
        %parallel_loop3A_505 = arith.index_cast %parallel_loop3A_156 : i32 to index
        %parallel_loop3A_506 = tpu.vector_load %arg7[%parallel_loop3A_504, %parallel_loop3A_505] {strides = array<i32>} : memref<64x768xf32, #tpu.memory_space<vmem>>, vector<1x16xf32>,
        %parallel_loop3A_507 = vector.shape_cast %parallel_loop3A_506 : vector<1x16xf32> to vector<16xf32>
        %parallel_loop3A_508 = arith.constant 51 : i32
        %parallel_loop3A_509 = arith.index_cast %parallel_loop3A_508 : i32 to index
        %parallel_loop3A_510 = arith.index_cast %parallel_loop3A_156 : i32 to index
        %parallel_loop3A_511 = tpu.vector_load %arg7[%parallel_loop3A_509, %parallel_loop3A_510] {strides = array<i32>} : memref<64x768xf32, #tpu.memory_space<vmem>>, vector<1x16xf32>,
        %parallel_loop3A_512 = vector.shape_cast %parallel_loop3A_511 : vector<1x16xf32> to vector<16xf32>
        %parallel_loop3A_513 = arith.constant 52 : i32
        %parallel_loop3A_514 = arith.index_cast %parallel_loop3A_513 : i32 to index
        %parallel_loop3A_515 = arith.index_cast %parallel_loop3A_156 : i32 to index
        %parallel_loop3A_516 = tpu.vector_load %arg7[%parallel_loop3A_514, %parallel_loop3A_515] {strides = array<i32>} : memref<64x768xf32, #tpu.memory_space<vmem>>, vector<1x16xf32>,
        %parallel_loop3A_517 = vector.shape_cast %parallel_loop3A_516 : vector<1x16xf32> to vector<16xf32>
        %parallel_loop3A_518 = arith.constant 53 : i32
        %parallel_loop3A_519 = arith.index_cast %parallel_loop3A_518 : i32 to index
        %parallel_loop3A_520 = arith.index_cast %parallel_loop3A_156 : i32 to index
        %parallel_loop3A_521 = tpu.vector_load %arg7[%parallel_loop3A_519, %parallel_loop3A_520] {strides = array<i32>} : memref<64x768xf32, #tpu.memory_space<vmem>>, vector<1x16xf32>,
        %parallel_loop3A_522 = vector.shape_cast %parallel_loop3A_521 : vector<1x16xf32> to vector<16xf32>
        %parallel_loop3A_523 = arith.constant 54 : i32
        %parallel_loop3A_524 = arith.index_cast %parallel_loop3A_523 : i32 to index
        %parallel_loop3A_525 = arith.index_cast %parallel_loop3A_156 : i32 to index
        %parallel_loop3A_526 = tpu.vector_load %arg7[%parallel_loop3A_524, %parallel_loop3A_525] {strides = array<i32>} : memref<64x768xf32, #tpu.memory_space<vmem>>, vector<1x16xf32>,
        %parallel_loop3A_527 = vector.shape_cast %parallel_loop3A_526 : vector<1x16xf32> to vector<16xf32>
        %parallel_loop3A_528 = arith.constant 55 : i32
        %parallel_loop3A_529 = arith.index_cast %parallel_loop3A_528 : i32 to index
        %parallel_loop3A_530 = arith.index_cast %parallel_loop3A_156 : i32 to index
        %parallel_loop3A_531 = tpu.vector_load %arg7[%parallel_loop3A_529, %parallel_loop3A_530] {strides = array<i32>} : memref<64x768xf32, #tpu.memory_space<vmem>>, vector<1x16xf32>,
        %parallel_loop3A_532 = vector.shape_cast %parallel_loop3A_531 : vector<1x16xf32> to vector<16xf32>
        %parallel_loop3A_533 = arith.addf %parallel_loop3A_497, %parallel_loop3A_502 : vector<16xf32>
        %parallel_loop3A_534 = arith.addf %parallel_loop3A_507, %parallel_loop3A_512 : vector<16xf32>
        %parallel_loop3A_535 = arith.addf %parallel_loop3A_517, %parallel_loop3A_522 : vector<16xf32>
        %parallel_loop3A_536 = arith.addf %parallel_loop3A_527, %parallel_loop3A_532 : vector<16xf32>
        %parallel_loop3A_537 = arith.addf %parallel_loop3A_533, %parallel_loop3A_534 : vector<16xf32>
        %parallel_loop3A_538 = arith.addf %parallel_loop3A_535, %parallel_loop3A_536 : vector<16xf32>
        %parallel_loop3A_539 = arith.addf %parallel_loop3A_537, %parallel_loop3A_538 : vector<16xf32>
        %parallel_loop3A_540 = arith.constant 1.250000e-01 : f32
        %parallel_loop3A_541 = vector.broadcast %parallel_loop3A_540 : f32 to vector<16xf32>
        %parallel_loop3A_542 = arith.mulf %parallel_loop3A_539, %parallel_loop3A_541 : vector<16xf32>
        %parallel_loop3A_543 = arith.constant 6 : i32
        %parallel_loop3A_544 = arith.index_cast %parallel_loop3A_543 : i32 to index
        %parallel_loop3A_545 = arith.index_cast %parallel_loop3A_156 : i32 to index
        %parallel_loop3A_546 = tpu.vector_load %arg10[%parallel_loop3A_544, %parallel_loop3A_545] {strides = array<i32>} : memref<16x768xf32, #tpu.memory_space<vmem>>, vector<1x16xf32>,
        %parallel_loop3A_547 = vector.shape_cast %parallel_loop3A_546 : vector<1x16xf32> to vector<16xf32>
        %parallel_loop3A_548 = vector.shape_cast %parallel_loop3A_542 : vector<16xf32> to vector<1x16xf32>
        tpu.vector_store %arg10[%parallel_loop3A_544, %parallel_loop3A_545], %parallel_loop3A_548 {strides = array<i32>} : memref<16x768xf32, #tpu.memory_space<vmem>>, vector<1x16xf32>,
        %parallel_loop3A_549 = arith.constant 56 : i32
        %parallel_loop3A_550 = arith.index_cast %parallel_loop3A_549 : i32 to index
        %parallel_loop3A_551 = arith.index_cast %parallel_loop3A_156 : i32 to index
        %parallel_loop3A_552 = tpu.vector_load %arg7[%parallel_loop3A_550, %parallel_loop3A_551] {strides = array<i32>} : memref<64x768xf32, #tpu.memory_space<vmem>>, vector<1x16xf32>,
        %parallel_loop3A_553 = vector.shape_cast %parallel_loop3A_552 : vector<1x16xf32> to vector<16xf32>
        %parallel_loop3A_554 = arith.constant 57 : i32
        %parallel_loop3A_555 = arith.index_cast %parallel_loop3A_554 : i32 to index
        %parallel_loop3A_556 = arith.index_cast %parallel_loop3A_156 : i32 to index
        %parallel_loop3A_557 = tpu.vector_load %arg7[%parallel_loop3A_555, %parallel_loop3A_556] {strides = array<i32>} : memref<64x768xf32, #tpu.memory_space<vmem>>, vector<1x16xf32>,
        %parallel_loop3A_558 = vector.shape_cast %parallel_loop3A_557 : vector<1x16xf32> to vector<16xf32>
        %parallel_loop3A_559 = arith.constant 58 : i32
        %parallel_loop3A_560 = arith.index_cast %parallel_loop3A_559 : i32 to index
        %parallel_loop3A_561 = arith.index_cast %parallel_loop3A_156 : i32 to index
        %parallel_loop3A_562 = tpu.vector_load %arg7[%parallel_loop3A_560, %parallel_loop3A_561] {strides = array<i32>} : memref<64x768xf32, #tpu.memory_space<vmem>>, vector<1x16xf32>,
        %parallel_loop3A_563 = vector.shape_cast %parallel_loop3A_562 : vector<1x16xf32> to vector<16xf32>
        %parallel_loop3A_564 = arith.constant 59 : i32
        %parallel_loop3A_565 = arith.index_cast %parallel_loop3A_564 : i32 to index
        %parallel_loop3A_566 = arith.index_cast %parallel_loop3A_156 : i32 to index
        %parallel_loop3A_567 = tpu.vector_load %arg7[%parallel_loop3A_565, %parallel_loop3A_566] {strides = array<i32>} : memref<64x768xf32, #tpu.memory_space<vmem>>, vector<1x16xf32>,
        %parallel_loop3A_568 = vector.shape_cast %parallel_loop3A_567 : vector<1x16xf32> to vector<16xf32>
        %parallel_loop3A_569 = arith.constant 60 : i32
        %parallel_loop3A_570 = arith.index_cast %parallel_loop3A_569 : i32 to index
        %parallel_loop3A_571 = arith.index_cast %parallel_loop3A_156 : i32 to index
        %parallel_loop3A_572 = tpu.vector_load %arg7[%parallel_loop3A_570, %parallel_loop3A_571] {strides = array<i32>} : memref<64x768xf32, #tpu.memory_space<vmem>>, vector<1x16xf32>,
        %parallel_loop3A_573 = vector.shape_cast %parallel_loop3A_572 : vector<1x16xf32> to vector<16xf32>
        %parallel_loop3A_574 = arith.constant 61 : i32
        %parallel_loop3A_575 = arith.index_cast %parallel_loop3A_574 : i32 to index
        %parallel_loop3A_576 = arith.index_cast %parallel_loop3A_156 : i32 to index
        %parallel_loop3A_577 = tpu.vector_load %arg7[%parallel_loop3A_575, %parallel_loop3A_576] {strides = array<i32>} : memref<64x768xf32, #tpu.memory_space<vmem>>, vector<1x16xf32>,
        %parallel_loop3A_578 = vector.shape_cast %parallel_loop3A_577 : vector<1x16xf32> to vector<16xf32>
        %parallel_loop3A_579 = arith.constant 62 : i32
        %parallel_loop3A_580 = arith.index_cast %parallel_loop3A_579 : i32 to index
        %parallel_loop3A_581 = arith.index_cast %parallel_loop3A_156 : i32 to index
        %parallel_loop3A_582 = tpu.vector_load %arg7[%parallel_loop3A_580, %parallel_loop3A_581] {strides = array<i32>} : memref<64x768xf32, #tpu.memory_space<vmem>>, vector<1x16xf32>,
        %parallel_loop3A_583 = vector.shape_cast %parallel_loop3A_582 : vector<1x16xf32> to vector<16xf32>
        %parallel_loop3A_584 = arith.constant 63 : i32
        %parallel_loop3A_585 = arith.index_cast %parallel_loop3A_584 : i32 to index
        %parallel_loop3A_586 = arith.index_cast %parallel_loop3A_156 : i32 to index
        %parallel_loop3A_587 = tpu.vector_load %arg7[%parallel_loop3A_585, %parallel_loop3A_586] {strides = array<i32>} : memref<64x768xf32, #tpu.memory_space<vmem>>, vector<1x16xf32>,
        %parallel_loop3A_588 = vector.shape_cast %parallel_loop3A_587 : vector<1x16xf32> to vector<16xf32>
        %parallel_loop3A_589 = arith.addf %parallel_loop3A_553, %parallel_loop3A_558 : vector<16xf32>
        %parallel_loop3A_590 = arith.addf %parallel_loop3A_563, %parallel_loop3A_568 : vector<16xf32>
        %parallel_loop3A_591 = arith.addf %parallel_loop3A_573, %parallel_loop3A_578 : vector<16xf32>
        %parallel_loop3A_592 = arith.addf %parallel_loop3A_583, %parallel_loop3A_588 : vector<16xf32>
        %parallel_loop3A_593 = arith.addf %parallel_loop3A_589, %parallel_loop3A_590 : vector<16xf32>
        %parallel_loop3A_594 = arith.addf %parallel_loop3A_591, %parallel_loop3A_592 : vector<16xf32>
        %parallel_loop3A_595 = arith.addf %parallel_loop3A_593, %parallel_loop3A_594 : vector<16xf32>
        %parallel_loop3A_596 = arith.constant 1.250000e-01 : f32
        %parallel_loop3A_597 = vector.broadcast %parallel_loop3A_596 : f32 to vector<16xf32>
        %parallel_loop3A_598 = arith.mulf %parallel_loop3A_595, %parallel_loop3A_597 : vector<16xf32>
        %parallel_loop3A_599 = arith.constant 7 : i32
        %parallel_loop3A_600 = arith.index_cast %parallel_loop3A_599 : i32 to index
        %parallel_loop3A_601 = arith.index_cast %parallel_loop3A_156 : i32 to index
        %parallel_loop3A_602 = tpu.vector_load %arg10[%parallel_loop3A_600, %parallel_loop3A_601] {strides = array<i32>} : memref<16x768xf32, #tpu.memory_space<vmem>>, vector<1x16xf32>,
        %parallel_loop3A_603 = vector.shape_cast %parallel_loop3A_602 : vector<1x16xf32> to vector<16xf32>
        %parallel_loop3A_604 = vector.shape_cast %parallel_loop3A_598 : vector<16xf32> to vector<1x16xf32>
        tpu.vector_store %arg10[%parallel_loop3A_600, %parallel_loop3A_601], %parallel_loop3A_604 {strides = array<i32>} : memref<16x768xf32, #tpu.memory_space<vmem>>, vector<1x16xf32>,
        %parallel_loop3A_605 = arith.addf %parallel_loop3A_203, %parallel_loop3A_259 : vector<16xf32>
        %parallel_loop3A_606 = arith.addf %parallel_loop3A_315, %parallel_loop3A_371 : vector<16xf32>
        %parallel_loop3A_607 = arith.addf %parallel_loop3A_427, %parallel_loop3A_483 : vector<16xf32>
        %parallel_loop3A_608 = arith.addf %parallel_loop3A_539, %parallel_loop3A_595 : vector<16xf32>
        %parallel_loop3A_609 = arith.addf %parallel_loop3A_605, %parallel_loop3A_606 : vector<16xf32>
        %parallel_loop3A_610 = arith.addf %parallel_loop3A_607, %parallel_loop3A_608 : vector<16xf32>
        %parallel_loop3A_611 = arith.addf %parallel_loop3A_609, %parallel_loop3A_610 : vector<16xf32>
        %parallel_loop3A_612 = arith.constant 7.812500e-03 : f32
        %parallel_loop3A_613 = vector.broadcast %parallel_loop3A_612 : f32 to vector<16xf32>
        %parallel_loop3A_614 = arith.mulf %parallel_loop3A_611, %parallel_loop3A_613 : vector<16xf32>
        %parallel_loop3A_615 = arith.constant 0 : i32
        %parallel_loop3A_616 = arith.index_cast %parallel_loop3A_615 : i32 to index
        %parallel_loop3A_617 = arith.index_cast %parallel_loop3A_156 : i32 to index
        %parallel_loop3A_618 = tpu.vector_load %arg12[%parallel_loop3A_616, %parallel_loop3A_617] {strides = array<i32>} : memref<1x768xf32, #tpu.memory_space<vmem>>, vector<1x16xf32>,
        %parallel_loop3A_619 = vector.shape_cast %parallel_loop3A_618 : vector<1x16xf32> to vector<16xf32>
        %parallel_loop3A_620 = vector.shape_cast %parallel_loop3A_614 : vector<16xf32> to vector<1x16xf32>
        tpu.vector_store %arg12[%parallel_loop3A_616, %parallel_loop3A_617], %parallel_loop3A_620 {strides = array<i32>} : memref<1x768xf32, #tpu.memory_space<vmem>>, vector<1x16xf32>,
      } {sc.loop_unroll_factor = 1 : i64, sc.parallel_access}
      %add3A_123 = arith.constant 1 : i32
      %add3A_124 = arith.addi %add3A_97, %add3A_123 : i32
      %and3A_125 = arith.constant 15 : i32
      %and3A_126 = arith.andi %add3A_124, %and3A_125 : i32
      %mul3A_127 = arith.constant 128 : i32
      %mul3A_128 = arith.muli %and3A_126, %mul3A_127 : i32
      %add3A_129 = arith.constant 0 : i32
      %add3A_130 = arith.addi %mul3A_128, %add3A_129 : i32
      %dma_start3A_131 = tpu.memref_slice %arg6[%add3A_130] : memref<2048xi32, #tpu.memory_space<vmem>> -> memref<64xi32, #tpu.memory_space<vmem>>
      %dma_start3A_132 = arith.constant 0 : i32
      %dma_start3A_133 = arith.constant 0 : i32
      %dma_start3A_134 = tpu.memref_slice %arg3[%dma_start3A_132, %dma_start3A_133] : memref<8192x768xf32, #tpu.memory_space<hbm>> -> memref<8192x768xf32, #tpu.memory_space<hbm>>
      tpu.enqueue_indirect_dma source(%dma_start3A_134 : memref<8192x768xf32, #tpu.memory_space<hbm>>) target(%arg7 : memref<64x768xf32, #tpu.memory_space<vmem>>) offsets(%dma_start3A_131 : memref<64xi32, #tpu.memory_space<vmem>>) semaphore(%arg13 : memref<!tpu.dma_semaphore, #tpu.memory_space<semaphore_mem>>)
      %mul3A_135 = arith.constant 128 : i32
      %mul3A_136 = arith.muli %add3A_97, %mul3A_135 : i32
      %add3A_137 = arith.constant 64 : i32
      %add3A_138 = arith.addi %mul3A_136, %add3A_137 : i32
      %dma_wait3A_139 = tpu.memref_slice %arg6[%add3A_138] : memref<2048xi32, #tpu.memory_space<vmem>> -> memref<64xi32, #tpu.memory_space<vmem>>
      %dma_wait3A_140 = arith.constant 0 : i32
      %dma_wait3A_141 = arith.constant 0 : i32
      %dma_wait3A_142 = tpu.memref_slice %arg3[%dma_wait3A_140, %dma_wait3A_141] : memref<8192x768xf32, #tpu.memory_space<hbm>> -> memref<8192x768xf32, #tpu.memory_space<hbm>>
      tpu.wait_indirect_dma semaphore(%arg14 : memref<!tpu.dma_semaphore, #tpu.memory_space<semaphore_mem>>) src(%dma_wait3A_142 : memref<8192x768xf32, #tpu.memory_space<hbm>>) dst(%arg8 : memref<64x768xf32, #tpu.memory_space<vmem>>)
      %parallel_loop3A_143 = arith.constant 0 : i32
      %parallel_loop3A_144 = arith.constant 768 : i32
      %parallel_loop3A_145 = arith.constant 16 : i32
      scf.for %parallel_loop3A_156 = %parallel_loop3A_143 to %parallel_loop3A_144 step %parallel_loop3A_145  : i32 {
        %parallel_loop3A_157 = arith.constant 0 : i32
        %parallel_loop3A_158 = arith.index_cast %parallel_loop3A_157 : i32 to index
        %parallel_loop3A_159 = arith.index_cast %parallel_loop3A_156 : i32 to index
        %parallel_loop3A_160 = tpu.vector_load %arg8[%parallel_loop3A_158, %parallel_loop3A_159] {strides = array<i32>} : memref<64x768xf32, #tpu.memory_space<vmem>>, vector<1x16xf32>,
        %parallel_loop3A_161 = vector.shape_cast %parallel_loop3A_160 : vector<1x16xf32> to vector<16xf32>
        %parallel_loop3A_162 = arith.constant 1 : i32
        %parallel_loop3A_163 = arith.index_cast %parallel_loop3A_162 : i32 to index
        %parallel_loop3A_164 = arith.index_cast %parallel_loop3A_156 : i32 to index
        %parallel_loop3A_165 = tpu.vector_load %arg8[%parallel_loop3A_163, %parallel_loop3A_164] {strides = array<i32>} : memref<64x768xf32, #tpu.memory_space<vmem>>, vector<1x16xf32>,
        %parallel_loop3A_166 = vector.shape_cast %parallel_loop3A_165 : vector<1x16xf32> to vector<16xf32>
        %parallel_loop3A_167 = arith.constant 2 : i32
        %parallel_loop3A_168 = arith.index_cast %parallel_loop3A_167 : i32 to index
        %parallel_loop3A_169 = arith.index_cast %parallel_loop3A_156 : i32 to index
        %parallel_loop3A_170 = tpu.vector_load %arg8[%parallel_loop3A_168, %parallel_loop3A_169] {strides = array<i32>} : memref<64x768xf32, #tpu.memory_space<vmem>>, vector<1x16xf32>,
        %parallel_loop3A_171 = vector.shape_cast %parallel_loop3A_170 : vector<1x16xf32> to vector<16xf32>
        %parallel_loop3A_172 = arith.constant 3 : i32
        %parallel_loop3A_173 = arith.index_cast %parallel_loop3A_172 : i32 to index
        %parallel_loop3A_174 = arith.index_cast %parallel_loop3A_156 : i32 to index
        %parallel_loop3A_175 = tpu.vector_load %arg8[%parallel_loop3A_173, %parallel_loop3A_174] {strides = array<i32>} : memref<64x768xf32, #tpu.memory_space<vmem>>, vector<1x16xf32>,
        %parallel_loop3A_176 = vector.shape_cast %parallel_loop3A_175 : vector<1x16xf32> to vector<16xf32>
        %parallel_loop3A_177 = arith.constant 4 : i32
        %parallel_loop3A_178 = arith.index_cast %parallel_loop3A_177 : i32 to index
        %parallel_loop3A_179 = arith.index_cast %parallel_loop3A_156 : i32 to index
        %parallel_loop3A_180 = tpu.vector_load %arg8[%parallel_loop3A_178, %parallel_loop3A_179] {strides = array<i32>} : memref<64x768xf32, #tpu.memory_space<vmem>>, vector<1x16xf32>,
        %parallel_loop3A_181 = vector.shape_cast %parallel_loop3A_180 : vector<1x16xf32> to vector<16xf32>
        %parallel_loop3A_182 = arith.constant 5 : i32
        %parallel_loop3A_183 = arith.index_cast %parallel_loop3A_182 : i32 to index
        %parallel_loop3A_184 = arith.index_cast %parallel_loop3A_156 : i32 to index
        %parallel_loop3A_185 = tpu.vector_load %arg8[%parallel_loop3A_183, %parallel_loop3A_184] {strides = array<i32>} : memref<64x768xf32, #tpu.memory_space<vmem>>, vector<1x16xf32>,
        %parallel_loop3A_186 = vector.shape_cast %parallel_loop3A_185 : vector<1x16xf32> to vector<16xf32>
        %parallel_loop3A_187 = arith.constant 6 : i32
        %parallel_loop3A_188 = arith.index_cast %parallel_loop3A_187 : i32 to index
        %parallel_loop3A_189 = arith.index_cast %parallel_loop3A_156 : i32 to index
        %parallel_loop3A_190 = tpu.vector_load %arg8[%parallel_loop3A_188, %parallel_loop3A_189] {strides = array<i32>} : memref<64x768xf32, #tpu.memory_space<vmem>>, vector<1x16xf32>,
        %parallel_loop3A_191 = vector.shape_cast %parallel_loop3A_190 : vector<1x16xf32> to vector<16xf32>
        %parallel_loop3A_192 = arith.constant 7 : i32
        %parallel_loop3A_193 = arith.index_cast %parallel_loop3A_192 : i32 to index
        %parallel_loop3A_194 = arith.index_cast %parallel_loop3A_156 : i32 to index
        %parallel_loop3A_195 = tpu.vector_load %arg8[%parallel_loop3A_193, %parallel_loop3A_194] {strides = array<i32>} : memref<64x768xf32, #tpu.memory_space<vmem>>, vector<1x16xf32>,
        %parallel_loop3A_196 = vector.shape_cast %parallel_loop3A_195 : vector<1x16xf32> to vector<16xf32>
        %parallel_loop3A_197 = arith.addf %parallel_loop3A_161, %parallel_loop3A_166 : vector<16xf32>
        %parallel_loop3A_198 = arith.addf %parallel_loop3A_171, %parallel_loop3A_176 : vector<16xf32>
        %parallel_loop3A_199 = arith.addf %parallel_loop3A_181, %parallel_loop3A_186 : vector<16xf32>
        %parallel_loop3A_200 = arith.addf %parallel_loop3A_191, %parallel_loop3A_196 : vector<16xf32>
        %parallel_loop3A_201 = arith.addf %parallel_loop3A_197, %parallel_loop3A_198 : vector<16xf32>
        %parallel_loop3A_202 = arith.addf %parallel_loop3A_199, %parallel_loop3A_200 : vector<16xf32>
        %parallel_loop3A_203 = arith.addf %parallel_loop3A_201, %parallel_loop3A_202 : vector<16xf32>
        %parallel_loop3A_204 = arith.constant 1.250000e-01 : f32
        %parallel_loop3A_205 = vector.broadcast %parallel_loop3A_204 : f32 to vector<16xf32>
        %parallel_loop3A_206 = arith.mulf %parallel_loop3A_203, %parallel_loop3A_205 : vector<16xf32>
        %parallel_loop3A_207 = arith.constant 8 : i32
        %parallel_loop3A_208 = arith.index_cast %parallel_loop3A_207 : i32 to index
        %parallel_loop3A_209 = arith.index_cast %parallel_loop3A_156 : i32 to index
        %parallel_loop3A_210 = tpu.vector_load %arg10[%parallel_loop3A_208, %parallel_loop3A_209] {strides = array<i32>} : memref<16x768xf32, #tpu.memory_space<vmem>>, vector<1x16xf32>,
        %parallel_loop3A_211 = vector.shape_cast %parallel_loop3A_210 : vector<1x16xf32> to vector<16xf32>
        %parallel_loop3A_212 = vector.shape_cast %parallel_loop3A_206 : vector<16xf32> to vector<1x16xf32>
        tpu.vector_store %arg10[%parallel_loop3A_208, %parallel_loop3A_209], %parallel_loop3A_212 {strides = array<i32>} : memref<16x768xf32, #tpu.memory_space<vmem>>, vector<1x16xf32>,
        %parallel_loop3A_213 = arith.constant 8 : i32
        %parallel_loop3A_214 = arith.index_cast %parallel_loop3A_213 : i32 to index
        %parallel_loop3A_215 = arith.index_cast %parallel_loop3A_156 : i32 to index
        %parallel_loop3A_216 = tpu.vector_load %arg8[%parallel_loop3A_214, %parallel_loop3A_215] {strides = array<i32>} : memref<64x768xf32, #tpu.memory_space<vmem>>, vector<1x16xf32>,
        %parallel_loop3A_217 = vector.shape_cast %parallel_loop3A_216 : vector<1x16xf32> to vector<16xf32>
        %parallel_loop3A_218 = arith.constant 9 : i32
        %parallel_loop3A_219 = arith.index_cast %parallel_loop3A_218 : i32 to index
        %parallel_loop3A_220 = arith.index_cast %parallel_loop3A_156 : i32 to index
        %parallel_loop3A_221 = tpu.vector_load %arg8[%parallel_loop3A_219, %parallel_loop3A_220] {strides = array<i32>} : memref<64x768xf32, #tpu.memory_space<vmem>>, vector<1x16xf32>,
        %parallel_loop3A_222 = vector.shape_cast %parallel_loop3A_221 : vector<1x16xf32> to vector<16xf32>
        %parallel_loop3A_223 = arith.constant 10 : i32
        %parallel_loop3A_224 = arith.index_cast %parallel_loop3A_223 : i32 to index
        %parallel_loop3A_225 = arith.index_cast %parallel_loop3A_156 : i32 to index
        %parallel_loop3A_226 = tpu.vector_load %arg8[%parallel_loop3A_224, %parallel_loop3A_225] {strides = array<i32>} : memref<64x768xf32, #tpu.memory_space<vmem>>, vector<1x16xf32>,
        %parallel_loop3A_227 = vector.shape_cast %parallel_loop3A_226 : vector<1x16xf32> to vector<16xf32>
        %parallel_loop3A_228 = arith.constant 11 : i32
        %parallel_loop3A_229 = arith.index_cast %parallel_loop3A_228 : i32 to index
        %parallel_loop3A_230 = arith.index_cast %parallel_loop3A_156 : i32 to index
        %parallel_loop3A_231 = tpu.vector_load %arg8[%parallel_loop3A_229, %parallel_loop3A_230] {strides = array<i32>} : memref<64x768xf32, #tpu.memory_space<vmem>>, vector<1x16xf32>,
        %parallel_loop3A_232 = vector.shape_cast %parallel_loop3A_231 : vector<1x16xf32> to vector<16xf32>
        %parallel_loop3A_233 = arith.constant 12 : i32
        %parallel_loop3A_234 = arith.index_cast %parallel_loop3A_233 : i32 to index
        %parallel_loop3A_235 = arith.index_cast %parallel_loop3A_156 : i32 to index
        %parallel_loop3A_236 = tpu.vector_load %arg8[%parallel_loop3A_234, %parallel_loop3A_235] {strides = array<i32>} : memref<64x768xf32, #tpu.memory_space<vmem>>, vector<1x16xf32>,
        %parallel_loop3A_237 = vector.shape_cast %parallel_loop3A_236 : vector<1x16xf32> to vector<16xf32>
        %parallel_loop3A_238 = arith.constant 13 : i32
        %parallel_loop3A_239 = arith.index_cast %parallel_loop3A_238 : i32 to index
        %parallel_loop3A_240 = arith.index_cast %parallel_loop3A_156 : i32 to index
        %parallel_loop3A_241 = tpu.vector_load %arg8[%parallel_loop3A_239, %parallel_loop3A_240] {strides = array<i32>} : memref<64x768xf32, #tpu.memory_space<vmem>>, vector<1x16xf32>,
        %parallel_loop3A_242 = vector.shape_cast %parallel_loop3A_241 : vector<1x16xf32> to vector<16xf32>
        %parallel_loop3A_243 = arith.constant 14 : i32
        %parallel_loop3A_244 = arith.index_cast %parallel_loop3A_243 : i32 to index
        %parallel_loop3A_245 = arith.index_cast %parallel_loop3A_156 : i32 to index
        %parallel_loop3A_246 = tpu.vector_load %arg8[%parallel_loop3A_244, %parallel_loop3A_245] {strides = array<i32>} : memref<64x768xf32, #tpu.memory_space<vmem>>, vector<1x16xf32>,
        %parallel_loop3A_247 = vector.shape_cast %parallel_loop3A_246 : vector<1x16xf32> to vector<16xf32>
        %parallel_loop3A_248 = arith.constant 15 : i32
        %parallel_loop3A_249 = arith.index_cast %parallel_loop3A_248 : i32 to index
        %parallel_loop3A_250 = arith.index_cast %parallel_loop3A_156 : i32 to index
        %parallel_loop3A_251 = tpu.vector_load %arg8[%parallel_loop3A_249, %parallel_loop3A_250] {strides = array<i32>} : memref<64x768xf32, #tpu.memory_space<vmem>>, vector<1x16xf32>,
        %parallel_loop3A_252 = vector.shape_cast %parallel_loop3A_251 : vector<1x16xf32> to vector<16xf32>
        %parallel_loop3A_253 = arith.addf %parallel_loop3A_217, %parallel_loop3A_222 : vector<16xf32>
        %parallel_loop3A_254 = arith.addf %parallel_loop3A_227, %parallel_loop3A_232 : vector<16xf32>
        %parallel_loop3A_255 = arith.addf %parallel_loop3A_237, %parallel_loop3A_242 : vector<16xf32>
        %parallel_loop3A_256 = arith.addf %parallel_loop3A_247, %parallel_loop3A_252 : vector<16xf32>
        %parallel_loop3A_257 = arith.addf %parallel_loop3A_253, %parallel_loop3A_254 : vector<16xf32>
        %parallel_loop3A_258 = arith.addf %parallel_loop3A_255, %parallel_loop3A_256 : vector<16xf32>
        %parallel_loop3A_259 = arith.addf %parallel_loop3A_257, %parallel_loop3A_258 : vector<16xf32>
        %parallel_loop3A_260 = arith.constant 1.250000e-01 : f32
        %parallel_loop3A_261 = vector.broadcast %parallel_loop3A_260 : f32 to vector<16xf32>
        %parallel_loop3A_262 = arith.mulf %parallel_loop3A_259, %parallel_loop3A_261 : vector<16xf32>
        %parallel_loop3A_263 = arith.constant 9 : i32
        %parallel_loop3A_264 = arith.index_cast %parallel_loop3A_263 : i32 to index
        %parallel_loop3A_265 = arith.index_cast %parallel_loop3A_156 : i32 to index
        %parallel_loop3A_266 = tpu.vector_load %arg10[%parallel_loop3A_264, %parallel_loop3A_265] {strides = array<i32>} : memref<16x768xf32, #tpu.memory_space<vmem>>, vector<1x16xf32>,
        %parallel_loop3A_267 = vector.shape_cast %parallel_loop3A_266 : vector<1x16xf32> to vector<16xf32>
        %parallel_loop3A_268 = vector.shape_cast %parallel_loop3A_262 : vector<16xf32> to vector<1x16xf32>
        tpu.vector_store %arg10[%parallel_loop3A_264, %parallel_loop3A_265], %parallel_loop3A_268 {strides = array<i32>} : memref<16x768xf32, #tpu.memory_space<vmem>>, vector<1x16xf32>,
        %parallel_loop3A_269 = arith.constant 16 : i32
        %parallel_loop3A_270 = arith.index_cast %parallel_loop3A_269 : i32 to index
        %parallel_loop3A_271 = arith.index_cast %parallel_loop3A_156 : i32 to index
        %parallel_loop3A_272 = tpu.vector_load %arg8[%parallel_loop3A_270, %parallel_loop3A_271] {strides = array<i32>} : memref<64x768xf32, #tpu.memory_space<vmem>>, vector<1x16xf32>,
        %parallel_loop3A_273 = vector.shape_cast %parallel_loop3A_272 : vector<1x16xf32> to vector<16xf32>
        %parallel_loop3A_274 = arith.constant 17 : i32
        %parallel_loop3A_275 = arith.index_cast %parallel_loop3A_274 : i32 to index
        %parallel_loop3A_276 = arith.index_cast %parallel_loop3A_156 : i32 to index
        %parallel_loop3A_277 = tpu.vector_load %arg8[%parallel_loop3A_275, %parallel_loop3A_276] {strides = array<i32>} : memref<64x768xf32, #tpu.memory_space<vmem>>, vector<1x16xf32>,
        %parallel_loop3A_278 = vector.shape_cast %parallel_loop3A_277 : vector<1x16xf32> to vector<16xf32>
        %parallel_loop3A_279 = arith.constant 18 : i32
        %parallel_loop3A_280 = arith.index_cast %parallel_loop3A_279 : i32 to index
        %parallel_loop3A_281 = arith.index_cast %parallel_loop3A_156 : i32 to index
        %parallel_loop3A_282 = tpu.vector_load %arg8[%parallel_loop3A_280, %parallel_loop3A_281] {strides = array<i32>} : memref<64x768xf32, #tpu.memory_space<vmem>>, vector<1x16xf32>,
        %parallel_loop3A_283 = vector.shape_cast %parallel_loop3A_282 : vector<1x16xf32> to vector<16xf32>
        %parallel_loop3A_284 = arith.constant 19 : i32
        %parallel_loop3A_285 = arith.index_cast %parallel_loop3A_284 : i32 to index
        %parallel_loop3A_286 = arith.index_cast %parallel_loop3A_156 : i32 to index
        %parallel_loop3A_287 = tpu.vector_load %arg8[%parallel_loop3A_285, %parallel_loop3A_286] {strides = array<i32>} : memref<64x768xf32, #tpu.memory_space<vmem>>, vector<1x16xf32>,
        %parallel_loop3A_288 = vector.shape_cast %parallel_loop3A_287 : vector<1x16xf32> to vector<16xf32>
        %parallel_loop3A_289 = arith.constant 20 : i32
        %parallel_loop3A_290 = arith.index_cast %parallel_loop3A_289 : i32 to index
        %parallel_loop3A_291 = arith.index_cast %parallel_loop3A_156 : i32 to index
        %parallel_loop3A_292 = tpu.vector_load %arg8[%parallel_loop3A_290, %parallel_loop3A_291] {strides = array<i32>} : memref<64x768xf32, #tpu.memory_space<vmem>>, vector<1x16xf32>,
        %parallel_loop3A_293 = vector.shape_cast %parallel_loop3A_292 : vector<1x16xf32> to vector<16xf32>
        %parallel_loop3A_294 = arith.constant 21 : i32
        %parallel_loop3A_295 = arith.index_cast %parallel_loop3A_294 : i32 to index
        %parallel_loop3A_296 = arith.index_cast %parallel_loop3A_156 : i32 to index
        %parallel_loop3A_297 = tpu.vector_load %arg8[%parallel_loop3A_295, %parallel_loop3A_296] {strides = array<i32>} : memref<64x768xf32, #tpu.memory_space<vmem>>, vector<1x16xf32>,
        %parallel_loop3A_298 = vector.shape_cast %parallel_loop3A_297 : vector<1x16xf32> to vector<16xf32>
        %parallel_loop3A_299 = arith.constant 22 : i32
        %parallel_loop3A_300 = arith.index_cast %parallel_loop3A_299 : i32 to index
        %parallel_loop3A_301 = arith.index_cast %parallel_loop3A_156 : i32 to index
        %parallel_loop3A_302 = tpu.vector_load %arg8[%parallel_loop3A_300, %parallel_loop3A_301] {strides = array<i32>} : memref<64x768xf32, #tpu.memory_space<vmem>>, vector<1x16xf32>,
        %parallel_loop3A_303 = vector.shape_cast %parallel_loop3A_302 : vector<1x16xf32> to vector<16xf32>
        %parallel_loop3A_304 = arith.constant 23 : i32
        %parallel_loop3A_305 = arith.index_cast %parallel_loop3A_304 : i32 to index
        %parallel_loop3A_306 = arith.index_cast %parallel_loop3A_156 : i32 to index
        %parallel_loop3A_307 = tpu.vector_load %arg8[%parallel_loop3A_305, %parallel_loop3A_306] {strides = array<i32>} : memref<64x768xf32, #tpu.memory_space<vmem>>, vector<1x16xf32>,
        %parallel_loop3A_308 = vector.shape_cast %parallel_loop3A_307 : vector<1x16xf32> to vector<16xf32>
        %parallel_loop3A_309 = arith.addf %parallel_loop3A_273, %parallel_loop3A_278 : vector<16xf32>
        %parallel_loop3A_310 = arith.addf %parallel_loop3A_283, %parallel_loop3A_288 : vector<16xf32>
        %parallel_loop3A_311 = arith.addf %parallel_loop3A_293, %parallel_loop3A_298 : vector<16xf32>
        %parallel_loop3A_312 = arith.addf %parallel_loop3A_303, %parallel_loop3A_308 : vector<16xf32>
        %parallel_loop3A_313 = arith.addf %parallel_loop3A_309, %parallel_loop3A_310 : vector<16xf32>
        %parallel_loop3A_314 = arith.addf %parallel_loop3A_311, %parallel_loop3A_312 : vector<16xf32>
        %parallel_loop3A_315 = arith.addf %parallel_loop3A_313, %parallel_loop3A_314 : vector<16xf32>
        %parallel_loop3A_316 = arith.constant 1.250000e-01 : f32
        %parallel_loop3A_317 = vector.broadcast %parallel_loop3A_316 : f32 to vector<16xf32>
        %parallel_loop3A_318 = arith.mulf %parallel_loop3A_315, %parallel_loop3A_317 : vector<16xf32>
        %parallel_loop3A_319 = arith.constant 10 : i32
        %parallel_loop3A_320 = arith.index_cast %parallel_loop3A_319 : i32 to index
        %parallel_loop3A_321 = arith.index_cast %parallel_loop3A_156 : i32 to index
        %parallel_loop3A_322 = tpu.vector_load %arg10[%parallel_loop3A_320, %parallel_loop3A_321] {strides = array<i32>} : memref<16x768xf32, #tpu.memory_space<vmem>>, vector<1x16xf32>,
        %parallel_loop3A_323 = vector.shape_cast %parallel_loop3A_322 : vector<1x16xf32> to vector<16xf32>
        %parallel_loop3A_324 = vector.shape_cast %parallel_loop3A_318 : vector<16xf32> to vector<1x16xf32>
        tpu.vector_store %arg10[%parallel_loop3A_320, %parallel_loop3A_321], %parallel_loop3A_324 {strides = array<i32>} : memref<16x768xf32, #tpu.memory_space<vmem>>, vector<1x16xf32>,
        %parallel_loop3A_325 = arith.constant 24 : i32
        %parallel_loop3A_326 = arith.index_cast %parallel_loop3A_325 : i32 to index
        %parallel_loop3A_327 = arith.index_cast %parallel_loop3A_156 : i32 to index
        %parallel_loop3A_328 = tpu.vector_load %arg8[%parallel_loop3A_326, %parallel_loop3A_327] {strides = array<i32>} : memref<64x768xf32, #tpu.memory_space<vmem>>, vector<1x16xf32>,
        %parallel_loop3A_329 = vector.shape_cast %parallel_loop3A_328 : vector<1x16xf32> to vector<16xf32>
        %parallel_loop3A_330 = arith.constant 25 : i32
        %parallel_loop3A_331 = arith.index_cast %parallel_loop3A_330 : i32 to index
        %parallel_loop3A_332 = arith.index_cast %parallel_loop3A_156 : i32 to index
        %parallel_loop3A_333 = tpu.vector_load %arg8[%parallel_loop3A_331, %parallel_loop3A_332] {strides = array<i32>} : memref<64x768xf32, #tpu.memory_space<vmem>>, vector<1x16xf32>,
        %parallel_loop3A_334 = vector.shape_cast %parallel_loop3A_333 : vector<1x16xf32> to vector<16xf32>
        %parallel_loop3A_335 = arith.constant 26 : i32
        %parallel_loop3A_336 = arith.index_cast %parallel_loop3A_335 : i32 to index
        %parallel_loop3A_337 = arith.index_cast %parallel_loop3A_156 : i32 to index
        %parallel_loop3A_338 = tpu.vector_load %arg8[%parallel_loop3A_336, %parallel_loop3A_337] {strides = array<i32>} : memref<64x768xf32, #tpu.memory_space<vmem>>, vector<1x16xf32>,
        %parallel_loop3A_339 = vector.shape_cast %parallel_loop3A_338 : vector<1x16xf32> to vector<16xf32>
        %parallel_loop3A_340 = arith.constant 27 : i32
        %parallel_loop3A_341 = arith.index_cast %parallel_loop3A_340 : i32 to index
        %parallel_loop3A_342 = arith.index_cast %parallel_loop3A_156 : i32 to index
        %parallel_loop3A_343 = tpu.vector_load %arg8[%parallel_loop3A_341, %parallel_loop3A_342] {strides = array<i32>} : memref<64x768xf32, #tpu.memory_space<vmem>>, vector<1x16xf32>,
        %parallel_loop3A_344 = vector.shape_cast %parallel_loop3A_343 : vector<1x16xf32> to vector<16xf32>
        %parallel_loop3A_345 = arith.constant 28 : i32
        %parallel_loop3A_346 = arith.index_cast %parallel_loop3A_345 : i32 to index
        %parallel_loop3A_347 = arith.index_cast %parallel_loop3A_156 : i32 to index
        %parallel_loop3A_348 = tpu.vector_load %arg8[%parallel_loop3A_346, %parallel_loop3A_347] {strides = array<i32>} : memref<64x768xf32, #tpu.memory_space<vmem>>, vector<1x16xf32>,
        %parallel_loop3A_349 = vector.shape_cast %parallel_loop3A_348 : vector<1x16xf32> to vector<16xf32>
        %parallel_loop3A_350 = arith.constant 29 : i32
        %parallel_loop3A_351 = arith.index_cast %parallel_loop3A_350 : i32 to index
        %parallel_loop3A_352 = arith.index_cast %parallel_loop3A_156 : i32 to index
        %parallel_loop3A_353 = tpu.vector_load %arg8[%parallel_loop3A_351, %parallel_loop3A_352] {strides = array<i32>} : memref<64x768xf32, #tpu.memory_space<vmem>>, vector<1x16xf32>,
        %parallel_loop3A_354 = vector.shape_cast %parallel_loop3A_353 : vector<1x16xf32> to vector<16xf32>
        %parallel_loop3A_355 = arith.constant 30 : i32
        %parallel_loop3A_356 = arith.index_cast %parallel_loop3A_355 : i32 to index
        %parallel_loop3A_357 = arith.index_cast %parallel_loop3A_156 : i32 to index
        %parallel_loop3A_358 = tpu.vector_load %arg8[%parallel_loop3A_356, %parallel_loop3A_357] {strides = array<i32>} : memref<64x768xf32, #tpu.memory_space<vmem>>, vector<1x16xf32>,
        %parallel_loop3A_359 = vector.shape_cast %parallel_loop3A_358 : vector<1x16xf32> to vector<16xf32>
        %parallel_loop3A_360 = arith.constant 31 : i32
        %parallel_loop3A_361 = arith.index_cast %parallel_loop3A_360 : i32 to index
        %parallel_loop3A_362 = arith.index_cast %parallel_loop3A_156 : i32 to index
        %parallel_loop3A_363 = tpu.vector_load %arg8[%parallel_loop3A_361, %parallel_loop3A_362] {strides = array<i32>} : memref<64x768xf32, #tpu.memory_space<vmem>>, vector<1x16xf32>,
        %parallel_loop3A_364 = vector.shape_cast %parallel_loop3A_363 : vector<1x16xf32> to vector<16xf32>
        %parallel_loop3A_365 = arith.addf %parallel_loop3A_329, %parallel_loop3A_334 : vector<16xf32>
        %parallel_loop3A_366 = arith.addf %parallel_loop3A_339, %parallel_loop3A_344 : vector<16xf32>
        %parallel_loop3A_367 = arith.addf %parallel_loop3A_349, %parallel_loop3A_354 : vector<16xf32>
        %parallel_loop3A_368 = arith.addf %parallel_loop3A_359, %parallel_loop3A_364 : vector<16xf32>
        %parallel_loop3A_369 = arith.addf %parallel_loop3A_365, %parallel_loop3A_366 : vector<16xf32>
        %parallel_loop3A_370 = arith.addf %parallel_loop3A_367, %parallel_loop3A_368 : vector<16xf32>
        %parallel_loop3A_371 = arith.addf %parallel_loop3A_369, %parallel_loop3A_370 : vector<16xf32>
        %parallel_loop3A_372 = arith.constant 1.250000e-01 : f32
        %parallel_loop3A_373 = vector.broadcast %parallel_loop3A_372 : f32 to vector<16xf32>
        %parallel_loop3A_374 = arith.mulf %parallel_loop3A_371, %parallel_loop3A_373 : vector<16xf32>
        %parallel_loop3A_375 = arith.constant 11 : i32
        %parallel_loop3A_376 = arith.index_cast %parallel_loop3A_375 : i32 to index
        %parallel_loop3A_377 = arith.index_cast %parallel_loop3A_156 : i32 to index
        %parallel_loop3A_378 = tpu.vector_load %arg10[%parallel_loop3A_376, %parallel_loop3A_377] {strides = array<i32>} : memref<16x768xf32, #tpu.memory_space<vmem>>, vector<1x16xf32>,
        %parallel_loop3A_379 = vector.shape_cast %parallel_loop3A_378 : vector<1x16xf32> to vector<16xf32>
        %parallel_loop3A_380 = vector.shape_cast %parallel_loop3A_374 : vector<16xf32> to vector<1x16xf32>
        tpu.vector_store %arg10[%parallel_loop3A_376, %parallel_loop3A_377], %parallel_loop3A_380 {strides = array<i32>} : memref<16x768xf32, #tpu.memory_space<vmem>>, vector<1x16xf32>,
        %parallel_loop3A_381 = arith.constant 32 : i32
        %parallel_loop3A_382 = arith.index_cast %parallel_loop3A_381 : i32 to index
        %parallel_loop3A_383 = arith.index_cast %parallel_loop3A_156 : i32 to index
        %parallel_loop3A_384 = tpu.vector_load %arg8[%parallel_loop3A_382, %parallel_loop3A_383] {strides = array<i32>} : memref<64x768xf32, #tpu.memory_space<vmem>>, vector<1x16xf32>,
        %parallel_loop3A_385 = vector.shape_cast %parallel_loop3A_384 : vector<1x16xf32> to vector<16xf32>
        %parallel_loop3A_386 = arith.constant 33 : i32
        %parallel_loop3A_387 = arith.index_cast %parallel_loop3A_386 : i32 to index
        %parallel_loop3A_388 = arith.index_cast %parallel_loop3A_156 : i32 to index
        %parallel_loop3A_389 = tpu.vector_load %arg8[%parallel_loop3A_387, %parallel_loop3A_388] {strides = array<i32>} : memref<64x768xf32, #tpu.memory_space<vmem>>, vector<1x16xf32>,
        %parallel_loop3A_390 = vector.shape_cast %parallel_loop3A_389 : vector<1x16xf32> to vector<16xf32>
        %parallel_loop3A_391 = arith.constant 34 : i32
        %parallel_loop3A_392 = arith.index_cast %parallel_loop3A_391 : i32 to index
        %parallel_loop3A_393 = arith.index_cast %parallel_loop3A_156 : i32 to index
        %parallel_loop3A_394 = tpu.vector_load %arg8[%parallel_loop3A_392, %parallel_loop3A_393] {strides = array<i32>} : memref<64x768xf32, #tpu.memory_space<vmem>>, vector<1x16xf32>,
        %parallel_loop3A_395 = vector.shape_cast %parallel_loop3A_394 : vector<1x16xf32> to vector<16xf32>
        %parallel_loop3A_396 = arith.constant 35 : i32
        %parallel_loop3A_397 = arith.index_cast %parallel_loop3A_396 : i32 to index
        %parallel_loop3A_398 = arith.index_cast %parallel_loop3A_156 : i32 to index
        %parallel_loop3A_399 = tpu.vector_load %arg8[%parallel_loop3A_397, %parallel_loop3A_398] {strides = array<i32>} : memref<64x768xf32, #tpu.memory_space<vmem>>, vector<1x16xf32>,
        %parallel_loop3A_400 = vector.shape_cast %parallel_loop3A_399 : vector<1x16xf32> to vector<16xf32>
        %parallel_loop3A_401 = arith.constant 36 : i32
        %parallel_loop3A_402 = arith.index_cast %parallel_loop3A_401 : i32 to index
        %parallel_loop3A_403 = arith.index_cast %parallel_loop3A_156 : i32 to index
        %parallel_loop3A_404 = tpu.vector_load %arg8[%parallel_loop3A_402, %parallel_loop3A_403] {strides = array<i32>} : memref<64x768xf32, #tpu.memory_space<vmem>>, vector<1x16xf32>,
        %parallel_loop3A_405 = vector.shape_cast %parallel_loop3A_404 : vector<1x16xf32> to vector<16xf32>
        %parallel_loop3A_406 = arith.constant 37 : i32
        %parallel_loop3A_407 = arith.index_cast %parallel_loop3A_406 : i32 to index
        %parallel_loop3A_408 = arith.index_cast %parallel_loop3A_156 : i32 to index
        %parallel_loop3A_409 = tpu.vector_load %arg8[%parallel_loop3A_407, %parallel_loop3A_408] {strides = array<i32>} : memref<64x768xf32, #tpu.memory_space<vmem>>, vector<1x16xf32>,
        %parallel_loop3A_410 = vector.shape_cast %parallel_loop3A_409 : vector<1x16xf32> to vector<16xf32>
        %parallel_loop3A_411 = arith.constant 38 : i32
        %parallel_loop3A_412 = arith.index_cast %parallel_loop3A_411 : i32 to index
        %parallel_loop3A_413 = arith.index_cast %parallel_loop3A_156 : i32 to index
        %parallel_loop3A_414 = tpu.vector_load %arg8[%parallel_loop3A_412, %parallel_loop3A_413] {strides = array<i32>} : memref<64x768xf32, #tpu.memory_space<vmem>>, vector<1x16xf32>,
        %parallel_loop3A_415 = vector.shape_cast %parallel_loop3A_414 : vector<1x16xf32> to vector<16xf32>
        %parallel_loop3A_416 = arith.constant 39 : i32
        %parallel_loop3A_417 = arith.index_cast %parallel_loop3A_416 : i32 to index
        %parallel_loop3A_418 = arith.index_cast %parallel_loop3A_156 : i32 to index
        %parallel_loop3A_419 = tpu.vector_load %arg8[%parallel_loop3A_417, %parallel_loop3A_418] {strides = array<i32>} : memref<64x768xf32, #tpu.memory_space<vmem>>, vector<1x16xf32>,
        %parallel_loop3A_420 = vector.shape_cast %parallel_loop3A_419 : vector<1x16xf32> to vector<16xf32>
        %parallel_loop3A_421 = arith.addf %parallel_loop3A_385, %parallel_loop3A_390 : vector<16xf32>
        %parallel_loop3A_422 = arith.addf %parallel_loop3A_395, %parallel_loop3A_400 : vector<16xf32>
        %parallel_loop3A_423 = arith.addf %parallel_loop3A_405, %parallel_loop3A_410 : vector<16xf32>
        %parallel_loop3A_424 = arith.addf %parallel_loop3A_415, %parallel_loop3A_420 : vector<16xf32>
        %parallel_loop3A_425 = arith.addf %parallel_loop3A_421, %parallel_loop3A_422 : vector<16xf32>
        %parallel_loop3A_426 = arith.addf %parallel_loop3A_423, %parallel_loop3A_424 : vector<16xf32>
        %parallel_loop3A_427 = arith.addf %parallel_loop3A_425, %parallel_loop3A_426 : vector<16xf32>
        %parallel_loop3A_428 = arith.constant 1.250000e-01 : f32
        %parallel_loop3A_429 = vector.broadcast %parallel_loop3A_428 : f32 to vector<16xf32>
        %parallel_loop3A_430 = arith.mulf %parallel_loop3A_427, %parallel_loop3A_429 : vector<16xf32>
        %parallel_loop3A_431 = arith.constant 12 : i32
        %parallel_loop3A_432 = arith.index_cast %parallel_loop3A_431 : i32 to index
        %parallel_loop3A_433 = arith.index_cast %parallel_loop3A_156 : i32 to index
        %parallel_loop3A_434 = tpu.vector_load %arg10[%parallel_loop3A_432, %parallel_loop3A_433] {strides = array<i32>} : memref<16x768xf32, #tpu.memory_space<vmem>>, vector<1x16xf32>,
        %parallel_loop3A_435 = vector.shape_cast %parallel_loop3A_434 : vector<1x16xf32> to vector<16xf32>
        %parallel_loop3A_436 = vector.shape_cast %parallel_loop3A_430 : vector<16xf32> to vector<1x16xf32>
        tpu.vector_store %arg10[%parallel_loop3A_432, %parallel_loop3A_433], %parallel_loop3A_436 {strides = array<i32>} : memref<16x768xf32, #tpu.memory_space<vmem>>, vector<1x16xf32>,
        %parallel_loop3A_437 = arith.constant 40 : i32
        %parallel_loop3A_438 = arith.index_cast %parallel_loop3A_437 : i32 to index
        %parallel_loop3A_439 = arith.index_cast %parallel_loop3A_156 : i32 to index
        %parallel_loop3A_440 = tpu.vector_load %arg8[%parallel_loop3A_438, %parallel_loop3A_439] {strides = array<i32>} : memref<64x768xf32, #tpu.memory_space<vmem>>, vector<1x16xf32>,
        %parallel_loop3A_441 = vector.shape_cast %parallel_loop3A_440 : vector<1x16xf32> to vector<16xf32>
        %parallel_loop3A_442 = arith.constant 41 : i32
        %parallel_loop3A_443 = arith.index_cast %parallel_loop3A_442 : i32 to index
        %parallel_loop3A_444 = arith.index_cast %parallel_loop3A_156 : i32 to index
        %parallel_loop3A_445 = tpu.vector_load %arg8[%parallel_loop3A_443, %parallel_loop3A_444] {strides = array<i32>} : memref<64x768xf32, #tpu.memory_space<vmem>>, vector<1x16xf32>,
        %parallel_loop3A_446 = vector.shape_cast %parallel_loop3A_445 : vector<1x16xf32> to vector<16xf32>
        %parallel_loop3A_447 = arith.constant 42 : i32
        %parallel_loop3A_448 = arith.index_cast %parallel_loop3A_447 : i32 to index
        %parallel_loop3A_449 = arith.index_cast %parallel_loop3A_156 : i32 to index
        %parallel_loop3A_450 = tpu.vector_load %arg8[%parallel_loop3A_448, %parallel_loop3A_449] {strides = array<i32>} : memref<64x768xf32, #tpu.memory_space<vmem>>, vector<1x16xf32>,
        %parallel_loop3A_451 = vector.shape_cast %parallel_loop3A_450 : vector<1x16xf32> to vector<16xf32>
        %parallel_loop3A_452 = arith.constant 43 : i32
        %parallel_loop3A_453 = arith.index_cast %parallel_loop3A_452 : i32 to index
        %parallel_loop3A_454 = arith.index_cast %parallel_loop3A_156 : i32 to index
        %parallel_loop3A_455 = tpu.vector_load %arg8[%parallel_loop3A_453, %parallel_loop3A_454] {strides = array<i32>} : memref<64x768xf32, #tpu.memory_space<vmem>>, vector<1x16xf32>,
        %parallel_loop3A_456 = vector.shape_cast %parallel_loop3A_455 : vector<1x16xf32> to vector<16xf32>
        %parallel_loop3A_457 = arith.constant 44 : i32
        %parallel_loop3A_458 = arith.index_cast %parallel_loop3A_457 : i32 to index
        %parallel_loop3A_459 = arith.index_cast %parallel_loop3A_156 : i32 to index
        %parallel_loop3A_460 = tpu.vector_load %arg8[%parallel_loop3A_458, %parallel_loop3A_459] {strides = array<i32>} : memref<64x768xf32, #tpu.memory_space<vmem>>, vector<1x16xf32>,
        %parallel_loop3A_461 = vector.shape_cast %parallel_loop3A_460 : vector<1x16xf32> to vector<16xf32>
        %parallel_loop3A_462 = arith.constant 45 : i32
        %parallel_loop3A_463 = arith.index_cast %parallel_loop3A_462 : i32 to index
        %parallel_loop3A_464 = arith.index_cast %parallel_loop3A_156 : i32 to index
        %parallel_loop3A_465 = tpu.vector_load %arg8[%parallel_loop3A_463, %parallel_loop3A_464] {strides = array<i32>} : memref<64x768xf32, #tpu.memory_space<vmem>>, vector<1x16xf32>,
        %parallel_loop3A_466 = vector.shape_cast %parallel_loop3A_465 : vector<1x16xf32> to vector<16xf32>
        %parallel_loop3A_467 = arith.constant 46 : i32
        %parallel_loop3A_468 = arith.index_cast %parallel_loop3A_467 : i32 to index
        %parallel_loop3A_469 = arith.index_cast %parallel_loop3A_156 : i32 to index
        %parallel_loop3A_470 = tpu.vector_load %arg8[%parallel_loop3A_468, %parallel_loop3A_469] {strides = array<i32>} : memref<64x768xf32, #tpu.memory_space<vmem>>, vector<1x16xf32>,
        %parallel_loop3A_471 = vector.shape_cast %parallel_loop3A_470 : vector<1x16xf32> to vector<16xf32>
        %parallel_loop3A_472 = arith.constant 47 : i32
        %parallel_loop3A_473 = arith.index_cast %parallel_loop3A_472 : i32 to index
        %parallel_loop3A_474 = arith.index_cast %parallel_loop3A_156 : i32 to index
        %parallel_loop3A_475 = tpu.vector_load %arg8[%parallel_loop3A_473, %parallel_loop3A_474] {strides = array<i32>} : memref<64x768xf32, #tpu.memory_space<vmem>>, vector<1x16xf32>,
        %parallel_loop3A_476 = vector.shape_cast %parallel_loop3A_475 : vector<1x16xf32> to vector<16xf32>
        %parallel_loop3A_477 = arith.addf %parallel_loop3A_441, %parallel_loop3A_446 : vector<16xf32>
        %parallel_loop3A_478 = arith.addf %parallel_loop3A_451, %parallel_loop3A_456 : vector<16xf32>
        %parallel_loop3A_479 = arith.addf %parallel_loop3A_461, %parallel_loop3A_466 : vector<16xf32>
        %parallel_loop3A_480 = arith.addf %parallel_loop3A_471, %parallel_loop3A_476 : vector<16xf32>
        %parallel_loop3A_481 = arith.addf %parallel_loop3A_477, %parallel_loop3A_478 : vector<16xf32>
        %parallel_loop3A_482 = arith.addf %parallel_loop3A_479, %parallel_loop3A_480 : vector<16xf32>
        %parallel_loop3A_483 = arith.addf %parallel_loop3A_481, %parallel_loop3A_482 : vector<16xf32>
        %parallel_loop3A_484 = arith.constant 1.250000e-01 : f32
        %parallel_loop3A_485 = vector.broadcast %parallel_loop3A_484 : f32 to vector<16xf32>
        %parallel_loop3A_486 = arith.mulf %parallel_loop3A_483, %parallel_loop3A_485 : vector<16xf32>
        %parallel_loop3A_487 = arith.constant 13 : i32
        %parallel_loop3A_488 = arith.index_cast %parallel_loop3A_487 : i32 to index
        %parallel_loop3A_489 = arith.index_cast %parallel_loop3A_156 : i32 to index
        %parallel_loop3A_490 = tpu.vector_load %arg10[%parallel_loop3A_488, %parallel_loop3A_489] {strides = array<i32>} : memref<16x768xf32, #tpu.memory_space<vmem>>, vector<1x16xf32>,
        %parallel_loop3A_491 = vector.shape_cast %parallel_loop3A_490 : vector<1x16xf32> to vector<16xf32>
        %parallel_loop3A_492 = vector.shape_cast %parallel_loop3A_486 : vector<16xf32> to vector<1x16xf32>
        tpu.vector_store %arg10[%parallel_loop3A_488, %parallel_loop3A_489], %parallel_loop3A_492 {strides = array<i32>} : memref<16x768xf32, #tpu.memory_space<vmem>>, vector<1x16xf32>,
        %parallel_loop3A_493 = arith.constant 48 : i32
        %parallel_loop3A_494 = arith.index_cast %parallel_loop3A_493 : i32 to index
        %parallel_loop3A_495 = arith.index_cast %parallel_loop3A_156 : i32 to index
        %parallel_loop3A_496 = tpu.vector_load %arg8[%parallel_loop3A_494, %parallel_loop3A_495] {strides = array<i32>} : memref<64x768xf32, #tpu.memory_space<vmem>>, vector<1x16xf32>,
        %parallel_loop3A_497 = vector.shape_cast %parallel_loop3A_496 : vector<1x16xf32> to vector<16xf32>
        %parallel_loop3A_498 = arith.constant 49 : i32
        %parallel_loop3A_499 = arith.index_cast %parallel_loop3A_498 : i32 to index
        %parallel_loop3A_500 = arith.index_cast %parallel_loop3A_156 : i32 to index
        %parallel_loop3A_501 = tpu.vector_load %arg8[%parallel_loop3A_499, %parallel_loop3A_500] {strides = array<i32>} : memref<64x768xf32, #tpu.memory_space<vmem>>, vector<1x16xf32>,
        %parallel_loop3A_502 = vector.shape_cast %parallel_loop3A_501 : vector<1x16xf32> to vector<16xf32>
        %parallel_loop3A_503 = arith.constant 50 : i32
        %parallel_loop3A_504 = arith.index_cast %parallel_loop3A_503 : i32 to index
        %parallel_loop3A_505 = arith.index_cast %parallel_loop3A_156 : i32 to index
        %parallel_loop3A_506 = tpu.vector_load %arg8[%parallel_loop3A_504, %parallel_loop3A_505] {strides = array<i32>} : memref<64x768xf32, #tpu.memory_space<vmem>>, vector<1x16xf32>,
        %parallel_loop3A_507 = vector.shape_cast %parallel_loop3A_506 : vector<1x16xf32> to vector<16xf32>
        %parallel_loop3A_508 = arith.constant 51 : i32
        %parallel_loop3A_509 = arith.index_cast %parallel_loop3A_508 : i32 to index
        %parallel_loop3A_510 = arith.index_cast %parallel_loop3A_156 : i32 to index
        %parallel_loop3A_511 = tpu.vector_load %arg8[%parallel_loop3A_509, %parallel_loop3A_510] {strides = array<i32>} : memref<64x768xf32, #tpu.memory_space<vmem>>, vector<1x16xf32>,
        %parallel_loop3A_512 = vector.shape_cast %parallel_loop3A_511 : vector<1x16xf32> to vector<16xf32>
        %parallel_loop3A_513 = arith.constant 52 : i32
        %parallel_loop3A_514 = arith.index_cast %parallel_loop3A_513 : i32 to index
        %parallel_loop3A_515 = arith.index_cast %parallel_loop3A_156 : i32 to index
        %parallel_loop3A_516 = tpu.vector_load %arg8[%parallel_loop3A_514, %parallel_loop3A_515] {strides = array<i32>} : memref<64x768xf32, #tpu.memory_space<vmem>>, vector<1x16xf32>,
        %parallel_loop3A_517 = vector.shape_cast %parallel_loop3A_516 : vector<1x16xf32> to vector<16xf32>
        %parallel_loop3A_518 = arith.constant 53 : i32
        %parallel_loop3A_519 = arith.index_cast %parallel_loop3A_518 : i32 to index
        %parallel_loop3A_520 = arith.index_cast %parallel_loop3A_156 : i32 to index
        %parallel_loop3A_521 = tpu.vector_load %arg8[%parallel_loop3A_519, %parallel_loop3A_520] {strides = array<i32>} : memref<64x768xf32, #tpu.memory_space<vmem>>, vector<1x16xf32>,
        %parallel_loop3A_522 = vector.shape_cast %parallel_loop3A_521 : vector<1x16xf32> to vector<16xf32>
        %parallel_loop3A_523 = arith.constant 54 : i32
        %parallel_loop3A_524 = arith.index_cast %parallel_loop3A_523 : i32 to index
        %parallel_loop3A_525 = arith.index_cast %parallel_loop3A_156 : i32 to index
        %parallel_loop3A_526 = tpu.vector_load %arg8[%parallel_loop3A_524, %parallel_loop3A_525] {strides = array<i32>} : memref<64x768xf32, #tpu.memory_space<vmem>>, vector<1x16xf32>,
        %parallel_loop3A_527 = vector.shape_cast %parallel_loop3A_526 : vector<1x16xf32> to vector<16xf32>
        %parallel_loop3A_528 = arith.constant 55 : i32
        %parallel_loop3A_529 = arith.index_cast %parallel_loop3A_528 : i32 to index
        %parallel_loop3A_530 = arith.index_cast %parallel_loop3A_156 : i32 to index
        %parallel_loop3A_531 = tpu.vector_load %arg8[%parallel_loop3A_529, %parallel_loop3A_530] {strides = array<i32>} : memref<64x768xf32, #tpu.memory_space<vmem>>, vector<1x16xf32>,
        %parallel_loop3A_532 = vector.shape_cast %parallel_loop3A_531 : vector<1x16xf32> to vector<16xf32>
        %parallel_loop3A_533 = arith.addf %parallel_loop3A_497, %parallel_loop3A_502 : vector<16xf32>
        %parallel_loop3A_534 = arith.addf %parallel_loop3A_507, %parallel_loop3A_512 : vector<16xf32>
        %parallel_loop3A_535 = arith.addf %parallel_loop3A_517, %parallel_loop3A_522 : vector<16xf32>
        %parallel_loop3A_536 = arith.addf %parallel_loop3A_527, %parallel_loop3A_532 : vector<16xf32>
        %parallel_loop3A_537 = arith.addf %parallel_loop3A_533, %parallel_loop3A_534 : vector<16xf32>
        %parallel_loop3A_538 = arith.addf %parallel_loop3A_535, %parallel_loop3A_536 : vector<16xf32>
        %parallel_loop3A_539 = arith.addf %parallel_loop3A_537, %parallel_loop3A_538 : vector<16xf32>
        %parallel_loop3A_540 = arith.constant 1.250000e-01 : f32
        %parallel_loop3A_541 = vector.broadcast %parallel_loop3A_540 : f32 to vector<16xf32>
        %parallel_loop3A_542 = arith.mulf %parallel_loop3A_539, %parallel_loop3A_541 : vector<16xf32>
        %parallel_loop3A_543 = arith.constant 14 : i32
        %parallel_loop3A_544 = arith.index_cast %parallel_loop3A_543 : i32 to index
        %parallel_loop3A_545 = arith.index_cast %parallel_loop3A_156 : i32 to index
        %parallel_loop3A_546 = tpu.vector_load %arg10[%parallel_loop3A_544, %parallel_loop3A_545] {strides = array<i32>} : memref<16x768xf32, #tpu.memory_space<vmem>>, vector<1x16xf32>,
        %parallel_loop3A_547 = vector.shape_cast %parallel_loop3A_546 : vector<1x16xf32> to vector<16xf32>
        %parallel_loop3A_548 = vector.shape_cast %parallel_loop3A_542 : vector<16xf32> to vector<1x16xf32>
        tpu.vector_store %arg10[%parallel_loop3A_544, %parallel_loop3A_545], %parallel_loop3A_548 {strides = array<i32>} : memref<16x768xf32, #tpu.memory_space<vmem>>, vector<1x16xf32>,
        %parallel_loop3A_549 = arith.constant 56 : i32
        %parallel_loop3A_550 = arith.index_cast %parallel_loop3A_549 : i32 to index
        %parallel_loop3A_551 = arith.index_cast %parallel_loop3A_156 : i32 to index
        %parallel_loop3A_552 = tpu.vector_load %arg8[%parallel_loop3A_550, %parallel_loop3A_551] {strides = array<i32>} : memref<64x768xf32, #tpu.memory_space<vmem>>, vector<1x16xf32>,
        %parallel_loop3A_553 = vector.shape_cast %parallel_loop3A_552 : vector<1x16xf32> to vector<16xf32>
        %parallel_loop3A_554 = arith.constant 57 : i32
        %parallel_loop3A_555 = arith.index_cast %parallel_loop3A_554 : i32 to index
        %parallel_loop3A_556 = arith.index_cast %parallel_loop3A_156 : i32 to index
        %parallel_loop3A_557 = tpu.vector_load %arg8[%parallel_loop3A_555, %parallel_loop3A_556] {strides = array<i32>} : memref<64x768xf32, #tpu.memory_space<vmem>>, vector<1x16xf32>,
        %parallel_loop3A_558 = vector.shape_cast %parallel_loop3A_557 : vector<1x16xf32> to vector<16xf32>
        %parallel_loop3A_559 = arith.constant 58 : i32
        %parallel_loop3A_560 = arith.index_cast %parallel_loop3A_559 : i32 to index
        %parallel_loop3A_561 = arith.index_cast %parallel_loop3A_156 : i32 to index
        %parallel_loop3A_562 = tpu.vector_load %arg8[%parallel_loop3A_560, %parallel_loop3A_561] {strides = array<i32>} : memref<64x768xf32, #tpu.memory_space<vmem>>, vector<1x16xf32>,
        %parallel_loop3A_563 = vector.shape_cast %parallel_loop3A_562 : vector<1x16xf32> to vector<16xf32>
        %parallel_loop3A_564 = arith.constant 59 : i32
        %parallel_loop3A_565 = arith.index_cast %parallel_loop3A_564 : i32 to index
        %parallel_loop3A_566 = arith.index_cast %parallel_loop3A_156 : i32 to index
        %parallel_loop3A_567 = tpu.vector_load %arg8[%parallel_loop3A_565, %parallel_loop3A_566] {strides = array<i32>} : memref<64x768xf32, #tpu.memory_space<vmem>>, vector<1x16xf32>,
        %parallel_loop3A_568 = vector.shape_cast %parallel_loop3A_567 : vector<1x16xf32> to vector<16xf32>
        %parallel_loop3A_569 = arith.constant 60 : i32
        %parallel_loop3A_570 = arith.index_cast %parallel_loop3A_569 : i32 to index
        %parallel_loop3A_571 = arith.index_cast %parallel_loop3A_156 : i32 to index
        %parallel_loop3A_572 = tpu.vector_load %arg8[%parallel_loop3A_570, %parallel_loop3A_571] {strides = array<i32>} : memref<64x768xf32, #tpu.memory_space<vmem>>, vector<1x16xf32>,
        %parallel_loop3A_573 = vector.shape_cast %parallel_loop3A_572 : vector<1x16xf32> to vector<16xf32>
        %parallel_loop3A_574 = arith.constant 61 : i32
        %parallel_loop3A_575 = arith.index_cast %parallel_loop3A_574 : i32 to index
        %parallel_loop3A_576 = arith.index_cast %parallel_loop3A_156 : i32 to index
        %parallel_loop3A_577 = tpu.vector_load %arg8[%parallel_loop3A_575, %parallel_loop3A_576] {strides = array<i32>} : memref<64x768xf32, #tpu.memory_space<vmem>>, vector<1x16xf32>,
        %parallel_loop3A_578 = vector.shape_cast %parallel_loop3A_577 : vector<1x16xf32> to vector<16xf32>
        %parallel_loop3A_579 = arith.constant 62 : i32
        %parallel_loop3A_580 = arith.index_cast %parallel_loop3A_579 : i32 to index
        %parallel_loop3A_581 = arith.index_cast %parallel_loop3A_156 : i32 to index
        %parallel_loop3A_582 = tpu.vector_load %arg8[%parallel_loop3A_580, %parallel_loop3A_581] {strides = array<i32>} : memref<64x768xf32, #tpu.memory_space<vmem>>, vector<1x16xf32>,
        %parallel_loop3A_583 = vector.shape_cast %parallel_loop3A_582 : vector<1x16xf32> to vector<16xf32>
        %parallel_loop3A_584 = arith.constant 63 : i32
        %parallel_loop3A_585 = arith.index_cast %parallel_loop3A_584 : i32 to index
        %parallel_loop3A_586 = arith.index_cast %parallel_loop3A_156 : i32 to index
        %parallel_loop3A_587 = tpu.vector_load %arg8[%parallel_loop3A_585, %parallel_loop3A_586] {strides = array<i32>} : memref<64x768xf32, #tpu.memory_space<vmem>>, vector<1x16xf32>,
        %parallel_loop3A_588 = vector.shape_cast %parallel_loop3A_587 : vector<1x16xf32> to vector<16xf32>
        %parallel_loop3A_589 = arith.addf %parallel_loop3A_553, %parallel_loop3A_558 : vector<16xf32>
        %parallel_loop3A_590 = arith.addf %parallel_loop3A_563, %parallel_loop3A_568 : vector<16xf32>
        %parallel_loop3A_591 = arith.addf %parallel_loop3A_573, %parallel_loop3A_578 : vector<16xf32>
        %parallel_loop3A_592 = arith.addf %parallel_loop3A_583, %parallel_loop3A_588 : vector<16xf32>
        %parallel_loop3A_593 = arith.addf %parallel_loop3A_589, %parallel_loop3A_590 : vector<16xf32>
        %parallel_loop3A_594 = arith.addf %parallel_loop3A_591, %parallel_loop3A_592 : vector<16xf32>
        %parallel_loop3A_595 = arith.addf %parallel_loop3A_593, %parallel_loop3A_594 : vector<16xf32>
        %parallel_loop3A_596 = arith.constant 1.250000e-01 : f32
        %parallel_loop3A_597 = vector.broadcast %parallel_loop3A_596 : f32 to vector<16xf32>
        %parallel_loop3A_598 = arith.mulf %parallel_loop3A_595, %parallel_loop3A_597 : vector<16xf32>
        %parallel_loop3A_599 = arith.constant 15 : i32
        %parallel_loop3A_600 = arith.index_cast %parallel_loop3A_599 : i32 to index
        %parallel_loop3A_601 = arith.index_cast %parallel_loop3A_156 : i32 to index
        %parallel_loop3A_602 = tpu.vector_load %arg10[%parallel_loop3A_600, %parallel_loop3A_601] {strides = array<i32>} : memref<16x768xf32, #tpu.memory_space<vmem>>, vector<1x16xf32>,
        %parallel_loop3A_603 = vector.shape_cast %parallel_loop3A_602 : vector<1x16xf32> to vector<16xf32>
        %parallel_loop3A_604 = vector.shape_cast %parallel_loop3A_598 : vector<16xf32> to vector<1x16xf32>
        tpu.vector_store %arg10[%parallel_loop3A_600, %parallel_loop3A_601], %parallel_loop3A_604 {strides = array<i32>} : memref<16x768xf32, #tpu.memory_space<vmem>>, vector<1x16xf32>,
        %parallel_loop3A_605 = arith.addf %parallel_loop3A_203, %parallel_loop3A_259 : vector<16xf32>
        %parallel_loop3A_606 = arith.addf %parallel_loop3A_315, %parallel_loop3A_371 : vector<16xf32>
        %parallel_loop3A_607 = arith.addf %parallel_loop3A_427, %parallel_loop3A_483 : vector<16xf32>
        %parallel_loop3A_608 = arith.addf %parallel_loop3A_539, %parallel_loop3A_595 : vector<16xf32>
        %parallel_loop3A_609 = arith.addf %parallel_loop3A_605, %parallel_loop3A_606 : vector<16xf32>
        %parallel_loop3A_610 = arith.addf %parallel_loop3A_607, %parallel_loop3A_608 : vector<16xf32>
        %parallel_loop3A_611 = arith.addf %parallel_loop3A_609, %parallel_loop3A_610 : vector<16xf32>
        %parallel_loop3A_612 = arith.constant 7.812500e-03 : f32
        %parallel_loop3A_613 = vector.broadcast %parallel_loop3A_612 : f32 to vector<16xf32>
        %parallel_loop3A_614 = arith.mulf %parallel_loop3A_611, %parallel_loop3A_613 : vector<16xf32>
        %parallel_loop3A_615 = arith.constant 0 : i32
        %parallel_loop3A_616 = arith.index_cast %parallel_loop3A_615 : i32 to index
        %parallel_loop3A_617 = arith.index_cast %parallel_loop3A_156 : i32 to index
        %parallel_loop3A_618 = tpu.vector_load %arg12[%parallel_loop3A_616, %parallel_loop3A_617] {strides = array<i32>} : memref<1x768xf32, #tpu.memory_space<vmem>>, vector<1x16xf32>,
        %parallel_loop3A_619 = vector.shape_cast %parallel_loop3A_618 : vector<1x16xf32> to vector<16xf32>
        %parallel_loop3A_620 = vector.shape_cast %parallel_loop3A_614 : vector<16xf32> to vector<1x16xf32>
        tpu.vector_store %arg12[%parallel_loop3A_616, %parallel_loop3A_617], %parallel_loop3A_620 {add = true, strides = array<i32>} : memref<1x768xf32, #tpu.memory_space<vmem>>, vector<1x16xf32>,
      } {sc.loop_unroll_factor = 1 : i64, sc.parallel_access}
      %mul3A_146 = arith.constant 16 : i32
      %mul3A_147 = arith.muli %add3A_98, %mul3A_146 : i32
      %dma_start3A_148 = arith.constant 0 : i32
      %dma_start3A_149 = tpu.memref_slice %arg4[%mul3A_147, %dma_start3A_148] : memref<8192x768xf32, #tpu.memory_space<hbm>> -> memref<16x768xf32, #tpu.memory_space<hbm>>
      %dma_start3A_150 = arith.constant 0 : i32
      %dma_start3A_151 = tpu.memref_slice %arg4[%mul3A_147, %dma_start3A_150] : memref<8192x768xf32, #tpu.memory_space<hbm>> -> memref<16x768xf32, #tpu.memory_space<hbm>>
      tpu.enqueue_dma source(%arg10 : memref<16x768xf32, #tpu.memory_space<vmem>>) target(%dma_start3A_151 : memref<16x768xf32, #tpu.memory_space<hbm>>) target_semaphore(%arg16 : memref<!tpu.dma_semaphore, #tpu.memory_space<semaphore_mem>>)
      %dma_start3A_152 = arith.constant 0 : i32
      %dma_start3A_153 = tpu.memref_slice %arg5[%add3A_98, %dma_start3A_152] : memref<512x768xf32, #tpu.memory_space<hbm>> -> memref<1x768xf32, #tpu.memory_space<hbm>>
      %dma_start3A_154 = arith.constant 0 : i32
      %dma_start3A_155 = tpu.memref_slice %arg5[%add3A_98, %dma_start3A_154] : memref<512x768xf32, #tpu.memory_space<hbm>> -> memref<1x768xf32, #tpu.memory_space<hbm>>
      tpu.enqueue_dma source(%arg12 : memref<1x768xf32, #tpu.memory_space<vmem>>) target(%dma_start3A_155 : memref<1x768xf32, #tpu.memory_space<hbm>>) target_semaphore(%arg16 : memref<!tpu.dma_semaphore, #tpu.memory_space<semaphore_mem>>)
    }
    %scan3A_12 = arith.constant 8 : i32
    %dma_wait3A = arith.constant 0 : i32
    %dma_wait3A_13 = arith.constant 0 : i32
    %dma_wait3A_14 = tpu.memref_slice %arg4[%dma_wait3A, %dma_wait3A_13] : memref<8192x768xf32, #tpu.memory_space<hbm>> -> memref<16x768xf32, #tpu.memory_space<hbm>>
    %dma_wait3A_15 = arith.constant 0 : i32
    %dma_wait3A_16 = arith.constant 0 : i32
    %dma_wait3A_17 = tpu.memref_slice %arg4[%dma_wait3A_15, %dma_wait3A_16] : memref<8192x768xf32, #tpu.memory_space<hbm>> -> memref<16x768xf32, #tpu.memory_space<hbm>>
    tpu.wait_dma2 semaphore(%arg15 : memref<!tpu.dma_semaphore, #tpu.memory_space<semaphore_mem>>) src(%arg9 : memref<16x768xf32, #tpu.memory_space<vmem>>) dst(%dma_wait3A_17 : memref<16x768xf32, #tpu.memory_space<hbm>>)
    %dma_wait3A_18 = arith.constant 0 : i32
    %dma_wait3A_19 = arith.constant 0 : i32
    %dma_wait3A_20 = tpu.memref_slice %arg5[%dma_wait3A_18, %dma_wait3A_19] : memref<512x768xf32, #tpu.memory_space<hbm>> -> memref<1x768xf32, #tpu.memory_space<hbm>>
    %dma_wait3A_21 = arith.constant 0 : i32
    %dma_wait3A_22 = arith.constant 0 : i32
    %dma_wait3A_23 = tpu.memref_slice %arg5[%dma_wait3A_21, %dma_wait3A_22] : memref<512x768xf32, #tpu.memory_space<hbm>> -> memref<1x768xf32, #tpu.memory_space<hbm>>
    tpu.wait_dma2 semaphore(%arg15 : memref<!tpu.dma_semaphore, #tpu.memory_space<semaphore_mem>>) src(%arg11 : memref<1x768xf32, #tpu.memory_space<vmem>>) dst(%dma_wait3A_23 : memref<1x768xf32, #tpu.memory_space<hbm>>)
    %dma_wait3A_24 = arith.constant 0 : i32
    %dma_wait3A_25 = arith.constant 0 : i32
    %dma_wait3A_26 = tpu.memref_slice %arg4[%dma_wait3A_24, %dma_wait3A_25] : memref<8192x768xf32, #tpu.memory_space<hbm>> -> memref<16x768xf32, #tpu.memory_space<hbm>>
    %dma_wait3A_27 = arith.constant 0 : i32
    %dma_wait3A_28 = arith.constant 0 : i32
    %dma_wait3A_29 = tpu.memref_slice %arg4[%dma_wait3A_27, %dma_wait3A_28] : memref<8192x768xf32, #tpu.memory_space<hbm>> -> memref<16x768xf32, #tpu.memory_space<hbm>>
    tpu.wait_dma2 semaphore(%arg16 : memref<!tpu.dma_semaphore, #tpu.memory_space<semaphore_mem>>) src(%arg10 : memref<16x768xf32, #tpu.memory_space<vmem>>) dst(%dma_wait3A_29 : memref<16x768xf32, #tpu.memory_space<hbm>>)
    %dma_wait3A_30 = arith.constant 0 : i32
    %dma_wait3A_31 = arith.constant 0 : i32
    %dma_wait3A_32 = tpu.memref_slice %arg5[%dma_wait3A_30, %dma_wait3A_31] : memref<512x768xf32, #tpu.memory_space<hbm>> -> memref<1x768xf32, #tpu.memory_space<hbm>>
    %dma_wait3A_33 = arith.constant 0 : i32
    %dma_wait3A_34 = arith.constant 0 : i32
    %dma_wait3A_35 = tpu.memref_slice %arg5[%dma_wait3A_33, %dma_wait3A_34] : memref<512x768xf32, #tpu.memory_space<hbm>> -> memref<1x768xf32, #tpu.memory_space<hbm>>
    tpu.wait_dma2 semaphore(%arg16 : memref<!tpu.dma_semaphore, #tpu.memory_space<semaphore_mem>>) src(%arg12 : memref<1x768xf32, #tpu.memory_space<vmem>>) dst(%dma_wait3A_35 : memref<1x768xf32, #tpu.memory_space<hbm>>)
    return
  }
}

</mosaic_0001>

<sc_bundles>
// kernel: _sc_entity_repr.3.cloned.1.call-start
scs
__scs_entry_jumppad:
0x0: {  	(pc) =	sbr.rel $0x88, $3  }
0x1: {  	(tag) =	ssettag $0x0;
	lr =	simm.s32 $0x1  }
0x2: {  	[smem:$0x3F9F] =	sst lr;
	_ =	strace $0xD0000000  }
0x3: {  	_ = 	snop  }
0x4: {  	_ = 	snop  }
0x5: {  	_ = 	snop  }
0x6: {  	_ = 	snop  }
0x7: {  	_ = 	snop  }
__scs_overlays_trampoline_lowered:
0x8: {  	[smem:$0x3FAE] =	sst s0  }
0x9: {  	[smem:$0x3FAF] =	sst s1  }
0xa: {  	[smem:$0x3FB0] =	sst s2  }
0xb: {  	[smem:$0x3FB1] =	sst s3  }
0xc: {  	[smem:$0x3FB2] =	sst s4  }
0xd: {  	[smem:$0x3FB3] =	sst s5  }
0xe: {  	[smem:$0x3FB4] =	sst s6  }
0xf: {  	[smem:$0x3FB5] =	sst s7  }
0x10: {  	[smem:$0x3FB6] =	sst s8  }
0x11: {  	[smem:$0x3FB7] =	sst s9;
	s0 =	simm.s32 @!p0 $0x0  }
0x12: {  	s1 =	sld [smem:$0x3F9D];
	s0 =	simm.s32 @p0 $0x1  }
0x13: {  	[smem:$0x3FB8] =	sst s0;
	s0 =	simm.s32 @!p1 $0x0  }
0x14: {  	s2 =	sld [smem:$0x3F9C];
	s0 =	simm.s32 @p1 $0x1  }
0x15: {  	[smem:$0x3FB9] =	sst s0;
	s0 =	simm.s32 @!p2 $0x0  }
0x16: {  	s3 =	sld [smem:$0x3FDB];
	s0 =	simm.s32 @p2 $0x1  }
0x17: {  	s4 =	simm.s32 $0x1BF5;
	[smem:$0x3FBB] =	sst s0  }
0x18: {  	s0 =	sld [smem:$0x3F9E];
	_ =	swait.ge [sflag:s4], $0x0  }
0x19: {  	s7 =	sld [smem:$0x3F9F]  }
0x1a: {  	s8 =	sadd.s32 $0xFFFFE003, lr  }
0x1b: {  	s9 =	sadd.s32 $0xFFFFFEF7, lr;
	s5 =	simm.s32 $0xFFFFFFFF;
	p2 =	slt.u32 s8, $0xFFFFF086  }
0x1c: {  	p1 =	slt.u32 s9, $0xF7A;
	s5 =	simm.s32 @!p2 $0x0  }
0x1d: {  	s5 =	simm.s32 @p1 $0x1;
	p0 =	seq.s32 s7, s2  }
0x1e: {  	s7 =	smul.u32 @!p0 $0xF7A, s2;
	p2 =	seq.s32 @!p0 s5, $0x0  }
0x1f: {  	s9 =	smul.u32 $0xF7A, s1;
	s8 =	simm.s32 @!p0 $0x1BF5;
	p2 =	por !p2, p0  }
0x20: {  	[sflag:s8] =	ssyncset.s32 @!p0 $0xFFFFF086;
	s6 =	sadd.s32 @!p0 s3, s7;
	s7 =	simm.s32 @!p0 $0x108  }
0x21: {  	s3 =	sadd.s32 s3, s9;
	s6 =	sadd.s32 @!p0 $0x88, s6;
	s7 =	simm.s32 @p2 $0x1082  }
0x22: {  	[simem:s7], [sflag:s8] =	dma.local @!p0 [hbm:s6], $0xF7A  }
0x23: {  	s9 =	sor.u32 $0xD0000000, s2;
	s6 =	simm.s32 $0x108;
	_ =	swait.ge @!p0 [sflag:s8], $0x0  }
0x24: {  	s3 =	sadd.s32 $0x88, s3;
	s6 =	simm.s32 @!p1 $0x1082;
	[sflag:s4] =	ssyncset.s32 $0xFFFFF086  }
0x25: {  	[simem:s6], [sflag:s4] =	dma.local [hbm:s3], $0xF7A  }
0x26: {  	[smem:$0x3F9F] =	sst s1;
	(tag) =	ssettag s2;
	_ =	strace s9  }
0x27: {  	s1 =	sld [smem:$0x3FAF]  }
0x28: {  	s2 =	sld [smem:$0x3FB0]  }
0x29: {  	s4 =	sld [smem:$0x3FB2]  }
0x2a: {  	p0 =	seq.s32 s5, $0x0;
	s5 =	sld [smem:$0x3FB3]  }
0x2b: {  	s6 =	sld [smem:$0x3FB4]  }
0x2c: {  	s7 =	sld [smem:$0x3FB5]  }
0x2d: {  	s3 =	simm.s32 $0x108;
	s8 =	sld [smem:$0x3FB6]  }
0x2e: {  	s3 =	simm.s32 @!p0 $0x1082;
	s9 =	sld [smem:$0x3FB7]  }
0x2f: {  	lr =	sadd.s32 s0, s3;
	s0 =	sld [smem:$0x3FAE]  }
0x30: {  	s3 =	sld [smem:$0x3FB1]  }
0x31: {  	[smem:$0x3FBA] =	sst s10  }
0x32: {  	s10 =	sld [smem:$0x3FB8];
	_ =	sdelay $0x3  }
0x33: {  	p0 =	seq.s32 s10, $0x1;
	s10 =	sld [smem:$0x3FBA];
	_ =	sdelay $0x3  }
0x34: {  	[smem:$0x3FBA] =	sst s10  }
0x35: {  	s10 =	sld [smem:$0x3FB9];
	_ =	sdelay $0x3  }
0x36: {  	p1 =	seq.s32 s10, $0x1;
	s10 =	sld [smem:$0x3FBA];
	_ =	sdelay $0x3  }
0x37: {  	[smem:$0x3FBA] =	sst s10  }
0x38: {  	s10 =	sld [smem:$0x3FBB]  }
0x39: {  	_ = 	snop;
	(pc) =	sbr.ind lr, $3  }
0x3a: {  	_ = 	snop  }
0x3b: {  	_ = 	snop  }
0x3c: {  	p2 =	seq.s32 s10, $0x1;
	s10 =	sld [smem:$0x3FBA]  }
0x3d: {  	_ =	shalt  }
0x3e: {  	_ =	shalt  }
0x3f: {  	_ =	shalt  }
0x40: {  	_ =	shalt  }
0x41: {  	_ =	shalt  }
0x42: {  	_ =	shalt  }
0x43: {  	_ =	shalt  }
0x44: {  	_ =	shalt  }
0x45: {  	_ =	shalt  }
0x46: {  	_ =	shalt  }
0x47: {  	_ =	shalt  }
0x48: {  	_ =	shalt  }
0x49: {  	_ =	shalt  }
0x4a: {  	_ =	shalt  }
0x4b: {  	_ =	shalt  }
0x4c: {  	_ =	shalt  }
0x4d: {  	_ =	shalt  }
0x4e: {  	_ =	shalt  }
0x4f: {  	_ =	shalt  }
0x50: {  	_ =	shalt  }
0x51: {  	_ =	shalt  }
0x52: {  	_ =	shalt  }
0x53: {  	_ =	shalt  }
0x54: {  	_ =	shalt  }
0x55: {  	_ =	shalt  }
0x56: {  	_ =	shalt  }
0x57: {  	_ =	shalt  }
0x58: {  	_ =	shalt  }
0x59: {  	_ =	shalt  }
0x5a: {  	_ =	shalt  }
0x5b: {  	_ =	shalt  }
0x5c: {  	_ =	shalt  }
0x5d: {  	_ =	shalt  }
0x5e: {  	_ =	shalt  }
0x5f: {  	_ =	shalt  }
0x60: {  	_ =	shalt  }
0x61: {  	_ =	shalt  }
0x62: {  	_ =	shalt  }
0x63: {  	_ =	shalt  }
0x64: {  	_ =	shalt  }
0x65: {  	_ =	shalt  }
0x66: {  	_ =	shalt  }
0x67: {  	_ =	shalt  }
0x68: {  	_ =	shalt  }
0x69: {  	_ =	shalt  }
0x6a: {  	_ =	shalt  }
0x6b: {  	_ =	shalt  }
0x6c: {  	_ =	shalt  }
0x6d: {  	_ =	shalt  }
0x6e: {  	_ =	shalt  }
0x6f: {  	_ =	shalt  }
0x70: {  	_ =	shalt  }
0x71: {  	_ =	shalt  }
0x72: {  	_ =	shalt  }
0x73: {  	_ =	shalt  }
0x74: {  	_ =	shalt  }
0x75: {  	_ =	shalt  }
0x76: {  	_ =	shalt  }
0x77: {  	_ =	shalt  }
0x78: {  	_ =	shalt  }
0x79: {  	_ =	shalt  }
0x7a: {  	_ =	shalt  }
0x7b: {  	_ =	shalt  }
0x7c: {  	_ =	shalt  }
0x7d: {  	_ =	shalt  }
0x7e: {  	_ =	shalt  }
0x7f: {  	_ =	shalt  }
0x80: {  	_ =	shalt  }
0x81: {  	_ =	shalt  }
0x82: {  	_ =	shalt  }
0x83: {  	_ =	shalt  }
0x84: {  	_ =	shalt  }
0x85: {  	_ =	shalt  }
0x86: {  	_ =	shalt  }
0x87: {  	_ =	shalt  }
.Lfunc_end0:
.L_simem_size_0:
called_computation_lowered:
.L_overlay_start_0:
0x88: {  	s2 =	sld [smem:$0x3FD9]  }
0x89: {  	s3 =	sld [smem:$0x3FFE];
	_ =	sdelay $0x1  }
0x8a: {  	s1 =	srdreg.scid  }
0x8b: {  	s0 =	sand.u32 $0x1, s1  }
0x8c: {  	s15 =	sshll.u32 s0, $0xA;
	s2 =	sadd.s32 s3, s2  }
0x8d: {  	s2 =	sadd.s32 s2, s15  }
0x8e: {  	[smem:$0x3FC6] =	sst s2  }
0x8f: {  	_ = 	snop  }
0x90: {  	s2 =	sld [smem:$0x3FD0];
	_ =	sdelay $0x1  }
0x91: {  	s16 =	sld [smem:$0x3FC9]  }
0x92: {  	s5 =	simm.s32 $0xA;
	s6 =	simm.s32 $0x10;
	s4 =	sld [smem:$0x3FC8]  }
0x93: {  	[smem:s6], [sflag:s5] =	dma.local [hbm:s2], $0x1  }
0x94: {  	_ =	swait.eq [sflag:s5], $0x1  }
0x95: {  	[sflag:s5] =	ssyncset.done $0x0  }
0x96: {  	s17 =	sld [smem:$0x10];
	[sflag:s5] =	ssyncadd.s32 $0xFFFFFFFF  }
0x97: {  	s18 =	sld [smem:$0x11];
	(tm) =	ssettm $0x1  }
0x98: {  	s19 =	sld [smem:$0x3FFB];
	_ =	sdelay $0x3  }
0x99: {  	_ =	strace s19  }
0x9a: {  	s6 =	sld [smem:$0x3FFC];
	_ =	sdelay $0x3  }
0x9b: {  	_ =	strace s6  }
0x9c: {  	s6 =	sld [smem:$0x3FFD];
	_ =	sdelay $0x3  }
0x9d: {  	_ =	strace s6  }
0x9e: {  	_ =	strace $0x8FFFFFFF  }
0x9f: {  	s20 =	sld [smem:$0x3FDB];
	_ =	sdelay $0x1  }
0xa0: {  	s7 =	simm.s32 $_scs_section_size  }
0xa1: {  	s8 =	simm.s32 $_size__tile_overlayer_lowered;
	s9 =	simm.s32 $_tile_overlayer_lowered  }
0xa2: {  	s23 =	simm.s32 $0x1BFF;
	s22 =	sshll.u32 s9, $0x1;
	s6 =	sadd.s32 s7, s20  }
0xa3: {  	s10 =	simm.s32 $0x0;
	s21 =	sshll.u32 s8, $0x1;
	s8 =	sadd.s32 s22, s6  }
0xa4: {  	[timem:s10], [sflag:s23] =	dma.local [hbm:s8], s21  }
0xa5: {  	_ =	swait.ge [sflag:s23], s21  }
0xa6: {  	s7 =	ssub.s32 $0x0, s21;
	[sflag:s23] =	ssyncset.done $0x0  }
0xa7: {  	[sflag:s23] =	ssyncadd.s32 s7;
	_ =	sdelay $0x1  }
0xa8: {  	s24 =	simm.s32 $0x1B8B  }
0xa9: {  	_ =	swait.ge [sflag:s24], $0x1  }
0xaa: {  	[sflag:s24] =	ssyncset.done $0x0  }
0xab: {  	s25 =	simm.s32 $0x1B8E;
	[sflag:s24] =	ssyncadd.s32 $0xFFFFFFFF  }
0xac: {  	s26 =	simm.s32 $execute0_lowered;
	[smem:$0x3FD2] =	sst s25  }
0xad: {  	s7 =	sshll.u32 s26, $0x1;
	_ =	strace $0x80000046;
	[dreg:$0x1] =	wrdreg $0xFFFFFFFF  }
0xae: {  	s28 =	simm.s32 $_size_execute0_lowered;
	s6 =	sadd.s32 s6, s7;
	[dreg:$0x0] =	wrdreg $0x0  }
0xaf: {  	s7 =	sshll.u32 s28, $0x1;
	[dreg:$0x2] =	wrdreg s6  }
0xb0: {  	[dreg:$0x3] =	wrdreg s7  }
0xb1: {  	[dreg:$0x4] =	wrdreg $0xC0  }
0xb2: {  	_ =	task [dreg:s10], $0x5FFFF  }
0xb3: {  	[dreg:$0x1] =	wrdreg $0xFFFFFFFF  }
0xb4: {  	[dreg:$0x0] =	wrdreg $0x60  }
0xb5: {  	[dreg:$0x2] =	wrdreg s4  }
0xb6: {  	[dreg:$0x3] =	wrdreg s16  }
0xb7: {  	[dreg:$0x4] =	wrdreg s17  }
0xb8: {  	[dreg:$0x5] =	wrdreg s18  }
0xb9: {  	[dreg:$0x6] =	wrdreg $0x9  }
0xba: {  	_ =	task.clear_ibuf [dreg:s10], $0x7FFFF;
	_ =	strace $0x90000046  }
0xbb: {  	s29 =	simm.s32 $0x9;
	_ =	strace $0x80000048  }
0xbc: {  	_ =	swait.ge [sflag:s29], $0x1  }
0xbd: {  	[sflag:s29] =	ssyncadd.s32 $0xFFFFFFFF  }
0xbe: {  	_ =	strace $0x90000048  }
0xbf: {  	_ =	sfence  }
0xc0: {  	s30 =	sld [smem:$0x0];
	_ =	sdelay $0x2  }
0xc1: {  	s31 =	sshll.u32 s1, $0xD;
	s1 =	sshrl.u32 s1, $0x2  }
0xc2: {  	s3 =	sand.u32 $0x4000, s31;
	s1 =	sadd.s32 s1, s30  }
0xc3: {  	s0 =	sor.u32 s3, s0;
	s1 =	sshll.u32 s1, $0x11  }
0xc4: {  	s0 =	sor.u32 s1, s0  }
0xc5: {  	s0 =	sadd.s32 $0x8F2B, s0  }
0xc6: {  	[sflag:s0] =	ssyncadd.remote.s32 $0x1  }
0xc7: {  	_ =	sfence.sel $0xFFFF  }
0xc8: {  	[dreg:$0x0] =	wrdreg $0xFFFFFFFF;
	(pc) =	sbr.abs _section_cstart, $3  }
0xc9: {  	[dreg:$0x1] =	wrdreg $0xFFFFFFFF  }
0xca: {  	_ =	task.clear_ibuf [dreg:s10], $0x2FFFF;
	_ =	strace $0x9FFFFFFF  }
0xcb: {  	(tm) =	ssettm $0x7FFFFFFF  }
tec
execute0_lowered:
.L_overlay_start_1:
0x0: {  	(tag) =	ssettag $0x1  }
0x1: {  	s0 =	rddreg [dreg:$0x0]  }
0x2: {  	s1 =	rddreg [dreg:$0x1];
	s2 =	srdreg.scid  }
0x3: {  	s3 =	stileid.u32;
	s5 =	simm.s32 $0x0;
	s28 =	simm.s32 $0x8000  }
0x4: {  	s29 =	simm.s32 $0x8800;
	s30 =	simm.s32 $0x9000;
	s31 =	simm.s32 $0x9800  }
0x5: {  	s10 =	simm.s32 $0xB800;
	s11 =	simm.s32 $0xC000;
	s15 =	simm.s32 $0x1  }
0x6: {  	s13 =	simm.s32 $0x400;
	s14 =	simm.s32 $0x0;
	s2 =	sand.u32 $0x1, s2  }
0x7: {  	s3 =	sshll.u32 s3, $0x1;
	[smem:$0x7FF] =	sst s5;
	s8 =	sadd.s32 $0x100, s1  }
0x8: {  	s9 =	sadd.s32 $0x200, s1;
	s4 =	ssub.s32 $0x2, s2;
	s2 =	sor.u32 s2, s3  }
0x9: {  	v2 =	vlaneseq.u32;
	_ =	strace $0x80000047;
	s25 =	sshrl.u32 s4, $0x1;
	s7 =	sshll.u32 s2, $0x8  }
0xa: {  	v61 =	vand.u32 $0x7, v2;
	v1 =	vshrl.u32 v2, $0x3;
	s6 =	sshll.u32 s2, $0x4;
	s2 =	simm.s32 $0xA800;
	s3 =	ssub.s32 s4, s25  }
0xb: {  	v63 =	vor.u32 $0x8, v2;
	v62 =	vmul.u32 $0x8, v1;
	[tilespmem:$0x1FFD0] =	vst v61;
	s0 =	sadd.s32 s0, s7;
	s25 =	simm.s32 $0x7000;
	s7 =	simm.s32 $0xB000  }
0xc: {  	[tilespmem:$0x1FFF0] =	vst v63;
	[dreg:$0x5] =	wrdreg s0;
	s26 =	smax.u32 s3, $0x1;
	s0 =	simm.s32 $0xA000  }
0xd: {  	vm0 =	vmmov $0xffff;
	[tilespmem:$0x1FFE0] =	vst v62;
	s3 =	simm.s32 $0x2;
	[dreg:$0x6] =	wrdreg s26;
	s26 =	simm.s32 $0x7800  }
.LBB2_1:
0xe: {  	[dreg:$0x7] =	wrdreg s14  }
0xf: {  	s4 =	rddreg [dreg:$0x5];
	s22 =	simm.s32 $0x5  }
0x10: {  	[tilespmem:s5], [sflag:$0x5] =	stream.linear.gather [hbm4b:s4+s5], $0x800, $0x38;
	[tilespmem:$0x1EE00] =	vst v63  }
0x11: {  	_ =	swait.ge [sflag:s22], $0x800  }
0x12: {  	[sflag:s22] =	ssyncset.done $0x0  }
0x13: {  	[sflag:s22] =	ssyncadd.s32 $0xFFFFF800  }
0x14: {  	v3 =	vld [tilespmem:$0x0];
	_ =	sdelay $0x4  }
0x15: {  	v4 =	vshrl.u32 v3, $0x3  }
0x16: {  	v4 =	vmul.u32 $0x30, v4  }
0x17: {  	v3 =	vand.u32 $0x7, v3  }
0x18: {  	v3 =	vor.u32 v3, v4  }
0x19: {  	v4 =	vperm.xlane v3, v61;
	_ =	sdelay $0x1  }
0x1a: {  	v4 =	vadd.s32 v62, v4;
	_ =	sdelay $0x3  }
0x1b: {  	s23 =	simm.s32 $0x800;
	v3 =	vperm.xlane v3, v63  }
0x1c: {  	[tilespmem:s23], [sflag:$0x1] =	stream.indirect_vreg.gather [hbm4b:s1+s5], $0x80, v4, vm0, $0xb8;
	[tilespmem:$0x1EE00] =	vst v63  }
0x1d: {  	s24 =	simm.s32 $0x1000;
	v3 =	vadd.s32 v62, v3  }
0x1e: {  	[tilespmem:s24], [sflag:$0x1] =	stream.indirect_vreg.gather [hbm4b:s8+s5], $0x80, v4, vm0, $0xb8;
	[tilespmem:$0x1EE00] =	vst v63  }
0x1f: {  	s12 =	simm.s32 $0x1800  }
0x20: {  	[tilespmem:s12], [sflag:$0x1] =	stream.indirect_vreg.gather [hbm4b:s9+s5], $0x80, v4, vm0, $0xb8;
	[tilespmem:$0x1EE00] =	vst v63  }
0x21: {  	s14 =	simm.s32 $0x2000  }
0x22: {  	[tilespmem:s14], [sflag:$0x1] =	stream.indirect_vreg.gather [hbm4b:s1+s5], $0x80, v3, vm0, $0xb8;
	[tilespmem:$0x1EE00] =	vst v63  }
0x23: {  	s16 =	simm.s32 $0x2800  }
0x24: {  	[tilespmem:s16], [sflag:$0x1] =	stream.indirect_vreg.gather [hbm4b:s8+s5], $0x80, v3, vm0, $0xb8;
	[tilespmem:$0x1EE00] =	vst v63  }
0x25: {  	s17 =	simm.s32 $0x3000  }
0x26: {  	[tilespmem:s17], [sflag:$0x1] =	stream.indirect_vreg.gather [hbm4b:s9+s5], $0x80, v3, vm0, $0xb8;
	[tilespmem:$0x1EE00] =	vst v63  }
0x27: {  	v3 =	vld [tilespmem:$0x10];
	_ =	sdelay $0x4  }
0x28: {  	v58 =	vshrl.u32 v3, $0x3  }
0x29: {  	v4 =	vmul.u32 $0x30, v58  }
0x2a: {  	v3 =	vand.u32 $0x7, v3  }
0x2b: {  	v3 =	vor.u32 v3, v4  }
0x2c: {  	v4 =	vperm.xlane v3, v61;
	_ =	sdelay $0x1  }
0x2d: {  	v4 =	vadd.s32 v62, v4;
	_ =	sdelay $0x3  }
0x2e: {  	s18 =	simm.s32 $0x3800;
	v3 =	vperm.xlane v3, v63  }
0x2f: {  	[tilespmem:s18], [sflag:$0x1] =	stream.indirect_vreg.gather [hbm4b:s1+s5], $0x80, v4, vm0, $0xb8;
	[tilespmem:$0x1EE00] =	vst v63  }
0x30: {  	s19 =	simm.s32 $0x4000;
	v3 =	vadd.s32 v62, v3  }
0x31: {  	[tilespmem:s19], [sflag:$0x1] =	stream.indirect_vreg.gather [hbm4b:s8+s5], $0x80, v4, vm0, $0xb8;
	[tilespmem:$0x1EE00] =	vst v63  }
0x32: {  	s20 =	simm.s32 $0x4800  }
0x33: {  	[tilespmem:s20], [sflag:$0x1] =	stream.indirect_vreg.gather [hbm4b:s9+s5], $0x80, v4, vm0, $0xb8;
	[tilespmem:$0x1EE00] =	vst v63  }
0x34: {  	s21 =	simm.s32 $0x5000  }
0x35: {  	[tilespmem:s21], [sflag:$0x1] =	stream.indirect_vreg.gather [hbm4b:s1+s5], $0x80, v3, vm0, $0xb8;
	[tilespmem:$0x1EE00] =	vst v63  }
0x36: {  	s22 =	simm.s32 $0x5800  }
0x37: {  	[tilespmem:s22], [sflag:$0x1] =	stream.indirect_vreg.gather [hbm4b:s8+s5], $0x80, v3, vm0, $0xb8;
	[tilespmem:$0x1EE00] =	vst v63  }
0x38: {  	s23 =	simm.s32 $0x6000  }
0x39: {  	[tilespmem:s23], [sflag:$0x1] =	stream.indirect_vreg.gather [hbm4b:s9+s5], $0x80, v3, vm0, $0xb8;
	[tilespmem:$0x1EE00] =	vst v63  }
0x3a: {  	v3 =	vld [tilespmem:$0x20];
	_ =	sdelay $0x4  }
0x3b: {  	v59 =	vshrl.u32 v3, $0x3  }
0x3c: {  	v4 =	vmul.u32 $0x30, v59  }
0x3d: {  	v3 =	vand.u32 $0x7, v3  }
0x3e: {  	v3 =	vor.u32 v3, v4  }
0x3f: {  	v4 =	vperm.xlane v3, v61;
	_ =	sdelay $0x1  }
0x40: {  	v4 =	vadd.s32 v62, v4;
	_ =	sdelay $0x3  }
0x41: {  	s24 =	simm.s32 $0x6800;
	v3 =	vperm.xlane v3, v63  }
0x42: {  	[tilespmem:s24], [sflag:$0x1] =	stream.indirect_vreg.gather [hbm4b:s1+s5], $0x80, v4, vm0, $0xb8;
	[tilespmem:$0x1EE00] =	vst v63  }
0x43: {  	v3 =	vadd.s32 v62, v3  }
0x44: {  	[tilespmem:s25], [sflag:$0x1] =	stream.indirect_vreg.gather [hbm4b:s8+s5], $0x80, v4, vm0, $0xb8;
	[tilespmem:$0x1EE00] =	vst v63  }
0x45: {  	_ = 	snop  }
0x46: {  	[tilespmem:s26], [sflag:$0x1] =	stream.indirect_vreg.gather [hbm4b:s9+s5], $0x80, v4, vm0, $0xb8;
	[tilespmem:$0x1EE00] =	vst v63  }
0x47: {  	_ = 	snop  }
0x48: {  	[tilespmem:s28], [sflag:$0x1] =	stream.indirect_vreg.gather [hbm4b:s1+s5], $0x80, v3, vm0, $0xb8;
	[tilespmem:$0x1EE00] =	vst v63  }
0x49: {  	_ = 	snop  }
0x4a: {  	[tilespmem:s29], [sflag:$0x1] =	stream.indirect_vreg.gather [hbm4b:s8+s5], $0x80, v3, vm0, $0xb8;
	[tilespmem:$0x1EE00] =	vst v63  }
0x4b: {  	_ = 	snop  }
0x4c: {  	[tilespmem:s30], [sflag:$0x1] =	stream.indirect_vreg.gather [hbm4b:s9+s5], $0x80, v3, vm0, $0xb8;
	[tilespmem:$0x1EE00] =	vst v63  }
0x4d: {  	v3 =	vld [tilespmem:$0x30];
	_ =	sdelay $0x4  }
0x4e: {  	v60 =	vshrl.u32 v3, $0x3  }
0x4f: {  	v4 =	vmul.u32 $0x30, v60  }
0x50: {  	v3 =	vand.u32 $0x7, v3  }
0x51: {  	v3 =	vor.u32 v3, v4  }
0x52: {  	v4 =	vperm.xlane v3, v61;
	_ =	sdelay $0x1  }
0x53: {  	v4 =	vadd.s32 v62, v4;
	_ =	sdelay $0x3  }
0x54: {  	v3 =	vperm.xlane v3, v63  }
0x55: {  	[tilespmem:s31], [sflag:$0x1] =	stream.indirect_vreg.gather [hbm4b:s1+s5], $0x80, v4, vm0, $0xb8;
	[tilespmem:$0x1EE00] =	vst v63  }
0x56: {  	v3 =	vadd.s32 v62, v3  }
0x57: {  	[tilespmem:s0], [sflag:$0x1] =	stream.indirect_vreg.gather [hbm4b:s8+s5], $0x80, v4, vm0, $0xb8;
	[tilespmem:$0x1EE00] =	vst v63  }
0x58: {  	_ = 	snop  }
0x59: {  	[tilespmem:s2], [sflag:$0x1] =	stream.indirect_vreg.gather [hbm4b:s9+s5], $0x80, v4, vm0, $0xb8;
	[tilespmem:$0x1EE00] =	vst v63  }
0x5a: {  	_ = 	snop  }
0x5b: {  	[tilespmem:s7], [sflag:$0x1] =	stream.indirect_vreg.gather [hbm4b:s1+s5], $0x80, v3, vm0, $0xb8;
	[tilespmem:$0x1EE00] =	vst v63  }
0x5c: {  	_ = 	snop  }
0x5d: {  	[tilespmem:s10], [sflag:$0x1] =	stream.indirect_vreg.gather [hbm4b:s8+s5], $0x80, v3, vm0, $0xb8;
	[tilespmem:$0x1EE00] =	vst v63  }
0x5e: {  	s17 =	simm.s32 $0x0  }
0x5f: {  	[tilespmem:s11], [sflag:$0x1] =	stream.indirect_vreg.gather [hbm4b:s9+s5], $0x80, v3, vm0, $0xb8;
	[tilespmem:$0x1EE00] =	vst v63  }
.LBB2_2:
0x60: {  	s4 =	sshll.u32 s17, $0x8  }
0x61: {  	s12 =	sand.u32 $0x3FFFFF00, s4  }
0x62: {  	v3 =	vld [tilespmem:s12+$0x40];
	_ =	sdelay $0x4  }
0x63: {  	v4 =	vshrl.u32 v3, $0x3  }
0x64: {  	v4 =	vmul.u32 $0x30, v4  }
0x65: {  	v3 =	vand.u32 $0x7, v3  }
0x66: {  	v3 =	vor.u32 v3, v4  }
0x67: {  	v4 =	vperm.xlane v3, v61;
	_ =	sdelay $0x1  }
0x68: {  	v4 =	vadd.s32 v62, v4;
	_ =	sdelay $0x3  }
0x69: {  	s14 =	simm.s32 $0xC800;
	v3 =	vperm.xlane v3, v63  }
0x6a: {  	[tilespmem:s14], [sflag:$0x2] =	stream.indirect_vreg.gather [hbm4b:s1+s5], $0x80, v4, vm0, $0xb8;
	[tilespmem:$0x1EE00] =	vst v63  }
0x6b: {  	s19 =	simm.s32 $0xD000;
	v3 =	vadd.s32 v62, v3  }
0x6c: {  	[tilespmem:s19], [sflag:$0x2] =	stream.indirect_vreg.gather [hbm4b:s8+s5], $0x80, v4, vm0, $0xb8;
	[tilespmem:$0x1EE00] =	vst v63  }
0x6d: {  	s20 =	simm.s32 $0xD800  }
0x6e: {  	[tilespmem:s20], [sflag:$0x2] =	stream.indirect_vreg.gather [hbm4b:s9+s5], $0x80, v4, vm0, $0xb8;
	[tilespmem:$0x1EE00] =	vst v63  }
0x6f: {  	s21 =	simm.s32 $0xE000  }
0x70: {  	[tilespmem:s21], [sflag:$0x2] =	stream.indirect_vreg.gather [hbm4b:s1+s5], $0x80, v3, vm0, $0xb8;
	[tilespmem:$0x1EE00] =	vst v63  }
0x71: {  	s22 =	simm.s32 $0xE800  }
0x72: {  	[tilespmem:s22], [sflag:$0x2] =	stream.indirect_vreg.gather [hbm4b:s8+s5], $0x80, v3, vm0, $0xb8;
	[tilespmem:$0x1EE00] =	vst v63  }
0x73: {  	s23 =	simm.s32 $0xF000  }
0x74: {  	[tilespmem:s23], [sflag:$0x2] =	stream.indirect_vreg.gather [hbm4b:s9+s5], $0x80, v3, vm0, $0xb8;
	[tilespmem:$0x1EE00] =	vst v63  }
0x75: {  	v3 =	vld [tilespmem:s12+$0x50];
	_ =	sdelay $0x4  }
0x76: {  	v4 =	vshrl.u32 v3, $0x3  }
0x77: {  	v4 =	vmul.u32 $0x30, v4  }
0x78: {  	v3 =	vand.u32 $0x7, v3  }
0x79: {  	v3 =	vor.u32 v3, v4  }
0x7a: {  	v4 =	vperm.xlane v3, v61;
	_ =	sdelay $0x1  }
0x7b: {  	v4 =	vadd.s32 v62, v4;
	_ =	sdelay $0x3  }
0x7c: {  	s24 =	simm.s32 $0xF800;
	v3 =	vperm.xlane v3, v63  }
0x7d: {  	[tilespmem:s24], [sflag:$0x2] =	stream.indirect_vreg.gather [hbm4b:s1+s5], $0x80, v4, vm0, $0xb8;
	[tilespmem:$0x1EE00] =	vst v63  }
0x7e: {  	s16 =	simm.s32 $0x10000;
	v3 =	vadd.s32 v62, v3  }
0x7f: {  	[tilespmem:s16], [sflag:$0x2] =	stream.indirect_vreg.gather [hbm4b:s8+s5], $0x80, v4, vm0, $0xb8;
	[tilespmem:$0x1EE00] =	vst v63  }
0x80: {  	s18 =	simm.s32 $0x10800  }
0x81: {  	[tilespmem:s18], [sflag:$0x2] =	stream.indirect_vreg.gather [hbm4b:s9+s5], $0x80, v4, vm0, $0xb8;
	[tilespmem:$0x1EE00] =	vst v63  }
0x82: {  	s19 =	simm.s32 $0x11000  }
0x83: {  	[tilespmem:s19], [sflag:$0x2] =	stream.indirect_vreg.gather [hbm4b:s1+s5], $0x80, v3, vm0, $0xb8;
	[tilespmem:$0x1EE00] =	vst v63  }
0x84: {  	s20 =	simm.s32 $0x11800  }
0x85: {  	[tilespmem:s20], [sflag:$0x2] =	stream.indirect_vreg.gather [hbm4b:s8+s5], $0x80, v3, vm0, $0xb8;
	[tilespmem:$0x1EE00] =	vst v63  }
0x86: {  	s21 =	simm.s32 $0x12000  }
0x87: {  	[tilespmem:s21], [sflag:$0x2] =	stream.indirect_vreg.gather [hbm4b:s9+s5], $0x80, v3, vm0, $0xb8;
	[tilespmem:$0x1EE00] =	vst v63  }
0x88: {  	v3 =	vld [tilespmem:s12+$0x60];
	_ =	sdelay $0x4  }
0x89: {  	v4 =	vshrl.u32 v3, $0x3  }
0x8a: {  	v4 =	vmul.u32 $0x30, v4  }
0x8b: {  	v3 =	vand.u32 $0x7, v3  }
0x8c: {  	v3 =	vor.u32 v3, v4  }
0x8d: {  	v4 =	vperm.xlane v3, v61;
	_ =	sdelay $0x1  }
0x8e: {  	v4 =	vadd.s32 v62, v4;
	_ =	sdelay $0x3  }
0x8f: {  	s22 =	simm.s32 $0x12800;
	v3 =	vperm.xlane v3, v63  }
0x90: {  	[tilespmem:s22], [sflag:$0x2] =	stream.indirect_vreg.gather [hbm4b:s1+s5], $0x80, v4, vm0, $0xb8;
	[tilespmem:$0x1EE00] =	vst v63  }
0x91: {  	s23 =	simm.s32 $0x13000;
	v3 =	vadd.s32 v62, v3  }
0x92: {  	[tilespmem:s23], [sflag:$0x2] =	stream.indirect_vreg.gather [hbm4b:s8+s5], $0x80, v4, vm0, $0xb8;
	[tilespmem:$0x1EE00] =	vst v63  }
0x93: {  	s24 =	simm.s32 $0x13800  }
0x94: {  	[tilespmem:s24], [sflag:$0x2] =	stream.indirect_vreg.gather [hbm4b:s9+s5], $0x80, v4, vm0, $0xb8;
	[tilespmem:$0x1EE00] =	vst v63  }
0x95: {  	s16 =	simm.s32 $0x14000  }
0x96: {  	[tilespmem:s16], [sflag:$0x2] =	stream.indirect_vreg.gather [hbm4b:s1+s5], $0x80, v3, vm0, $0xb8;
	[tilespmem:$0x1EE00] =	vst v63  }
0x97: {  	s18 =	simm.s32 $0x14800  }
0x98: {  	[tilespmem:s18], [sflag:$0x2] =	stream.indirect_vreg.gather [hbm4b:s8+s5], $0x80, v3, vm0, $0xb8;
	[tilespmem:$0x1EE00] =	vst v63  }
0x99: {  	s19 =	simm.s32 $0x15000  }
0x9a: {  	[tilespmem:s19], [sflag:$0x2] =	stream.indirect_vreg.gather [hbm4b:s9+s5], $0x80, v3, vm0, $0xb8;
	[tilespmem:$0x1EE00] =	vst v63  }
0x9b: {  	v3 =	vld [tilespmem:s12+$0x70];
	_ =	sdelay $0x4  }
0x9c: {  	v4 =	vshrl.u32 v3, $0x3  }
0x9d: {  	v4 =	vmul.u32 $0x30, v4  }
0x9e: {  	v3 =	vand.u32 $0x7, v3  }
0x9f: {  	v3 =	vor.u32 v3, v4  }
0xa0: {  	v4 =	vperm.xlane v3, v61;
	_ =	sdelay $0x1  }
0xa1: {  	v4 =	vadd.s32 v62, v4;
	_ =	sdelay $0x3  }
0xa2: {  	s20 =	simm.s32 $0x15800;
	v3 =	vperm.xlane v3, v63  }
0xa3: {  	[tilespmem:s20], [sflag:$0x2] =	stream.indirect_vreg.gather [hbm4b:s1+s5], $0x80, v4, vm0, $0xb8;
	[tilespmem:$0x1EE00] =	vst v63  }
0xa4: {  	s21 =	simm.s32 $0x16000;
	v3 =	vadd.s32 v62, v3  }
0xa5: {  	[tilespmem:s21], [sflag:$0x2] =	stream.indirect_vreg.gather [hbm4b:s8+s5], $0x80, v4, vm0, $0xb8;
	[tilespmem:$0x1EE00] =	vst v63  }
0xa6: {  	s22 =	simm.s32 $0x16800  }
0xa7: {  	[tilespmem:s22], [sflag:$0x2] =	stream.indirect_vreg.gather [hbm4b:s9+s5], $0x80, v4, vm0, $0xb8;
	[tilespmem:$0x1EE00] =	vst v63  }
0xa8: {  	s23 =	simm.s32 $0x17000  }
0xa9: {  	[tilespmem:s23], [sflag:$0x2] =	stream.indirect_vreg.gather [hbm4b:s1+s5], $0x80, v3, vm0, $0xb8;
	[tilespmem:$0x1EE00] =	vst v63  }
0xaa: {  	s24 =	simm.s32 $0x17800  }
0xab: {  	[tilespmem:s24], [sflag:$0x2] =	stream.indirect_vreg.gather [hbm4b:s8+s5], $0x80, v3, vm0, $0xb8;
	[tilespmem:$0x1EE00] =	vst v63  }
0xac: {  	s14 =	simm.s32 $0x18000  }
0xad: {  	[tilespmem:s14], [sflag:$0x2] =	stream.indirect_vreg.gather [hbm4b:s9+s5], $0x80, v3, vm0, $0xb8;
	[tilespmem:$0x1EE00] =	vst v63  }
0xae: {  	_ =	swait.ge [sflag:s15], $0xC000  }
0xaf: {  	p0 =	seq.s32 s17, $0x0;
	[sflag:s15] =	ssyncset.done $0x0  }
0xb0: {  	s12 =	simm.s32 @!p0 $0x3;
	[sflag:s15] =	ssyncadd.s32 $0xFFFF4000  }
0xb1: {  	_ =	swait.ge @!p0 [sflag:s12], $0x3000  }
0xb2: {  	[sflag:s12] =	ssyncset.done @!p0 $0x0  }
0xb3: {  	[sflag:s12] =	ssyncadd.s32 @!p0 $0xFFFFD000  }
0xb4: {  	s16 =	simm.s32 $0x0;
	s18 =	simm.s32 $0x0;
	_ =	swait.ge @!p0 [sflag:s12], $0x300  }
0xb5: {  	s19 =	sand.u32 $0x70, s18;
	s20 =	sand.u32 $0x1C00, s16;
	[sflag:s12] =	ssyncset.done @!p0 $0x0  }
0xb6: {  	s19 =	sor.u32 s19, s20;
	[sflag:s12] =	ssyncadd.s32 @!p0 $0xFFFFFD00  }
0xb7: {  	v0 =	vld [tilespmem:s19+$0x800];
	_ =	sdelay $0x4  }
0xb8: {  	[tilespmem:$0x1FE00] =	vst v0  }
0xb9: {  	v4 =	vld [tilespmem:s19+$0x880]  }
0xba: {  	v3 =	vld [tilespmem:s19+$0x900]  }
0xbb: {  	v6 =	vld [tilespmem:s19+$0x980]  }
0xbc: {  	v7 =	vld [tilespmem:s19+$0xA00]  }
0xbd: {  	s20 =	sor.u32 s16, s18;
	v8 =	vld [tilespmem:s19+$0xA80]  }
0xbe: {  	s23 =	sor.u32 $0x380, s20;
	v9 =	vld [tilespmem:s19+$0xB00]  }
0xbf: {  	v10 =	vld [tilespmem:s23+$0x800]  }
0xc0: {  	v11 =	vld [tilespmem:s19+$0x2000]  }
0xc1: {  	v12 =	vld [tilespmem:s19+$0x2080]  }
0xc2: {  	v13 =	vld [tilespmem:s19+$0x2100]  }
0xc3: {  	v14 =	vld [tilespmem:s19+$0x2180]  }
0xc4: {  	v15 =	vld [tilespmem:s19+$0x2200]  }
0xc5: {  	v16 =	vld [tilespmem:s19+$0x2280]  }
0xc6: {  	v17 =	vld [tilespmem:s19+$0x2300]  }
0xc7: {  	v18 =	vld [tilespmem:s19+$0x2380]  }
0xc8: {  	v19 =	vld [tilespmem:s19+$0x3800]  }
0xc9: {  	v20 =	vld [tilespmem:s19+$0x3880]  }
0xca: {  	v21 =	vld [tilespmem:s19+$0x3900]  }
0xcb: {  	v22 =	vld [tilespmem:s19+$0x3980]  }
0xcc: {  	v23 =	vld [tilespmem:s19+$0x3A00]  }
0xcd: {  	v24 =	vld [tilespmem:s19+$0x3A80]  }
0xce: {  	v25 =	vld [tilespmem:s19+$0x3B00]  }
0xcf: {  	v26 =	vld [tilespmem:s19+$0x3B80]  }
0xd0: {  	v27 =	vld [tilespmem:s19+$0x5000]  }
0xd1: {  	v28 =	vld [tilespmem:s19+$0x5080]  }
0xd2: {  	v29 =	vld [tilespmem:s19+$0x5100]  }
0xd3: {  	v30 =	vld [tilespmem:s19+$0x5180]  }
0xd4: {  	v31 =	vld [tilespmem:s19+$0x5200]  }
0xd5: {  	v32 =	vld [tilespmem:s19+$0x5280]  }
0xd6: {  	v33 =	vld [tilespmem:s19+$0x5300]  }
0xd7: {  	v34 =	vld [tilespmem:s19+$0x5380]  }
0xd8: {  	v35 =	vld [tilespmem:s19+$0x6800]  }
0xd9: {  	v36 =	vld [tilespmem:s19+$0x6880]  }
0xda: {  	v37 =	vld [tilespmem:s19+$0x6900]  }
0xdb: {  	v38 =	vld [tilespmem:s19+$0x6980]  }
0xdc: {  	v39 =	vld [tilespmem:s19+$0x6A00]  }
0xdd: {  	v40 =	vld [tilespmem:s19+$0x6A80]  }
0xde: {  	v41 =	vld [tilespmem:s19+$0x6B00]  }
0xdf: {  	v42 =	vld [tilespmem:s19+$0x6B80]  }
0xe0: {  	v43 =	vld [tilespmem:s19+$0x8000]  }
0xe1: {  	v44 =	vld [tilespmem:s19+$0x8080]  }
0xe2: {  	v45 =	vld [tilespmem:s19+$0x8100]  }
0xe3: {  	v46 =	vld [tilespmem:s19+$0x8180]  }
0xe4: {  	v47 =	vld [tilespmem:s19+$0x8200]  }
0xe5: {  	v48 =	vld [tilespmem:s19+$0x8280]  }
0xe6: {  	v49 =	vld [tilespmem:s19+$0x8300]  }
0xe7: {  	v50 =	vld [tilespmem:s19+$0x8380]  }
0xe8: {  	v51 =	vld [tilespmem:s19+$0x9800]  }
0xe9: {  	v52 =	vld [tilespmem:s19+$0x9880]  }
0xea: {  	v53 =	vld [tilespmem:s19+$0x9900]  }
0xeb: {  	v54 =	vld [tilespmem:s19+$0x9980]  }
0xec: {  	v55 =	vld [tilespmem:s19+$0x9A00]  }
0xed: {  	v56 =	vld [tilespmem:s19+$0x9A80]  }
0xee: {  	v57 =	vld [tilespmem:s19+$0x9B00]  }
0xef: {  	v58 =	vld [tilespmem:s19+$0x9B80]  }
0xf0: {  	s20 =	simm.s32 $0x80;
	s14 =	simm.s32 $0x10;
	v59 =	vld [tilespmem:s19+$0xB000]  }
0xf1: {  	s22 =	sand.u32 $0x1C00, s20;
	s21 =	sand.u32 $0x70, s14;
	v60 =	vld [tilespmem:s19+$0xB080]  }
0xf2: {  	s12 =	sor.u32 s21, s22;
	v61 =	vld [tilespmem:s19+$0xB100]  }
0xf3: {  	v0 =	vld [tilespmem:s12+$0x800]  }
0xf4: {  	v62 =	vld [tilespmem:s19+$0xB180]  }
0xf5: {  	v63 =	vld [tilespmem:s19+$0xB200]  }
0xf6: {  	v5 =	vld [tilespmem:s19+$0xB280]  }
0xf7: {  	v2 =	vld [tilespmem:s19+$0xB300]  }
0xf8: {  	v1 =	vld [tilespmem:s19+$0xB380];
	[tilespmem:$0x1FE10] =	vst v0  }
0xf9: {  	v0 =	vld [tilespmem:s12+$0x880];
	_ =	sdelay $0x4  }
0xfa: {  	[tilespmem:$0x1FE20] =	vst v0  }
0xfb: {  	v0 =	vld [tilespmem:s12+$0x900];
	_ =	sdelay $0x4  }
0xfc: {  	[tilespmem:$0x1FE30] =	vst v0  }
0xfd: {  	v0 =	vld [tilespmem:s12+$0x980];
	_ =	sdelay $0x4  }
0xfe: {  	[tilespmem:$0x1FE40] =	vst v0  }
0xff: {  	v0 =	vld [tilespmem:s12+$0xA00];
	_ =	sdelay $0x4  }
0x100: {  	[tilespmem:$0x1FE50] =	vst v0  }
0x101: {  	v0 =	vld [tilespmem:s12+$0xA80];
	_ =	sdelay $0x4  }
0x102: {  	[tilespmem:$0x1FE60] =	vst v0  }
0x103: {  	v0 =	vld [tilespmem:s12+$0xB00];
	_ =	sdelay $0x3  }
0x104: {  	s24 =	sor.u32 s20, s14  }
0x105: {  	s18 =	sor.u32 $0x380, s24;
	[tilespmem:$0x1FE70] =	vst v0  }
0x106: {  	v0 =	vld [tilespmem:s18+$0x800];
	_ =	sdelay $0x4  }
0x107: {  	[tilespmem:$0x1FE80] =	vst v0  }
0x108: {  	v0 =	vld [tilespmem:s12+$0x2000];
	_ =	sdelay $0x4  }
0x109: {  	[tilespmem:$0x1FE90] =	vst v0  }
0x10a: {  	v0 =	vld [tilespmem:s12+$0x2080];
	_ =	sdelay $0x4  }
0x10b: {  	[tilespmem:$0x1FEA0] =	vst v0  }
0x10c: {  	v0 =	vld [tilespmem:s12+$0x2100];
	_ =	sdelay $0x4  }
0x10d: {  	[tilespmem:$0x1FEB0] =	vst v0  }
0x10e: {  	v0 =	vld [tilespmem:s12+$0x2180];
	_ =	sdelay $0x4  }
0x10f: {  	[tilespmem:$0x1FEC0] =	vst v0  }
0x110: {  	v0 =	vld [tilespmem:s12+$0x2200];
	_ =	sdelay $0x4  }
0x111: {  	[tilespmem:$0x1FED0] =	vst v0  }
0x112: {  	v0 =	vld [tilespmem:s12+$0x2280];
	_ =	sdelay $0x4  }
0x113: {  	[tilespmem:$0x1FEE0] =	vst v0  }
0x114: {  	v0 =	vld [tilespmem:s12+$0x2300];
	_ =	sdelay $0x4  }
0x115: {  	[tilespmem:$0x1FEF0] =	vst v0  }
0x116: {  	v0 =	vld [tilespmem:s12+$0x2380];
	_ =	sdelay $0x4  }
0x117: {  	[tilespmem:$0x1FF00] =	vst v0  }
0x118: {  	v0 =	vld [tilespmem:s12+$0x3800];
	_ =	sdelay $0x4  }
0x119: {  	[tilespmem:$0x1FF10] =	vst v0  }
0x11a: {  	v0 =	vld [tilespmem:s12+$0x3880];
	_ =	sdelay $0x4  }
0x11b: {  	[tilespmem:$0x1FF20] =	vst v0  }
0x11c: {  	v0 =	vld [tilespmem:s12+$0x3900];
	_ =	sdelay $0x4  }
0x11d: {  	[tilespmem:$0x1FF30] =	vst v0  }
0x11e: {  	v6 =	vadd.f32 v6, v3;
	v3 =	vld [tilespmem:s12+$0x3980];
	_ =	sdelay $0x4  }
0x11f: {  	[tilespmem:$0x1FF40] =	vst v3  }
0x120: {  	v3 =	vld [tilespmem:s12+$0x3A00];
	_ =	sdelay $0x4  }
0x121: {  	[tilespmem:$0x1FF50] =	vst v3  }
0x122: {  	v3 =	vld [tilespmem:s12+$0x3A80];
	_ =	sdelay $0x4  }
0x123: {  	[tilespmem:$0x1FF60] =	vst v3  }
0x124: {  	v3 =	vld [tilespmem:s12+$0x3B00];
	_ =	sdelay $0x4  }
0x125: {  	[tilespmem:$0x1FF70] =	vst v3  }
0x126: {  	v7 =	vadd.f32 v8, v7;
	v3 =	vld [tilespmem:s12+$0x3B80]  }
0x127: {  	v8 =	vadd.f32 v10, v9;
	v10 =	vadd.f32 v12, v11  }
0x128: {  	v11 =	vadd.f32 v14, v13;
	v12 =	vadd.f32 v16, v15  }
0x129: {  	v13 =	vadd.f32 v18, v17;
	v14 =	vadd.f32 v20, v19  }
0x12a: {  	v15 =	vadd.f32 v22, v21;
	v16 =	vadd.f32 v24, v23  }
0x12b: {  	v17 =	vadd.f32 v26, v25;
	v18 =	vadd.f32 v28, v27;
	[tilespmem:$0x1FF80] =	vst v3  }
0x12c: {  	v19 =	vadd.f32 v30, v29;
	v20 =	vadd.f32 v32, v31;
	v3 =	vld [tilespmem:s12+$0x5000]  }
0x12d: {  	v21 =	vadd.f32 v34, v33;
	v22 =	vadd.f32 v36, v35  }
0x12e: {  	v23 =	vadd.f32 v38, v37;
	v24 =	vadd.f32 v40, v39  }
0x12f: {  	v25 =	vadd.f32 v42, v41;
	v26 =	vadd.f32 v44, v43  }
0x130: {  	v27 =	vadd.f32 v46, v45;
	v28 =	vadd.f32 v48, v47  }
0x131: {  	v29 =	vadd.f32 v50, v49;
	v30 =	vadd.f32 v52, v51;
	[tilespmem:$0x1FF90] =	vst v3  }
0x132: {  	v31 =	vadd.f32 v54, v53;
	v56 =	vadd.f32 v56, v55;
	v3 =	vld [tilespmem:s12+$0x5080]  }
0x133: {  	v58 =	vadd.f32 v58, v57;
	v60 =	vadd.f32 v60, v59  }
0x134: {  	v62 =	vadd.f32 v62, v61;
	v63 =	vadd.f32 v5, v63  }
0x135: {  	v1 =	vadd.f32 v1, v2;
	v2 =	vadd.f32 v8, v7  }
0x136: {  	v7 =	vadd.f32 v11, v10;
	v11 =	vadd.f32 v13, v12;
	v0 =	vld [tilespmem:$0x1FE00]  }
0x137: {  	v13 =	vadd.f32 v15, v14;
	v15 =	vadd.f32 v17, v16;
	[tilespmem:$0x1FFA0] =	vst v3  }
0x138: {  	v17 =	vadd.f32 v19, v18;
	v20 =	vadd.f32 v21, v20;
	v3 =	vld [tilespmem:s12+$0x5100]  }
0x139: {  	v24 =	vadd.f32 v25, v24;
	v25 =	vadd.f32 v27, v26  }
0x13a: {  	v26 =	vadd.f32 v29, v28;
	v27 =	vadd.f32 v31, v30  }
0x13b: {  	v28 =	vadd.f32 v58, v56;
	v0 =	vadd.f32 v4, v0  }
0x13c: {  	v29 =	vadd.f32 v62, v60;
	v1 =	vadd.f32 v1, v63  }
0x13d: {  	v23 =	vadd.f32 v23, v22;
	v0 =	vadd.f32 v6, v0;
	[tilespmem:$0x1FFB0] =	vst v3  }
0x13e: {  	v28 =	vadd.f32 v28, v27;
	v1 =	vadd.f32 v1, v29;
	v3 =	vld [tilespmem:s12+$0x5200]  }
0x13f: {  	v0 =	vadd.f32 v2, v0;
	v2 =	vadd.f32 v11, v7  }
0x140: {  	v7 =	vadd.f32 v15, v13;
	v11 =	vadd.f32 v20, v17  }
0x141: {  	v15 =	vadd.f32 v24, v23;
	v17 =	vadd.f32 v26, v25  }
0x142: {  	v24 =	vadd.f32 v1, v28;
	v13 =	vadd.f32 v2, v0;
	v0 =	vmul.f32 $1.250000000e-01, v0  }
0x143: {  	v20 =	vadd.f32 v11, v7;
	v23 =	vadd.f32 v17, v15;
	v2 =	vmul.f32 $1.250000000e-01, v2;
	v9 =	vld [tilespmem:s12+$0x5180];
	[tilespmem:$0x1FFC0] =	vst v3  }
0x144: {  	[tilespmem:s19+$0x18800] =	vst v0  }
0x145: {  	v13 =	vadd.f32 v20, v13;
	v20 =	vadd.f32 v24, v23;
	[tilespmem:s19+$0x18880] =	vst v2  }
0x146: {  	v2 =	vld [tilespmem:$0x1FE10]  }
0x147: {  	v0 =	vmul.f32 $1.250000000e-01, v7;
	v7 =	vadd.f32 v20, v13;
	v13 =	vld [tilespmem:$0x1FE20];
	_ =	sdelay $0x4  }
0x148: {  	v29 =	vadd.f32 v13, v2;
	v2 =	vmul.f32 $1.250000000e-01, v11;
	v11 =	vld [tilespmem:$0x1FE30]  }
0x149: {  	v13 =	vld [tilespmem:$0x1FE40];
	_ =	sdelay $0x2  }
0x14a: {  	[tilespmem:s19+$0x18900] =	vst v0  }
0x14b: {  	v0 =	vld [tilespmem:$0x1FE50]  }
0x14c: {  	v34 =	vadd.f32 v13, v11;
	v11 =	vld [tilespmem:$0x1FE60];
	_ =	sdelay $0x4  }
0x14d: {  	v36 =	vadd.f32 v11, v0;
	v11 =	vld [tilespmem:$0x1FE70]  }
0x14e: {  	v0 =	vmul.f32 $1.250000000e-01, v15;
	v15 =	vld [tilespmem:$0x1FE80];
	_ =	sdelay $0x2  }
0x14f: {  	[tilespmem:s19+$0x18980] =	vst v2  }
0x150: {  	v2 =	vld [tilespmem:$0x1FE90]  }
0x151: {  	v20 =	vadd.f32 v15, v11;
	v11 =	vld [tilespmem:$0x1FEA0];
	_ =	sdelay $0x4  }
0x152: {  	v23 =	vadd.f32 v11, v2;
	v11 =	vld [tilespmem:$0x1FEB0]  }
0x153: {  	v2 =	vmul.f32 $1.250000000e-01, v17;
	v17 =	vld [tilespmem:$0x1FEC0];
	_ =	sdelay $0x1  }
0x154: {  	v44 =	vld [tilespmem:s12+$0x5280]  }
0x155: {  	v46 =	vld [tilespmem:s12+$0x5300];
	[tilespmem:s19+$0x18A00] =	vst v0  }
0x156: {  	v0 =	vld [tilespmem:$0x1FED0]  }
0x157: {  	v24 =	vadd.f32 v17, v11;
	v11 =	vld [tilespmem:$0x1FEE0]  }
0x158: {  	v54 =	vld [tilespmem:s12+$0x5380]  }
0x159: {  	v3 =	vld [tilespmem:s12+$0x6800]  }
0x15a: {  	v4 =	vld [tilespmem:s12+$0x6880]  }
0x15b: {  	v5 =	vld [tilespmem:s12+$0x6900]  }
0x15c: {  	v26 =	vadd.f32 v11, v0;
	v11 =	vld [tilespmem:$0x1FEF0]  }
0x15d: {  	v0 =	vmul.f32 $1.250000000e-01, v28;
	v28 =	vld [tilespmem:$0x1FF00]  }
0x15e: {  	v8 =	vld [tilespmem:s12+$0x6980]  }
0x15f: {  	v6 =	vld [tilespmem:s12+$0x6A00]  }
0x160: {  	v10 =	vld [tilespmem:s12+$0x6A80];
	[tilespmem:s19+$0x18A80] =	vst v2  }
0x161: {  	v2 =	vld [tilespmem:$0x1FF10]  }
0x162: {  	v28 =	vadd.f32 v28, v11;
	v11 =	vld [tilespmem:$0x1FF20]  }
0x163: {  	v12 =	vld [tilespmem:s12+$0x6B00]  }
0x164: {  	v16 =	vld [tilespmem:s12+$0x6B80]  }
0x165: {  	v14 =	vld [tilespmem:s12+$0x8000]  }
0x166: {  	v18 =	vld [tilespmem:s12+$0x8080]  }
0x167: {  	v31 =	vadd.f32 v11, v2;
	v2 =	vld [tilespmem:$0x1FF30]  }
0x168: {  	v11 =	vld [tilespmem:$0x1FF40]  }
0x169: {  	v19 =	vld [tilespmem:s12+$0x8100]  }
0x16a: {  	v22 =	vld [tilespmem:s12+$0x8180]  }
0x16b: {  	v21 =	vld [tilespmem:s12+$0x8200];
	[tilespmem:s19+$0x18B00] =	vst v0  }
0x16c: {  	v0 =	vmul.f32 $7.812500000e-03, v7;
	v7 =	vld [tilespmem:$0x1FF60]  }
0x16d: {  	v33 =	vadd.f32 v11, v2;
	v2 =	vld [tilespmem:$0x1FF50]  }
0x16e: {  	v25 =	vld [tilespmem:s12+$0x8280]  }
0x16f: {  	v27 =	vld [tilespmem:s12+$0x8300]  }
0x170: {  	v30 =	vld [tilespmem:s12+$0x8380]  }
0x171: {  	v32 =	vld [tilespmem:s12+$0x9800]  }
0x172: {  	v40 =	vadd.f32 v7, v2;
	v2 =	vld [tilespmem:$0x1FF70]  }
0x173: {  	v7 =	vld [tilespmem:$0x1FF80]  }
0x174: {  	v1 =	vmul.f32 $1.250000000e-01, v1;
	v35 =	vld [tilespmem:s12+$0x9880]  }
0x175: {  	v37 =	vld [tilespmem:s12+$0x9900]  }
0x176: {  	v38 =	vld [tilespmem:s12+$0x9980];
	[tilespmem:s23+$0x18800] =	vst v1  }
0x177: {  	v1 =	vld [tilespmem:$0x1FF90]  }
0x178: {  	v41 =	vadd.f32 v7, v2;
	v2 =	vld [tilespmem:$0x1FFA0]  }
0x179: {  	v39 =	vld [tilespmem:s12+$0x9A00]  }
0x17a: {  	v45 =	vld [tilespmem:s12+$0xB000]  }
0x17b: {  	v47 =	vld [tilespmem:s12+$0xB080]  }
0x17c: {  	s21 =	simm.s32 $0x1E800;
	v48 =	vld [tilespmem:s12+$0xB100]  }
0x17d: {  	v42 =	vadd.f32 v2, v1;
	v1 =	vld [tilespmem:$0x1FFB0];
	[tilespmem:s21+$0x0] =	vst v0  }
0x17e: {  	v0 =	vld [tilespmem:$0x1FFC0]  }
0x17f: {  	v49 =	vld [tilespmem:s12+$0xB180]  }
0x180: {  	v50 =	vld [tilespmem:s12+$0xB200]  }
0x181: {  	v13 =	vld [tilespmem:s12+$0x9A80]  }
0x182: {  	s22 =	sshll.u32 s17, $0x1;
	v46 =	vadd.f32 v54, v46;
	v15 =	vld [tilespmem:s12+$0x9B00]  }
0x183: {  	v17 =	vld [tilespmem:s12+$0x9B80];
	s19 =	sor.u32 s6, s22;
	v43 =	vadd.f32 v9, v1;
	v44 =	vadd.f32 v44, v0  }
.LBB2_3:
0x184: {  	s14 =	sadd.s32 $0x10, s14;
	v0 =	vadd.f32 v4, v3;
	v1 =	vadd.f32 v8, v5;
	v2 =	vld [tilespmem:s12+$0xB280];
	s20 =	sadd.s32 $0x80, s20  }
0x185: {  	v3 =	vadd.f32 v10, v6;
	v4 =	vadd.f32 v16, v12;
	s23 =	sand.u32 $0x70, s14;
	s24 =	sand.u32 $0x1C00, s20;
	p1 =	slt.u32 s14, $0x2F0;
	v5 =	vld [tilespmem:s12+$0xB300]  }
0x186: {  	v6 =	vadd.f32 v18, v14;
	v8 =	vadd.f32 v22, v19;
	s23 =	sor.u32 s23, s24;
	v10 =	vld [tilespmem:s12+$0xB380]  }
0x187: {  	v12 =	vadd.f32 v25, v21;
	v14 =	vadd.f32 v30, v27;
	v7 =	vld [tilespmem:s23+$0x800]  }
0x188: {  	v16 =	vadd.f32 v35, v32;
	v18 =	vadd.f32 v38, v37;
	v9 =	vld [tilespmem:s23+$0x880]  }
0x189: {  	v19 =	vadd.f32 v13, v39;
	v21 =	vadd.f32 v17, v15;
	v11 =	vld [tilespmem:s23+$0x900]  }
0x18a: {  	v22 =	vadd.f32 v47, v45;
	v25 =	vadd.f32 v49, v48;
	v13 =	vld [tilespmem:s23+$0x980]  }
0x18b: {  	v2 =	vadd.f32 v2, v50;
	v15 =	vld [tilespmem:s23+$0xA00];
	v5 =	vadd.f32 v10, v5  }
0x18c: {  	v27 =	vadd.f32 v20, v36;
	s24 =	sor.u32 s20, s14;
	v10 =	vadd.f32 v34, v29;
	v17 =	vld [tilespmem:s23+$0xA80]  }
0x18d: {  	v30 =	vadd.f32 v28, v26;
	s24 =	sor.u32 $0x380, s24;
	v29 =	vadd.f32 v24, v23;
	v20 =	vld [tilespmem:s23+$0xB00]  }
0x18e: {  	v32 =	vadd.f32 v33, v31;
	v34 =	vadd.f32 v41, v40;
	v23 =	vld [tilespmem:s24+$0x800]  }
0x18f: {  	v35 =	vadd.f32 v43, v42;
	v36 =	vadd.f32 v46, v44;
	v24 =	vld [tilespmem:s23+$0x2000]  }
0x190: {  	v0 =	vadd.f32 v1, v0;
	v1 =	vadd.f32 v4, v3;
	v26 =	vld [tilespmem:s23+$0x2080]  }
0x191: {  	v3 =	vadd.f32 v8, v6;
	v4 =	vadd.f32 v14, v12;
	v28 =	vld [tilespmem:s23+$0x2100]  }
0x192: {  	v6 =	vadd.f32 v18, v16;
	v8 =	vadd.f32 v21, v19;
	v31 =	vld [tilespmem:s23+$0x2180]  }
0x193: {  	v12 =	vadd.f32 v25, v22;
	v2 =	vadd.f32 v5, v2;
	v33 =	vld [tilespmem:s23+$0x2200]  }
0x194: {  	v5 =	vadd.f32 v27, v10;
	v10 =	vadd.f32 v30, v29;
	v40 =	vld [tilespmem:s23+$0x2280]  }
0x195: {  	v16 =	vadd.f32 v36, v35;
	v14 =	vadd.f32 v34, v32;
	v41 =	vld [tilespmem:s23+$0x2300]  }
0x196: {  	v0 =	vadd.f32 v1, v0;
	v1 =	vadd.f32 v4, v3;
	v42 =	vld [tilespmem:s23+$0x2380]  }
0x197: {  	v4 =	vadd.f32 v8, v6;
	v3 =	vmul.f32 $1.250000000e-01, v5;
	v2 =	vadd.f32 v2, v12;
	v43 =	vld [tilespmem:s23+$0x3800]  }
0x198: {  	v6 =	vmul.f32 $1.250000000e-01, v10;
	v5 =	vadd.f32 v10, v5;
	v8 =	vadd.f32 v16, v14;
	v44 =	vld [tilespmem:s23+$0x3880]  }
0x199: {  	v10 =	vadd.f32 v1, v0;
	v12 =	vadd.f32 v2, v4;
	v46 =	vld [tilespmem:s23+$0x3900];
	[tilespmem:s12+$0x18800] =	vst v3;
	v3 =	vmul.f32 $1.250000000e-01, v14  }
0x19a: {  	v47 =	vld [tilespmem:s23+$0x3980];
	[tilespmem:s12+$0x18880] =	vst v6;
	v6 =	vmul.f32 $1.250000000e-01, v16  }
0x19b: {  	v0 =	vmul.f32 $1.250000000e-01, v0;
	v48 =	vld [tilespmem:s23+$0x3A00];
	[tilespmem:s12+$0x18900] =	vst v3;
	v3 =	vadd.f32 v8, v5;
	v5 =	vadd.f32 v12, v10  }
0x19c: {  	v1 =	vmul.f32 $1.250000000e-01, v1;
	v49 =	vld [tilespmem:s23+$0x3A80];
	[tilespmem:s12+$0x18980] =	vst v6  }
0x19d: {  	v50 =	vld [tilespmem:s23+$0x3B00];
	[tilespmem:s12+$0x18A00] =	vst v0;
	v0 =	vmul.f32 $1.250000000e-01, v4;
	v3 =	vadd.f32 v5, v3  }
0x19e: {  	v51 =	vld [tilespmem:s23+$0x3B80];
	[tilespmem:s12+$0x18A80] =	vst v1;
	v1 =	vmul.f32 $1.250000000e-01, v2  }
0x19f: {  	v2 =	vld [tilespmem:s23+$0x5000];
	[tilespmem:s12+$0x18B00] =	vst v0;
	v0 =	vmul.f32 $7.812500000e-03, v3;
	s12 =	smov.u32 s23  }
0x1a0: {  	s21 =	sadd.s32 $0x10, s21;
	v52 =	vld [tilespmem:s12+$0x5080];
	[tilespmem:s18+$0x18800] =	vst v1;
	s18 =	smov.u32 s24  }
0x1a1: {  	v1 =	vld [tilespmem:s12+$0x5100];
	[tilespmem:s21+$0x0] =	vst v0  }
0x1a2: {  	v0 =	vld [tilespmem:s12+$0x5180]  }
0x1a3: {  	v53 =	vld [tilespmem:s12+$0x5200]  }
0x1a4: {  	v54 =	vld [tilespmem:s12+$0x5280]  }
0x1a5: {  	v55 =	vld [tilespmem:s12+$0x5300]  }
0x1a6: {  	v56 =	vld [tilespmem:s12+$0x5380]  }
0x1a7: {  	v3 =	vld [tilespmem:s12+$0x6800]  }
0x1a8: {  	v4 =	vld [tilespmem:s12+$0x6880]  }
0x1a9: {  	v5 =	vld [tilespmem:s12+$0x6900]  }
0x1aa: {  	v8 =	vld [tilespmem:s12+$0x6980]  }
0x1ab: {  	v6 =	vld [tilespmem:s12+$0x6A00]  }
0x1ac: {  	v10 =	vld [tilespmem:s12+$0x6A80]  }
0x1ad: {  	v12 =	vld [tilespmem:s12+$0x6B00]  }
0x1ae: {  	v16 =	vld [tilespmem:s12+$0x6B80]  }
0x1af: {  	v14 =	vld [tilespmem:s12+$0x8000]  }
0x1b0: {  	v18 =	vld [tilespmem:s12+$0x8080]  }
0x1b1: {  	v19 =	vld [tilespmem:s12+$0x8100]  }
0x1b2: {  	v22 =	vld [tilespmem:s12+$0x8180]  }
0x1b3: {  	v21 =	vld [tilespmem:s12+$0x8200]  }
0x1b4: {  	v25 =	vld [tilespmem:s12+$0x8280]  }
0x1b5: {  	v27 =	vld [tilespmem:s12+$0x8300]  }
0x1b6: {  	v30 =	vld [tilespmem:s12+$0x8380]  }
0x1b7: {  	v32 =	vld [tilespmem:s12+$0x9800]  }
0x1b8: {  	v35 =	vld [tilespmem:s12+$0x9880]  }
0x1b9: {  	v37 =	vld [tilespmem:s12+$0x9900]  }
0x1ba: {  	v38 =	vld [tilespmem:s12+$0x9980]  }
0x1bb: {  	v39 =	vld [tilespmem:s12+$0x9A00]  }
0x1bc: {  	v29 =	vadd.f32 v9, v7;
	v34 =	vadd.f32 v13, v11;
	v13 =	vld [tilespmem:s12+$0x9A80]  }
0x1bd: {  	v36 =	vadd.f32 v17, v15;
	v20 =	vadd.f32 v23, v20;
	v15 =	vld [tilespmem:s12+$0x9B00]  }
0x1be: {  	v23 =	vadd.f32 v26, v24;
	v24 =	vadd.f32 v31, v28;
	v17 =	vld [tilespmem:s12+$0x9B80]  }
.Ltmp0:
0x1bf: {  	v26 =	vadd.f32 v40, v33;
	v28 =	vadd.f32 v42, v41;
	v45 =	vld [tilespmem:s12+$0xB000];
	(pc) =	sbr.rel @p1 .LBB2_3-.Ltmp0, $4  }
0x1c0: {  	v31 =	vadd.f32 v44, v43;
	v33 =	vadd.f32 v47, v46;
	v47 =	vld [tilespmem:s12+$0xB080]  }
0x1c1: {  	v40 =	vadd.f32 v49, v48;
	v41 =	vadd.f32 v51, v50;
	v48 =	vld [tilespmem:s12+$0xB100]  }
0x1c2: {  	v42 =	vadd.f32 v52, v2;
	v43 =	vadd.f32 v0, v1;
	v49 =	vld [tilespmem:s12+$0xB180]  }
0x1c3: {  	v44 =	vadd.f32 v54, v53;
	v46 =	vadd.f32 v56, v55;
	v50 =	vld [tilespmem:s12+$0xB200]  }
0x1c4: {  	v0 =	vadd.f32 v4, v3  }
0x1c5: {  	v1 =	vadd.f32 v8, v5;
	v63 =	vadd.f32 v10, v6  }
0x1c6: {  	v4 =	vadd.f32 v16, v12;
	v6 =	vadd.f32 v18, v14  }
0x1c7: {  	v7 =	vadd.f32 v22, v19;
	v9 =	vadd.f32 v25, v21  }
0x1c8: {  	v10 =	vadd.f32 v30, v27;
	v11 =	vadd.f32 v35, v32  }
0x1c9: {  	v12 =	vadd.f32 v38, v37;
	v13 =	vadd.f32 v13, v39  }
0x1ca: {  	v14 =	vadd.f32 v17, v15;
	v17 =	vadd.f32 v20, v36  }
0x1cb: {  	v18 =	vadd.f32 v24, v23;
	v19 =	vadd.f32 v28, v26  }
0x1cc: {  	v20 =	vadd.f32 v33, v31;
	v21 =	vadd.f32 v41, v40  }
0x1cd: {  	v2 =	vld [tilespmem:s12+$0xB280];
	v22 =	vadd.f32 v43, v42;
	v15 =	vadd.f32 v47, v45  }
0x1ce: {  	v5 =	vld [tilespmem:s12+$0xB300];
	v23 =	vadd.f32 v46, v44;
	v0 =	vadd.f32 v1, v0  }
0x1cf: {  	v8 =	vld [tilespmem:s12+$0xB380];
	v44 =	vadd.f32 v4, v63;
	v45 =	vadd.f32 v7, v6  }
0x1d0: {  	v4 =	vadd.f32 v10, v9;
	v6 =	vadd.f32 v12, v11  }
0x1d1: {  	v7 =	vadd.f32 v14, v13;
	v10 =	vadd.f32 v21, v20  }
0x1d2: {  	v16 =	vadd.f32 v49, v48;
	v11 =	vadd.f32 v23, v22  }
0x1d3: {  	v0 =	vadd.f32 v44, v0;
	v46 =	vadd.f32 v4, v45  }
0x1d4: {  	v2 =	vadd.f32 v2, v50;
	v5 =	vadd.f32 v8, v5  }
0x1d5: {  	v4 =	vadd.f32 v7, v6;
	v8 =	vadd.f32 v34, v29  }
0x1d6: {  	v9 =	vadd.f32 v16, v15;
	v2 =	vadd.f32 v5, v2  }
0x1d7: {  	v48 =	vmul.f32 $1.250000000e-01, v10;
	v5 =	vadd.f32 v17, v8;
	v8 =	vadd.f32 v19, v18  }
0x1d8: {  	v7 =	vadd.f32 v11, v10;
	v1 =	vmul.f32 $1.250000000e-01, v46;
	v2 =	vadd.f32 v2, v9  }
0x1d9: {  	v50 =	vmul.f32 $1.250000000e-01, v4;
	v47 =	vmul.f32 $1.250000000e-01, v5;
	v5 =	vadd.f32 v8, v5  }
0x1da: {  	[tilespmem:s12+$0x18900] =	vst v48;
	v6 =	vmul.f32 $1.250000000e-01, v8;
	v8 =	vadd.f32 v46, v0;
	v9 =	vadd.f32 v2, v4  }
0x1db: {  	[tilespmem:s12+$0x18A80] =	vst v1  }
0x1dc: {  	[tilespmem:s12+$0x18B00] =	vst v50;
	v49 =	vadd.f32 v7, v5;
	v5 =	vadd.f32 v9, v8  }
0x1dd: {  	v0 =	vmul.f32 $1.250000000e-01, v0;
	[tilespmem:s12+$0x18800] =	vst v47  }
0x1de: {  	[tilespmem:s12+$0x18880] =	vst v6;
	v6 =	vmul.f32 $1.250000000e-01, v11;
	v3 =	vadd.f32 v5, v49  }
0x1df: {  	[tilespmem:s12+$0x18A00] =	vst v0;
	v51 =	vmul.f32 $1.250000000e-01, v2  }
0x1e0: {  	s14 =	sor.u32 $0x1, s22;
	[tilespmem:s12+$0x18980] =	vst v6;
	v52 =	vmul.f32 $7.812500000e-03, v3  }
0x1e1: {  	s23 =	sadd.s32 $0x10, s21;
	[tilespmem:s18+$0x18800] =	vst v51;
	s18 =	sshll.u32 s14, $0x7  }
0x1e2: {  	s12 =	sand.u32 $0x3FFFFF80, s18;
	[tilespmem:s23+$0x0] =	vst v52  }
0x1e3: {  	v0 =	vld [tilespmem:s12+$0x0];
	_ =	sdelay $0x3  }
0x1e4: {  	v61 =	vld [tilespmem:$0x1FFD0]  }
0x1e5: {  	v53 =	vshrl.u32 v0, $0x3  }
0x1e6: {  	v62 =	vld [tilespmem:$0x1FFE0];
	v1 =	vmul.u32 $0x30, v53  }
0x1e7: {  	v0 =	vand.u32 $0x7, v0  }
0x1e8: {  	v0 =	vor.u32 v0, v1  }
0x1e9: {  	v1 =	vperm.xlane v0, v61  }
0x1ea: {  	v63 =	vld [tilespmem:$0x1FFF0]  }
0x1eb: {  	v1 =	vadd.s32 v62, v1;
	_ =	sdelay $0x3  }
0x1ec: {  	s20 =	simm.s32 $0x0;
	s16 =	simm.s32 $0x800;
	v0 =	vperm.xlane v0, v63  }
0x1ed: {  	[tilespmem:s16], [sflag:$0x1] =	stream.indirect_vreg.gather [hbm4b:s1+s20], $0x80, v1, vm0, $0xb8;
	[tilespmem:$0x1EE00] =	vst v63  }
0x1ee: {  	s24 =	simm.s32 $0x1000;
	v0 =	vadd.s32 v62, v0  }
0x1ef: {  	[tilespmem:s24], [sflag:$0x1] =	stream.indirect_vreg.gather [hbm4b:s8+s20], $0x80, v1, vm0, $0xb8;
	[tilespmem:$0x1EE00] =	vst v63  }
0x1f0: {  	s21 =	simm.s32 $0x1800  }
0x1f1: {  	[tilespmem:s21], [sflag:$0x1] =	stream.indirect_vreg.gather [hbm4b:s9+s20], $0x80, v1, vm0, $0xb8;
	[tilespmem:$0x1EE00] =	vst v63  }
0x1f2: {  	s22 =	simm.s32 $0x2000  }
0x1f3: {  	[tilespmem:s22], [sflag:$0x1] =	stream.indirect_vreg.gather [hbm4b:s1+s20], $0x80, v0, vm0, $0xb8;
	[tilespmem:$0x1EE00] =	vst v63  }
0x1f4: {  	s23 =	simm.s32 $0x2800  }
0x1f5: {  	[tilespmem:s23], [sflag:$0x1] =	stream.indirect_vreg.gather [hbm4b:s8+s20], $0x80, v0, vm0, $0xb8;
	[tilespmem:$0x1EE00] =	vst v63  }
0x1f6: {  	s24 =	simm.s32 $0x3000  }
0x1f7: {  	[tilespmem:s24], [sflag:$0x1] =	stream.indirect_vreg.gather [hbm4b:s9+s20], $0x80, v0, vm0, $0xb8;
	[tilespmem:$0x1EE00] =	vst v63  }
0x1f8: {  	v0 =	vld [tilespmem:s12+$0x10];
	_ =	sdelay $0x4  }
0x1f9: {  	v54 =	vshrl.u32 v0, $0x3  }
0x1fa: {  	v1 =	vmul.u32 $0x30, v54  }
0x1fb: {  	v0 =	vand.u32 $0x7, v0  }
0x1fc: {  	v0 =	vor.u32 v0, v1  }
0x1fd: {  	v1 =	vperm.xlane v0, v61;
	_ =	sdelay $0x1  }
0x1fe: {  	v1 =	vadd.s32 v62, v1;
	_ =	sdelay $0x3  }
0x1ff: {  	s21 =	simm.s32 $0x3800;
	v0 =	vperm.xlane v0, v63  }
0x200: {  	[tilespmem:s21], [sflag:$0x1] =	stream.indirect_vreg.gather [hbm4b:s1+s20], $0x80, v1, vm0, $0xb8;
	[tilespmem:$0x1EE00] =	vst v63  }
0x201: {  	s22 =	simm.s32 $0x4000;
	v0 =	vadd.s32 v62, v0  }
0x202: {  	[tilespmem:s22], [sflag:$0x1] =	stream.indirect_vreg.gather [hbm4b:s8+s20], $0x80, v1, vm0, $0xb8;
	[tilespmem:$0x1EE00] =	vst v63  }
0x203: {  	s23 =	simm.s32 $0x4800  }
0x204: {  	[tilespmem:s23], [sflag:$0x1] =	stream.indirect_vreg.gather [hbm4b:s9+s20], $0x80, v1, vm0, $0xb8;
	[tilespmem:$0x1EE00] =	vst v63  }
0x205: {  	s24 =	simm.s32 $0x5000  }
0x206: {  	[tilespmem:s24], [sflag:$0x1] =	stream.indirect_vreg.gather [hbm4b:s1+s20], $0x80, v0, vm0, $0xb8;
	[tilespmem:$0x1EE00] =	vst v63  }
0x207: {  	s21 =	simm.s32 $0x5800  }
0x208: {  	[tilespmem:s21], [sflag:$0x1] =	stream.indirect_vreg.gather [hbm4b:s8+s20], $0x80, v0, vm0, $0xb8;
	[tilespmem:$0x1EE00] =	vst v63  }
0x209: {  	s22 =	simm.s32 $0x6000  }
0x20a: {  	[tilespmem:s22], [sflag:$0x1] =	stream.indirect_vreg.gather [hbm4b:s9+s20], $0x80, v0, vm0, $0xb8;
	[tilespmem:$0x1EE00] =	vst v63  }
0x20b: {  	v0 =	vld [tilespmem:s12+$0x20];
	_ =	sdelay $0x4  }
0x20c: {  	v55 =	vshrl.u32 v0, $0x3  }
0x20d: {  	v1 =	vmul.u32 $0x30, v55  }
0x20e: {  	v0 =	vand.u32 $0x7, v0  }
0x20f: {  	v0 =	vor.u32 v0, v1  }
0x210: {  	v1 =	vperm.xlane v0, v61;
	_ =	sdelay $0x1  }
0x211: {  	v1 =	vadd.s32 v62, v1;
	_ =	sdelay $0x3  }
0x212: {  	s23 =	simm.s32 $0x6800;
	v0 =	vperm.xlane v0, v63  }
0x213: {  	[tilespmem:s23], [sflag:$0x1] =	stream.indirect_vreg.gather [hbm4b:s1+s20], $0x80, v1, vm0, $0xb8;
	[tilespmem:$0x1EE00] =	vst v63  }
0x214: {  	v0 =	vadd.s32 v62, v0  }
0x215: {  	[tilespmem:s25], [sflag:$0x1] =	stream.indirect_vreg.gather [hbm4b:s8+s20], $0x80, v1, vm0, $0xb8;
	[tilespmem:$0x1EE00] =	vst v63  }
0x216: {  	_ = 	snop  }
0x217: {  	[tilespmem:s26], [sflag:$0x1] =	stream.indirect_vreg.gather [hbm4b:s9+s20], $0x80, v1, vm0, $0xb8;
	[tilespmem:$0x1EE00] =	vst v63  }
0x218: {  	_ = 	snop  }
0x219: {  	[tilespmem:s28], [sflag:$0x1] =	stream.indirect_vreg.gather [hbm4b:s1+s20], $0x80, v0, vm0, $0xb8;
	[tilespmem:$0x1EE00] =	vst v63  }
0x21a: {  	_ = 	snop  }
0x21b: {  	[tilespmem:s29], [sflag:$0x1] =	stream.indirect_vreg.gather [hbm4b:s8+s20], $0x80, v0, vm0, $0xb8;
	[tilespmem:$0x1EE00] =	vst v63  }
0x21c: {  	_ = 	snop  }
0x21d: {  	[tilespmem:s30], [sflag:$0x1] =	stream.indirect_vreg.gather [hbm4b:s9+s20], $0x80, v0, vm0, $0xb8;
	[tilespmem:$0x1EE00] =	vst v63  }
0x21e: {  	v0 =	vld [tilespmem:s12+$0x30];
	_ =	sdelay $0x4  }
0x21f: {  	v56 =	vshrl.u32 v0, $0x3  }
0x220: {  	v1 =	vmul.u32 $0x30, v56  }
0x221: {  	v0 =	vand.u32 $0x7, v0  }
0x222: {  	v0 =	vor.u32 v0, v1  }
0x223: {  	v1 =	vperm.xlane v0, v61;
	_ =	sdelay $0x1  }
0x224: {  	v1 =	vadd.s32 v62, v1;
	_ =	sdelay $0x3  }
0x225: {  	v0 =	vperm.xlane v0, v63  }
0x226: {  	[tilespmem:s31], [sflag:$0x1] =	stream.indirect_vreg.gather [hbm4b:s1+s20], $0x80, v1, vm0, $0xb8;
	[tilespmem:$0x1EE00] =	vst v63  }
0x227: {  	v0 =	vadd.s32 v62, v0  }
0x228: {  	[tilespmem:s0], [sflag:$0x1] =	stream.indirect_vreg.gather [hbm4b:s8+s20], $0x80, v1, vm0, $0xb8;
	[tilespmem:$0x1EE00] =	vst v63  }
0x229: {  	_ = 	snop  }
0x22a: {  	[tilespmem:s2], [sflag:$0x1] =	stream.indirect_vreg.gather [hbm4b:s9+s20], $0x80, v1, vm0, $0xb8;
	[tilespmem:$0x1EE00] =	vst v63  }
0x22b: {  	_ = 	snop  }
0x22c: {  	[tilespmem:s7], [sflag:$0x1] =	stream.indirect_vreg.gather [hbm4b:s1+s20], $0x80, v0, vm0, $0xb8;
	[tilespmem:$0x1EE00] =	vst v63  }
0x22d: {  	_ = 	snop  }
0x22e: {  	[tilespmem:s10], [sflag:$0x1] =	stream.indirect_vreg.gather [hbm4b:s8+s20], $0x80, v0, vm0, $0xb8;
	[tilespmem:$0x1EE00] =	vst v63  }
0x22f: {  	_ = 	snop  }
0x230: {  	[tilespmem:s11], [sflag:$0x1] =	stream.indirect_vreg.gather [hbm4b:s9+s20], $0x80, v0, vm0, $0xb8;
	[tilespmem:$0x1EE00] =	vst v63  }
0x231: {  	s24 =	simm.s32 $0x0;
	_ =	swait.ge [sflag:s3], $0xC000  }
0x232: {  	s21 =	sand.u32 $0x70, s24;
	s20 =	sand.u32 $0x1C00, s20;
	[sflag:s3] =	ssyncset.done $0x0  }
0x233: {  	s23 =	sor.u32 s21, s20;
	[sflag:s3] =	ssyncadd.s32 $0xFFFF4000  }
0x234: {  	v0 =	vld [tilespmem:s23+$0xC800]  }
0x235: {  	v57 =	vld [tilespmem:s23+$0xC880]  }
0x236: {  	v58 =	vld [tilespmem:s23+$0xC900]  }
0x237: {  	v59 =	vld [tilespmem:s23+$0xC980]  }
0x238: {  	v4 =	vld [tilespmem:s23+$0xCA00]  }
0x239: {  	v5 =	vld [tilespmem:s23+$0xCA80]  }
0x23a: {  	v6 =	vld [tilespmem:s23+$0xCB00]  }
0x23b: {  	v7 =	vld [tilespmem:s23+$0xCB80]  }
0x23c: {  	v8 =	vld [tilespmem:s23+$0xE000]  }
0x23d: {  	v9 =	vld [tilespmem:s23+$0xE080]  }
0x23e: {  	v10 =	vld [tilespmem:s23+$0xE100]  }
0x23f: {  	v11 =	vld [tilespmem:s23+$0xE180]  }
0x240: {  	v12 =	vld [tilespmem:s23+$0xE200]  }
0x241: {  	v13 =	vld [tilespmem:s23+$0xE280]  }
0x242: {  	v14 =	vld [tilespmem:s23+$0xE300]  }
0x243: {  	v15 =	vld [tilespmem:s23+$0xE380]  }
0x244: {  	v16 =	vld [tilespmem:s23+$0xF800]  }
0x245: {  	v17 =	vld [tilespmem:s23+$0xF880]  }
0x246: {  	v18 =	vld [tilespmem:s23+$0xF900]  }
0x247: {  	v19 =	vld [tilespmem:s23+$0xF980]  }
0x248: {  	v20 =	vld [tilespmem:s23+$0xFA00]  }
0x249: {  	v21 =	vld [tilespmem:s23+$0xFA80]  }
0x24a: {  	v22 =	vld [tilespmem:s23+$0xFB00]  }
0x24b: {  	v23 =	vld [tilespmem:s23+$0xFB80]  }
0x24c: {  	v24 =	vld [tilespmem:s23+$0x11000]  }
0x24d: {  	v25 =	vld [tilespmem:s23+$0x11080]  }
0x24e: {  	v26 =	vld [tilespmem:s23+$0x11100]  }
0x24f: {  	v27 =	vld [tilespmem:s23+$0x11180]  }
0x250: {  	v28 =	vld [tilespmem:s23+$0x11200]  }
0x251: {  	v29 =	vld [tilespmem:s23+$0x11280]  }
0x252: {  	v30 =	vld [tilespmem:s23+$0x11300]  }
0x253: {  	v31 =	vld [tilespmem:s23+$0x11380]  }
0x254: {  	v32 =	vld [tilespmem:s23+$0x12800]  }
0x255: {  	v33 =	vld [tilespmem:s23+$0x12880]  }
0x256: {  	v34 =	vld [tilespmem:s23+$0x12900]  }
0x257: {  	v35 =	vld [tilespmem:s23+$0x12980]  }
0x258: {  	v36 =	vld [tilespmem:s23+$0x12A00]  }
0x259: {  	v37 =	vld [tilespmem:s23+$0x12A80]  }
0x25a: {  	v38 =	vld [tilespmem:s23+$0x12B00]  }
0x25b: {  	v39 =	vld [tilespmem:s23+$0x12B80]  }
0x25c: {  	v40 =	vld [tilespmem:s23+$0x14000]  }
0x25d: {  	v41 =	vld [tilespmem:s23+$0x14080]  }
0x25e: {  	v42 =	vld [tilespmem:s23+$0x14100]  }
0x25f: {  	v60 =	vld [tilespmem:s23+$0x14180]  }
0x260: {  	v44 =	vld [tilespmem:s23+$0x14200]  }
0x261: {  	v45 =	vld [tilespmem:s23+$0x14280]  }
0x262: {  	v46 =	vld [tilespmem:s23+$0x14300]  }
0x263: {  	v47 =	vld [tilespmem:s23+$0x14380]  }
0x264: {  	v48 =	vld [tilespmem:s23+$0x15800]  }
0x265: {  	v49 =	vld [tilespmem:s23+$0x15880]  }
0x266: {  	s22 =	simm.s32 $0x80;
	s21 =	simm.s32 $0x10;
	v56 =	vld [tilespmem:s23+$0x15900]  }
0x267: {  	s24 =	sand.u32 $0x1C00, s22;
	s16 =	sand.u32 $0x70, s21;
	v51 =	vld [tilespmem:s23+$0x15980]  }
0x268: {  	s20 =	sor.u32 s16, s24;
	v52 =	vld [tilespmem:s23+$0x15A00]  }
0x269: {  	v43 =	vld [tilespmem:s20+$0xCA00]  }
0x26a: {  	v3 =	vld [tilespmem:s20+$0xCB00]  }
0x26b: {  	v50 =	vld [tilespmem:s20+$0xF900]  }
0x26c: {  	v1 =	vld [tilespmem:s20+$0xFB80]  }
0x26d: {  	v0 =	vadd.f32 v57, v0;
	v57 =	vadd.f32 v59, v58;
	v58 =	vld [tilespmem:s23+$0x15A80]  }
0x26e: {  	v59 =	vadd.f32 v5, v4;
	v5 =	vld [tilespmem:s23+$0x15B00]  }
0x26f: {  	v4 =	vadd.f32 v7, v6;
	v6 =	vadd.f32 v9, v8;
	v8 =	vld [tilespmem:s23+$0x15B80]  }
0x270: {  	v7 =	vadd.f32 v11, v10;
	v11 =	vld [tilespmem:s23+$0x17000]  }
0x271: {  	v10 =	vadd.f32 v15, v14;
	v14 =	vld [tilespmem:s23+$0x17080]  }
0x272: {  	v9 =	vadd.f32 v13, v12;
	v12 =	vadd.f32 v17, v16;
	v17 =	vld [tilespmem:s23+$0x17100]  }
0x273: {  	v15 =	vadd.f32 v21, v20;
	v20 =	vld [tilespmem:s23+$0x17180]  }
0x274: {  	v16 =	vadd.f32 v23, v22;
	v23 =	vld [tilespmem:s23+$0x17200]  }
0x275: {  	v13 =	vadd.f32 v19, v18;
	v19 =	vadd.f32 v27, v26;
	v26 =	vld [tilespmem:s23+$0x17280]  }
0x276: {  	v21 =	vadd.f32 v29, v28;
	v29 =	vld [tilespmem:s23+$0x17300]  }
0x277: {  	v22 =	vadd.f32 v31, v30;
	v31 =	vadd.f32 v60, v42;
	v60 =	vld [tilespmem:s23+$0x17380]  }
0x278: {  	v30 =	vadd.f32 v41, v40;
	v40 =	vld [tilespmem:s20+$0xC800]  }
0x279: {  	v41 =	vld [tilespmem:s20+$0xC880]  }
0x27a: {  	v42 =	vld [tilespmem:s20+$0xC900]  }
0x27b: {  	v53 =	vadd.f32 v45, v44;
	v44 =	vld [tilespmem:s20+$0xCA80]  }
0x27c: {  	v45 =	vld [tilespmem:s20+$0xE080]  }
0x27d: {  	v54 =	vadd.f32 v47, v46;
	v46 =	vld [tilespmem:s20+$0xE100]  }
0x27e: {  	v47 =	vld [tilespmem:s20+$0xE180]  }
0x27f: {  	v55 =	vadd.f32 v49, v48;
	v48 =	vld [tilespmem:s20+$0xE280]  }
0x280: {  	v49 =	vld [tilespmem:s20+$0xF800]  }
0x281: {  	v56 =	vadd.f32 v51, v56;
	v51 =	vld [tilespmem:s20+$0xF980]  }
0x282: {  	v18 =	vadd.f32 v25, v24;
	v24 =	vadd.f32 v33, v32;
	v32 =	vld [tilespmem:s20+$0x14280]  }
0x283: {  	v33 =	vld [tilespmem:s20+$0x14300]  }
0x284: {  	v25 =	vadd.f32 v35, v34;
	v35 =	vld [tilespmem:s20+$0x14380]  }
0x285: {  	v34 =	vld [tilespmem:s20+$0x15800]  }
0x286: {  	v27 =	vadd.f32 v37, v36;
	v36 =	vld [tilespmem:s20+$0x15880]  }
0x287: {  	v37 =	vld [tilespmem:s20+$0x15900]  }
0x288: {  	v28 =	vadd.f32 v39, v38;
	v39 =	vld [tilespmem:s20+$0x15980]  }
0x289: {  	v38 =	vld [tilespmem:s20+$0x15A00];
	v0 =	vadd.f32 v57, v0;
	v57 =	vadd.f32 v4, v59  }
0x28a: {  	v4 =	vadd.f32 v7, v6;
	v6 =	vadd.f32 v10, v9;
	v7 =	vld [tilespmem:s20+$0xCB80]  }
0x28b: {  	v9 =	vadd.f32 v13, v12;
	v10 =	vadd.f32 v16, v15;
	v12 =	vld [tilespmem:s20+$0xE000]  }
0x28c: {  	v15 =	vadd.f32 v22, v21;
	v21 =	vadd.f32 v54, v53;
	v53 =	vld [tilespmem:s20+$0xFA80]  }
0x28d: {  	v54 =	vld [tilespmem:s20+$0xFB00]  }
0x28e: {  	v22 =	vadd.f32 v56, v55;
	v55 =	vld [tilespmem:s20+$0x11000]  }
0x28f: {  	v56 =	vld [tilespmem:s20+$0x11180]  }
0x290: {  	v16 =	vadd.f32 v25, v24;
	v24 =	vld [tilespmem:s20+$0x12980]  }
0x291: {  	v25 =	vld [tilespmem:s20+$0x12B80]  }
0x292: {  	v13 =	vadd.f32 v19, v18;
	v18 =	vadd.f32 v28, v27;
	v28 =	vld [tilespmem:s20+$0x14100]  }
0x293: {  	v19 =	vadd.f32 v31, v30;
	v31 =	vld [tilespmem:s20+$0x14180]  }
0x294: {  	v0 =	vadd.f32 v57, v0;
	v57 =	vld [tilespmem:s20+$0x11200]  }
0x295: {  	v5 =	vadd.f32 v8, v5;
	v8 =	vld [tilespmem:s20+$0xC980]  }
0x296: {  	v2 =	vadd.f32 v58, v52;
	v58 =	vadd.f32 v6, v4;
	v4 =	vld [tilespmem:s20+$0xE300]  }
0x297: {  	v6 =	vadd.f32 v10, v9;
	v9 =	vadd.f32 v15, v13;
	v13 =	vld [tilespmem:s20+$0xE380]  }
0x298: {  	v52 =	vld [tilespmem:s20+$0xFA00]  }
0x299: {  	v15 =	vadd.f32 v21, v19;
	v19 =	vld [tilespmem:s20+$0x12900]  }
0x29a: {  	v11 =	vadd.f32 v14, v11;
	v21 =	vld [tilespmem:s20+$0x12B00]  }
0x29b: {  	v14 =	vadd.f32 v20, v17;
	v17 =	vadd.f32 v26, v23;
	v26 =	vld [tilespmem:s20+$0x14080]  }
0x29c: {  	v20 =	vadd.f32 v60, v29;
	v10 =	vadd.f32 v18, v16;
	v29 =	vld [tilespmem:s20+$0x14200]  }
0x29d: {  	v16 =	vmul.f32 $1.250000000e-01, v0;
	v2 =	vadd.f32 v5, v2;
	v5 =	vld [tilespmem:s20+$0xE200];
	v11 =	vadd.f32 v14, v11  }
0x29e: {  	v14 =	vadd.f32 v20, v17;
	v17 =	vmul.f32 $1.250000000e-01, v58;
	v0 =	vadd.f32 v58, v0;
	v58 =	vld [tilespmem:s20+$0x11280]  }
0x29f: {  	v59 =	vadd.f32 v9, v6;
	v20 =	vld [tilespmem:s20+$0x12A80]  }
0x2a0: {  	v11 =	vadd.f32 v14, v11;
	v14 =	vld [tilespmem:s20+$0xF880]  }
0x2a1: {  	v2 =	vadd.f32 v2, v22;
	v0 =	vadd.f32 v59, v0;
	v59 =	vld [tilespmem:s20+$0x11300]  }
0x2a2: {  	v9 =	vmul.f32 $1.250000000e-01, v9;
	[tilespmem:s23+$0x1A080] =	vst v17;
	v17 =	vld [tilespmem:s20+$0x12A00]  }
0x2a3: {  	v6 =	vmul.f32 $1.250000000e-01, v6;
	[tilespmem:s23+$0x1A000] =	vst v16;
	v16 =	vadd.f32 v15, v10;
	v22 =	vld [tilespmem:s20+$0x14000];
	v18 =	vadd.f32 v11, v2  }
0x2a4: {  	[tilespmem:s23+$0x1A180] =	vst v9;
	v9 =	vmul.f32 $1.250000000e-01, v15;
	v15 =	vadd.f32 v51, v50;
	v50 =	vld [tilespmem:s20+$0x17200]  }
0x2a5: {  	[tilespmem:s23+$0x1A100] =	vst v6;
	v6 =	vmul.f32 $1.250000000e-01, v10;
	v27 =	vadd.f32 v8, v42;
	v8 =	vld [tilespmem:s20+$0x15B80];
	v60 =	vadd.f32 v18, v16  }
0x2a6: {  	v2 =	vmul.f32 $1.250000000e-01, v2;
	[tilespmem:s23+$0x1A280] =	vst v9;
	v9 =	vadd.f32 v7, v3;
	v7 =	vld [tilespmem:s20+$0x15B00]  }
0x2a7: {  	[tilespmem:s23+$0x1A200] =	vst v6;
	v6 =	vmul.f32 $1.250000000e-01, v11;
	v11 =	vadd.f32 v47, v46;
	v46 =	vld [tilespmem:s20+$0x17000];
	v0 =	vadd.f32 v60, v0  }
0x2a8: {  	[tilespmem:s23+$0x1A300] =	vst v2;
	v2 =	vld [tilespmem:s20+$0x11080]  }
0x2a9: {  	v16 =	vld [tilespmem:s20+$0x12800];
	v0 =	vmul.f32 $7.812500000e-03, v0  }
0x2aa: {  	[tilespmem:s23+$0x1A380] =	vst v6;
	s23 =	simm.s32 $0x1E800;
	v60 =	vld [tilespmem:s20+$0x11380]  }
0x2ab: {  	[tilespmem:s23+$0x0] =	vst.add.f32.msk $0xffff, v0  }
0x2ac: {  	v23 =	vadd.f32 v41, v40;
	v30 =	vadd.f32 v44, v43;
	v0 =	vld [tilespmem:s20+$0x11100]  }
0x2ad: {  	v41 =	vadd.f32 v1, v54;
	v10 =	vadd.f32 v45, v12;
	v18 =	vld [tilespmem:s20+$0x12880]  }
0x2ae: {  	v13 =	vadd.f32 v13, v4;
	v40 =	vadd.f32 v53, v52;
	v47 =	vld [tilespmem:s20+$0x17080]  }
0x2af: {  	v12 =	vadd.f32 v48, v5;
	v48 =	vld [tilespmem:s20+$0x17100];
	v44 =	vadd.f32 v58, v57  }
0x2b0: {  	v6 =	vld [tilespmem:s20+$0x15A80];
	v14 =	vadd.f32 v14, v49;
	v42 =	vadd.f32 v2, v55  }
0x2b1: {  	v49 =	vld [tilespmem:s20+$0x17180];
	v45 =	vadd.f32 v60, v59;
	v43 =	vadd.f32 v56, v0  }
.LBB2_5:
0x2b2: {  	s21 =	sadd.s32 $0x10, s21;
	v0 =	vadd.f32 v18, v16;
	v1 =	vadd.f32 v24, v19;
	v2 =	vld [tilespmem:s20+$0x17280];
	s22 =	sadd.s32 $0x80, s22  }
0x2b3: {  	v16 =	vadd.f32 v20, v17;
	v17 =	vadd.f32 v25, v21;
	s24 =	sand.u32 $0x70, s21;
	s16 =	sand.u32 $0x1C00, s22;
	p1 =	slt.u32 s21, $0x2F0;
	v18 =	vld [tilespmem:s20+$0x17300]  }
0x2b4: {  	v19 =	vadd.f32 v26, v22;
	v20 =	vadd.f32 v31, v28;
	s24 =	sor.u32 s24, s16;
	v21 =	vld [tilespmem:s20+$0x17380]  }
0x2b5: {  	v22 =	vadd.f32 v32, v29;
	v24 =	vadd.f32 v35, v33;
	v3 =	vld [tilespmem:s24+$0xC800]  }
0x2b6: {  	v25 =	vadd.f32 v36, v34;
	v26 =	vadd.f32 v39, v37;
	v4 =	vld [tilespmem:s24+$0xC880]  }
0x2b7: {  	v28 =	vadd.f32 v6, v38;
	v29 =	vadd.f32 v8, v7;
	v5 =	vld [tilespmem:s24+$0xC900]  }
0x2b8: {  	v31 =	vadd.f32 v47, v46;
	v32 =	vadd.f32 v49, v48;
	v6 =	vld [tilespmem:s24+$0xC980]  }
0x2b9: {  	v2 =	vadd.f32 v2, v50;
	v7 =	vld [tilespmem:s24+$0xCA00];
	v18 =	vadd.f32 v21, v18  }
0x2ba: {  	v21 =	vadd.f32 v27, v23;
	v23 =	vadd.f32 v9, v30;
	v8 =	vld [tilespmem:s24+$0xCA80]  }
0x2bb: {  	v27 =	vadd.f32 v11, v10;
	v30 =	vadd.f32 v13, v12;
	v9 =	vld [tilespmem:s24+$0xCB00]  }
0x2bc: {  	v33 =	vadd.f32 v15, v14;
	v34 =	vadd.f32 v41, v40;
	v10 =	vld [tilespmem:s24+$0xCB80]  }
0x2bd: {  	v35 =	vadd.f32 v43, v42;
	v36 =	vadd.f32 v45, v44;
	v11 =	vld [tilespmem:s24+$0xE000]  }
0x2be: {  	v0 =	vadd.f32 v1, v0;
	v1 =	vadd.f32 v17, v16;
	v12 =	vld [tilespmem:s24+$0xE080]  }
0x2bf: {  	v16 =	vadd.f32 v20, v19;
	v17 =	vadd.f32 v24, v22;
	v13 =	vld [tilespmem:s24+$0xE100]  }
0x2c0: {  	v19 =	vadd.f32 v26, v25;
	v20 =	vadd.f32 v29, v28;
	v14 =	vld [tilespmem:s24+$0xE180]  }
0x2c1: {  	v22 =	vadd.f32 v32, v31;
	v2 =	vadd.f32 v18, v2;
	v15 =	vld [tilespmem:s24+$0xE200]  }
0x2c2: {  	v18 =	vadd.f32 v23, v21;
	v21 =	vadd.f32 v30, v27;
	v40 =	vld [tilespmem:s24+$0xE280]  }
0x2c3: {  	v24 =	vadd.f32 v36, v35;
	v23 =	vadd.f32 v34, v33;
	v41 =	vld [tilespmem:s24+$0xE300]  }
0x2c4: {  	v0 =	vadd.f32 v1, v0;
	v1 =	vadd.f32 v17, v16;
	v42 =	vld [tilespmem:s24+$0xE380]  }
0x2c5: {  	v17 =	vadd.f32 v20, v19;
	v16 =	vmul.f32 $1.250000000e-01, v18;
	v2 =	vadd.f32 v2, v22;
	v43 =	vld [tilespmem:s24+$0xF800]  }
0x2c6: {  	v19 =	vmul.f32 $1.250000000e-01, v21;
	v18 =	vadd.f32 v21, v18;
	v20 =	vadd.f32 v24, v23;
	v44 =	vld [tilespmem:s24+$0xF880]  }
0x2c7: {  	v21 =	vadd.f32 v1, v0;
	v22 =	vadd.f32 v2, v17;
	v45 =	vld [tilespmem:s24+$0xF900];
	[tilespmem:s20+$0x1A000] =	vst v16;
	v16 =	vmul.f32 $1.250000000e-01, v23  }
0x2c8: {  	v47 =	vld [tilespmem:s24+$0xF980];
	[tilespmem:s20+$0x1A080] =	vst v19;
	v19 =	vmul.f32 $1.250000000e-01, v24  }
0x2c9: {  	v0 =	vmul.f32 $1.250000000e-01, v0;
	v48 =	vld [tilespmem:s24+$0xFA00];
	[tilespmem:s20+$0x1A100] =	vst v16;
	v16 =	vadd.f32 v20, v18;
	v18 =	vadd.f32 v22, v21  }
0x2ca: {  	v1 =	vmul.f32 $1.250000000e-01, v1;
	v49 =	vld [tilespmem:s24+$0xFA80];
	[tilespmem:s20+$0x1A180] =	vst v19  }
0x2cb: {  	v50 =	vld [tilespmem:s24+$0xFB00];
	[tilespmem:s20+$0x1A200] =	vst v0;
	v0 =	vmul.f32 $1.250000000e-01, v17;
	v16 =	vadd.f32 v18, v16  }
0x2cc: {  	v51 =	vld [tilespmem:s24+$0xFB80];
	[tilespmem:s20+$0x1A280] =	vst v1;
	v1 =	vmul.f32 $1.250000000e-01, v2  }
0x2cd: {  	v2 =	vld [tilespmem:s24+$0x11000];
	[tilespmem:s20+$0x1A300] =	vst v0;
	v0 =	vmul.f32 $7.812500000e-03, v16  }
0x2ce: {  	s23 =	sadd.s32 $0x10, s23;
	v52 =	vld [tilespmem:s24+$0x11080];
	[tilespmem:s20+$0x1A380] =	vst v1;
	s20 =	smov.u32 s24  }
0x2cf: {  	[tilespmem:s23+$0x0] =	vst.add.f32.msk $0xffff, v0  }
0x2d0: {  	v0 =	vld [tilespmem:s20+$0x11100]  }
0x2d1: {  	v1 =	vld [tilespmem:s20+$0x11180]  }
0x2d2: {  	v53 =	vld [tilespmem:s20+$0x11200]  }
0x2d3: {  	v54 =	vld [tilespmem:s20+$0x11280]  }
0x2d4: {  	v55 =	vld [tilespmem:s20+$0x11300]  }
0x2d5: {  	v56 =	vld [tilespmem:s20+$0x11380]  }
0x2d6: {  	v16 =	vld [tilespmem:s20+$0x12800]  }
0x2d7: {  	v18 =	vld [tilespmem:s20+$0x12880]  }
0x2d8: {  	v19 =	vld [tilespmem:s20+$0x12900]  }
0x2d9: {  	v24 =	vld [tilespmem:s20+$0x12980]  }
0x2da: {  	v17 =	vld [tilespmem:s20+$0x12A00]  }
0x2db: {  	v20 =	vld [tilespmem:s20+$0x12A80]  }
0x2dc: {  	v21 =	vld [tilespmem:s20+$0x12B00]  }
0x2dd: {  	v25 =	vld [tilespmem:s20+$0x12B80]  }
0x2de: {  	v22 =	vld [tilespmem:s20+$0x14000]  }
0x2df: {  	v26 =	vld [tilespmem:s20+$0x14080]  }
0x2e0: {  	v28 =	vld [tilespmem:s20+$0x14100]  }
0x2e1: {  	v31 =	vld [tilespmem:s20+$0x14180]  }
0x2e2: {  	v29 =	vld [tilespmem:s20+$0x14200]  }
0x2e3: {  	v32 =	vld [tilespmem:s20+$0x14280]  }
0x2e4: {  	v33 =	vld [tilespmem:s20+$0x14300]  }
0x2e5: {  	v35 =	vld [tilespmem:s20+$0x14380]  }
0x2e6: {  	v34 =	vld [tilespmem:s20+$0x15800]  }
0x2e7: {  	v36 =	vld [tilespmem:s20+$0x15880]  }
0x2e8: {  	v37 =	vld [tilespmem:s20+$0x15900]  }
0x2e9: {  	v39 =	vld [tilespmem:s20+$0x15980]  }
0x2ea: {  	v38 =	vld [tilespmem:s20+$0x15A00]  }
0x2eb: {  	v27 =	vadd.f32 v6, v5;
	v23 =	vadd.f32 v4, v3;
	v6 =	vld [tilespmem:s20+$0x15A80]  }
0x2ec: {  	v30 =	vadd.f32 v8, v7;
	v9 =	vadd.f32 v10, v9;
	v7 =	vld [tilespmem:s20+$0x15B00]  }
0x2ed: {  	v10 =	vadd.f32 v12, v11;
	v11 =	vadd.f32 v14, v13;
	v8 =	vld [tilespmem:s20+$0x15B80]  }
.Ltmp1:
0x2ee: {  	v12 =	vadd.f32 v40, v15;
	v13 =	vadd.f32 v42, v41;
	v46 =	vld [tilespmem:s20+$0x17000];
	(pc) =	sbr.rel @p1 .LBB2_5-.Ltmp1, $4  }
0x2ef: {  	v14 =	vadd.f32 v44, v43;
	v15 =	vadd.f32 v47, v45;
	v47 =	vld [tilespmem:s20+$0x17080]  }
0x2f0: {  	v40 =	vadd.f32 v49, v48;
	v41 =	vadd.f32 v51, v50;
	v48 =	vld [tilespmem:s20+$0x17100]  }
0x2f1: {  	v42 =	vadd.f32 v52, v2;
	v43 =	vadd.f32 v1, v0;
	v49 =	vld [tilespmem:s20+$0x17180]  }
0x2f2: {  	v44 =	vadd.f32 v54, v53;
	v45 =	vadd.f32 v56, v55;
	v50 =	vld [tilespmem:s20+$0x17200]  }
0x2f3: {  	v0 =	vadd.f32 v18, v16;
	v1 =	vadd.f32 v24, v19  }
0x2f4: {  	v3 =	vadd.f32 v20, v17;
	v4 =	vadd.f32 v25, v21  }
0x2f5: {  	v16 =	vadd.f32 v26, v22;
	v17 =	vadd.f32 v31, v28  }
0x2f6: {  	v19 =	vadd.f32 v32, v29;
	v20 =	vadd.f32 v35, v33  }
0x2f7: {  	v21 =	vadd.f32 v36, v34;
	v22 =	vadd.f32 v39, v37  }
0x2f8: {  	v6 =	vadd.f32 v6, v38;
	v7 =	vadd.f32 v8, v7  }
0x2f9: {  	v9 =	vadd.f32 v9, v30;
	v10 =	vadd.f32 v11, v10  }
0x2fa: {  	v11 =	vadd.f32 v13, v12;
	v12 =	vadd.f32 v15, v14  }
0x2fb: {  	v2 =	vld [tilespmem:s20+$0x17280];
	v13 =	vadd.f32 v41, v40;
	v14 =	vadd.f32 v43, v42  }
0x2fc: {  	v5 =	vld [tilespmem:s20+$0x17300];
	v8 =	vadd.f32 v47, v46;
	v15 =	vadd.f32 v45, v44  }
0x2fd: {  	v18 =	vld [tilespmem:s20+$0x17380];
	v0 =	vadd.f32 v1, v0;
	v1 =	vadd.f32 v4, v3  }
0x2fe: {  	v3 =	vadd.f32 v17, v16;
	v4 =	vadd.f32 v20, v19  }
0x2ff: {  	v16 =	vadd.f32 v22, v21;
	v6 =	vadd.f32 v7, v6  }
0x300: {  	v24 =	vadd.f32 v49, v48;
	v0 =	vadd.f32 v1, v0  }
0x301: {  	v1 =	vadd.f32 v4, v3;
	v2 =	vadd.f32 v2, v50  }
0x302: {  	v5 =	vadd.f32 v18, v5;
	v18 =	vadd.f32 v27, v23  }
0x303: {  	v7 =	vadd.f32 v24, v8;
	v8 =	vadd.f32 v11, v10  }
0x304: {  	v2 =	vadd.f32 v5, v2;
	v5 =	vadd.f32 v9, v18  }
0x305: {  	v10 =	vadd.f32 v15, v14;
	v9 =	vadd.f32 v13, v12  }
0x306: {  	v4 =	vadd.f32 v6, v16;
	v3 =	vmul.f32 $1.250000000e-01, v5;
	v2 =	vadd.f32 v2, v7  }
0x307: {  	v6 =	vmul.f32 $1.250000000e-01, v8;
	v5 =	vadd.f32 v8, v5;
	v7 =	vadd.f32 v10, v9  }
0x308: {  	v8 =	vadd.f32 v1, v0;
	[tilespmem:s20+$0x1A000] =	vst v3;
	v3 =	vmul.f32 $1.250000000e-01, v9;
	v9 =	vadd.f32 v2, v4  }
0x309: {  	[tilespmem:s20+$0x1A080] =	vst v6;
	v6 =	vmul.f32 $1.250000000e-01, v10  }
0x30a: {  	v0 =	vmul.f32 $1.250000000e-01, v0;
	[tilespmem:s20+$0x1A100] =	vst v3;
	v3 =	vadd.f32 v7, v5;
	v5 =	vadd.f32 v9, v8  }
0x30b: {  	v1 =	vmul.f32 $1.250000000e-01, v1;
	[tilespmem:s20+$0x1A180] =	vst v6  }
0x30c: {  	[tilespmem:s20+$0x1A200] =	vst v0;
	v0 =	vmul.f32 $1.250000000e-01, v4;
	v3 =	vadd.f32 v5, v3  }
0x30d: {  	[tilespmem:s20+$0x1A280] =	vst v1;
	v1 =	vmul.f32 $1.250000000e-01, v2  }
0x30e: {  	s16 =	smul.u32 $0x600, s19;
	[tilespmem:s20+$0x1A300] =	vst v0;
	v0 =	vmul.f32 $7.812500000e-03, v3  }
0x30f: {  	s22 =	sadd.s32 $0x10, s23;
	s23 =	rddreg [dreg:$0x2];
	[tilespmem:s20+$0x1A380] =	vst v1  }
0x310: {  	s24 =	simm.s32 $0x18800;
	s16 =	sadd.s32 s23, s16;
	s20 =	sshrl.u32 s19, $0x3;
	[tilespmem:s22+$0x0] =	vst.add.f32.msk $0xffff, v0  }
0x311: {  	[hbm4b:s16+s5] =	stream.linear.scatter [tilespmem:s24], [sflag:$0x3], $0x3000, $0x38;
	[tilespmem:$0x1EE00] =	vst v63  }
0x312: {  	s16 =	smul.u32 $0x1800, s20  }
0x313: {  	s21 =	sand.u32 $0x300, s4  }
0x314: {  	s16 =	sor.u32 s21, s16  }
0x315: {  	s22 =	rddreg [dreg:$0x3];
	s16 =	sshrl.u32 s16, $0x3  }
0x316: {  	s23 =	simm.s32 $0x80;
	s24 =	simm.s32 $0x1E800;
	s16 =	sadd.s32 s22, s16  }
0x317: {  	[hbm4b:s16+s23] =	stream.strided.scatter [tilespmem:s24], [sflag:$0x3], $0x300, s13, s23, $0x38;
	[tilespmem:$0x1EE00] =	vst v63  }
0x318: {  	v0 =	vld [tilespmem:s12+$0x40];
	_ =	sdelay $0x4  }
0x319: {  	v1 =	vshrl.u32 v0, $0x3  }
0x31a: {  	v1 =	vmul.u32 $0x30, v1  }
0x31b: {  	v0 =	vand.u32 $0x7, v0  }
0x31c: {  	v0 =	vor.u32 v0, v1  }
0x31d: {  	v1 =	vperm.xlane v0, v61;
	_ =	sdelay $0x1  }
0x31e: {  	v1 =	vadd.s32 v62, v1;
	_ =	sdelay $0x3  }
0x31f: {  	s20 =	simm.s32 $0xC800;
	v0 =	vperm.xlane v0, v63  }
0x320: {  	[tilespmem:s20], [sflag:$0x2] =	stream.indirect_vreg.gather [hbm4b:s1+s5], $0x80, v1, vm0, $0xb8;
	[tilespmem:$0x1EE00] =	vst v63  }
0x321: {  	s21 =	simm.s32 $0xD000;
	v0 =	vadd.s32 v62, v0  }
0x322: {  	[tilespmem:s21], [sflag:$0x2] =	stream.indirect_vreg.gather [hbm4b:s8+s5], $0x80, v1, vm0, $0xb8;
	[tilespmem:$0x1EE00] =	vst v63  }
0x323: {  	s22 =	simm.s32 $0xD800  }
0x324: {  	[tilespmem:s22], [sflag:$0x2] =	stream.indirect_vreg.gather [hbm4b:s9+s5], $0x80, v1, vm0, $0xb8;
	[tilespmem:$0x1EE00] =	vst v63  }
0x325: {  	s23 =	simm.s32 $0xE000  }
0x326: {  	[tilespmem:s23], [sflag:$0x2] =	stream.indirect_vreg.gather [hbm4b:s1+s5], $0x80, v0, vm0, $0xb8;
	[tilespmem:$0x1EE00] =	vst v63  }
0x327: {  	s24 =	simm.s32 $0xE800  }
0x328: {  	[tilespmem:s24], [sflag:$0x2] =	stream.indirect_vreg.gather [hbm4b:s8+s5], $0x80, v0, vm0, $0xb8;
	[tilespmem:$0x1EE00] =	vst v63  }
0x329: {  	s19 =	simm.s32 $0xF000  }
0x32a: {  	[tilespmem:s19], [sflag:$0x2] =	stream.indirect_vreg.gather [hbm4b:s9+s5], $0x80, v0, vm0, $0xb8;
	[tilespmem:$0x1EE00] =	vst v63  }
0x32b: {  	v0 =	vld [tilespmem:s12+$0x50];
	_ =	sdelay $0x4  }
0x32c: {  	v1 =	vshrl.u32 v0, $0x3  }
0x32d: {  	v1 =	vmul.u32 $0x30, v1  }
0x32e: {  	v0 =	vand.u32 $0x7, v0  }
0x32f: {  	v0 =	vor.u32 v0, v1  }
0x330: {  	v1 =	vperm.xlane v0, v61;
	_ =	sdelay $0x1  }
0x331: {  	v1 =	vadd.s32 v62, v1;
	_ =	sdelay $0x3  }
0x332: {  	s20 =	simm.s32 $0xF800;
	v0 =	vperm.xlane v0, v63  }
0x333: {  	[tilespmem:s20], [sflag:$0x2] =	stream.indirect_vreg.gather [hbm4b:s1+s5], $0x80, v1, vm0, $0xb8;
	[tilespmem:$0x1EE00] =	vst v63  }
0x334: {  	s21 =	simm.s32 $0x10000;
	v0 =	vadd.s32 v62, v0  }
0x335: {  	[tilespmem:s21], [sflag:$0x2] =	stream.indirect_vreg.gather [hbm4b:s8+s5], $0x80, v1, vm0, $0xb8;
	[tilespmem:$0x1EE00] =	vst v63  }
0x336: {  	s22 =	simm.s32 $0x10800  }
0x337: {  	[tilespmem:s22], [sflag:$0x2] =	stream.indirect_vreg.gather [hbm4b:s9+s5], $0x80, v1, vm0, $0xb8;
	[tilespmem:$0x1EE00] =	vst v63  }
0x338: {  	s23 =	simm.s32 $0x11000  }
0x339: {  	[tilespmem:s23], [sflag:$0x2] =	stream.indirect_vreg.gather [hbm4b:s1+s5], $0x80, v0, vm0, $0xb8;
	[tilespmem:$0x1EE00] =	vst v63  }
0x33a: {  	s24 =	simm.s32 $0x11800  }
0x33b: {  	[tilespmem:s24], [sflag:$0x2] =	stream.indirect_vreg.gather [hbm4b:s8+s5], $0x80, v0, vm0, $0xb8;
	[tilespmem:$0x1EE00] =	vst v63  }
0x33c: {  	s19 =	simm.s32 $0x12000  }
0x33d: {  	[tilespmem:s19], [sflag:$0x2] =	stream.indirect_vreg.gather [hbm4b:s9+s5], $0x80, v0, vm0, $0xb8;
	[tilespmem:$0x1EE00] =	vst v63  }
0x33e: {  	v0 =	vld [tilespmem:s12+$0x60];
	_ =	sdelay $0x4  }
0x33f: {  	v1 =	vshrl.u32 v0, $0x3  }
0x340: {  	v1 =	vmul.u32 $0x30, v1  }
0x341: {  	v0 =	vand.u32 $0x7, v0  }
0x342: {  	v0 =	vor.u32 v0, v1  }
0x343: {  	v1 =	vperm.xlane v0, v61;
	_ =	sdelay $0x1  }
0x344: {  	v1 =	vadd.s32 v62, v1;
	_ =	sdelay $0x3  }
0x345: {  	s20 =	simm.s32 $0x12800;
	v0 =	vperm.xlane v0, v63  }
0x346: {  	[tilespmem:s20], [sflag:$0x2] =	stream.indirect_vreg.gather [hbm4b:s1+s5], $0x80, v1, vm0, $0xb8;
	[tilespmem:$0x1EE00] =	vst v63  }
0x347: {  	s21 =	simm.s32 $0x13000;
	v0 =	vadd.s32 v62, v0  }
0x348: {  	[tilespmem:s21], [sflag:$0x2] =	stream.indirect_vreg.gather [hbm4b:s8+s5], $0x80, v1, vm0, $0xb8;
	[tilespmem:$0x1EE00] =	vst v63  }
0x349: {  	s22 =	simm.s32 $0x13800  }
0x34a: {  	[tilespmem:s22], [sflag:$0x2] =	stream.indirect_vreg.gather [hbm4b:s9+s5], $0x80, v1, vm0, $0xb8;
	[tilespmem:$0x1EE00] =	vst v63  }
0x34b: {  	s23 =	simm.s32 $0x14000  }
0x34c: {  	[tilespmem:s23], [sflag:$0x2] =	stream.indirect_vreg.gather [hbm4b:s1+s5], $0x80, v0, vm0, $0xb8;
	[tilespmem:$0x1EE00] =	vst v63  }
0x34d: {  	s24 =	simm.s32 $0x14800  }
0x34e: {  	[tilespmem:s24], [sflag:$0x2] =	stream.indirect_vreg.gather [hbm4b:s8+s5], $0x80, v0, vm0, $0xb8;
	[tilespmem:$0x1EE00] =	vst v63  }
0x34f: {  	s19 =	simm.s32 $0x15000  }
0x350: {  	[tilespmem:s19], [sflag:$0x2] =	stream.indirect_vreg.gather [hbm4b:s9+s5], $0x80, v0, vm0, $0xb8;
	[tilespmem:$0x1EE00] =	vst v63  }
0x351: {  	v0 =	vld [tilespmem:s12+$0x70];
	_ =	sdelay $0x4  }
0x352: {  	v1 =	vshrl.u32 v0, $0x3  }
0x353: {  	v1 =	vmul.u32 $0x30, v1  }
0x354: {  	v0 =	vand.u32 $0x7, v0  }
0x355: {  	v0 =	vor.u32 v0, v1  }
0x356: {  	v1 =	vperm.xlane v0, v61;
	_ =	sdelay $0x1  }
0x357: {  	v1 =	vadd.s32 v62, v1;
	_ =	sdelay $0x3  }
0x358: {  	s20 =	simm.s32 $0x15800;
	v0 =	vperm.xlane v0, v63  }
0x359: {  	[tilespmem:s20], [sflag:$0x2] =	stream.indirect_vreg.gather [hbm4b:s1+s5], $0x80, v1, vm0, $0xb8;
	[tilespmem:$0x1EE00] =	vst v63  }
0x35a: {  	s21 =	simm.s32 $0x16000;
	v0 =	vadd.s32 v62, v0  }
0x35b: {  	[tilespmem:s21], [sflag:$0x2] =	stream.indirect_vreg.gather [hbm4b:s8+s5], $0x80, v1, vm0, $0xb8;
	[tilespmem:$0x1EE00] =	vst v63  }
0x35c: {  	s22 =	simm.s32 $0x16800  }
0x35d: {  	[tilespmem:s22], [sflag:$0x2] =	stream.indirect_vreg.gather [hbm4b:s9+s5], $0x80, v1, vm0, $0xb8;
	[tilespmem:$0x1EE00] =	vst v63  }
0x35e: {  	s23 =	simm.s32 $0x17000  }
0x35f: {  	[tilespmem:s23], [sflag:$0x2] =	stream.indirect_vreg.gather [hbm4b:s1+s5], $0x80, v0, vm0, $0xb8;
	[tilespmem:$0x1EE00] =	vst v63  }
0x360: {  	s24 =	simm.s32 $0x17800  }
0x361: {  	[tilespmem:s24], [sflag:$0x2] =	stream.indirect_vreg.gather [hbm4b:s8+s5], $0x80, v0, vm0, $0xb8;
	[tilespmem:$0x1EE00] =	vst v63  }
0x362: {  	s16 =	simm.s32 $0x18000  }
0x363: {  	[tilespmem:s16], [sflag:$0x2] =	stream.indirect_vreg.gather [hbm4b:s9+s5], $0x80, v0, vm0, $0xb8;
	[tilespmem:$0x1EE00] =	vst v63  }
0x364: {  	_ =	swait.ge [sflag:s15], $0xC000  }
0x365: {  	[sflag:s15] =	ssyncset.done $0x0  }
0x366: {  	s12 =	simm.s32 @!p0 $0x4;
	[sflag:s15] =	ssyncadd.s32 $0xFFFF4000  }
0x367: {  	_ =	swait.ge @!p0 [sflag:s12], $0x3000  }
0x368: {  	[sflag:s12] =	ssyncset.done @!p0 $0x0  }
0x369: {  	[sflag:s12] =	ssyncadd.s32 @!p0 $0xFFFFD000  }
0x36a: {  	s19 =	simm.s32 $0x0;
	s24 =	simm.s32 $0x0;
	_ =	swait.ge @!p0 [sflag:s12], $0x300  }
0x36b: {  	s21 =	sand.u32 $0x1C00, s19;
	s23 =	sand.u32 $0x70, s24;
	[sflag:s12] =	ssyncset.done @!p0 $0x0  }
0x36c: {  	s22 =	sor.u32 s23, s21;
	[sflag:s12] =	ssyncadd.s32 @!p0 $0xFFFFFD00  }
0x36d: {  	v0 =	vld [tilespmem:s22+$0x800];
	_ =	sdelay $0x4  }
0x36e: {  	[tilespmem:$0x1FC20] =	vst v0  }
0x36f: {  	v1 =	vld [tilespmem:s22+$0x880]  }
0x370: {  	v0 =	vld [tilespmem:s22+$0x900]  }
0x371: {  	v3 =	vld [tilespmem:s22+$0x980]  }
0x372: {  	v4 =	vld [tilespmem:s22+$0xA00]  }
0x373: {  	s24 =	sor.u32 s19, s24;
	v5 =	vld [tilespmem:s22+$0xA80]  }
0x374: {  	s23 =	sor.u32 $0x380, s24;
	v6 =	vld [tilespmem:s22+$0xB00]  }
0x375: {  	v7 =	vld [tilespmem:s23+$0x800]  }
0x376: {  	v8 =	vld [tilespmem:s22+$0x2000]  }
0x377: {  	v9 =	vld [tilespmem:s22+$0x2080]  }
0x378: {  	v10 =	vld [tilespmem:s22+$0x2100]  }
0x379: {  	v11 =	vld [tilespmem:s22+$0x2180]  }
0x37a: {  	v12 =	vld [tilespmem:s22+$0x2200]  }
0x37b: {  	v13 =	vld [tilespmem:s22+$0x2280]  }
0x37c: {  	v14 =	vld [tilespmem:s22+$0x2300]  }
0x37d: {  	v15 =	vld [tilespmem:s22+$0x2380]  }
0x37e: {  	v16 =	vld [tilespmem:s22+$0x3800]  }
0x37f: {  	v17 =	vld [tilespmem:s22+$0x3880]  }
0x380: {  	v18 =	vld [tilespmem:s22+$0x3900]  }
0x381: {  	v19 =	vld [tilespmem:s22+$0x3980]  }
0x382: {  	v20 =	vld [tilespmem:s22+$0x3A00]  }
0x383: {  	v21 =	vld [tilespmem:s22+$0x3A80]  }
0x384: {  	v22 =	vld [tilespmem:s22+$0x3B00]  }
0x385: {  	v23 =	vld [tilespmem:s22+$0x3B80]  }
0x386: {  	v24 =	vld [tilespmem:s22+$0x5000]  }
0x387: {  	v25 =	vld [tilespmem:s22+$0x5080]  }
0x388: {  	v26 =	vld [tilespmem:s22+$0x5100]  }
0x389: {  	v27 =	vld [tilespmem:s22+$0x5180]  }
0x38a: {  	v28 =	vld [tilespmem:s22+$0x5200]  }
0x38b: {  	v29 =	vld [tilespmem:s22+$0x5280]  }
0x38c: {  	v30 =	vld [tilespmem:s22+$0x5300]  }
0x38d: {  	v31 =	vld [tilespmem:s22+$0x5380]  }
0x38e: {  	v32 =	vld [tilespmem:s22+$0x6800]  }
0x38f: {  	v33 =	vld [tilespmem:s22+$0x6880]  }
0x390: {  	v34 =	vld [tilespmem:s22+$0x6900]  }
0x391: {  	v35 =	vld [tilespmem:s22+$0x6980]  }
0x392: {  	v36 =	vld [tilespmem:s22+$0x6A00]  }
0x393: {  	v37 =	vld [tilespmem:s22+$0x6A80]  }
0x394: {  	v38 =	vld [tilespmem:s22+$0x6B00]  }
0x395: {  	v39 =	vld [tilespmem:s22+$0x6B80]  }
0x396: {  	v40 =	vld [tilespmem:s22+$0x8000]  }
0x397: {  	v41 =	vld [tilespmem:s22+$0x8080]  }
0x398: {  	v42 =	vld [tilespmem:s22+$0x8100]  }
0x399: {  	v43 =	vld [tilespmem:s22+$0x8180]  }
0x39a: {  	v44 =	vld [tilespmem:s22+$0x8200]  }
0x39b: {  	v45 =	vld [tilespmem:s22+$0x8280]  }
0x39c: {  	v46 =	vld [tilespmem:s22+$0x8300]  }
0x39d: {  	v47 =	vld [tilespmem:s22+$0x8380]  }
0x39e: {  	v48 =	vld [tilespmem:s22+$0x9800]  }
0x39f: {  	v49 =	vld [tilespmem:s22+$0x9880]  }
0x3a0: {  	v50 =	vld [tilespmem:s22+$0x9900]  }
0x3a1: {  	v51 =	vld [tilespmem:s22+$0x9980]  }
0x3a2: {  	v52 =	vld [tilespmem:s22+$0x9A00]  }
0x3a3: {  	v53 =	vld [tilespmem:s22+$0x9A80]  }
0x3a4: {  	v54 =	vld [tilespmem:s22+$0x9B00]  }
0x3a5: {  	v55 =	vld [tilespmem:s22+$0x9B80]  }
0x3a6: {  	s20 =	simm.s32 $0x10;
	s21 =	simm.s32 $0x80;
	v56 =	vld [tilespmem:s22+$0xB000]  }
0x3a7: {  	s16 =	sand.u32 $0x70, s20;
	s19 =	sand.u32 $0x1C00, s21;
	v57 =	vld [tilespmem:s22+$0xB080]  }
0x3a8: {  	s12 =	sor.u32 s16, s19;
	v58 =	vld [tilespmem:s22+$0xB100]  }
0x3a9: {  	v2 =	vld [tilespmem:s12+$0x800]  }
0x3aa: {  	v59 =	vld [tilespmem:s22+$0xB180]  }
0x3ab: {  	v60 =	vld [tilespmem:s22+$0xB200]  }
0x3ac: {  	v61 =	vld [tilespmem:s22+$0xB280]  }
0x3ad: {  	v62 =	vld [tilespmem:s22+$0xB300]  }
0x3ae: {  	v63 =	vld [tilespmem:s22+$0xB380];
	[tilespmem:$0x1FC30] =	vst v2  }
0x3af: {  	v2 =	vld [tilespmem:s12+$0x880];
	_ =	sdelay $0x4  }
0x3b0: {  	[tilespmem:$0x1FC40] =	vst v2  }
0x3b1: {  	v2 =	vld [tilespmem:s12+$0x900];
	_ =	sdelay $0x4  }
0x3b2: {  	[tilespmem:$0x1FC50] =	vst v2  }
0x3b3: {  	v2 =	vld [tilespmem:s12+$0x980];
	_ =	sdelay $0x4  }
0x3b4: {  	[tilespmem:$0x1FC60] =	vst v2  }
0x3b5: {  	v2 =	vld [tilespmem:s12+$0xA00];
	_ =	sdelay $0x4  }
0x3b6: {  	[tilespmem:$0x1FC70] =	vst v2  }
0x3b7: {  	v2 =	vld [tilespmem:s12+$0xA80];
	_ =	sdelay $0x4  }
0x3b8: {  	[tilespmem:$0x1FC80] =	vst v2  }
0x3b9: {  	v2 =	vld [tilespmem:s12+$0xB00];
	_ =	sdelay $0x3  }
0x3ba: {  	s24 =	sor.u32 s21, s20  }
0x3bb: {  	s19 =	sor.u32 $0x380, s24;
	[tilespmem:$0x1FC90] =	vst v2  }
0x3bc: {  	v2 =	vld [tilespmem:s19+$0x800];
	_ =	sdelay $0x4  }
0x3bd: {  	[tilespmem:$0x1FCA0] =	vst v2  }
0x3be: {  	v2 =	vld [tilespmem:s12+$0x2000];
	_ =	sdelay $0x4  }
0x3bf: {  	[tilespmem:$0x1FCB0] =	vst v2  }
0x3c0: {  	v2 =	vld [tilespmem:s12+$0x2080];
	_ =	sdelay $0x4  }
0x3c1: {  	[tilespmem:$0x1FCC0] =	vst v2  }
0x3c2: {  	v2 =	vld [tilespmem:s12+$0x2100];
	_ =	sdelay $0x4  }
0x3c3: {  	[tilespmem:$0x1FCD0] =	vst v2  }
0x3c4: {  	v2 =	vld [tilespmem:s12+$0x2180];
	_ =	sdelay $0x4  }
0x3c5: {  	[tilespmem:$0x1FCE0] =	vst v2  }
0x3c6: {  	v2 =	vld [tilespmem:s12+$0x2200];
	_ =	sdelay $0x4  }
0x3c7: {  	[tilespmem:$0x1FCF0] =	vst v2  }
0x3c8: {  	v2 =	vld [tilespmem:s12+$0x2280];
	_ =	sdelay $0x4  }
0x3c9: {  	[tilespmem:$0x1FD00] =	vst v2  }
0x3ca: {  	v2 =	vld [tilespmem:s12+$0x2300];
	_ =	sdelay $0x4  }
0x3cb: {  	[tilespmem:$0x1FD10] =	vst v2  }
0x3cc: {  	v2 =	vld [tilespmem:s12+$0x2380];
	_ =	sdelay $0x4  }
0x3cd: {  	[tilespmem:$0x1FD20] =	vst v2  }
0x3ce: {  	v2 =	vld [tilespmem:s12+$0x3800];
	_ =	sdelay $0x4  }
0x3cf: {  	[tilespmem:$0x1FD30] =	vst v2  }
0x3d0: {  	v2 =	vld [tilespmem:s12+$0x3880];
	_ =	sdelay $0x4  }
0x3d1: {  	[tilespmem:$0x1FD40] =	vst v2  }
0x3d2: {  	v2 =	vld [tilespmem:s12+$0x3900];
	_ =	sdelay $0x4  }
0x3d3: {  	[tilespmem:$0x1FD50] =	vst v2;
	v2 =	vld [tilespmem:$0x1FC20];
	_ =	sdelay $0x4  }
0x3d4: {  	v2 =	vadd.f32 v1, v2;
	v1 =	vadd.f32 v3, v0;
	v0 =	vld [tilespmem:s12+$0x3980];
	_ =	sdelay $0x4  }
0x3d5: {  	[tilespmem:$0x1FD60] =	vst v0  }
0x3d6: {  	v3 =	vld [tilespmem:s12+$0x3A00];
	_ =	sdelay $0x4  }
0x3d7: {  	[tilespmem:$0x1FD70] =	vst v3  }
0x3d8: {  	v3 =	vld [tilespmem:s12+$0x3A80];
	_ =	sdelay $0x4  }
0x3d9: {  	[tilespmem:$0x1FD80] =	vst v3  }
0x3da: {  	v3 =	vld [tilespmem:s12+$0x3B00];
	_ =	sdelay $0x4  }
0x3db: {  	[tilespmem:$0x1FD90] =	vst v3  }
0x3dc: {  	v3 =	vld [tilespmem:s12+$0x3B80];
	_ =	sdelay $0x4  }
0x3dd: {  	[tilespmem:$0x1FDA0] =	vst v3  }
0x3de: {  	v3 =	vld [tilespmem:s12+$0x5000]  }
0x3df: {  	v6 =	vadd.f32 v7, v6;
	v7 =	vadd.f32 v9, v8  }
0x3e0: {  	v8 =	vadd.f32 v11, v10;
	v10 =	vadd.f32 v13, v12  }
0x3e1: {  	v12 =	vadd.f32 v15, v14;
	v13 =	vadd.f32 v17, v16  }
0x3e2: {  	v14 =	vadd.f32 v19, v18;
	v15 =	vadd.f32 v21, v20  }
0x3e3: {  	v16 =	vadd.f32 v23, v22;
	v17 =	vadd.f32 v25, v24;
	[tilespmem:$0x1FDB0] =	vst v3  }
0x3e4: {  	v18 =	vadd.f32 v27, v26;
	v19 =	vadd.f32 v29, v28;
	v3 =	vld [tilespmem:s12+$0x5080]  }
0x3e5: {  	v20 =	vadd.f32 v31, v30;
	v21 =	vadd.f32 v33, v32  }
0x3e6: {  	v22 =	vadd.f32 v35, v34;
	v23 =	vadd.f32 v37, v36  }
0x3e7: {  	v24 =	vadd.f32 v39, v38;
	v25 =	vadd.f32 v41, v40  }
0x3e8: {  	v26 =	vadd.f32 v43, v42;
	v27 =	vadd.f32 v45, v44  }
0x3e9: {  	v28 =	vadd.f32 v47, v46;
	v29 =	vadd.f32 v49, v48;
	[tilespmem:$0x1FDC0] =	vst v3  }
0x3ea: {  	v30 =	vadd.f32 v51, v50;
	v31 =	vadd.f32 v53, v52;
	v3 =	vld [tilespmem:s12+$0x5100]  }
0x3eb: {  	v55 =	vadd.f32 v55, v54;
	v57 =	vadd.f32 v57, v56  }
0x3ec: {  	v59 =	vadd.f32 v59, v58;
	v61 =	vadd.f32 v61, v60  }
0x3ed: {  	v62 =	vadd.f32 v63, v62;
	v1 =	vadd.f32 v1, v2  }
0x3ee: {  	v2 =	vadd.f32 v8, v7;
	v8 =	vadd.f32 v14, v13  }
0x3ef: {  	v13 =	vadd.f32 v16, v15;
	v14 =	vadd.f32 v18, v17;
	[tilespmem:$0x1FDD0] =	vst v3  }
0x3f0: {  	v17 =	vadd.f32 v20, v19;
	v19 =	vadd.f32 v22, v21;
	v3 =	vld [tilespmem:s12+$0x5180]  }
0x3f1: {  	v22 =	vadd.f32 v24, v23;
	v24 =	vadd.f32 v26, v25  }
0x3f2: {  	v25 =	vadd.f32 v28, v27;
	v26 =	vadd.f32 v30, v29  }
0x3f3: {  	v27 =	vadd.f32 v55, v31;
	v0 =	vadd.f32 v5, v4  }
0x3f4: {  	v28 =	vadd.f32 v59, v57;
	v29 =	vadd.f32 v62, v61  }
0x3f5: {  	v0 =	vadd.f32 v6, v0;
	v6 =	vadd.f32 v12, v10;
	[tilespmem:$0x1FDE0] =	vst v3  }
0x3f6: {  	v30 =	vadd.f32 v27, v26;
	v63 =	vadd.f32 v29, v28;
	v3 =	vld [tilespmem:s12+$0x5200]  }
0x3f7: {  	v0 =	vadd.f32 v0, v1;
	v1 =	vadd.f32 v6, v2  }
0x3f8: {  	v2 =	vadd.f32 v13, v8;
	v6 =	vadd.f32 v17, v14  }
0x3f9: {  	v8 =	vadd.f32 v22, v19;
	v17 =	vadd.f32 v25, v24  }
0x3fa: {  	v22 =	vadd.f32 v63, v30;
	v13 =	vadd.f32 v1, v0;
	v0 =	vmul.f32 $1.250000000e-01, v0  }
0x3fb: {  	v14 =	vadd.f32 v6, v2;
	v19 =	vadd.f32 v17, v8;
	v1 =	vmul.f32 $1.250000000e-01, v1;
	[tilespmem:$0x1FDF0] =	vst v3  }
0x3fc: {  	[tilespmem:s22+$0x1B800] =	vst v0  }
0x3fd: {  	v13 =	vadd.f32 v14, v13;
	v14 =	vadd.f32 v22, v19;
	[tilespmem:s22+$0x1B880] =	vst v1  }
0x3fe: {  	v1 =	vld [tilespmem:$0x1FC30]  }
0x3ff: {  	v0 =	vmul.f32 $1.250000000e-01, v2;
	v2 =	vadd.f32 v14, v13;
	v13 =	vld [tilespmem:$0x1FC40];
	_ =	sdelay $0x4  }
0x400: {  	v29 =	vadd.f32 v13, v1;
	v1 =	vmul.f32 $1.250000000e-01, v6;
	v6 =	vld [tilespmem:$0x1FC50]  }
0x401: {  	v13 =	vld [tilespmem:$0x1FC60];
	_ =	sdelay $0x2  }
0x402: {  	[tilespmem:s22+$0x1B900] =	vst v0  }
0x403: {  	v0 =	vld [tilespmem:$0x1FC70]  }
0x404: {  	v34 =	vadd.f32 v13, v6;
	v6 =	vld [tilespmem:$0x1FC80];
	_ =	sdelay $0x4  }
0x405: {  	v36 =	vadd.f32 v6, v0;
	v6 =	vld [tilespmem:$0x1FC90]  }
0x406: {  	v0 =	vmul.f32 $1.250000000e-01, v8;
	v8 =	vld [tilespmem:$0x1FCA0];
	_ =	sdelay $0x2  }
0x407: {  	[tilespmem:s22+$0x1B980] =	vst v1  }
0x408: {  	v1 =	vld [tilespmem:$0x1FCB0]  }
0x409: {  	v19 =	vadd.f32 v8, v6;
	v6 =	vld [tilespmem:$0x1FCC0];
	_ =	sdelay $0x3  }
0x40a: {  	v8 =	vld [tilespmem:$0x1FCE0]  }
0x40b: {  	v22 =	vadd.f32 v6, v1;
	v6 =	vld [tilespmem:$0x1FCD0];
	_ =	sdelay $0x1  }
0x40c: {  	v11 =	vld [tilespmem:s12+$0x5280]  }
0x40d: {  	v46 =	vld [tilespmem:s12+$0x5300];
	[tilespmem:s22+$0x1BA00] =	vst v0  }
0x40e: {  	v0 =	vld [tilespmem:$0x1FCF0]  }
0x40f: {  	v24 =	vadd.f32 v8, v6;
	v6 =	vld [tilespmem:$0x1FD00]  }
0x410: {  	v50 =	vld [tilespmem:s12+$0x5380]  }
0x411: {  	v3 =	vld [tilespmem:s12+$0x6800]  }
0x412: {  	v4 =	vld [tilespmem:s12+$0x6880]  }
0x413: {  	v8 =	vld [tilespmem:$0x1FD20]  }
0x414: {  	v26 =	vadd.f32 v6, v0;
	v6 =	vld [tilespmem:$0x1FD10]  }
0x415: {  	v5 =	vld [tilespmem:s12+$0x6900]  }
0x416: {  	v9 =	vld [tilespmem:s12+$0x6980];
	v1 =	vmul.f32 $1.250000000e-01, v17  }
0x417: {  	v7 =	vld [tilespmem:s12+$0x6A00]  }
0x418: {  	v10 =	vld [tilespmem:s12+$0x6A80];
	[tilespmem:s22+$0x1BA80] =	vst v1  }
0x419: {  	v28 =	vadd.f32 v8, v6;
	v6 =	vld [tilespmem:$0x1FD30]  }
0x41a: {  	v8 =	vld [tilespmem:$0x1FD40]  }
0x41b: {  	v12 =	vld [tilespmem:s12+$0x6B00]  }
0x41c: {  	v16 =	vld [tilespmem:s12+$0x6B80]  }
0x41d: {  	v15 =	vld [tilespmem:s12+$0x8000]  }
0x41e: {  	v18 =	vld [tilespmem:s12+$0x8080]  }
0x41f: {  	v0 =	vmul.f32 $1.250000000e-01, v30;
	v30 =	vadd.f32 v8, v6;
	v6 =	vld [tilespmem:$0x1FD50]  }
0x420: {  	v8 =	vld [tilespmem:$0x1FD60]  }
0x421: {  	v20 =	vld [tilespmem:s12+$0x8100]  }
0x422: {  	v23 =	vld [tilespmem:s12+$0x8180]  }
0x423: {  	v21 =	vld [tilespmem:s12+$0x8200];
	[tilespmem:s22+$0x1BB00] =	vst v0  }
0x424: {  	v0 =	vmul.f32 $7.812500000e-03, v2;
	v2 =	vld [tilespmem:$0x1FD70]  }
0x425: {  	v32 =	vadd.f32 v8, v6;
	v6 =	vld [tilespmem:$0x1FD80]  }
0x426: {  	v25 =	vld [tilespmem:s12+$0x8280]  }
0x427: {  	v27 =	vld [tilespmem:s12+$0x8300]  }
0x428: {  	v31 =	vld [tilespmem:s12+$0x8380]  }
0x429: {  	v33 =	vld [tilespmem:s12+$0x9800]  }
0x42a: {  	v40 =	vadd.f32 v6, v2;
	v2 =	vld [tilespmem:$0x1FD90]  }
0x42b: {  	v6 =	vld [tilespmem:$0x1FDA0]  }
0x42c: {  	v35 =	vld [tilespmem:s12+$0x9880];
	v1 =	vmul.f32 $1.250000000e-01, v63  }
0x42d: {  	v37 =	vld [tilespmem:s12+$0x9900]  }
0x42e: {  	v38 =	vld [tilespmem:s12+$0x9980];
	[tilespmem:s23+$0x1B800] =	vst v1  }
0x42f: {  	v1 =	vld [tilespmem:$0x1FDB0]  }
0x430: {  	v41 =	vadd.f32 v6, v2;
	v2 =	vld [tilespmem:$0x1FDC0]  }
0x431: {  	v39 =	vld [tilespmem:s12+$0x9A00]  }
0x432: {  	v14 =	vld [tilespmem:s12+$0x9B00]  }
0x433: {  	v45 =	vld [tilespmem:s12+$0xB000]  }
0x434: {  	v47 =	vld [tilespmem:s12+$0xB080]  }
0x435: {  	s22 =	simm.s32 $0x1EB00;
	v42 =	vadd.f32 v2, v1;
	v1 =	vld [tilespmem:$0x1FDD0]  }
0x436: {  	v2 =	vld [tilespmem:$0x1FDE0];
	[tilespmem:s22+$0x0] =	vst v0  }
0x437: {  	v0 =	vld [tilespmem:$0x1FDF0]  }
0x438: {  	v48 =	vld [tilespmem:s12+$0xB100]  }
0x439: {  	v49 =	vld [tilespmem:s12+$0xB180]  }
0x43a: {  	v46 =	vadd.f32 v50, v46;
	v50 =	vld [tilespmem:s12+$0xB200]  }
0x43b: {  	v13 =	vld [tilespmem:s12+$0x9A80]  }
0x43c: {  	s14 =	sor.u32 s6, s14;
	v17 =	vld [tilespmem:s12+$0x9B80];
	v43 =	vadd.f32 v2, v1;
	v44 =	vadd.f32 v11, v0  }
.LBB2_7:
0x43d: {  	s20 =	sadd.s32 $0x10, s20;
	v0 =	vadd.f32 v4, v3;
	v1 =	vadd.f32 v9, v5;
	v2 =	vld [tilespmem:s12+$0xB280];
	s21 =	sadd.s32 $0x80, s21  }
0x43e: {  	v3 =	vadd.f32 v10, v7;
	v4 =	vadd.f32 v16, v12;
	s16 =	sand.u32 $0x70, s20;
	s23 =	sand.u32 $0x1C00, s21;
	p0 =	slt.u32 s20, $0x2F0;
	v5 =	vld [tilespmem:s12+$0xB300]  }
0x43f: {  	v7 =	vadd.f32 v18, v15;
	v9 =	vadd.f32 v23, v20;
	s23 =	sor.u32 s16, s23;
	v10 =	vld [tilespmem:s12+$0xB380]  }
0x440: {  	v12 =	vadd.f32 v25, v21;
	v15 =	vadd.f32 v31, v27;
	v6 =	vld [tilespmem:s23+$0x800]  }
0x441: {  	v16 =	vadd.f32 v35, v33;
	v18 =	vadd.f32 v38, v37;
	v8 =	vld [tilespmem:s23+$0x880]  }
0x442: {  	v20 =	vadd.f32 v13, v39;
	v21 =	vadd.f32 v17, v14;
	v11 =	vld [tilespmem:s23+$0x900]  }
0x443: {  	v23 =	vadd.f32 v47, v45;
	v25 =	vadd.f32 v49, v48;
	v13 =	vld [tilespmem:s23+$0x980]  }
0x444: {  	v2 =	vadd.f32 v2, v50;
	v14 =	vld [tilespmem:s23+$0xA00];
	v5 =	vadd.f32 v10, v5  }
0x445: {  	v27 =	vadd.f32 v19, v36;
	s16 =	sor.u32 s21, s20;
	v10 =	vadd.f32 v34, v29;
	v17 =	vld [tilespmem:s23+$0xA80]  }
0x446: {  	v31 =	vadd.f32 v28, v26;
	s24 =	sor.u32 $0x380, s16;
	v29 =	vadd.f32 v24, v22;
	v19 =	vld [tilespmem:s23+$0xB00]  }
0x447: {  	v33 =	vadd.f32 v32, v30;
	v34 =	vadd.f32 v41, v40;
	v22 =	vld [tilespmem:s24+$0x800]  }
0x448: {  	v35 =	vadd.f32 v43, v42;
	v36 =	vadd.f32 v46, v44;
	v24 =	vld [tilespmem:s23+$0x2000]  }
0x449: {  	v0 =	vadd.f32 v1, v0;
	v1 =	vadd.f32 v4, v3;
	v26 =	vld [tilespmem:s23+$0x2080]  }
0x44a: {  	v3 =	vadd.f32 v9, v7;
	v4 =	vadd.f32 v15, v12;
	v28 =	vld [tilespmem:s23+$0x2100]  }
0x44b: {  	v7 =	vadd.f32 v18, v16;
	v9 =	vadd.f32 v21, v20;
	v30 =	vld [tilespmem:s23+$0x2180]  }
0x44c: {  	v12 =	vadd.f32 v25, v23;
	v2 =	vadd.f32 v5, v2;
	v32 =	vld [tilespmem:s23+$0x2200]  }
0x44d: {  	v5 =	vadd.f32 v27, v10;
	v10 =	vadd.f32 v31, v29;
	v40 =	vld [tilespmem:s23+$0x2280]  }
0x44e: {  	v16 =	vadd.f32 v36, v35;
	v15 =	vadd.f32 v34, v33;
	v41 =	vld [tilespmem:s23+$0x2300]  }
0x44f: {  	v0 =	vadd.f32 v1, v0;
	v1 =	vadd.f32 v4, v3;
	v42 =	vld [tilespmem:s23+$0x2380]  }
0x450: {  	v4 =	vadd.f32 v9, v7;
	v3 =	vmul.f32 $1.250000000e-01, v5;
	v2 =	vadd.f32 v2, v12;
	v43 =	vld [tilespmem:s23+$0x3800]  }
0x451: {  	v7 =	vmul.f32 $1.250000000e-01, v10;
	v5 =	vadd.f32 v10, v5;
	v9 =	vadd.f32 v16, v15;
	v44 =	vld [tilespmem:s23+$0x3880]  }
0x452: {  	v10 =	vadd.f32 v1, v0;
	v12 =	vadd.f32 v2, v4;
	v46 =	vld [tilespmem:s23+$0x3900];
	[tilespmem:s12+$0x1B800] =	vst v3;
	v3 =	vmul.f32 $1.250000000e-01, v15  }
0x453: {  	v47 =	vld [tilespmem:s23+$0x3980];
	[tilespmem:s12+$0x1B880] =	vst v7;
	v7 =	vmul.f32 $1.250000000e-01, v16  }
0x454: {  	v0 =	vmul.f32 $1.250000000e-01, v0;
	v48 =	vld [tilespmem:s23+$0x3A00];
	[tilespmem:s12+$0x1B900] =	vst v3;
	v3 =	vadd.f32 v9, v5;
	v5 =	vadd.f32 v12, v10  }
0x455: {  	v1 =	vmul.f32 $1.250000000e-01, v1;
	v49 =	vld [tilespmem:s23+$0x3A80];
	[tilespmem:s12+$0x1B980] =	vst v7  }
0x456: {  	v50 =	vld [tilespmem:s23+$0x3B00];
	[tilespmem:s12+$0x1BA00] =	vst v0;
	v0 =	vmul.f32 $1.250000000e-01, v4;
	v3 =	vadd.f32 v5, v3  }
0x457: {  	v51 =	vld [tilespmem:s23+$0x3B80];
	[tilespmem:s12+$0x1BA80] =	vst v1;
	v1 =	vmul.f32 $1.250000000e-01, v2  }
0x458: {  	v2 =	vld [tilespmem:s23+$0x5000];
	[tilespmem:s12+$0x1BB00] =	vst v0;
	v0 =	vmul.f32 $7.812500000e-03, v3;
	s12 =	smov.u32 s23  }
0x459: {  	s22 =	sadd.s32 $0x10, s22;
	v52 =	vld [tilespmem:s12+$0x5080];
	[tilespmem:s19+$0x1B800] =	vst v1;
	s19 =	smov.u32 s24  }
0x45a: {  	v1 =	vld [tilespmem:s12+$0x5100];
	[tilespmem:s22+$0x0] =	vst v0  }
0x45b: {  	v0 =	vld [tilespmem:s12+$0x5180]  }
0x45c: {  	v53 =	vld [tilespmem:s12+$0x5200]  }
0x45d: {  	v54 =	vld [tilespmem:s12+$0x5280]  }
0x45e: {  	v55 =	vld [tilespmem:s12+$0x5300]  }
0x45f: {  	v56 =	vld [tilespmem:s12+$0x5380]  }
0x460: {  	v3 =	vld [tilespmem:s12+$0x6800]  }
0x461: {  	v4 =	vld [tilespmem:s12+$0x6880]  }
0x462: {  	v5 =	vld [tilespmem:s12+$0x6900]  }
0x463: {  	v9 =	vld [tilespmem:s12+$0x6980]  }
0x464: {  	v7 =	vld [tilespmem:s12+$0x6A00]  }
0x465: {  	v10 =	vld [tilespmem:s12+$0x6A80]  }
0x466: {  	v12 =	vld [tilespmem:s12+$0x6B00]  }
0x467: {  	v16 =	vld [tilespmem:s12+$0x6B80]  }
0x468: {  	v15 =	vld [tilespmem:s12+$0x8000]  }
0x469: {  	v18 =	vld [tilespmem:s12+$0x8080]  }
0x46a: {  	v20 =	vld [tilespmem:s12+$0x8100]  }
0x46b: {  	v23 =	vld [tilespmem:s12+$0x8180]  }
0x46c: {  	v21 =	vld [tilespmem:s12+$0x8200]  }
0x46d: {  	v25 =	vld [tilespmem:s12+$0x8280]  }
0x46e: {  	v27 =	vld [tilespmem:s12+$0x8300]  }
0x46f: {  	v31 =	vld [tilespmem:s12+$0x8380]  }
0x470: {  	v33 =	vld [tilespmem:s12+$0x9800]  }
0x471: {  	v35 =	vld [tilespmem:s12+$0x9880]  }
0x472: {  	v37 =	vld [tilespmem:s12+$0x9900]  }
0x473: {  	v38 =	vld [tilespmem:s12+$0x9980]  }
0x474: {  	v39 =	vld [tilespmem:s12+$0x9A00]  }
0x475: {  	v29 =	vadd.f32 v8, v6;
	v34 =	vadd.f32 v13, v11;
	v13 =	vld [tilespmem:s12+$0x9A80]  }
0x476: {  	v36 =	vadd.f32 v17, v14;
	v19 =	vadd.f32 v22, v19;
	v14 =	vld [tilespmem:s12+$0x9B00]  }
0x477: {  	v22 =	vadd.f32 v26, v24;
	v24 =	vadd.f32 v30, v28;
	v17 =	vld [tilespmem:s12+$0x9B80]  }
.Ltmp2:
0x478: {  	v26 =	vadd.f32 v40, v32;
	v28 =	vadd.f32 v42, v41;
	v45 =	vld [tilespmem:s12+$0xB000];
	(pc) =	sbr.rel @p0 .LBB2_7-.Ltmp2, $4  }
0x479: {  	v30 =	vadd.f32 v44, v43;
	v32 =	vadd.f32 v47, v46;
	v47 =	vld [tilespmem:s12+$0xB080]  }
0x47a: {  	v40 =	vadd.f32 v49, v48;
	v41 =	vadd.f32 v51, v50;
	v48 =	vld [tilespmem:s12+$0xB100]  }
0x47b: {  	v42 =	vadd.f32 v52, v2;
	v43 =	vadd.f32 v0, v1;
	v49 =	vld [tilespmem:s12+$0xB180]  }
0x47c: {  	v44 =	vadd.f32 v54, v53;
	v46 =	vadd.f32 v56, v55;
	v50 =	vld [tilespmem:s12+$0xB200]  }
0x47d: {  	v0 =	vadd.f32 v4, v3  }
0x47e: {  	v1 =	vadd.f32 v9, v5;
	v63 =	vadd.f32 v10, v7  }
0x47f: {  	v4 =	vadd.f32 v16, v12;
	v6 =	vadd.f32 v18, v15  }
0x480: {  	v7 =	vadd.f32 v23, v20;
	v9 =	vadd.f32 v25, v21  }
0x481: {  	v10 =	vadd.f32 v31, v27;
	v11 =	vadd.f32 v35, v33  }
0x482: {  	v12 =	vadd.f32 v38, v37;
	v13 =	vadd.f32 v13, v39  }
0x483: {  	v14 =	vadd.f32 v17, v14;
	v17 =	vadd.f32 v19, v36  }
0x484: {  	v18 =	vadd.f32 v24, v22;
	v19 =	vadd.f32 v28, v26  }
0x485: {  	v20 =	vadd.f32 v32, v30;
	v21 =	vadd.f32 v41, v40  }
0x486: {  	v2 =	vld [tilespmem:s12+$0xB280];
	v22 =	vadd.f32 v43, v42;
	v15 =	vadd.f32 v47, v45  }
0x487: {  	v5 =	vld [tilespmem:s12+$0xB300];
	v23 =	vadd.f32 v46, v44;
	v0 =	vadd.f32 v1, v0  }
0x488: {  	v8 =	vld [tilespmem:s12+$0xB380];
	v44 =	vadd.f32 v4, v63;
	v45 =	vadd.f32 v7, v6  }
0x489: {  	v4 =	vadd.f32 v10, v9;
	v6 =	vadd.f32 v12, v11  }
0x48a: {  	v7 =	vadd.f32 v14, v13;
	v10 =	vadd.f32 v21, v20  }
0x48b: {  	v16 =	vadd.f32 v49, v48;
	v11 =	vadd.f32 v23, v22  }
0x48c: {  	v0 =	vadd.f32 v44, v0;
	v46 =	vadd.f32 v4, v45  }
0x48d: {  	v2 =	vadd.f32 v2, v50;
	v5 =	vadd.f32 v8, v5  }
0x48e: {  	v4 =	vadd.f32 v7, v6;
	v8 =	vadd.f32 v34, v29  }
0x48f: {  	v9 =	vadd.f32 v16, v15;
	v2 =	vadd.f32 v5, v2  }
0x490: {  	v48 =	vmul.f32 $1.250000000e-01, v10;
	v5 =	vadd.f32 v17, v8;
	v8 =	vadd.f32 v19, v18  }
0x491: {  	v7 =	vadd.f32 v11, v10;
	v1 =	vmul.f32 $1.250000000e-01, v46;
	v2 =	vadd.f32 v2, v9  }
0x492: {  	v50 =	vmul.f32 $1.250000000e-01, v4;
	v47 =	vmul.f32 $1.250000000e-01, v5;
	v5 =	vadd.f32 v8, v5  }
0x493: {  	[tilespmem:s12+$0x1B900] =	vst v48;
	v6 =	vmul.f32 $1.250000000e-01, v8;
	v8 =	vadd.f32 v46, v0;
	v9 =	vadd.f32 v2, v4  }
0x494: {  	[tilespmem:s12+$0x1BA80] =	vst v1  }
0x495: {  	[tilespmem:s12+$0x1BB00] =	vst v50;
	v49 =	vadd.f32 v7, v5;
	v5 =	vadd.f32 v9, v8  }
0x496: {  	v0 =	vmul.f32 $1.250000000e-01, v0;
	[tilespmem:s12+$0x1B800] =	vst v47  }
0x497: {  	[tilespmem:s12+$0x1B880] =	vst v6;
	v6 =	vmul.f32 $1.250000000e-01, v11;
	v3 =	vadd.f32 v5, v49  }
0x498: {  	[tilespmem:s12+$0x1BA00] =	vst v0;
	v51 =	vmul.f32 $1.250000000e-01, v2  }
0x499: {  	[tilespmem:s12+$0x1B980] =	vst v6;
	v52 =	vmul.f32 $7.812500000e-03, v3  }
0x49a: {  	s21 =	sadd.s32 $0x10, s22;
	s4 =	sadd.s32 $0x100, s4;
	[tilespmem:s19+$0x1B800] =	vst v51  }
0x49b: {  	s4 =	sand.u32 $0x700, s4;
	[tilespmem:s21+$0x0] =	vst v52  }
0x49c: {  	v0 =	vld [tilespmem:s4+$0x0];
	_ =	sdelay $0x3  }
0x49d: {  	v61 =	vld [tilespmem:$0x1FFD0]  }
0x49e: {  	v53 =	vshrl.u32 v0, $0x3  }
0x49f: {  	v62 =	vld [tilespmem:$0x1FFE0];
	v1 =	vmul.u32 $0x30, v53  }
0x4a0: {  	v0 =	vand.u32 $0x7, v0  }
0x4a1: {  	v0 =	vor.u32 v0, v1  }
0x4a2: {  	v1 =	vperm.xlane v0, v61  }
0x4a3: {  	v63 =	vld [tilespmem:$0x1FFF0]  }
0x4a4: {  	v1 =	vadd.s32 v62, v1;
	_ =	sdelay $0x3  }
0x4a5: {  	s16 =	simm.s32 $0x800;
	s12 =	simm.s32 $0x0;
	v0 =	vperm.xlane v0, v63  }
0x4a6: {  	[tilespmem:s16], [sflag:$0x1] =	stream.indirect_vreg.gather [hbm4b:s1+s12], $0x80, v1, vm0, $0xb8;
	[tilespmem:$0x1EE00] =	vst v63  }
0x4a7: {  	s22 =	simm.s32 $0x1000;
	v0 =	vadd.s32 v62, v0  }
0x4a8: {  	[tilespmem:s22], [sflag:$0x1] =	stream.indirect_vreg.gather [hbm4b:s8+s12], $0x80, v1, vm0, $0xb8;
	[tilespmem:$0x1EE00] =	vst v63  }
0x4a9: {  	s23 =	simm.s32 $0x1800  }
0x4aa: {  	[tilespmem:s23], [sflag:$0x1] =	stream.indirect_vreg.gather [hbm4b:s9+s12], $0x80, v1, vm0, $0xb8;
	[tilespmem:$0x1EE00] =	vst v63  }
0x4ab: {  	s24 =	simm.s32 $0x2000  }
0x4ac: {  	[tilespmem:s24], [sflag:$0x1] =	stream.indirect_vreg.gather [hbm4b:s1+s12], $0x80, v0, vm0, $0xb8;
	[tilespmem:$0x1EE00] =	vst v63  }
0x4ad: {  	s19 =	simm.s32 $0x2800  }
0x4ae: {  	[tilespmem:s19], [sflag:$0x1] =	stream.indirect_vreg.gather [hbm4b:s8+s12], $0x80, v0, vm0, $0xb8;
	[tilespmem:$0x1EE00] =	vst v63  }
0x4af: {  	s20 =	simm.s32 $0x3000  }
0x4b0: {  	[tilespmem:s20], [sflag:$0x1] =	stream.indirect_vreg.gather [hbm4b:s9+s12], $0x80, v0, vm0, $0xb8;
	[tilespmem:$0x1EE00] =	vst v63  }
0x4b1: {  	v0 =	vld [tilespmem:s4+$0x10];
	_ =	sdelay $0x4  }
0x4b2: {  	v54 =	vshrl.u32 v0, $0x3  }
0x4b3: {  	v1 =	vmul.u32 $0x30, v54  }
0x4b4: {  	v0 =	vand.u32 $0x7, v0  }
0x4b5: {  	v0 =	vor.u32 v0, v1  }
0x4b6: {  	v1 =	vperm.xlane v0, v61;
	_ =	sdelay $0x1  }
0x4b7: {  	v1 =	vadd.s32 v62, v1;
	_ =	sdelay $0x3  }
0x4b8: {  	s21 =	simm.s32 $0x3800;
	v0 =	vperm.xlane v0, v63  }
0x4b9: {  	[tilespmem:s21], [sflag:$0x1] =	stream.indirect_vreg.gather [hbm4b:s1+s12], $0x80, v1, vm0, $0xb8;
	[tilespmem:$0x1EE00] =	vst v63  }
0x4ba: {  	s22 =	simm.s32 $0x4000;
	v0 =	vadd.s32 v62, v0  }
0x4bb: {  	[tilespmem:s22], [sflag:$0x1] =	stream.indirect_vreg.gather [hbm4b:s8+s12], $0x80, v1, vm0, $0xb8;
	[tilespmem:$0x1EE00] =	vst v63  }
0x4bc: {  	s23 =	simm.s32 $0x4800  }
0x4bd: {  	[tilespmem:s23], [sflag:$0x1] =	stream.indirect_vreg.gather [hbm4b:s9+s12], $0x80, v1, vm0, $0xb8;
	[tilespmem:$0x1EE00] =	vst v63  }
0x4be: {  	s24 =	simm.s32 $0x5000  }
0x4bf: {  	[tilespmem:s24], [sflag:$0x1] =	stream.indirect_vreg.gather [hbm4b:s1+s12], $0x80, v0, vm0, $0xb8;
	[tilespmem:$0x1EE00] =	vst v63  }
0x4c0: {  	s19 =	simm.s32 $0x5800  }
0x4c1: {  	[tilespmem:s19], [sflag:$0x1] =	stream.indirect_vreg.gather [hbm4b:s8+s12], $0x80, v0, vm0, $0xb8;
	[tilespmem:$0x1EE00] =	vst v63  }
0x4c2: {  	s20 =	simm.s32 $0x6000  }
0x4c3: {  	[tilespmem:s20], [sflag:$0x1] =	stream.indirect_vreg.gather [hbm4b:s9+s12], $0x80, v0, vm0, $0xb8;
	[tilespmem:$0x1EE00] =	vst v63  }
0x4c4: {  	v0 =	vld [tilespmem:s4+$0x20];
	_ =	sdelay $0x4  }
0x4c5: {  	v55 =	vshrl.u32 v0, $0x3  }
0x4c6: {  	v1 =	vmul.u32 $0x30, v55  }
0x4c7: {  	v0 =	vand.u32 $0x7, v0  }
0x4c8: {  	v0 =	vor.u32 v0, v1  }
0x4c9: {  	v1 =	vperm.xlane v0, v61;
	_ =	sdelay $0x1  }
0x4ca: {  	v1 =	vadd.s32 v62, v1;
	_ =	sdelay $0x3  }
0x4cb: {  	s21 =	simm.s32 $0x6800;
	v0 =	vperm.xlane v0, v63  }
0x4cc: {  	[tilespmem:s21], [sflag:$0x1] =	stream.indirect_vreg.gather [hbm4b:s1+s12], $0x80, v1, vm0, $0xb8;
	[tilespmem:$0x1EE00] =	vst v63  }
0x4cd: {  	v0 =	vadd.s32 v62, v0  }
0x4ce: {  	[tilespmem:s25], [sflag:$0x1] =	stream.indirect_vreg.gather [hbm4b:s8+s12], $0x80, v1, vm0, $0xb8;
	[tilespmem:$0x1EE00] =	vst v63  }
0x4cf: {  	_ = 	snop  }
0x4d0: {  	[tilespmem:s26], [sflag:$0x1] =	stream.indirect_vreg.gather [hbm4b:s9+s12], $0x80, v1, vm0, $0xb8;
	[tilespmem:$0x1EE00] =	vst v63  }
0x4d1: {  	_ = 	snop  }
0x4d2: {  	[tilespmem:s28], [sflag:$0x1] =	stream.indirect_vreg.gather [hbm4b:s1+s12], $0x80, v0, vm0, $0xb8;
	[tilespmem:$0x1EE00] =	vst v63  }
0x4d3: {  	_ = 	snop  }
0x4d4: {  	[tilespmem:s29], [sflag:$0x1] =	stream.indirect_vreg.gather [hbm4b:s8+s12], $0x80, v0, vm0, $0xb8;
	[tilespmem:$0x1EE00] =	vst v63  }
0x4d5: {  	_ = 	snop  }
0x4d6: {  	[tilespmem:s30], [sflag:$0x1] =	stream.indirect_vreg.gather [hbm4b:s9+s12], $0x80, v0, vm0, $0xb8;
	[tilespmem:$0x1EE00] =	vst v63  }
0x4d7: {  	v0 =	vld [tilespmem:s4+$0x30];
	_ =	sdelay $0x4  }
0x4d8: {  	v56 =	vshrl.u32 v0, $0x3  }
0x4d9: {  	v1 =	vmul.u32 $0x30, v56  }
0x4da: {  	v0 =	vand.u32 $0x7, v0  }
0x4db: {  	v0 =	vor.u32 v0, v1  }
0x4dc: {  	v1 =	vperm.xlane v0, v61;
	_ =	sdelay $0x1  }
0x4dd: {  	v1 =	vadd.s32 v62, v1;
	_ =	sdelay $0x3  }
0x4de: {  	v0 =	vperm.xlane v0, v63  }
0x4df: {  	[tilespmem:s31], [sflag:$0x1] =	stream.indirect_vreg.gather [hbm4b:s1+s12], $0x80, v1, vm0, $0xb8;
	[tilespmem:$0x1EE00] =	vst v63  }
0x4e0: {  	v0 =	vadd.s32 v62, v0  }
0x4e1: {  	[tilespmem:s0], [sflag:$0x1] =	stream.indirect_vreg.gather [hbm4b:s8+s12], $0x80, v1, vm0, $0xb8;
	[tilespmem:$0x1EE00] =	vst v63  }
0x4e2: {  	_ = 	snop  }
0x4e3: {  	[tilespmem:s2], [sflag:$0x1] =	stream.indirect_vreg.gather [hbm4b:s9+s12], $0x80, v1, vm0, $0xb8;
	[tilespmem:$0x1EE00] =	vst v63  }
0x4e4: {  	_ = 	snop  }
0x4e5: {  	[tilespmem:s7], [sflag:$0x1] =	stream.indirect_vreg.gather [hbm4b:s1+s12], $0x80, v0, vm0, $0xb8;
	[tilespmem:$0x1EE00] =	vst v63  }
0x4e6: {  	_ = 	snop  }
0x4e7: {  	[tilespmem:s10], [sflag:$0x1] =	stream.indirect_vreg.gather [hbm4b:s8+s12], $0x80, v0, vm0, $0xb8;
	[tilespmem:$0x1EE00] =	vst v63  }
0x4e8: {  	_ = 	snop  }
0x4e9: {  	[tilespmem:s11], [sflag:$0x1] =	stream.indirect_vreg.gather [hbm4b:s9+s12], $0x80, v0, vm0, $0xb8;
	[tilespmem:$0x1EE00] =	vst v63  }
0x4ea: {  	s22 =	simm.s32 $0x0;
	_ =	swait.ge [sflag:s3], $0xC000  }
0x4eb: {  	s4 =	sand.u32 $0x70, s22;
	s12 =	sand.u32 $0x1C00, s12;
	[sflag:s3] =	ssyncset.done $0x0  }
0x4ec: {  	s20 =	sor.u32 s4, s12;
	[sflag:s3] =	ssyncadd.s32 $0xFFFF4000  }
0x4ed: {  	v0 =	vld [tilespmem:s20+$0xC800]  }
0x4ee: {  	v57 =	vld [tilespmem:s20+$0xC880]  }
0x4ef: {  	v58 =	vld [tilespmem:s20+$0xC900]  }
0x4f0: {  	v59 =	vld [tilespmem:s20+$0xC980]  }
0x4f1: {  	v4 =	vld [tilespmem:s20+$0xCA00]  }
0x4f2: {  	v5 =	vld [tilespmem:s20+$0xCA80]  }
0x4f3: {  	v6 =	vld [tilespmem:s20+$0xCB00]  }
0x4f4: {  	v7 =	vld [tilespmem:s20+$0xCB80]  }
0x4f5: {  	v8 =	vld [tilespmem:s20+$0xE000]  }
0x4f6: {  	v9 =	vld [tilespmem:s20+$0xE080]  }
0x4f7: {  	v10 =	vld [tilespmem:s20+$0xE100]  }
0x4f8: {  	v11 =	vld [tilespmem:s20+$0xE180]  }
0x4f9: {  	v12 =	vld [tilespmem:s20+$0xE200]  }
0x4fa: {  	v13 =	vld [tilespmem:s20+$0xE280]  }
0x4fb: {  	v14 =	vld [tilespmem:s20+$0xE300]  }
0x4fc: {  	v15 =	vld [tilespmem:s20+$0xE380]  }
0x4fd: {  	v16 =	vld [tilespmem:s20+$0xF800]  }
0x4fe: {  	v17 =	vld [tilespmem:s20+$0xF880]  }
0x4ff: {  	v18 =	vld [tilespmem:s20+$0xF900]  }
0x500: {  	v19 =	vld [tilespmem:s20+$0xF980]  }
0x501: {  	v20 =	vld [tilespmem:s20+$0xFA00]  }
0x502: {  	v21 =	vld [tilespmem:s20+$0xFA80]  }
0x503: {  	v22 =	vld [tilespmem:s20+$0xFB00]  }
0x504: {  	v23 =	vld [tilespmem:s20+$0xFB80]  }
0x505: {  	v24 =	vld [tilespmem:s20+$0x11000]  }
0x506: {  	v25 =	vld [tilespmem:s20+$0x11080]  }
0x507: {  	v26 =	vld [tilespmem:s20+$0x11100]  }
0x508: {  	v27 =	vld [tilespmem:s20+$0x11180]  }
0x509: {  	v28 =	vld [tilespmem:s20+$0x11200]  }
0x50a: {  	v29 =	vld [tilespmem:s20+$0x11280]  }
0x50b: {  	v30 =	vld [tilespmem:s20+$0x11300]  }
0x50c: {  	v31 =	vld [tilespmem:s20+$0x11380]  }
0x50d: {  	v32 =	vld [tilespmem:s20+$0x12800]  }
0x50e: {  	v33 =	vld [tilespmem:s20+$0x12880]  }
0x50f: {  	v34 =	vld [tilespmem:s20+$0x12900]  }
0x510: {  	v35 =	vld [tilespmem:s20+$0x12980]  }
0x511: {  	v36 =	vld [tilespmem:s20+$0x12A00]  }
0x512: {  	v37 =	vld [tilespmem:s20+$0x12A80]  }
0x513: {  	v38 =	vld [tilespmem:s20+$0x12B00]  }
0x514: {  	v39 =	vld [tilespmem:s20+$0x12B80]  }
0x515: {  	v40 =	vld [tilespmem:s20+$0x14000]  }
0x516: {  	v41 =	vld [tilespmem:s20+$0x14080]  }
0x517: {  	v42 =	vld [tilespmem:s20+$0x14100]  }
0x518: {  	v60 =	vld [tilespmem:s20+$0x14180]  }
0x519: {  	v44 =	vld [tilespmem:s20+$0x14200]  }
0x51a: {  	v45 =	vld [tilespmem:s20+$0x14280]  }
0x51b: {  	v46 =	vld [tilespmem:s20+$0x14300]  }
0x51c: {  	v47 =	vld [tilespmem:s20+$0x14380]  }
0x51d: {  	v48 =	vld [tilespmem:s20+$0x15800]  }
0x51e: {  	v49 =	vld [tilespmem:s20+$0x15880]  }
0x51f: {  	s19 =	simm.s32 $0x80;
	s12 =	simm.s32 $0x10;
	v56 =	vld [tilespmem:s20+$0x15900]  }
0x520: {  	s24 =	sand.u32 $0x1C00, s19;
	s23 =	sand.u32 $0x70, s12;
	v51 =	vld [tilespmem:s20+$0x15980]  }
0x521: {  	s4 =	sor.u32 s23, s24;
	v52 =	vld [tilespmem:s20+$0x15A00]  }
0x522: {  	v43 =	vld [tilespmem:s4+$0xCA00]  }
0x523: {  	v3 =	vld [tilespmem:s4+$0xCB00]  }
0x524: {  	v50 =	vld [tilespmem:s4+$0xF900]  }
0x525: {  	v1 =	vld [tilespmem:s4+$0xFB80]  }
0x526: {  	v0 =	vadd.f32 v57, v0;
	v57 =	vadd.f32 v59, v58;
	v58 =	vld [tilespmem:s20+$0x15A80]  }
0x527: {  	v59 =	vadd.f32 v5, v4;
	v5 =	vld [tilespmem:s20+$0x15B00]  }
0x528: {  	v4 =	vadd.f32 v7, v6;
	v6 =	vadd.f32 v9, v8;
	v8 =	vld [tilespmem:s20+$0x15B80]  }
0x529: {  	v7 =	vadd.f32 v11, v10;
	v11 =	vld [tilespmem:s20+$0x17000]  }
0x52a: {  	v10 =	vadd.f32 v15, v14;
	v14 =	vld [tilespmem:s20+$0x17080]  }
0x52b: {  	v9 =	vadd.f32 v13, v12;
	v12 =	vadd.f32 v17, v16;
	v17 =	vld [tilespmem:s20+$0x17100]  }
0x52c: {  	v15 =	vadd.f32 v21, v20;
	v20 =	vld [tilespmem:s20+$0x17180]  }
0x52d: {  	v16 =	vadd.f32 v23, v22;
	v23 =	vld [tilespmem:s20+$0x17200]  }
0x52e: {  	v13 =	vadd.f32 v19, v18;
	v19 =	vadd.f32 v27, v26;
	v26 =	vld [tilespmem:s20+$0x17280]  }
0x52f: {  	v21 =	vadd.f32 v29, v28;
	v29 =	vld [tilespmem:s20+$0x17300]  }
0x530: {  	v22 =	vadd.f32 v31, v30;
	v31 =	vadd.f32 v60, v42;
	v60 =	vld [tilespmem:s20+$0x17380]  }
0x531: {  	v30 =	vadd.f32 v41, v40;
	v40 =	vld [tilespmem:s4+$0xC800]  }
0x532: {  	v41 =	vld [tilespmem:s4+$0xC880]  }
0x533: {  	v42 =	vld [tilespmem:s4+$0xC900]  }
0x534: {  	v53 =	vadd.f32 v45, v44;
	v44 =	vld [tilespmem:s4+$0xCA80]  }
0x535: {  	v45 =	vld [tilespmem:s4+$0xE080]  }
0x536: {  	v54 =	vadd.f32 v47, v46;
	v46 =	vld [tilespmem:s4+$0xE100]  }
0x537: {  	v47 =	vld [tilespmem:s4+$0xE180]  }
0x538: {  	v55 =	vadd.f32 v49, v48;
	v48 =	vld [tilespmem:s4+$0xE280]  }
0x539: {  	v49 =	vld [tilespmem:s4+$0xF800]  }
0x53a: {  	v56 =	vadd.f32 v51, v56;
	v51 =	vld [tilespmem:s4+$0xF980]  }
0x53b: {  	v18 =	vadd.f32 v25, v24;
	v24 =	vadd.f32 v33, v32;
	v32 =	vld [tilespmem:s4+$0x14280]  }
0x53c: {  	v33 =	vld [tilespmem:s4+$0x14300]  }
0x53d: {  	v25 =	vadd.f32 v35, v34;
	v35 =	vld [tilespmem:s4+$0x14380]  }
0x53e: {  	v34 =	vld [tilespmem:s4+$0x15800]  }
0x53f: {  	v27 =	vadd.f32 v37, v36;
	v36 =	vld [tilespmem:s4+$0x15880]  }
0x540: {  	v37 =	vld [tilespmem:s4+$0x15900]  }
0x541: {  	v28 =	vadd.f32 v39, v38;
	v39 =	vld [tilespmem:s4+$0x15980]  }
0x542: {  	v38 =	vld [tilespmem:s4+$0x15A00];
	v0 =	vadd.f32 v57, v0;
	v57 =	vadd.f32 v4, v59  }
0x543: {  	v4 =	vadd.f32 v7, v6;
	v6 =	vadd.f32 v10, v9;
	v7 =	vld [tilespmem:s4+$0xCB80]  }
0x544: {  	v9 =	vadd.f32 v13, v12;
	v10 =	vadd.f32 v16, v15;
	v12 =	vld [tilespmem:s4+$0xE000]  }
0x545: {  	v15 =	vadd.f32 v22, v21;
	v21 =	vadd.f32 v54, v53;
	v53 =	vld [tilespmem:s4+$0xFA80]  }
0x546: {  	v54 =	vld [tilespmem:s4+$0xFB00]  }
0x547: {  	v22 =	vadd.f32 v56, v55;
	v55 =	vld [tilespmem:s4+$0x11000]  }
0x548: {  	v56 =	vld [tilespmem:s4+$0x11180]  }
0x549: {  	v16 =	vadd.f32 v25, v24;
	v24 =	vld [tilespmem:s4+$0x12980]  }
0x54a: {  	v25 =	vld [tilespmem:s4+$0x12B80]  }
0x54b: {  	v13 =	vadd.f32 v19, v18;
	v18 =	vadd.f32 v28, v27;
	v28 =	vld [tilespmem:s4+$0x14100]  }
0x54c: {  	v19 =	vadd.f32 v31, v30;
	v31 =	vld [tilespmem:s4+$0x14180]  }
0x54d: {  	v0 =	vadd.f32 v57, v0;
	v57 =	vld [tilespmem:s4+$0x11200]  }
0x54e: {  	v5 =	vadd.f32 v8, v5;
	v8 =	vld [tilespmem:s4+$0xC980]  }
0x54f: {  	v2 =	vadd.f32 v58, v52;
	v58 =	vadd.f32 v6, v4;
	v4 =	vld [tilespmem:s4+$0xE300]  }
0x550: {  	v6 =	vadd.f32 v10, v9;
	v9 =	vadd.f32 v15, v13;
	v13 =	vld [tilespmem:s4+$0xE380]  }
0x551: {  	v52 =	vld [tilespmem:s4+$0xFA00]  }
0x552: {  	v15 =	vadd.f32 v21, v19;
	v19 =	vld [tilespmem:s4+$0x12900]  }
0x553: {  	v11 =	vadd.f32 v14, v11;
	v21 =	vld [tilespmem:s4+$0x12B00]  }
0x554: {  	v14 =	vadd.f32 v20, v17;
	v17 =	vadd.f32 v26, v23;
	v26 =	vld [tilespmem:s4+$0x14080]  }
0x555: {  	v20 =	vadd.f32 v60, v29;
	v10 =	vadd.f32 v18, v16;
	v29 =	vld [tilespmem:s4+$0x14200]  }
0x556: {  	v16 =	vmul.f32 $1.250000000e-01, v0;
	v2 =	vadd.f32 v5, v2;
	v5 =	vld [tilespmem:s4+$0xE200];
	v11 =	vadd.f32 v14, v11  }
0x557: {  	v14 =	vadd.f32 v20, v17;
	v17 =	vmul.f32 $1.250000000e-01, v58;
	v0 =	vadd.f32 v58, v0;
	v58 =	vld [tilespmem:s4+$0x11280]  }
0x558: {  	v59 =	vadd.f32 v9, v6;
	v20 =	vld [tilespmem:s4+$0x12A80]  }
0x559: {  	v11 =	vadd.f32 v14, v11;
	v14 =	vld [tilespmem:s4+$0xF880]  }
0x55a: {  	v2 =	vadd.f32 v2, v22;
	v0 =	vadd.f32 v59, v0;
	v59 =	vld [tilespmem:s4+$0x11300]  }
0x55b: {  	v9 =	vmul.f32 $1.250000000e-01, v9;
	[tilespmem:s20+$0x1D080] =	vst v17;
	v17 =	vld [tilespmem:s4+$0x12A00]  }
0x55c: {  	v6 =	vmul.f32 $1.250000000e-01, v6;
	[tilespmem:s20+$0x1D000] =	vst v16;
	v16 =	vadd.f32 v15, v10;
	v22 =	vld [tilespmem:s4+$0x14000];
	v18 =	vadd.f32 v11, v2  }
0x55d: {  	[tilespmem:s20+$0x1D180] =	vst v9;
	v9 =	vmul.f32 $1.250000000e-01, v15;
	v15 =	vadd.f32 v51, v50;
	v50 =	vld [tilespmem:s4+$0x17200]  }
0x55e: {  	[tilespmem:s20+$0x1D100] =	vst v6;
	v6 =	vmul.f32 $1.250000000e-01, v10;
	v27 =	vadd.f32 v8, v42;
	v8 =	vld [tilespmem:s4+$0x15B80];
	v60 =	vadd.f32 v18, v16  }
0x55f: {  	v2 =	vmul.f32 $1.250000000e-01, v2;
	[tilespmem:s20+$0x1D280] =	vst v9;
	v9 =	vadd.f32 v7, v3;
	v7 =	vld [tilespmem:s4+$0x15B00]  }
0x560: {  	[tilespmem:s20+$0x1D200] =	vst v6;
	v6 =	vmul.f32 $1.250000000e-01, v11;
	v11 =	vadd.f32 v47, v46;
	v46 =	vld [tilespmem:s4+$0x17000];
	v0 =	vadd.f32 v60, v0  }
0x561: {  	[tilespmem:s20+$0x1D300] =	vst v2;
	v2 =	vld [tilespmem:s4+$0x11080]  }
0x562: {  	v16 =	vld [tilespmem:s4+$0x12800];
	v0 =	vmul.f32 $7.812500000e-03, v0  }
0x563: {  	[tilespmem:s20+$0x1D380] =	vst v6;
	s20 =	simm.s32 $0x1EB00;
	v60 =	vld [tilespmem:s4+$0x11380]  }
0x564: {  	[tilespmem:s20+$0x0] =	vst.add.f32.msk $0xffff, v0  }
0x565: {  	v23 =	vadd.f32 v41, v40;
	v30 =	vadd.f32 v44, v43;
	v0 =	vld [tilespmem:s4+$0x11100]  }
0x566: {  	v41 =	vadd.f32 v1, v54;
	v10 =	vadd.f32 v45, v12;
	v18 =	vld [tilespmem:s4+$0x12880]  }
0x567: {  	v13 =	vadd.f32 v13, v4;
	v40 =	vadd.f32 v53, v52;
	v47 =	vld [tilespmem:s4+$0x17080]  }
0x568: {  	v12 =	vadd.f32 v48, v5;
	v48 =	vld [tilespmem:s4+$0x17100];
	v44 =	vadd.f32 v58, v57  }
0x569: {  	v6 =	vld [tilespmem:s4+$0x15A80];
	v14 =	vadd.f32 v14, v49;
	v42 =	vadd.f32 v2, v55  }
0x56a: {  	v49 =	vld [tilespmem:s4+$0x17180];
	v45 =	vadd.f32 v60, v59;
	v43 =	vadd.f32 v56, v0  }
.LBB2_9:
0x56b: {  	s12 =	sadd.s32 $0x10, s12;
	v0 =	vadd.f32 v18, v16;
	v1 =	vadd.f32 v24, v19;
	v2 =	vld [tilespmem:s4+$0x17280];
	s19 =	sadd.s32 $0x80, s19  }
0x56c: {  	v16 =	vadd.f32 v20, v17;
	v17 =	vadd.f32 v25, v21;
	s16 =	sand.u32 $0x70, s12;
	s21 =	sand.u32 $0x1C00, s19;
	p0 =	slt.u32 s12, $0x2F0;
	v18 =	vld [tilespmem:s4+$0x17300]  }
0x56d: {  	v19 =	vadd.f32 v26, v22;
	v20 =	vadd.f32 v31, v28;
	s21 =	sor.u32 s16, s21;
	v21 =	vld [tilespmem:s4+$0x17380]  }
0x56e: {  	v22 =	vadd.f32 v32, v29;
	v24 =	vadd.f32 v35, v33;
	v3 =	vld [tilespmem:s21+$0xC800]  }
0x56f: {  	v25 =	vadd.f32 v36, v34;
	v26 =	vadd.f32 v39, v37;
	v4 =	vld [tilespmem:s21+$0xC880]  }
0x570: {  	v28 =	vadd.f32 v6, v38;
	v29 =	vadd.f32 v8, v7;
	v5 =	vld [tilespmem:s21+$0xC900]  }
0x571: {  	v31 =	vadd.f32 v47, v46;
	v32 =	vadd.f32 v49, v48;
	v6 =	vld [tilespmem:s21+$0xC980]  }
0x572: {  	v2 =	vadd.f32 v2, v50;
	v7 =	vld [tilespmem:s21+$0xCA00];
	v18 =	vadd.f32 v21, v18  }
0x573: {  	v21 =	vadd.f32 v27, v23;
	v23 =	vadd.f32 v9, v30;
	v8 =	vld [tilespmem:s21+$0xCA80]  }
0x574: {  	v27 =	vadd.f32 v11, v10;
	v30 =	vadd.f32 v13, v12;
	v9 =	vld [tilespmem:s21+$0xCB00]  }
0x575: {  	v33 =	vadd.f32 v15, v14;
	v34 =	vadd.f32 v41, v40;
	v10 =	vld [tilespmem:s21+$0xCB80]  }
0x576: {  	v35 =	vadd.f32 v43, v42;
	v36 =	vadd.f32 v45, v44;
	v11 =	vld [tilespmem:s21+$0xE000]  }
0x577: {  	v0 =	vadd.f32 v1, v0;
	v1 =	vadd.f32 v17, v16;
	v12 =	vld [tilespmem:s21+$0xE080]  }
0x578: {  	v16 =	vadd.f32 v20, v19;
	v17 =	vadd.f32 v24, v22;
	v13 =	vld [tilespmem:s21+$0xE100]  }
0x579: {  	v19 =	vadd.f32 v26, v25;
	v20 =	vadd.f32 v29, v28;
	v14 =	vld [tilespmem:s21+$0xE180]  }
0x57a: {  	v22 =	vadd.f32 v32, v31;
	v2 =	vadd.f32 v18, v2;
	v15 =	vld [tilespmem:s21+$0xE200]  }
0x57b: {  	v18 =	vadd.f32 v23, v21;
	v21 =	vadd.f32 v30, v27;
	v40 =	vld [tilespmem:s21+$0xE280]  }
0x57c: {  	v24 =	vadd.f32 v36, v35;
	v23 =	vadd.f32 v34, v33;
	v41 =	vld [tilespmem:s21+$0xE300]  }
0x57d: {  	v0 =	vadd.f32 v1, v0;
	v1 =	vadd.f32 v17, v16;
	v42 =	vld [tilespmem:s21+$0xE380]  }
0x57e: {  	v17 =	vadd.f32 v20, v19;
	v16 =	vmul.f32 $1.250000000e-01, v18;
	v2 =	vadd.f32 v2, v22;
	v43 =	vld [tilespmem:s21+$0xF800]  }
0x57f: {  	v19 =	vmul.f32 $1.250000000e-01, v21;
	v18 =	vadd.f32 v21, v18;
	v20 =	vadd.f32 v24, v23;
	v44 =	vld [tilespmem:s21+$0xF880]  }
0x580: {  	v21 =	vadd.f32 v1, v0;
	v22 =	vadd.f32 v2, v17;
	v45 =	vld [tilespmem:s21+$0xF900];
	[tilespmem:s4+$0x1D000] =	vst v16;
	v16 =	vmul.f32 $1.250000000e-01, v23  }
0x581: {  	v47 =	vld [tilespmem:s21+$0xF980];
	[tilespmem:s4+$0x1D080] =	vst v19;
	v19 =	vmul.f32 $1.250000000e-01, v24  }
0x582: {  	v0 =	vmul.f32 $1.250000000e-01, v0;
	v48 =	vld [tilespmem:s21+$0xFA00];
	[tilespmem:s4+$0x1D100] =	vst v16;
	v16 =	vadd.f32 v20, v18;
	v18 =	vadd.f32 v22, v21  }
0x583: {  	v1 =	vmul.f32 $1.250000000e-01, v1;
	v49 =	vld [tilespmem:s21+$0xFA80];
	[tilespmem:s4+$0x1D180] =	vst v19  }
0x584: {  	v50 =	vld [tilespmem:s21+$0xFB00];
	[tilespmem:s4+$0x1D200] =	vst v0;
	v0 =	vmul.f32 $1.250000000e-01, v17;
	v16 =	vadd.f32 v18, v16  }
0x585: {  	v51 =	vld [tilespmem:s21+$0xFB80];
	[tilespmem:s4+$0x1D280] =	vst v1;
	v1 =	vmul.f32 $1.250000000e-01, v2  }
0x586: {  	v2 =	vld [tilespmem:s21+$0x11000];
	[tilespmem:s4+$0x1D300] =	vst v0;
	v0 =	vmul.f32 $7.812500000e-03, v16  }
0x587: {  	s20 =	sadd.s32 $0x10, s20;
	v52 =	vld [tilespmem:s21+$0x11080];
	[tilespmem:s4+$0x1D380] =	vst v1;
	s4 =	smov.u32 s21  }
0x588: {  	[tilespmem:s20+$0x0] =	vst.add.f32.msk $0xffff, v0  }
0x589: {  	v0 =	vld [tilespmem:s4+$0x11100]  }
0x58a: {  	v1 =	vld [tilespmem:s4+$0x11180]  }
0x58b: {  	v53 =	vld [tilespmem:s4+$0x11200]  }
0x58c: {  	v54 =	vld [tilespmem:s4+$0x11280]  }
0x58d: {  	v55 =	vld [tilespmem:s4+$0x11300]  }
0x58e: {  	v56 =	vld [tilespmem:s4+$0x11380]  }
0x58f: {  	v16 =	vld [tilespmem:s4+$0x12800]  }
0x590: {  	v18 =	vld [tilespmem:s4+$0x12880]  }
0x591: {  	v19 =	vld [tilespmem:s4+$0x12900]  }
0x592: {  	v24 =	vld [tilespmem:s4+$0x12980]  }
0x593: {  	v17 =	vld [tilespmem:s4+$0x12A00]  }
0x594: {  	v20 =	vld [tilespmem:s4+$0x12A80]  }
0x595: {  	v21 =	vld [tilespmem:s4+$0x12B00]  }
0x596: {  	v25 =	vld [tilespmem:s4+$0x12B80]  }
0x597: {  	v22 =	vld [tilespmem:s4+$0x14000]  }
0x598: {  	v26 =	vld [tilespmem:s4+$0x14080]  }
0x599: {  	v28 =	vld [tilespmem:s4+$0x14100]  }
0x59a: {  	v31 =	vld [tilespmem:s4+$0x14180]  }
0x59b: {  	v29 =	vld [tilespmem:s4+$0x14200]  }
0x59c: {  	v32 =	vld [tilespmem:s4+$0x14280]  }
0x59d: {  	v33 =	vld [tilespmem:s4+$0x14300]  }
0x59e: {  	v35 =	vld [tilespmem:s4+$0x14380]  }
0x59f: {  	v34 =	vld [tilespmem:s4+$0x15800]  }
0x5a0: {  	v36 =	vld [tilespmem:s4+$0x15880]  }
0x5a1: {  	v37 =	vld [tilespmem:s4+$0x15900]  }
0x5a2: {  	v39 =	vld [tilespmem:s4+$0x15980]  }
0x5a3: {  	v38 =	vld [tilespmem:s4+$0x15A00]  }
0x5a4: {  	v27 =	vadd.f32 v6, v5;
	v23 =	vadd.f32 v4, v3;
	v6 =	vld [tilespmem:s4+$0x15A80]  }
0x5a5: {  	v30 =	vadd.f32 v8, v7;
	v9 =	vadd.f32 v10, v9;
	v7 =	vld [tilespmem:s4+$0x15B00]  }
0x5a6: {  	v10 =	vadd.f32 v12, v11;
	v11 =	vadd.f32 v14, v13;
	v8 =	vld [tilespmem:s4+$0x15B80]  }
.Ltmp3:
0x5a7: {  	v12 =	vadd.f32 v40, v15;
	v13 =	vadd.f32 v42, v41;
	v46 =	vld [tilespmem:s4+$0x17000];
	(pc) =	sbr.rel @p0 .LBB2_9-.Ltmp3, $4  }
0x5a8: {  	v14 =	vadd.f32 v44, v43;
	v15 =	vadd.f32 v47, v45;
	v47 =	vld [tilespmem:s4+$0x17080]  }
0x5a9: {  	v40 =	vadd.f32 v49, v48;
	v41 =	vadd.f32 v51, v50;
	v48 =	vld [tilespmem:s4+$0x17100]  }
0x5aa: {  	v42 =	vadd.f32 v52, v2;
	v43 =	vadd.f32 v1, v0;
	v49 =	vld [tilespmem:s4+$0x17180]  }
0x5ab: {  	v44 =	vadd.f32 v54, v53;
	v45 =	vadd.f32 v56, v55;
	v50 =	vld [tilespmem:s4+$0x17200]  }
0x5ac: {  	v0 =	vadd.f32 v18, v16;
	v1 =	vadd.f32 v24, v19  }
0x5ad: {  	v3 =	vadd.f32 v20, v17;
	v4 =	vadd.f32 v25, v21  }
0x5ae: {  	v55 =	vadd.f32 v26, v22;
	v56 =	vadd.f32 v31, v28  }
0x5af: {  	v58 =	vadd.f32 v32, v29;
	v59 =	vadd.f32 v35, v33  }
0x5b0: {  	v60 =	vadd.f32 v36, v34;
	v28 =	vadd.f32 v39, v37  }
0x5b1: {  	v6 =	vadd.f32 v6, v38;
	v7 =	vadd.f32 v8, v7  }
0x5b2: {  	v32 =	vadd.f32 v27, v23;
	v9 =	vadd.f32 v9, v30  }
0x5b3: {  	v10 =	vadd.f32 v11, v10;
	v33 =	vadd.f32 v13, v12  }
0x5b4: {  	v2 =	vld [tilespmem:s4+$0x17280];
	v34 =	vadd.f32 v15, v14;
	v35 =	vadd.f32 v41, v40  }
0x5b5: {  	v5 =	vld [tilespmem:s4+$0x17300];
	v36 =	vadd.f32 v43, v42;
	v29 =	vadd.f32 v47, v46  }
0x5b6: {  	v57 =	vld [tilespmem:s4+$0x17380];
	v37 =	vadd.f32 v45, v44;
	v0 =	vadd.f32 v1, v0  }
0x5b7: {  	v38 =	vadd.f32 v4, v3;
	v39 =	vadd.f32 v56, v55  }
0x5b8: {  	v40 =	vadd.f32 v59, v58;
	v41 =	vadd.f32 v28, v60  }
0x5b9: {  	v6 =	vadd.f32 v7, v6;
	v43 =	vadd.f32 v9, v32  }
0x5ba: {  	v44 =	vadd.f32 v33, v10;
	v31 =	vadd.f32 v49, v48  }
0x5bb: {  	v2 =	vadd.f32 v2, v50;
	v5 =	vadd.f32 v57, v5  }
0x5bc: {  	v45 =	vadd.f32 v35, v34;
	v46 =	vadd.f32 v37, v36  }
0x5bd: {  	v42 =	vadd.f32 v31, v29;
	v2 =	vadd.f32 v5, v2  }
0x5be: {  	v0 =	vadd.f32 v38, v0;
	v47 =	vadd.f32 v40, v39  }
0x5bf: {  	v48 =	vmul.f32 $1.250000000e-01, v43;
	v49 =	vadd.f32 v6, v41;
	v2 =	vadd.f32 v2, v42  }
0x5c0: {  	v52 =	vmul.f32 $1.250000000e-01, v45;
	v51 =	vadd.f32 v46, v45;
	v53 =	vadd.f32 v47, v0  }
0x5c1: {  	v50 =	vmul.f32 $1.250000000e-01, v44;
	[tilespmem:s4+$0x1D000] =	vst v48;
	v5 =	vadd.f32 v44, v43;
	v54 =	vadd.f32 v2, v49  }
0x5c2: {  	v55 =	vmul.f32 $1.250000000e-01, v46;
	[tilespmem:s4+$0x1D100] =	vst v52  }
0x5c3: {  	v0 =	vmul.f32 $1.250000000e-01, v0;
	[tilespmem:s4+$0x1D080] =	vst v50;
	v56 =	vadd.f32 v51, v5;
	v57 =	vadd.f32 v54, v53  }
0x5c4: {  	v1 =	vmul.f32 $1.250000000e-01, v47;
	[tilespmem:s4+$0x1D180] =	vst v55  }
0x5c5: {  	v58 =	vmul.f32 $1.250000000e-01, v49;
	[tilespmem:s4+$0x1D200] =	vst v0;
	v3 =	vadd.f32 v57, v56  }
0x5c6: {  	[tilespmem:s4+$0x1D280] =	vst v1;
	v59 =	vmul.f32 $1.250000000e-01, v2  }
0x5c7: {  	s12 =	smul.u32 $0x600, s14;
	[tilespmem:s4+$0x1D300] =	vst v58;
	v60 =	vmul.f32 $7.812500000e-03, v3  }
0x5c8: {  	s24 =	sadd.s32 $0x10, s20;
	s16 =	rddreg [dreg:$0x2];
	s19 =	simm.s32 $0x1B800;
	[tilespmem:s4+$0x1D380] =	vst v59  }
0x5c9: {  	s20 =	sshrl.u32 s14, $0x3;
	s17 =	sadd.s32 $0x1, s17;
	s4 =	sadd.s32 s16, s12;
	[tilespmem:s24+$0x0] =	vst.add.f32.msk $0xffff, v60  }
0x5ca: {  	[hbm4b:s4+s5] =	stream.linear.scatter [tilespmem:s19], [sflag:$0x4], $0x3000, $0x38;
	[tilespmem:$0x1EE00] =	vst v63  }
0x5cb: {  	p0 =	sne.s32 s17, $0x8;
	s4 =	smul.u32 $0x1800, s20  }
.Ltmp4:
0x5cc: {  	s21 =	sand.u32 $0x380, s18;
	(pc) =	sbr.rel @p0 .LBB2_2-.Ltmp4, $4  }
0x5cd: {  	s4 =	sor.u32 s21, s4  }
0x5ce: {  	s22 =	rddreg [dreg:$0x3];
	s4 =	sshrl.u32 s4, $0x3  }
0x5cf: {  	s23 =	simm.s32 $0x80;
	s24 =	simm.s32 $0x1EB00;
	s4 =	sadd.s32 s22, s4  }
0x5d0: {  	[hbm4b:s4+s23] =	stream.strided.scatter [tilespmem:s24], [sflag:$0x4], $0x300, s13, s23, $0x38;
	[tilespmem:$0x1EE00] =	vst v63  }
0x5d1: {  	s4 =	simm.s32 $0x3  }
0x5d2: {  	_ =	swait.ge [sflag:s4], $0x3000  }
0x5d3: {  	[sflag:s4] =	ssyncset.done $0x0  }
0x5d4: {  	[sflag:s4] =	ssyncadd.s32 $0xFFFFD000  }
0x5d5: {  	_ =	swait.ge [sflag:s4], $0x300  }
0x5d6: {  	[sflag:s4] =	ssyncset.done $0x0  }
0x5d7: {  	s12 =	simm.s32 $0x4;
	[sflag:s4] =	ssyncadd.s32 $0xFFFFFD00  }
0x5d8: {  	_ =	swait.ge [sflag:s12], $0x3000  }
0x5d9: {  	[sflag:s12] =	ssyncset.done $0x0  }
0x5da: {  	[sflag:s12] =	ssyncadd.s32 $0xFFFFD000  }
0x5db: {  	_ =	swait.ge [sflag:s12], $0x300  }
0x5dc: {  	s14 =	rddreg [dreg:$0x7]  }
0x5dd: {  	s24 =	rddreg [dreg:$0x6];
	s14 =	sadd.s32 $0x1, s14  }
0x5de: {  	p0 =	sne.s32 s14, s24  }
.Ltmp5:
0x5df: {  	_ = 	snop;
	(pc) =	sbr.rel @p0 .LBB2_1-.Ltmp5, $3  }
0x5e0: {  	_ =	sdelay $0x1  }
0x5e1: {  	[sflag:s12] =	ssyncset.done $0x0  }
0x5e2: {  	[sflag:s12] =	ssyncadd.s32 $0xFFFFFD00  }
0x5e3: {  	_ =	sfence.sel $0x180000  }
0x5e4: {  	[bflag:$0x0] =	sbarrier.arrive $0xFFFF  }
0x5e5: {  	_ =	strace $0x90000047  }
0x5e6: {  	s0 =	stileid.u32;
	[bflag:$0x2] =	sbarrier.arrive $0xFFFF  }
0x5e7: {  	p0 =	sne.s32 s0, $0x0;
	s0 =	rddreg [dreg:$0x4]  }
0x5e8: {  	s0 =	sadd.s32 @!p0 $0x100000, s0  }
0x5e9: {  	[sflag:s0] =	ssyncadd.tile.s32 @!p0 $0x1;
	_ =	shalt  }
.Lfunc_end2:
_tile_overlayer_lowered:
.L_overlay_start_2:
0x5ea: {  	(tag) =	ssettag $0x2  }
0x5eb: {  	s0 =	rddreg [dreg:$0x0];
	s2 =	stileid.u32  }
0x5ec: {  	s1 =	rddreg [dreg:$0x1];
	p0 =	sne.s32 s2, $0x0  }
0x5ed: {  	s3 =	rddreg [dreg:$0x2];
	[bflag:$0x3] =	sbarrier.arrive $0xFFFF;
	s2 =	simm.s32 @!p0 $0x1C05  }
0x5ee: {  	[timem:s3], [sflag:s2] =	dma.local @!p0 [hbm:s0], s1  }
0x5ef: {  	s0 =	simm.s32 @!p0 $0x5  }
0x5f0: {  	_ =	swait.ge @!p0 [sflag:s0], s1  }
0x5f1: {  	s1 =	ssub.s32 @!p0 $0x0, s1;
	[sflag:s0] =	ssyncset.done @!p0 $0x0  }
0x5f2: {  	[sflag:s0] =	ssyncadd.s32 @!p0 s1  }
0x5f3: {  	[bflag:$0x3] =	sbarrier.arrive $0xFFFF  }
0x5f4: {  	_ =	shalt  }

</sc_bundles>
